<compile_context>
chip_gen: v7x
topology: tpu7x:2x2x1
jax: 0.10.2.dev20260603
libtpu: 0.0.44.dev20260713+nightly
codegen_flags: <defaults>
</compile_context>

<pallas_src>
import functools

import jax
import jax.numpy as jnp
from jax import lax
from jax.experimental import pallas as pl
from jax.experimental.pallas import tpu as pltpu
from jax.experimental.pallas import tpu_sc as plsc

N = 10000
E = 320000
F = 128
N2 = 10240
NC, NS = 2, 16
NW = NC * NS
CHUNK = 128
EPT = 10240
KCH = EPT // CHUNK
RPT = N2 // NS

_mesh = plsc.VectorSubcoreMesh(core_axis_name="c", subcore_axis_name="s")


@functools.partial(
    pl.kernel,
    out_type=jax.ShapeDtypeStruct((NC, N2), jnp.float32),
    mesh=_mesh,
    scratch_types=[
        pltpu.VMEM((KCH, CHUNK), jnp.int32),
        pltpu.VMEM((KCH, CHUNK), jnp.float32),
        pltpu.VMEM_SHARED((N2,), jnp.float32),
    ],
)
def _degree(col_hbm, ew_hbm, zeros1_hbm, out_hbm, colv, eww, dacc):
    c = lax.axis_index("c")
    s = lax.axis_index("s")
    w = c * NS + s
    base = s * RPT
    pltpu.sync_copy(zeros1_hbm.at[pl.ds(base, RPT)], dacc.at[pl.ds(base, RPT)])
    pltpu.sync_copy(col_hbm.at[w], colv)
    pltpu.sync_copy(ew_hbm.at[w], eww)
    plsc.subcore_barrier()

    def body(j, carry):
        pltpu.sync_copy(eww.at[j], dacc.at[colv.at[j]], add=True)
        return carry

    lax.fori_loop(0, KCH, body, 0)
    plsc.subcore_barrier()
    pltpu.sync_copy(dacc.at[pl.ds(base, RPT)], out_hbm.at[c, pl.ds(base, RPT)])


@functools.partial(
    pl.kernel,
    out_type=jax.ShapeDtypeStruct((NC, N2, F), jnp.float32),
    mesh=_mesh,
    scratch_types=[
        pltpu.VMEM((KCH, CHUNK), jnp.int32),
        pltpu.VMEM((KCH, CHUNK), jnp.int32),
        pltpu.VMEM((KCH, CHUNK), jnp.float32),
    ]
    + [pltpu.VMEM((CHUNK, F), jnp.float32)]
    + [pltpu.VMEM_SHARED((N2, F), jnp.float32)],
)
def _msg_pass(h_hbm, row_hbm, col_hbm, ew_hbm, zeros2_hbm, out_hbm,
              rowv, colv, eww, rows0, acc):
    rows = (rows0,)
    c = lax.axis_index("c")
    s = lax.axis_index("s")
    w = c * NS + s
    base = s * RPT
    pltpu.sync_copy(zeros2_hbm.at[pl.ds(base, RPT)], acc.at[pl.ds(base, RPT)])
    pltpu.sync_copy(row_hbm.at[w], rowv)
    pltpu.sync_copy(col_hbm.at[w], colv)
    pltpu.sync_copy(ew_hbm.at[w], eww)
    plsc.subcore_barrier()

    def scale(buf, j):
        def scale_body(blk, c2):
            ew16 = eww[j, pl.ds(blk * 16, 16)]
            for l in range(16):
                wgt = ew16[l]
                i = blk * 16 + l
                for f in range(F // 16):
                    sl = pl.ds(f * 16, 16)
                    buf[i, sl] = buf[i, sl] * wgt
            return c2

        lax.fori_loop(0, CHUNK // 16, scale_body, 0)

    def _chunk(j, carry):
        pltpu.sync_copy(h_hbm.at[rowv.at[j]], rows[0])
        scale(rows[0], j)
        pltpu.sync_copy(rows[0], acc.at[colv.at[j]], add=True)
        return carry

    lax.fori_loop(0, KCH, _chunk, 0)

    plsc.subcore_barrier()
    pltpu.sync_copy(acc.at[pl.ds(base, RPT)], out_hbm.at[c, pl.ds(base, RPT)])


RB = 2048
GRID = N2 // RB


def _tc1_body(deg_ref, x_ref, w_ref, h1p_ref, dinv_ref):
    dsum = 1.0 + deg_ref[:, 0:1] + deg_ref[:, 1:2]
    dinv = lax.rsqrt(dsum)
    h = jnp.dot(x_ref[...], w_ref[...], preferred_element_type=jnp.float32)
    h1p_ref[...] = h * dinv
    dinv_ref[...] = dinv


def _tc_mid_body(p_ref, h1p_ref, dinv_ref, b1_ref, w23_ref, h23p_ref):
    p = p_ref[...]
    dinv = dinv_ref[...]
    out1 = dinv * (p[0] + p[1] + h1p_ref[...]) + b1_ref[...]
    h = jnp.maximum(out1, 0.0)
    h23p_ref[...] = jnp.dot(h, w23_ref[...],
                            preferred_element_type=jnp.float32) * dinv


def _tc_fin_body(q_ref, h23p_ref, dinv_ref, b23_ref, out_ref):
    q = q_ref[...]
    out_ref[...] = dinv_ref[...] * (q[0] + q[1] + h23p_ref[...]) + b23_ref[...]


def _tc1(degT, x2, W1):
    return pl.pallas_call(
        _tc1_body,
        grid=(GRID,),
        in_specs=[
            pl.BlockSpec((RB, 2), lambda i: (i, 0)),
            pl.BlockSpec((RB, F), lambda i: (i, 0)),
            pl.BlockSpec((F, F), lambda i: (0, 0)),
        ],
        out_specs=[
            pl.BlockSpec((RB, F), lambda i: (i, 0)),
            pl.BlockSpec((RB, 1), lambda i: (i, 0)),
        ],
        out_shape=[
            jax.ShapeDtypeStruct((N2, F), jnp.float32),
            jax.ShapeDtypeStruct((N2, 1), jnp.float32),
        ],
    )(degT, x2, W1)


def _tc_mid(P, h1p, dinv, b1r, W23):
    return pl.pallas_call(
        _tc_mid_body,
        grid=(GRID,),
        in_specs=[
            pl.BlockSpec((NC, RB, F), lambda i: (0, i, 0)),
            pl.BlockSpec((RB, F), lambda i: (i, 0)),
            pl.BlockSpec((RB, 1), lambda i: (i, 0)),
            pl.BlockSpec((1, F), lambda i: (0, 0)),
            pl.BlockSpec((F, F), lambda i: (0, 0)),
        ],
        out_specs=pl.BlockSpec((RB, F), lambda i: (i, 0)),
        out_shape=jax.ShapeDtypeStruct((N2, F), jnp.float32),
    )(P, h1p, dinv, b1r, W23)


def _tc_fin(Q, h23p, dinv, b23r):
    return pl.pallas_call(
        _tc_fin_body,
        grid=(GRID,),
        in_specs=[
            pl.BlockSpec((NC, RB, F), lambda i: (0, i, 0)),
            pl.BlockSpec((RB, F), lambda i: (i, 0)),
            pl.BlockSpec((RB, 1), lambda i: (i, 0)),
            pl.BlockSpec((1, F), lambda i: (0, 0)),
        ],
        out_specs=pl.BlockSpec((RB, F), lambda i: (i, 0)),
        out_shape=jax.ShapeDtypeStruct((N2, F), jnp.float32),
    )(Q, h23p, dinv, b23r)


def kernel(x, edges, weights, W1, b1, W2, b2, W3, b3):
    row = edges[0]
    col = edges[1]
    pad = NW * EPT - E
    spread = jnp.arange(pad, dtype=row.dtype) % N
    rowp = jnp.concatenate([row, spread]).reshape(NW, KCH, CHUNK)
    colp = jnp.concatenate([col, spread]).reshape(NW, KCH, CHUNK)
    ewp = jnp.concatenate([weights, jnp.zeros((pad,), weights.dtype)]).reshape(NW, KCH, CHUNK)
    x2 = jnp.pad(x, ((0, N2 - N), (0, 0)))
    zeros2 = jnp.zeros((N2, F), jnp.float32)
    zeros1 = jnp.zeros((N2,), jnp.float32)
    W23 = jnp.concatenate([W2, W3], axis=1)
    b23r = jnp.concatenate([b2, b3]).reshape(1, F)
    b1r = b1.reshape(1, F)

    degp = _degree(colp, ewp, zeros1)
    degT = degp.T
    h1p, dinv = _tc1(degT, x2, W1)
    P = _msg_pass(h1p, rowp, colp, ewp, zeros2)
    h23p = _tc_mid(P, h1p, dinv, b1r, W23)
    Q = _msg_pass(h23p, rowp, colp, ewp, zeros2)
    out = _tc_fin(Q, h23p, dinv, b23r)
    return out[:N, :64], out[:N, 64:]

# --- scband reference (transcript-rebuilt; emitter-appended) ---
"""Pipeline reference for scband-gcnencoder-8778913153122 (READ-ONLY COPY).

The authoritative reference and input builder live on the scoring server;
editing this copy changes nothing except your own understanding.
"""

import jax, jax.numpy as jnp
import numpy as np

N = 10000
E = 320000
IN, HID, EMB = 128, 128, 64


def gcn_conv(x, edges, ew, W, b, n):
    # PyG GCNConv with normalize=True, add_self_loops=True, bias=True
    row, col = edges[0], edges[1]
    loop = jnp.arange(n, dtype=edges.dtype)
    row = jnp.concatenate([row, loop])
    col = jnp.concatenate([col, loop])
    ew = jnp.concatenate([ew, jnp.ones((n,), dtype=x.dtype)])
    deg = jnp.zeros((n,), x.dtype).at[col].add(ew)
    dinv = jnp.where(deg > 0, deg ** -0.5, 0.0)
    norm = dinv[row] * ew * dinv[col]
    h = x @ W
    msg = h[row] * norm[:, None]
    out = jnp.zeros((n, W.shape[1]), x.dtype).at[col].add(msg)
    return out + b


def setup_inputs(seed: int = 0):
    key = jax.random.key(seed)
    ks = jax.random.split(key, 10)
    x = jax.random.normal(ks[0], (N, IN), dtype=jnp.float32)
    edges = jax.random.randint(ks[1], (2, E), 0, N, dtype=jnp.int32)
    weights = jax.random.uniform(ks[2], (E,), dtype=jnp.float32)
    s1 = (1.0 / IN) ** 0.5
    s2 = (1.0 / HID) ** 0.5
    W1 = jax.random.uniform(ks[3], (IN, HID), dtype=jnp.float32, minval=-s1, maxval=s1)
    b1 = jnp.zeros((HID,), jnp.float32)
    W2 = jax.random.uniform(ks[4], (HID, EMB), dtype=jnp.float32, minval=-s2, maxval=s2)
    b2 = jnp.zeros((EMB,), jnp.float32)
    W3 = jax.random.uniform(ks[5], (HID, EMB), dtype=jnp.float32, minval=-s2, maxval=s2)
    b3 = jnp.zeros((EMB,), jnp.float32)
    return {"x": x, "edges": edges, "weights": weights,
            "W1": W1, "b1": b1, "W2": W2, "b2": b2, "W3": W3, "b3": b3}


def reference(x, edges, weights, W1, b1, W2, b2, W3, b3):
    h = jax.nn.relu(gcn_conv(x, edges, weights, W1, b1, N))
    mu = gcn_conv(h, edges, weights, W2, b2, N)
    logvar = gcn_conv(h, edges, weights, W3, b3, N)
    return (mu, logvar)

if __name__ == "__main__":
    import jax
    _d = setup_inputs()
    print(jax.jit(kernel)(*tuple(_d.values())))

</pallas_src>

<mosaic_0001>
#map = affine_map<(d0, d1) -> (0, 0)>
#map1 = affine_map<(d0, d1) -> (0, 0, 0)>
module attributes {stable_mosaic.version = 14 : i64} {
  func.func @_msg_pass(%arg0: i32, %arg1: i32, %arg2: memref<10240x128xf32, #tpu.memory_space<hbm>>, %arg3: memref<32x80x128xi32, #tpu.memory_space<hbm>>, %arg4: memref<32x80x128xi32, #tpu.memory_space<hbm>>, %arg5: memref<32x80x128xf32, #tpu.memory_space<hbm>>, %arg6: memref<10240x128xf32, #tpu.memory_space<hbm>>, %arg7: memref<2x10240x128xf32, #tpu.memory_space<hbm>>, %arg8: memref<80x128xi32, #tpu.memory_space<vmem>>, %arg9: memref<80x128xi32, #tpu.memory_space<vmem>>, %arg10: memref<80x128xf32, #tpu.memory_space<vmem>>, %arg11: memref<128x128xf32, #tpu.memory_space<vmem>>, %arg12: memref<10240x128xf32, #tpu.memory_space<vmem_shared>>) attributes {dimension_semantics = [#tpu.dimension_semantics<core_parallel>, #tpu.dimension_semantics<subcore_parallel>], iteration_bounds = array<i64: 2, 16>, scalar_prefetch = 0 : i64, scratch_operands = 5 : i64, tpu.core_type = #tpu.core_type<sc_vector_subcore>, window_params = [{transform_indices = #map}, {transform_indices = #map1}, {transform_indices = #map1}, {transform_indices = #map1}, {transform_indices = #map}, {transform_indices = #map1}]} {
    %mul3A = arith.constant 16 : i32
    %mul3A_0 = arith.muli %arg0, %mul3A : i32
    %add3A = arith.addi %mul3A_0, %arg1 : i32
    %mul3A_1 = arith.constant 640 : i32
    %mul3A_2 = arith.muli %arg1, %mul3A_1 : i32
    "tpu.region"() ({
      %run_scoped3A = tpu.sem_alloc : memref<!tpu.dma_semaphore, #tpu.memory_space<semaphore_mem>>
      %dma_start3A = arith.constant 0 : i32
      %dma_start3A_9 = tpu.memref_slice %arg12[%mul3A_2, %dma_start3A] : memref<10240x128xf32, #tpu.memory_space<vmem_shared>> -> memref<640x128xf32, #tpu.memory_space<vmem_shared>>
      %dma_start3A_10 = arith.constant 0 : i32
      %dma_start3A_11 = tpu.memref_slice %arg6[%mul3A_2, %dma_start3A_10] : memref<10240x128xf32, #tpu.memory_space<hbm>> -> memref<640x128xf32, #tpu.memory_space<hbm>>
      tpu.enqueue_dma source(%dma_start3A_11 : memref<640x128xf32, #tpu.memory_space<hbm>>) target(%dma_start3A_9 : memref<640x128xf32, #tpu.memory_space<vmem_shared>>) target_semaphore(%run_scoped3A : memref<!tpu.dma_semaphore, #tpu.memory_space<semaphore_mem>>)
      %dma_wait3A = arith.constant 0 : i32
      %dma_wait3A_12 = tpu.memref_slice %arg12[%mul3A_2, %dma_wait3A] : memref<10240x128xf32, #tpu.memory_space<vmem_shared>> -> memref<640x128xf32, #tpu.memory_space<vmem_shared>>
      %dma_wait3A_13 = arith.constant 0 : i32
      %dma_wait3A_14 = tpu.memref_slice %arg6[%mul3A_2, %dma_wait3A_13] : memref<10240x128xf32, #tpu.memory_space<hbm>> -> memref<640x128xf32, #tpu.memory_space<hbm>>
      tpu.wait_dma2 semaphore(%run_scoped3A : memref<!tpu.dma_semaphore, #tpu.memory_space<semaphore_mem>>) src(%dma_wait3A_14 : memref<640x128xf32, #tpu.memory_space<hbm>>) dst(%dma_wait3A_12 : memref<640x128xf32, #tpu.memory_space<vmem_shared>>)
      tpu.yield
    }) : () -> ()
    "tpu.region"() ({
      %run_scoped3A = tpu.sem_alloc : memref<!tpu.dma_semaphore, #tpu.memory_space<semaphore_mem>>
      %dma_start3A = arith.constant 0 : i32
      %dma_start3A_9 = arith.constant 0 : i32
      %dma_start3A_10 = tpu.memref_slice %arg3[%add3A, %dma_start3A, %dma_start3A_9] : memref<32x80x128xi32, #tpu.memory_space<hbm>> -> memref<1x80x128xi32, #tpu.memory_space<hbm>>
      %dma_start3A_11 = tpu.memref_squeeze %dma_start3A_10 : memref<1x80x128xi32, #tpu.memory_space<hbm>> -> memref<80x128xi32, #tpu.memory_space<hbm>>
      %dma_start3A_12 = arith.constant 0 : i32
      %dma_start3A_13 = arith.constant 0 : i32
      %dma_start3A_14 = tpu.memref_slice %arg3[%add3A, %dma_start3A_12, %dma_start3A_13] : memref<32x80x128xi32, #tpu.memory_space<hbm>> -> memref<1x80x128xi32, #tpu.memory_space<hbm>>
      %dma_start3A_15 = tpu.memref_squeeze %dma_start3A_14 : memref<1x80x128xi32, #tpu.memory_space<hbm>> -> memref<80x128xi32, #tpu.memory_space<hbm>>
      tpu.enqueue_dma source(%dma_start3A_15 : memref<80x128xi32, #tpu.memory_space<hbm>>) target(%arg8 : memref<80x128xi32, #tpu.memory_space<vmem>>) target_semaphore(%run_scoped3A : memref<!tpu.dma_semaphore, #tpu.memory_space<semaphore_mem>>)
      %dma_wait3A = arith.constant 0 : i32
      %dma_wait3A_16 = arith.constant 0 : i32
      %dma_wait3A_17 = tpu.memref_slice %arg3[%add3A, %dma_wait3A, %dma_wait3A_16] : memref<32x80x128xi32, #tpu.memory_space<hbm>> -> memref<1x80x128xi32, #tpu.memory_space<hbm>>
      %dma_wait3A_18 = tpu.memref_squeeze %dma_wait3A_17 : memref<1x80x128xi32, #tpu.memory_space<hbm>> -> memref<80x128xi32, #tpu.memory_space<hbm>>
      %dma_wait3A_19 = arith.constant 0 : i32
      %dma_wait3A_20 = arith.constant 0 : i32
      %dma_wait3A_21 = tpu.memref_slice %arg3[%add3A, %dma_wait3A_19, %dma_wait3A_20] : memref<32x80x128xi32, #tpu.memory_space<hbm>> -> memref<1x80x128xi32, #tpu.memory_space<hbm>>
      %dma_wait3A_22 = tpu.memref_squeeze %dma_wait3A_21 : memref<1x80x128xi32, #tpu.memory_space<hbm>> -> memref<80x128xi32, #tpu.memory_space<hbm>>
      tpu.wait_dma2 semaphore(%run_scoped3A : memref<!tpu.dma_semaphore, #tpu.memory_space<semaphore_mem>>) src(%dma_wait3A_22 : memref<80x128xi32, #tpu.memory_space<hbm>>) dst(%arg8 : memref<80x128xi32, #tpu.memory_space<vmem>>)
      tpu.yield
    }) : () -> ()
    "tpu.region"() ({
      %run_scoped3A = tpu.sem_alloc : memref<!tpu.dma_semaphore, #tpu.memory_space<semaphore_mem>>
      %dma_start3A = arith.constant 0 : i32
      %dma_start3A_9 = arith.constant 0 : i32
      %dma_start3A_10 = tpu.memref_slice %arg4[%add3A, %dma_start3A, %dma_start3A_9] : memref<32x80x128xi32, #tpu.memory_space<hbm>> -> memref<1x80x128xi32, #tpu.memory_space<hbm>>
      %dma_start3A_11 = tpu.memref_squeeze %dma_start3A_10 : memref<1x80x128xi32, #tpu.memory_space<hbm>> -> memref<80x128xi32, #tpu.memory_space<hbm>>
      %dma_start3A_12 = arith.constant 0 : i32
      %dma_start3A_13 = arith.constant 0 : i32
      %dma_start3A_14 = tpu.memref_slice %arg4[%add3A, %dma_start3A_12, %dma_start3A_13] : memref<32x80x128xi32, #tpu.memory_space<hbm>> -> memref<1x80x128xi32, #tpu.memory_space<hbm>>
      %dma_start3A_15 = tpu.memref_squeeze %dma_start3A_14 : memref<1x80x128xi32, #tpu.memory_space<hbm>> -> memref<80x128xi32, #tpu.memory_space<hbm>>
      tpu.enqueue_dma source(%dma_start3A_15 : memref<80x128xi32, #tpu.memory_space<hbm>>) target(%arg9 : memref<80x128xi32, #tpu.memory_space<vmem>>) target_semaphore(%run_scoped3A : memref<!tpu.dma_semaphore, #tpu.memory_space<semaphore_mem>>)
      %dma_wait3A = arith.constant 0 : i32
      %dma_wait3A_16 = arith.constant 0 : i32
      %dma_wait3A_17 = tpu.memref_slice %arg4[%add3A, %dma_wait3A, %dma_wait3A_16] : memref<32x80x128xi32, #tpu.memory_space<hbm>> -> memref<1x80x128xi32, #tpu.memory_space<hbm>>
      %dma_wait3A_18 = tpu.memref_squeeze %dma_wait3A_17 : memref<1x80x128xi32, #tpu.memory_space<hbm>> -> memref<80x128xi32, #tpu.memory_space<hbm>>
      %dma_wait3A_19 = arith.constant 0 : i32
      %dma_wait3A_20 = arith.constant 0 : i32
      %dma_wait3A_21 = tpu.memref_slice %arg4[%add3A, %dma_wait3A_19, %dma_wait3A_20] : memref<32x80x128xi32, #tpu.memory_space<hbm>> -> memref<1x80x128xi32, #tpu.memory_space<hbm>>
      %dma_wait3A_22 = tpu.memref_squeeze %dma_wait3A_21 : memref<1x80x128xi32, #tpu.memory_space<hbm>> -> memref<80x128xi32, #tpu.memory_space<hbm>>
      tpu.wait_dma2 semaphore(%run_scoped3A : memref<!tpu.dma_semaphore, #tpu.memory_space<semaphore_mem>>) src(%dma_wait3A_22 : memref<80x128xi32, #tpu.memory_space<hbm>>) dst(%arg9 : memref<80x128xi32, #tpu.memory_space<vmem>>)
      tpu.yield
    }) : () -> ()
    "tpu.region"() ({
      %run_scoped3A = tpu.sem_alloc : memref<!tpu.dma_semaphore, #tpu.memory_space<semaphore_mem>>
      %dma_start3A = arith.constant 0 : i32
      %dma_start3A_9 = arith.constant 0 : i32
      %dma_start3A_10 = tpu.memref_slice %arg5[%add3A, %dma_start3A, %dma_start3A_9] : memref<32x80x128xf32, #tpu.memory_space<hbm>> -> memref<1x80x128xf32, #tpu.memory_space<hbm>>
      %dma_start3A_11 = tpu.memref_squeeze %dma_start3A_10 : memref<1x80x128xf32, #tpu.memory_space<hbm>> -> memref<80x128xf32, #tpu.memory_space<hbm>>
      %dma_start3A_12 = arith.constant 0 : i32
      %dma_start3A_13 = arith.constant 0 : i32
      %dma_start3A_14 = tpu.memref_slice %arg5[%add3A, %dma_start3A_12, %dma_start3A_13] : memref<32x80x128xf32, #tpu.memory_space<hbm>> -> memref<1x80x128xf32, #tpu.memory_space<hbm>>
      %dma_start3A_15 = tpu.memref_squeeze %dma_start3A_14 : memref<1x80x128xf32, #tpu.memory_space<hbm>> -> memref<80x128xf32, #tpu.memory_space<hbm>>
      tpu.enqueue_dma source(%dma_start3A_15 : memref<80x128xf32, #tpu.memory_space<hbm>>) target(%arg10 : memref<80x128xf32, #tpu.memory_space<vmem>>) target_semaphore(%run_scoped3A : memref<!tpu.dma_semaphore, #tpu.memory_space<semaphore_mem>>)
      %dma_wait3A = arith.constant 0 : i32
      %dma_wait3A_16 = arith.constant 0 : i32
      %dma_wait3A_17 = tpu.memref_slice %arg5[%add3A, %dma_wait3A, %dma_wait3A_16] : memref<32x80x128xf32, #tpu.memory_space<hbm>> -> memref<1x80x128xf32, #tpu.memory_space<hbm>>
      %dma_wait3A_18 = tpu.memref_squeeze %dma_wait3A_17 : memref<1x80x128xf32, #tpu.memory_space<hbm>> -> memref<80x128xf32, #tpu.memory_space<hbm>>
      %dma_wait3A_19 = arith.constant 0 : i32
      %dma_wait3A_20 = arith.constant 0 : i32
      %dma_wait3A_21 = tpu.memref_slice %arg5[%add3A, %dma_wait3A_19, %dma_wait3A_20] : memref<32x80x128xf32, #tpu.memory_space<hbm>> -> memref<1x80x128xf32, #tpu.memory_space<hbm>>
      %dma_wait3A_22 = tpu.memref_squeeze %dma_wait3A_21 : memref<1x80x128xf32, #tpu.memory_space<hbm>> -> memref<80x128xf32, #tpu.memory_space<hbm>>
      tpu.wait_dma2 semaphore(%run_scoped3A : memref<!tpu.dma_semaphore, #tpu.memory_space<semaphore_mem>>) src(%dma_wait3A_22 : memref<80x128xf32, #tpu.memory_space<hbm>>) dst(%arg10 : memref<80x128xf32, #tpu.memory_space<vmem>>)
      tpu.yield
    }) : () -> ()
    %barrier3A = arith.constant 0 : index
    tpu.barrier barrier_id(%barrier3A)
    %scan3A = arith.constant 0 : i32
    %scan3A_3 = arith.constant 0 : i32
    %scan3A_4 = arith.constant 80 : i32
    %scan3A_5 = arith.addi %scan3A_3, %scan3A_4 : i32
    %scan3A_6 = arith.constant 1 : i32
    scf.for %scan3A_9 = %scan3A_3 to %scan3A_5 step %scan3A_6  : i32 {
      "tpu.region"() ({
        %run_scoped3A = tpu.sem_alloc : memref<!tpu.dma_semaphore, #tpu.memory_space<semaphore_mem>>
        %dma_start3A = arith.constant 0 : i32
        %dma_start3A_16 = tpu.memref_slice %arg8[%scan3A_9, %dma_start3A] : memref<80x128xi32, #tpu.memory_space<vmem>> -> memref<1x128xi32, #tpu.memory_space<vmem>>
        %dma_start3A_17 = tpu.memref_squeeze %dma_start3A_16 : memref<1x128xi32, #tpu.memory_space<vmem>> -> memref<128xi32, #tpu.memory_space<vmem>>
        %dma_start3A_18 = arith.constant 0 : i32
        %dma_start3A_19 = arith.constant 0 : i32
        %dma_start3A_20 = tpu.memref_slice %arg2[%dma_start3A_18, %dma_start3A_19] : memref<10240x128xf32, #tpu.memory_space<hbm>> -> memref<10240x128xf32, #tpu.memory_space<hbm>>
        tpu.enqueue_indirect_dma source(%dma_start3A_20 : memref<10240x128xf32, #tpu.memory_space<hbm>>) target(%arg11 : memref<128x128xf32, #tpu.memory_space<vmem>>) offsets(%dma_start3A_17 : memref<128xi32, #tpu.memory_space<vmem>>) semaphore(%run_scoped3A : memref<!tpu.dma_semaphore, #tpu.memory_space<semaphore_mem>>)
        %dma_wait3A = arith.constant 0 : i32
        %dma_wait3A_21 = tpu.memref_slice %arg8[%scan3A_9, %dma_wait3A] : memref<80x128xi32, #tpu.memory_space<vmem>> -> memref<1x128xi32, #tpu.memory_space<vmem>>
        %dma_wait3A_22 = tpu.memref_squeeze %dma_wait3A_21 : memref<1x128xi32, #tpu.memory_space<vmem>> -> memref<128xi32, #tpu.memory_space<vmem>>
        %dma_wait3A_23 = arith.constant 0 : i32
        %dma_wait3A_24 = arith.constant 0 : i32
        %dma_wait3A_25 = tpu.memref_slice %arg2[%dma_wait3A_23, %dma_wait3A_24] : memref<10240x128xf32, #tpu.memory_space<hbm>> -> memref<10240x128xf32, #tpu.memory_space<hbm>>
        tpu.wait_indirect_dma semaphore(%run_scoped3A : memref<!tpu.dma_semaphore, #tpu.memory_space<semaphore_mem>>) src(%dma_wait3A_25 : memref<10240x128xf32, #tpu.memory_space<hbm>>) dst(%arg11 : memref<128x128xf32, #tpu.memory_space<vmem>>)
        tpu.yield
      }) : () -> ()
      %scan3A_10 = arith.constant 0 : i32
      %scan3A_11 = arith.constant 0 : i32
      %scan3A_12 = arith.constant 8 : i32
      %scan3A_13 = arith.addi %scan3A_11, %scan3A_12 : i32
      %scan3A_14 = arith.constant 1 : i32
      scf.for %scan3A_16 = %scan3A_11 to %scan3A_13 step %scan3A_14  : i32 {
        %mul3A_17 = arith.constant 16 : i32
        %mul3A_18 = arith.muli %scan3A_16, %mul3A_17 : i32
        %get3A = arith.index_cast %scan3A_9 : i32 to index
        %get3A_19 = arith.index_cast %mul3A_18 : i32 to index
        %get3A_20 = tpu.vector_load %arg10[%get3A, %get3A_19] {strides = array<i32>} : memref<80x128xf32, #tpu.memory_space<vmem>>, vector<1x16xf32>,
        %get3A_21 = vector.shape_cast %get3A_20 : vector<1x16xf32> to vector<16xf32>
        %slice3A = vector.extract_strided_slice %get3A_21 {offsets = [0], sizes = [1], strides = [1]} : vector<16xf32> to vector<1xf32>
        %squeeze3A = vector.extract %slice3A[0] : f32 from vector<1xf32>
        %mul3A_22 = arith.constant 16 : i32
        %mul3A_23 = arith.muli %scan3A_16, %mul3A_22 : i32
        %add3A_24 = arith.constant 0 : i32
        %add3A_25 = arith.addi %mul3A_23, %add3A_24 : i32
        %get3A_26 = arith.index_cast %add3A_25 : i32 to index
        %get3A_27 = arith.constant 0 : index
        %get3A_28 = tpu.vector_load %arg11[%get3A_26, %get3A_27] {strides = array<i32>} : memref<128x128xf32, #tpu.memory_space<vmem>>, vector<1x16xf32>,
        %get3A_29 = vector.shape_cast %get3A_28 : vector<1x16xf32> to vector<16xf32>
        %mul3A_30 = vector.broadcast %squeeze3A : f32 to vector<16xf32>
        %mul3A_31 = arith.mulf %get3A_29, %mul3A_30 : vector<16xf32>
        %swap3A = arith.index_cast %add3A_25 : i32 to index
        %swap3A_32 = arith.constant 0 : index
        %swap3A_33 = tpu.vector_load %arg11[%swap3A, %swap3A_32] {strides = array<i32>} : memref<128x128xf32, #tpu.memory_space<vmem>>, vector<1x16xf32>,
        %swap3A_34 = vector.shape_cast %swap3A_33 : vector<1x16xf32> to vector<16xf32>
        %swap3A_35 = vector.shape_cast %mul3A_31 : vector<16xf32> to vector<1x16xf32>
        tpu.vector_store %arg11[%swap3A, %swap3A_32], %swap3A_35 {strides = array<i32>} : memref<128x128xf32, #tpu.memory_space<vmem>>, vector<1x16xf32>,
        %get3A_36 = arith.index_cast %add3A_25 : i32 to index
        %get3A_37 = arith.constant 16 : index
        %get3A_38 = tpu.vector_load %arg11[%get3A_36, %get3A_37] {strides = array<i32>} : memref<128x128xf32, #tpu.memory_space<vmem>>, vector<1x16xf32>,
        %get3A_39 = vector.shape_cast %get3A_38 : vector<1x16xf32> to vector<16xf32>
        %mul3A_40 = vector.broadcast %squeeze3A : f32 to vector<16xf32>
        %mul3A_41 = arith.mulf %get3A_39, %mul3A_40 : vector<16xf32>
        %swap3A_42 = arith.index_cast %add3A_25 : i32 to index
        %swap3A_43 = arith.constant 16 : index
        %swap3A_44 = tpu.vector_load %arg11[%swap3A_42, %swap3A_43] {strides = array<i32>} : memref<128x128xf32, #tpu.memory_space<vmem>>, vector<1x16xf32>,
        %swap3A_45 = vector.shape_cast %swap3A_44 : vector<1x16xf32> to vector<16xf32>
        %swap3A_46 = vector.shape_cast %mul3A_41 : vector<16xf32> to vector<1x16xf32>
        tpu.vector_store %arg11[%swap3A_42, %swap3A_43], %swap3A_46 {strides = array<i32>} : memref<128x128xf32, #tpu.memory_space<vmem>>, vector<1x16xf32>,
        %get3A_47 = arith.index_cast %add3A_25 : i32 to index
        %get3A_48 = arith.constant 32 : index
        %get3A_49 = tpu.vector_load %arg11[%get3A_47, %get3A_48] {strides = array<i32>} : memref<128x128xf32, #tpu.memory_space<vmem>>, vector<1x16xf32>,
        %get3A_50 = vector.shape_cast %get3A_49 : vector<1x16xf32> to vector<16xf32>
        %mul3A_51 = vector.broadcast %squeeze3A : f32 to vector<16xf32>
        %mul3A_52 = arith.mulf %get3A_50, %mul3A_51 : vector<16xf32>
        %swap3A_53 = arith.index_cast %add3A_25 : i32 to index
        %swap3A_54 = arith.constant 32 : index
        %swap3A_55 = tpu.vector_load %arg11[%swap3A_53, %swap3A_54] {strides = array<i32>} : memref<128x128xf32, #tpu.memory_space<vmem>>, vector<1x16xf32>,
        %swap3A_56 = vector.shape_cast %swap3A_55 : vector<1x16xf32> to vector<16xf32>
        %swap3A_57 = vector.shape_cast %mul3A_52 : vector<16xf32> to vector<1x16xf32>
        tpu.vector_store %arg11[%swap3A_53, %swap3A_54], %swap3A_57 {strides = array<i32>} : memref<128x128xf32, #tpu.memory_space<vmem>>, vector<1x16xf32>,
        %get3A_58 = arith.index_cast %add3A_25 : i32 to index
        %get3A_59 = arith.constant 48 : index
        %get3A_60 = tpu.vector_load %arg11[%get3A_58, %get3A_59] {strides = array<i32>} : memref<128x128xf32, #tpu.memory_space<vmem>>, vector<1x16xf32>,
        %get3A_61 = vector.shape_cast %get3A_60 : vector<1x16xf32> to vector<16xf32>
        %mul3A_62 = vector.broadcast %squeeze3A : f32 to vector<16xf32>
        %mul3A_63 = arith.mulf %get3A_61, %mul3A_62 : vector<16xf32>
        %swap3A_64 = arith.index_cast %add3A_25 : i32 to index
        %swap3A_65 = arith.constant 48 : index
        %swap3A_66 = tpu.vector_load %arg11[%swap3A_64, %swap3A_65] {strides = array<i32>} : memref<128x128xf32, #tpu.memory_space<vmem>>, vector<1x16xf32>,
        %swap3A_67 = vector.shape_cast %swap3A_66 : vector<1x16xf32> to vector<16xf32>
        %swap3A_68 = vector.shape_cast %mul3A_63 : vector<16xf32> to vector<1x16xf32>
        tpu.vector_store %arg11[%swap3A_64, %swap3A_65], %swap3A_68 {strides = array<i32>} : memref<128x128xf32, #tpu.memory_space<vmem>>, vector<1x16xf32>,
        %get3A_69 = arith.index_cast %add3A_25 : i32 to index
        %get3A_70 = arith.constant 64 : index
        %get3A_71 = tpu.vector_load %arg11[%get3A_69, %get3A_70] {strides = array<i32>} : memref<128x128xf32, #tpu.memory_space<vmem>>, vector<1x16xf32>,
        %get3A_72 = vector.shape_cast %get3A_71 : vector<1x16xf32> to vector<16xf32>
        %mul3A_73 = vector.broadcast %squeeze3A : f32 to vector<16xf32>
        %mul3A_74 = arith.mulf %get3A_72, %mul3A_73 : vector<16xf32>
        %swap3A_75 = arith.index_cast %add3A_25 : i32 to index
        %swap3A_76 = arith.constant 64 : index
        %swap3A_77 = tpu.vector_load %arg11[%swap3A_75, %swap3A_76] {strides = array<i32>} : memref<128x128xf32, #tpu.memory_space<vmem>>, vector<1x16xf32>,
        %swap3A_78 = vector.shape_cast %swap3A_77 : vector<1x16xf32> to vector<16xf32>
        %swap3A_79 = vector.shape_cast %mul3A_74 : vector<16xf32> to vector<1x16xf32>
        tpu.vector_store %arg11[%swap3A_75, %swap3A_76], %swap3A_79 {strides = array<i32>} : memref<128x128xf32, #tpu.memory_space<vmem>>, vector<1x16xf32>,
        %get3A_80 = arith.index_cast %add3A_25 : i32 to index
        %get3A_81 = arith.constant 80 : index
        %get3A_82 = tpu.vector_load %arg11[%get3A_80, %get3A_81] {strides = array<i32>} : memref<128x128xf32, #tpu.memory_space<vmem>>, vector<1x16xf32>,
        %get3A_83 = vector.shape_cast %get3A_82 : vector<1x16xf32> to vector<16xf32>
        %mul3A_84 = vector.broadcast %squeeze3A : f32 to vector<16xf32>
        %mul3A_85 = arith.mulf %get3A_83, %mul3A_84 : vector<16xf32>
        %swap3A_86 = arith.index_cast %add3A_25 : i32 to index
        %swap3A_87 = arith.constant 80 : index
        %swap3A_88 = tpu.vector_load %arg11[%swap3A_86, %swap3A_87] {strides = array<i32>} : memref<128x128xf32, #tpu.memory_space<vmem>>, vector<1x16xf32>,
        %swap3A_89 = vector.shape_cast %swap3A_88 : vector<1x16xf32> to vector<16xf32>
        %swap3A_90 = vector.shape_cast %mul3A_85 : vector<16xf32> to vector<1x16xf32>
        tpu.vector_store %arg11[%swap3A_86, %swap3A_87], %swap3A_90 {strides = array<i32>} : memref<128x128xf32, #tpu.memory_space<vmem>>, vector<1x16xf32>,
        %get3A_91 = arith.index_cast %add3A_25 : i32 to index
        %get3A_92 = arith.constant 96 : index
        %get3A_93 = tpu.vector_load %arg11[%get3A_91, %get3A_92] {strides = array<i32>} : memref<128x128xf32, #tpu.memory_space<vmem>>, vector<1x16xf32>,
        %get3A_94 = vector.shape_cast %get3A_93 : vector<1x16xf32> to vector<16xf32>
        %mul3A_95 = vector.broadcast %squeeze3A : f32 to vector<16xf32>
        %mul3A_96 = arith.mulf %get3A_94, %mul3A_95 : vector<16xf32>
        %swap3A_97 = arith.index_cast %add3A_25 : i32 to index
        %swap3A_98 = arith.constant 96 : index
        %swap3A_99 = tpu.vector_load %arg11[%swap3A_97, %swap3A_98] {strides = array<i32>} : memref<128x128xf32, #tpu.memory_space<vmem>>, vector<1x16xf32>,
        %swap3A_100 = vector.shape_cast %swap3A_99 : vector<1x16xf32> to vector<16xf32>
        %swap3A_101 = vector.shape_cast %mul3A_96 : vector<16xf32> to vector<1x16xf32>
        tpu.vector_store %arg11[%swap3A_97, %swap3A_98], %swap3A_101 {strides = array<i32>} : memref<128x128xf32, #tpu.memory_space<vmem>>, vector<1x16xf32>,
        %get3A_102 = arith.index_cast %add3A_25 : i32 to index
        %get3A_103 = arith.constant 112 : index
        %get3A_104 = tpu.vector_load %arg11[%get3A_102, %get3A_103] {strides = array<i32>} : memref<128x128xf32, #tpu.memory_space<vmem>>, vector<1x16xf32>,
        %get3A_105 = vector.shape_cast %get3A_104 : vector<1x16xf32> to vector<16xf32>
        %mul3A_106 = vector.broadcast %squeeze3A : f32 to vector<16xf32>
        %mul3A_107 = arith.mulf %get3A_105, %mul3A_106 : vector<16xf32>
        %swap3A_108 = arith.index_cast %add3A_25 : i32 to index
        %swap3A_109 = arith.constant 112 : index
        %swap3A_110 = tpu.vector_load %arg11[%swap3A_108, %swap3A_109] {strides = array<i32>} : memref<128x128xf32, #tpu.memory_space<vmem>>, vector<1x16xf32>,
        %swap3A_111 = vector.shape_cast %swap3A_110 : vector<1x16xf32> to vector<16xf32>
        %swap3A_112 = vector.shape_cast %mul3A_107 : vector<16xf32> to vector<1x16xf32>
        tpu.vector_store %arg11[%swap3A_108, %swap3A_109], %swap3A_112 {strides = array<i32>} : memref<128x128xf32, #tpu.memory_space<vmem>>, vector<1x16xf32>,
        %slice3A_113 = vector.extract_strided_slice %get3A_21 {offsets = [1], sizes = [1], strides = [1]} : vector<16xf32> to vector<1xf32>
        %squeeze3A_114 = vector.extract %slice3A_113[0] : f32 from vector<1xf32>
        %mul3A_115 = arith.constant 16 : i32
        %mul3A_116 = arith.muli %scan3A_16, %mul3A_115 : i32
        %add3A_117 = arith.constant 1 : i32
        %add3A_118 = arith.addi %mul3A_116, %add3A_117 : i32
        %get3A_119 = arith.index_cast %add3A_118 : i32 to index
        %get3A_120 = arith.constant 0 : index
        %get3A_121 = tpu.vector_load %arg11[%get3A_119, %get3A_120] {strides = array<i32>} : memref<128x128xf32, #tpu.memory_space<vmem>>, vector<1x16xf32>,
        %get3A_122 = vector.shape_cast %get3A_121 : vector<1x16xf32> to vector<16xf32>
        %mul3A_123 = vector.broadcast %squeeze3A_114 : f32 to vector<16xf32>
        %mul3A_124 = arith.mulf %get3A_122, %mul3A_123 : vector<16xf32>
        %swap3A_125 = arith.index_cast %add3A_118 : i32 to index
        %swap3A_126 = arith.constant 0 : index
        %swap3A_127 = tpu.vector_load %arg11[%swap3A_125, %swap3A_126] {strides = array<i32>} : memref<128x128xf32, #tpu.memory_space<vmem>>, vector<1x16xf32>,
        %swap3A_128 = vector.shape_cast %swap3A_127 : vector<1x16xf32> to vector<16xf32>
        %swap3A_129 = vector.shape_cast %mul3A_124 : vector<16xf32> to vector<1x16xf32>
        tpu.vector_store %arg11[%swap3A_125, %swap3A_126], %swap3A_129 {strides = array<i32>} : memref<128x128xf32, #tpu.memory_space<vmem>>, vector<1x16xf32>,
        %get3A_130 = arith.index_cast %add3A_118 : i32 to index
        %get3A_131 = arith.constant 16 : index
        %get3A_132 = tpu.vector_load %arg11[%get3A_130, %get3A_131] {strides = array<i32>} : memref<128x128xf32, #tpu.memory_space<vmem>>, vector<1x16xf32>,
        %get3A_133 = vector.shape_cast %get3A_132 : vector<1x16xf32> to vector<16xf32>
        %mul3A_134 = vector.broadcast %squeeze3A_114 : f32 to vector<16xf32>
        %mul3A_135 = arith.mulf %get3A_133, %mul3A_134 : vector<16xf32>
        %swap3A_136 = arith.index_cast %add3A_118 : i32 to index
        %swap3A_137 = arith.constant 16 : index
        %swap3A_138 = tpu.vector_load %arg11[%swap3A_136, %swap3A_137] {strides = array<i32>} : memref<128x128xf32, #tpu.memory_space<vmem>>, vector<1x16xf32>,
        %swap3A_139 = vector.shape_cast %swap3A_138 : vector<1x16xf32> to vector<16xf32>
        %swap3A_140 = vector.shape_cast %mul3A_135 : vector<16xf32> to vector<1x16xf32>
        tpu.vector_store %arg11[%swap3A_136, %swap3A_137], %swap3A_140 {strides = array<i32>} : memref<128x128xf32, #tpu.memory_space<vmem>>, vector<1x16xf32>,
        %get3A_141 = arith.index_cast %add3A_118 : i32 to index
        %get3A_142 = arith.constant 32 : index
        %get3A_143 = tpu.vector_load %arg11[%get3A_141, %get3A_142] {strides = array<i32>} : memref<128x128xf32, #tpu.memory_space<vmem>>, vector<1x16xf32>,
        %get3A_144 = vector.shape_cast %get3A_143 : vector<1x16xf32> to vector<16xf32>
        %mul3A_145 = vector.broadcast %squeeze3A_114 : f32 to vector<16xf32>
        %mul3A_146 = arith.mulf %get3A_144, %mul3A_145 : vector<16xf32>
        %swap3A_147 = arith.index_cast %add3A_118 : i32 to index
        %swap3A_148 = arith.constant 32 : index
        %swap3A_149 = tpu.vector_load %arg11[%swap3A_147, %swap3A_148] {strides = array<i32>} : memref<128x128xf32, #tpu.memory_space<vmem>>, vector<1x16xf32>,
        %swap3A_150 = vector.shape_cast %swap3A_149 : vector<1x16xf32> to vector<16xf32>
        %swap3A_151 = vector.shape_cast %mul3A_146 : vector<16xf32> to vector<1x16xf32>
        tpu.vector_store %arg11[%swap3A_147, %swap3A_148], %swap3A_151 {strides = array<i32>} : memref<128x128xf32, #tpu.memory_space<vmem>>, vector<1x16xf32>,
        %get3A_152 = arith.index_cast %add3A_118 : i32 to index
        %get3A_153 = arith.constant 48 : index
        %get3A_154 = tpu.vector_load %arg11[%get3A_152, %get3A_153] {strides = array<i32>} : memref<128x128xf32, #tpu.memory_space<vmem>>, vector<1x16xf32>,
        %get3A_155 = vector.shape_cast %get3A_154 : vector<1x16xf32> to vector<16xf32>
        %mul3A_156 = vector.broadcast %squeeze3A_114 : f32 to vector<16xf32>
        %mul3A_157 = arith.mulf %get3A_155, %mul3A_156 : vector<16xf32>
        %swap3A_158 = arith.index_cast %add3A_118 : i32 to index
        %swap3A_159 = arith.constant 48 : index
        %swap3A_160 = tpu.vector_load %arg11[%swap3A_158, %swap3A_159] {strides = array<i32>} : memref<128x128xf32, #tpu.memory_space<vmem>>, vector<1x16xf32>,
        %swap3A_161 = vector.shape_cast %swap3A_160 : vector<1x16xf32> to vector<16xf32>
        %swap3A_162 = vector.shape_cast %mul3A_157 : vector<16xf32> to vector<1x16xf32>
        tpu.vector_store %arg11[%swap3A_158, %swap3A_159], %swap3A_162 {strides = array<i32>} : memref<128x128xf32, #tpu.memory_space<vmem>>, vector<1x16xf32>,
        %get3A_163 = arith.index_cast %add3A_118 : i32 to index
        %get3A_164 = arith.constant 64 : index
        %get3A_165 = tpu.vector_load %arg11[%get3A_163, %get3A_164] {strides = array<i32>} : memref<128x128xf32, #tpu.memory_space<vmem>>, vector<1x16xf32>,
        %get3A_166 = vector.shape_cast %get3A_165 : vector<1x16xf32> to vector<16xf32>
        %mul3A_167 = vector.broadcast %squeeze3A_114 : f32 to vector<16xf32>
        %mul3A_168 = arith.mulf %get3A_166, %mul3A_167 : vector<16xf32>
        %swap3A_169 = arith.index_cast %add3A_118 : i32 to index
        %swap3A_170 = arith.constant 64 : index
        %swap3A_171 = tpu.vector_load %arg11[%swap3A_169, %swap3A_170] {strides = array<i32>} : memref<128x128xf32, #tpu.memory_space<vmem>>, vector<1x16xf32>,
        %swap3A_172 = vector.shape_cast %swap3A_171 : vector<1x16xf32> to vector<16xf32>
        %swap3A_173 = vector.shape_cast %mul3A_168 : vector<16xf32> to vector<1x16xf32>
        tpu.vector_store %arg11[%swap3A_169, %swap3A_170], %swap3A_173 {strides = array<i32>} : memref<128x128xf32, #tpu.memory_space<vmem>>, vector<1x16xf32>,
        %get3A_174 = arith.index_cast %add3A_118 : i32 to index
        %get3A_175 = arith.constant 80 : index
        %get3A_176 = tpu.vector_load %arg11[%get3A_174, %get3A_175] {strides = array<i32>} : memref<128x128xf32, #tpu.memory_space<vmem>>, vector<1x16xf32>,
        %get3A_177 = vector.shape_cast %get3A_176 : vector<1x16xf32> to vector<16xf32>
        %mul3A_178 = vector.broadcast %squeeze3A_114 : f32 to vector<16xf32>
        %mul3A_179 = arith.mulf %get3A_177, %mul3A_178 : vector<16xf32>
        %swap3A_180 = arith.index_cast %add3A_118 : i32 to index
        %swap3A_181 = arith.constant 80 : index
        %swap3A_182 = tpu.vector_load %arg11[%swap3A_180, %swap3A_181] {strides = array<i32>} : memref<128x128xf32, #tpu.memory_space<vmem>>, vector<1x16xf32>,
        %swap3A_183 = vector.shape_cast %swap3A_182 : vector<1x16xf32> to vector<16xf32>
        %swap3A_184 = vector.shape_cast %mul3A_179 : vector<16xf32> to vector<1x16xf32>
        tpu.vector_store %arg11[%swap3A_180, %swap3A_181], %swap3A_184 {strides = array<i32>} : memref<128x128xf32, #tpu.memory_space<vmem>>, vector<1x16xf32>,
        %get3A_185 = arith.index_cast %add3A_118 : i32 to index
        %get3A_186 = arith.constant 96 : index
        %get3A_187 = tpu.vector_load %arg11[%get3A_185, %get3A_186] {strides = array<i32>} : memref<128x128xf32, #tpu.memory_space<vmem>>, vector<1x16xf32>,
        %get3A_188 = vector.shape_cast %get3A_187 : vector<1x16xf32> to vector<16xf32>
        %mul3A_189 = vector.broadcast %squeeze3A_114 : f32 to vector<16xf32>
        %mul3A_190 = arith.mulf %get3A_188, %mul3A_189 : vector<16xf32>
        %swap3A_191 = arith.index_cast %add3A_118 : i32 to index
        %swap3A_192 = arith.constant 96 : index
        %swap3A_193 = tpu.vector_load %arg11[%swap3A_191, %swap3A_192] {strides = array<i32>} : memref<128x128xf32, #tpu.memory_space<vmem>>, vector<1x16xf32>,
        %swap3A_194 = vector.shape_cast %swap3A_193 : vector<1x16xf32> to vector<16xf32>
        %swap3A_195 = vector.shape_cast %mul3A_190 : vector<16xf32> to vector<1x16xf32>
        tpu.vector_store %arg11[%swap3A_191, %swap3A_192], %swap3A_195 {strides = array<i32>} : memref<128x128xf32, #tpu.memory_space<vmem>>, vector<1x16xf32>,
        %get3A_196 = arith.index_cast %add3A_118 : i32 to index
        %get3A_197 = arith.constant 112 : index
        %get3A_198 = tpu.vector_load %arg11[%get3A_196, %get3A_197] {strides = array<i32>} : memref<128x128xf32, #tpu.memory_space<vmem>>, vector<1x16xf32>,
        %get3A_199 = vector.shape_cast %get3A_198 : vector<1x16xf32> to vector<16xf32>
        %mul3A_200 = vector.broadcast %squeeze3A_114 : f32 to vector<16xf32>
        %mul3A_201 = arith.mulf %get3A_199, %mul3A_200 : vector<16xf32>
        %swap3A_202 = arith.index_cast %add3A_118 : i32 to index
        %swap3A_203 = arith.constant 112 : index
        %swap3A_204 = tpu.vector_load %arg11[%swap3A_202, %swap3A_203] {strides = array<i32>} : memref<128x128xf32, #tpu.memory_space<vmem>>, vector<1x16xf32>,
        %swap3A_205 = vector.shape_cast %swap3A_204 : vector<1x16xf32> to vector<16xf32>
        %swap3A_206 = vector.shape_cast %mul3A_201 : vector<16xf32> to vector<1x16xf32>
        tpu.vector_store %arg11[%swap3A_202, %swap3A_203], %swap3A_206 {strides = array<i32>} : memref<128x128xf32, #tpu.memory_space<vmem>>, vector<1x16xf32>,
        %slice3A_207 = vector.extract_strided_slice %get3A_21 {offsets = [2], sizes = [1], strides = [1]} : vector<16xf32> to vector<1xf32>
        %squeeze3A_208 = vector.extract %slice3A_207[0] : f32 from vector<1xf32>
        %mul3A_209 = arith.constant 16 : i32
        %mul3A_210 = arith.muli %scan3A_16, %mul3A_209 : i32
        %add3A_211 = arith.constant 2 : i32
        %add3A_212 = arith.addi %mul3A_210, %add3A_211 : i32
        %get3A_213 = arith.index_cast %add3A_212 : i32 to index
        %get3A_214 = arith.constant 0 : index
        %get3A_215 = tpu.vector_load %arg11[%get3A_213, %get3A_214] {strides = array<i32>} : memref<128x128xf32, #tpu.memory_space<vmem>>, vector<1x16xf32>,
        %get3A_216 = vector.shape_cast %get3A_215 : vector<1x16xf32> to vector<16xf32>
        %mul3A_217 = vector.broadcast %squeeze3A_208 : f32 to vector<16xf32>
        %mul3A_218 = arith.mulf %get3A_216, %mul3A_217 : vector<16xf32>
        %swap3A_219 = arith.index_cast %add3A_212 : i32 to index
        %swap3A_220 = arith.constant 0 : index
        %swap3A_221 = tpu.vector_load %arg11[%swap3A_219, %swap3A_220] {strides = array<i32>} : memref<128x128xf32, #tpu.memory_space<vmem>>, vector<1x16xf32>,
        %swap3A_222 = vector.shape_cast %swap3A_221 : vector<1x16xf32> to vector<16xf32>
        %swap3A_223 = vector.shape_cast %mul3A_218 : vector<16xf32> to vector<1x16xf32>
        tpu.vector_store %arg11[%swap3A_219, %swap3A_220], %swap3A_223 {strides = array<i32>} : memref<128x128xf32, #tpu.memory_space<vmem>>, vector<1x16xf32>,
        %get3A_224 = arith.index_cast %add3A_212 : i32 to index
        %get3A_225 = arith.constant 16 : index
        %get3A_226 = tpu.vector_load %arg11[%get3A_224, %get3A_225] {strides = array<i32>} : memref<128x128xf32, #tpu.memory_space<vmem>>, vector<1x16xf32>,
        %get3A_227 = vector.shape_cast %get3A_226 : vector<1x16xf32> to vector<16xf32>
        %mul3A_228 = vector.broadcast %squeeze3A_208 : f32 to vector<16xf32>
        %mul3A_229 = arith.mulf %get3A_227, %mul3A_228 : vector<16xf32>
        %swap3A_230 = arith.index_cast %add3A_212 : i32 to index
        %swap3A_231 = arith.constant 16 : index
        %swap3A_232 = tpu.vector_load %arg11[%swap3A_230, %swap3A_231] {strides = array<i32>} : memref<128x128xf32, #tpu.memory_space<vmem>>, vector<1x16xf32>,
        %swap3A_233 = vector.shape_cast %swap3A_232 : vector<1x16xf32> to vector<16xf32>
        %swap3A_234 = vector.shape_cast %mul3A_229 : vector<16xf32> to vector<1x16xf32>
        tpu.vector_store %arg11[%swap3A_230, %swap3A_231], %swap3A_234 {strides = array<i32>} : memref<128x128xf32, #tpu.memory_space<vmem>>, vector<1x16xf32>,
        %get3A_235 = arith.index_cast %add3A_212 : i32 to index
        %get3A_236 = arith.constant 32 : index
        %get3A_237 = tpu.vector_load %arg11[%get3A_235, %get3A_236] {strides = array<i32>} : memref<128x128xf32, #tpu.memory_space<vmem>>, vector<1x16xf32>,
        %get3A_238 = vector.shape_cast %get3A_237 : vector<1x16xf32> to vector<16xf32>
        %mul3A_239 = vector.broadcast %squeeze3A_208 : f32 to vector<16xf32>
        %mul3A_240 = arith.mulf %get3A_238, %mul3A_239 : vector<16xf32>
        %swap3A_241 = arith.index_cast %add3A_212 : i32 to index
        %swap3A_242 = arith.constant 32 : index
        %swap3A_243 = tpu.vector_load %arg11[%swap3A_241, %swap3A_242] {strides = array<i32>} : memref<128x128xf32, #tpu.memory_space<vmem>>, vector<1x16xf32>,
        %swap3A_244 = vector.shape_cast %swap3A_243 : vector<1x16xf32> to vector<16xf32>
        %swap3A_245 = vector.shape_cast %mul3A_240 : vector<16xf32> to vector<1x16xf32>
        tpu.vector_store %arg11[%swap3A_241, %swap3A_242], %swap3A_245 {strides = array<i32>} : memref<128x128xf32, #tpu.memory_space<vmem>>, vector<1x16xf32>,
        %get3A_246 = arith.index_cast %add3A_212 : i32 to index
        %get3A_247 = arith.constant 48 : index
        %get3A_248 = tpu.vector_load %arg11[%get3A_246, %get3A_247] {strides = array<i32>} : memref<128x128xf32, #tpu.memory_space<vmem>>, vector<1x16xf32>,
        %get3A_249 = vector.shape_cast %get3A_248 : vector<1x16xf32> to vector<16xf32>
        %mul3A_250 = vector.broadcast %squeeze3A_208 : f32 to vector<16xf32>
        %mul3A_251 = arith.mulf %get3A_249, %mul3A_250 : vector<16xf32>
        %swap3A_252 = arith.index_cast %add3A_212 : i32 to index
        %swap3A_253 = arith.constant 48 : index
        %swap3A_254 = tpu.vector_load %arg11[%swap3A_252, %swap3A_253] {strides = array<i32>} : memref<128x128xf32, #tpu.memory_space<vmem>>, vector<1x16xf32>,
        %swap3A_255 = vector.shape_cast %swap3A_254 : vector<1x16xf32> to vector<16xf32>
        %swap3A_256 = vector.shape_cast %mul3A_251 : vector<16xf32> to vector<1x16xf32>
        tpu.vector_store %arg11[%swap3A_252, %swap3A_253], %swap3A_256 {strides = array<i32>} : memref<128x128xf32, #tpu.memory_space<vmem>>, vector<1x16xf32>,
        %get3A_257 = arith.index_cast %add3A_212 : i32 to index
        %get3A_258 = arith.constant 64 : index
        %get3A_259 = tpu.vector_load %arg11[%get3A_257, %get3A_258] {strides = array<i32>} : memref<128x128xf32, #tpu.memory_space<vmem>>, vector<1x16xf32>,
        %get3A_260 = vector.shape_cast %get3A_259 : vector<1x16xf32> to vector<16xf32>
        %mul3A_261 = vector.broadcast %squeeze3A_208 : f32 to vector<16xf32>
        %mul3A_262 = arith.mulf %get3A_260, %mul3A_261 : vector<16xf32>
        %swap3A_263 = arith.index_cast %add3A_212 : i32 to index
        %swap3A_264 = arith.constant 64 : index
        %swap3A_265 = tpu.vector_load %arg11[%swap3A_263, %swap3A_264] {strides = array<i32>} : memref<128x128xf32, #tpu.memory_space<vmem>>, vector<1x16xf32>,
        %swap3A_266 = vector.shape_cast %swap3A_265 : vector<1x16xf32> to vector<16xf32>
        %swap3A_267 = vector.shape_cast %mul3A_262 : vector<16xf32> to vector<1x16xf32>
        tpu.vector_store %arg11[%swap3A_263, %swap3A_264], %swap3A_267 {strides = array<i32>} : memref<128x128xf32, #tpu.memory_space<vmem>>, vector<1x16xf32>,
        %get3A_268 = arith.index_cast %add3A_212 : i32 to index
        %get3A_269 = arith.constant 80 : index
        %get3A_270 = tpu.vector_load %arg11[%get3A_268, %get3A_269] {strides = array<i32>} : memref<128x128xf32, #tpu.memory_space<vmem>>, vector<1x16xf32>,
        %get3A_271 = vector.shape_cast %get3A_270 : vector<1x16xf32> to vector<16xf32>
        %mul3A_272 = vector.broadcast %squeeze3A_208 : f32 to vector<16xf32>
        %mul3A_273 = arith.mulf %get3A_271, %mul3A_272 : vector<16xf32>
        %swap3A_274 = arith.index_cast %add3A_212 : i32 to index
        %swap3A_275 = arith.constant 80 : index
        %swap3A_276 = tpu.vector_load %arg11[%swap3A_274, %swap3A_275] {strides = array<i32>} : memref<128x128xf32, #tpu.memory_space<vmem>>, vector<1x16xf32>,
        %swap3A_277 = vector.shape_cast %swap3A_276 : vector<1x16xf32> to vector<16xf32>
        %swap3A_278 = vector.shape_cast %mul3A_273 : vector<16xf32> to vector<1x16xf32>
        tpu.vector_store %arg11[%swap3A_274, %swap3A_275], %swap3A_278 {strides = array<i32>} : memref<128x128xf32, #tpu.memory_space<vmem>>, vector<1x16xf32>,
        %get3A_279 = arith.index_cast %add3A_212 : i32 to index
        %get3A_280 = arith.constant 96 : index
        %get3A_281 = tpu.vector_load %arg11[%get3A_279, %get3A_280] {strides = array<i32>} : memref<128x128xf32, #tpu.memory_space<vmem>>, vector<1x16xf32>,
        %get3A_282 = vector.shape_cast %get3A_281 : vector<1x16xf32> to vector<16xf32>
        %mul3A_283 = vector.broadcast %squeeze3A_208 : f32 to vector<16xf32>
        %mul3A_284 = arith.mulf %get3A_282, %mul3A_283 : vector<16xf32>
        %swap3A_285 = arith.index_cast %add3A_212 : i32 to index
        %swap3A_286 = arith.constant 96 : index
        %swap3A_287 = tpu.vector_load %arg11[%swap3A_285, %swap3A_286] {strides = array<i32>} : memref<128x128xf32, #tpu.memory_space<vmem>>, vector<1x16xf32>,
        %swap3A_288 = vector.shape_cast %swap3A_287 : vector<1x16xf32> to vector<16xf32>
        %swap3A_289 = vector.shape_cast %mul3A_284 : vector<16xf32> to vector<1x16xf32>
        tpu.vector_store %arg11[%swap3A_285, %swap3A_286], %swap3A_289 {strides = array<i32>} : memref<128x128xf32, #tpu.memory_space<vmem>>, vector<1x16xf32>,
        %get3A_290 = arith.index_cast %add3A_212 : i32 to index
        %get3A_291 = arith.constant 112 : index
        %get3A_292 = tpu.vector_load %arg11[%get3A_290, %get3A_291] {strides = array<i32>} : memref<128x128xf32, #tpu.memory_space<vmem>>, vector<1x16xf32>,
        %get3A_293 = vector.shape_cast %get3A_292 : vector<1x16xf32> to vector<16xf32>
        %mul3A_294 = vector.broadcast %squeeze3A_208 : f32 to vector<16xf32>
        %mul3A_295 = arith.mulf %get3A_293, %mul3A_294 : vector<16xf32>
        %swap3A_296 = arith.index_cast %add3A_212 : i32 to index
        %swap3A_297 = arith.constant 112 : index
        %swap3A_298 = tpu.vector_load %arg11[%swap3A_296, %swap3A_297] {strides = array<i32>} : memref<128x128xf32, #tpu.memory_space<vmem>>, vector<1x16xf32>,
        %swap3A_299 = vector.shape_cast %swap3A_298 : vector<1x16xf32> to vector<16xf32>
        %swap3A_300 = vector.shape_cast %mul3A_295 : vector<16xf32> to vector<1x16xf32>
        tpu.vector_store %arg11[%swap3A_296, %swap3A_297], %swap3A_300 {strides = array<i32>} : memref<128x128xf32, #tpu.memory_space<vmem>>, vector<1x16xf32>,
        %slice3A_301 = vector.extract_strided_slice %get3A_21 {offsets = [3], sizes = [1], strides = [1]} : vector<16xf32> to vector<1xf32>
        %squeeze3A_302 = vector.extract %slice3A_301[0] : f32 from vector<1xf32>
        %mul3A_303 = arith.constant 16 : i32
        %mul3A_304 = arith.muli %scan3A_16, %mul3A_303 : i32
        %add3A_305 = arith.constant 3 : i32
        %add3A_306 = arith.addi %mul3A_304, %add3A_305 : i32
        %get3A_307 = arith.index_cast %add3A_306 : i32 to index
        %get3A_308 = arith.constant 0 : index
        %get3A_309 = tpu.vector_load %arg11[%get3A_307, %get3A_308] {strides = array<i32>} : memref<128x128xf32, #tpu.memory_space<vmem>>, vector<1x16xf32>,
        %get3A_310 = vector.shape_cast %get3A_309 : vector<1x16xf32> to vector<16xf32>
        %mul3A_311 = vector.broadcast %squeeze3A_302 : f32 to vector<16xf32>
        %mul3A_312 = arith.mulf %get3A_310, %mul3A_311 : vector<16xf32>
        %swap3A_313 = arith.index_cast %add3A_306 : i32 to index
        %swap3A_314 = arith.constant 0 : index
        %swap3A_315 = tpu.vector_load %arg11[%swap3A_313, %swap3A_314] {strides = array<i32>} : memref<128x128xf32, #tpu.memory_space<vmem>>, vector<1x16xf32>,
        %swap3A_316 = vector.shape_cast %swap3A_315 : vector<1x16xf32> to vector<16xf32>
        %swap3A_317 = vector.shape_cast %mul3A_312 : vector<16xf32> to vector<1x16xf32>
        tpu.vector_store %arg11[%swap3A_313, %swap3A_314], %swap3A_317 {strides = array<i32>} : memref<128x128xf32, #tpu.memory_space<vmem>>, vector<1x16xf32>,
        %get3A_318 = arith.index_cast %add3A_306 : i32 to index
        %get3A_319 = arith.constant 16 : index
        %get3A_320 = tpu.vector_load %arg11[%get3A_318, %get3A_319] {strides = array<i32>} : memref<128x128xf32, #tpu.memory_space<vmem>>, vector<1x16xf32>,
        %get3A_321 = vector.shape_cast %get3A_320 : vector<1x16xf32> to vector<16xf32>
        %mul3A_322 = vector.broadcast %squeeze3A_302 : f32 to vector<16xf32>
        %mul3A_323 = arith.mulf %get3A_321, %mul3A_322 : vector<16xf32>
        %swap3A_324 = arith.index_cast %add3A_306 : i32 to index
        %swap3A_325 = arith.constant 16 : index
        %swap3A_326 = tpu.vector_load %arg11[%swap3A_324, %swap3A_325] {strides = array<i32>} : memref<128x128xf32, #tpu.memory_space<vmem>>, vector<1x16xf32>,
        %swap3A_327 = vector.shape_cast %swap3A_326 : vector<1x16xf32> to vector<16xf32>
        %swap3A_328 = vector.shape_cast %mul3A_323 : vector<16xf32> to vector<1x16xf32>
        tpu.vector_store %arg11[%swap3A_324, %swap3A_325], %swap3A_328 {strides = array<i32>} : memref<128x128xf32, #tpu.memory_space<vmem>>, vector<1x16xf32>,
        %get3A_329 = arith.index_cast %add3A_306 : i32 to index
        %get3A_330 = arith.constant 32 : index
        %get3A_331 = tpu.vector_load %arg11[%get3A_329, %get3A_330] {strides = array<i32>} : memref<128x128xf32, #tpu.memory_space<vmem>>, vector<1x16xf32>,
        %get3A_332 = vector.shape_cast %get3A_331 : vector<1x16xf32> to vector<16xf32>
        %mul3A_333 = vector.broadcast %squeeze3A_302 : f32 to vector<16xf32>
        %mul3A_334 = arith.mulf %get3A_332, %mul3A_333 : vector<16xf32>
        %swap3A_335 = arith.index_cast %add3A_306 : i32 to index
        %swap3A_336 = arith.constant 32 : index
        %swap3A_337 = tpu.vector_load %arg11[%swap3A_335, %swap3A_336] {strides = array<i32>} : memref<128x128xf32, #tpu.memory_space<vmem>>, vector<1x16xf32>,
        %swap3A_338 = vector.shape_cast %swap3A_337 : vector<1x16xf32> to vector<16xf32>
        %swap3A_339 = vector.shape_cast %mul3A_334 : vector<16xf32> to vector<1x16xf32>
        tpu.vector_store %arg11[%swap3A_335, %swap3A_336], %swap3A_339 {strides = array<i32>} : memref<128x128xf32, #tpu.memory_space<vmem>>, vector<1x16xf32>,
        %get3A_340 = arith.index_cast %add3A_306 : i32 to index
        %get3A_341 = arith.constant 48 : index
        %get3A_342 = tpu.vector_load %arg11[%get3A_340, %get3A_341] {strides = array<i32>} : memref<128x128xf32, #tpu.memory_space<vmem>>, vector<1x16xf32>,
        %get3A_343 = vector.shape_cast %get3A_342 : vector<1x16xf32> to vector<16xf32>
        %mul3A_344 = vector.broadcast %squeeze3A_302 : f32 to vector<16xf32>
        %mul3A_345 = arith.mulf %get3A_343, %mul3A_344 : vector<16xf32>
        %swap3A_346 = arith.index_cast %add3A_306 : i32 to index
        %swap3A_347 = arith.constant 48 : index
        %swap3A_348 = tpu.vector_load %arg11[%swap3A_346, %swap3A_347] {strides = array<i32>} : memref<128x128xf32, #tpu.memory_space<vmem>>, vector<1x16xf32>,
        %swap3A_349 = vector.shape_cast %swap3A_348 : vector<1x16xf32> to vector<16xf32>
        %swap3A_350 = vector.shape_cast %mul3A_345 : vector<16xf32> to vector<1x16xf32>
        tpu.vector_store %arg11[%swap3A_346, %swap3A_347], %swap3A_350 {strides = array<i32>} : memref<128x128xf32, #tpu.memory_space<vmem>>, vector<1x16xf32>,
        %get3A_351 = arith.index_cast %add3A_306 : i32 to index
        %get3A_352 = arith.constant 64 : index
        %get3A_353 = tpu.vector_load %arg11[%get3A_351, %get3A_352] {strides = array<i32>} : memref<128x128xf32, #tpu.memory_space<vmem>>, vector<1x16xf32>,
        %get3A_354 = vector.shape_cast %get3A_353 : vector<1x16xf32> to vector<16xf32>
        %mul3A_355 = vector.broadcast %squeeze3A_302 : f32 to vector<16xf32>
        %mul3A_356 = arith.mulf %get3A_354, %mul3A_355 : vector<16xf32>
        %swap3A_357 = arith.index_cast %add3A_306 : i32 to index
        %swap3A_358 = arith.constant 64 : index
        %swap3A_359 = tpu.vector_load %arg11[%swap3A_357, %swap3A_358] {strides = array<i32>} : memref<128x128xf32, #tpu.memory_space<vmem>>, vector<1x16xf32>,
        %swap3A_360 = vector.shape_cast %swap3A_359 : vector<1x16xf32> to vector<16xf32>
        %swap3A_361 = vector.shape_cast %mul3A_356 : vector<16xf32> to vector<1x16xf32>
        tpu.vector_store %arg11[%swap3A_357, %swap3A_358], %swap3A_361 {strides = array<i32>} : memref<128x128xf32, #tpu.memory_space<vmem>>, vector<1x16xf32>,
        %get3A_362 = arith.index_cast %add3A_306 : i32 to index
        %get3A_363 = arith.constant 80 : index
        %get3A_364 = tpu.vector_load %arg11[%get3A_362, %get3A_363] {strides = array<i32>} : memref<128x128xf32, #tpu.memory_space<vmem>>, vector<1x16xf32>,
        %get3A_365 = vector.shape_cast %get3A_364 : vector<1x16xf32> to vector<16xf32>
        %mul3A_366 = vector.broadcast %squeeze3A_302 : f32 to vector<16xf32>
        %mul3A_367 = arith.mulf %get3A_365, %mul3A_366 : vector<16xf32>
        %swap3A_368 = arith.index_cast %add3A_306 : i32 to index
        %swap3A_369 = arith.constant 80 : index
        %swap3A_370 = tpu.vector_load %arg11[%swap3A_368, %swap3A_369] {strides = array<i32>} : memref<128x128xf32, #tpu.memory_space<vmem>>, vector<1x16xf32>,
        %swap3A_371 = vector.shape_cast %swap3A_370 : vector<1x16xf32> to vector<16xf32>
        %swap3A_372 = vector.shape_cast %mul3A_367 : vector<16xf32> to vector<1x16xf32>
        tpu.vector_store %arg11[%swap3A_368, %swap3A_369], %swap3A_372 {strides = array<i32>} : memref<128x128xf32, #tpu.memory_space<vmem>>, vector<1x16xf32>,
        %get3A_373 = arith.index_cast %add3A_306 : i32 to index
        %get3A_374 = arith.constant 96 : index
        %get3A_375 = tpu.vector_load %arg11[%get3A_373, %get3A_374] {strides = array<i32>} : memref<128x128xf32, #tpu.memory_space<vmem>>, vector<1x16xf32>,
        %get3A_376 = vector.shape_cast %get3A_375 : vector<1x16xf32> to vector<16xf32>
        %mul3A_377 = vector.broadcast %squeeze3A_302 : f32 to vector<16xf32>
        %mul3A_378 = arith.mulf %get3A_376, %mul3A_377 : vector<16xf32>
        %swap3A_379 = arith.index_cast %add3A_306 : i32 to index
        %swap3A_380 = arith.constant 96 : index
        %swap3A_381 = tpu.vector_load %arg11[%swap3A_379, %swap3A_380] {strides = array<i32>} : memref<128x128xf32, #tpu.memory_space<vmem>>, vector<1x16xf32>,
        %swap3A_382 = vector.shape_cast %swap3A_381 : vector<1x16xf32> to vector<16xf32>
        %swap3A_383 = vector.shape_cast %mul3A_378 : vector<16xf32> to vector<1x16xf32>
        tpu.vector_store %arg11[%swap3A_379, %swap3A_380], %swap3A_383 {strides = array<i32>} : memref<128x128xf32, #tpu.memory_space<vmem>>, vector<1x16xf32>,
        %get3A_384 = arith.index_cast %add3A_306 : i32 to index
        %get3A_385 = arith.constant 112 : index
        %get3A_386 = tpu.vector_load %arg11[%get3A_384, %get3A_385] {strides = array<i32>} : memref<128x128xf32, #tpu.memory_space<vmem>>, vector<1x16xf32>,
        %get3A_387 = vector.shape_cast %get3A_386 : vector<1x16xf32> to vector<16xf32>
        %mul3A_388 = vector.broadcast %squeeze3A_302 : f32 to vector<16xf32>
        %mul3A_389 = arith.mulf %get3A_387, %mul3A_388 : vector<16xf32>
        %swap3A_390 = arith.index_cast %add3A_306 : i32 to index
        %swap3A_391 = arith.constant 112 : index
        %swap3A_392 = tpu.vector_load %arg11[%swap3A_390, %swap3A_391] {strides = array<i32>} : memref<128x128xf32, #tpu.memory_space<vmem>>, vector<1x16xf32>,
        %swap3A_393 = vector.shape_cast %swap3A_392 : vector<1x16xf32> to vector<16xf32>
        %swap3A_394 = vector.shape_cast %mul3A_389 : vector<16xf32> to vector<1x16xf32>
        tpu.vector_store %arg11[%swap3A_390, %swap3A_391], %swap3A_394 {strides = array<i32>} : memref<128x128xf32, #tpu.memory_space<vmem>>, vector<1x16xf32>,
        %slice3A_395 = vector.extract_strided_slice %get3A_21 {offsets = [4], sizes = [1], strides = [1]} : vector<16xf32> to vector<1xf32>
        %squeeze3A_396 = vector.extract %slice3A_395[0] : f32 from vector<1xf32>
        %mul3A_397 = arith.constant 16 : i32
        %mul3A_398 = arith.muli %scan3A_16, %mul3A_397 : i32
        %add3A_399 = arith.constant 4 : i32
        %add3A_400 = arith.addi %mul3A_398, %add3A_399 : i32
        %get3A_401 = arith.index_cast %add3A_400 : i32 to index
        %get3A_402 = arith.constant 0 : index
        %get3A_403 = tpu.vector_load %arg11[%get3A_401, %get3A_402] {strides = array<i32>} : memref<128x128xf32, #tpu.memory_space<vmem>>, vector<1x16xf32>,
        %get3A_404 = vector.shape_cast %get3A_403 : vector<1x16xf32> to vector<16xf32>
        %mul3A_405 = vector.broadcast %squeeze3A_396 : f32 to vector<16xf32>
        %mul3A_406 = arith.mulf %get3A_404, %mul3A_405 : vector<16xf32>
        %swap3A_407 = arith.index_cast %add3A_400 : i32 to index
        %swap3A_408 = arith.constant 0 : index
        %swap3A_409 = tpu.vector_load %arg11[%swap3A_407, %swap3A_408] {strides = array<i32>} : memref<128x128xf32, #tpu.memory_space<vmem>>, vector<1x16xf32>,
        %swap3A_410 = vector.shape_cast %swap3A_409 : vector<1x16xf32> to vector<16xf32>
        %swap3A_411 = vector.shape_cast %mul3A_406 : vector<16xf32> to vector<1x16xf32>
        tpu.vector_store %arg11[%swap3A_407, %swap3A_408], %swap3A_411 {strides = array<i32>} : memref<128x128xf32, #tpu.memory_space<vmem>>, vector<1x16xf32>,
        %get3A_412 = arith.index_cast %add3A_400 : i32 to index
        %get3A_413 = arith.constant 16 : index
        %get3A_414 = tpu.vector_load %arg11[%get3A_412, %get3A_413] {strides = array<i32>} : memref<128x128xf32, #tpu.memory_space<vmem>>, vector<1x16xf32>,
        %get3A_415 = vector.shape_cast %get3A_414 : vector<1x16xf32> to vector<16xf32>
        %mul3A_416 = vector.broadcast %squeeze3A_396 : f32 to vector<16xf32>
        %mul3A_417 = arith.mulf %get3A_415, %mul3A_416 : vector<16xf32>
        %swap3A_418 = arith.index_cast %add3A_400 : i32 to index
        %swap3A_419 = arith.constant 16 : index
        %swap3A_420 = tpu.vector_load %arg11[%swap3A_418, %swap3A_419] {strides = array<i32>} : memref<128x128xf32, #tpu.memory_space<vmem>>, vector<1x16xf32>,
        %swap3A_421 = vector.shape_cast %swap3A_420 : vector<1x16xf32> to vector<16xf32>
        %swap3A_422 = vector.shape_cast %mul3A_417 : vector<16xf32> to vector<1x16xf32>
        tpu.vector_store %arg11[%swap3A_418, %swap3A_419], %swap3A_422 {strides = array<i32>} : memref<128x128xf32, #tpu.memory_space<vmem>>, vector<1x16xf32>,
        %get3A_423 = arith.index_cast %add3A_400 : i32 to index
        %get3A_424 = arith.constant 32 : index
        %get3A_425 = tpu.vector_load %arg11[%get3A_423, %get3A_424] {strides = array<i32>} : memref<128x128xf32, #tpu.memory_space<vmem>>, vector<1x16xf32>,
        %get3A_426 = vector.shape_cast %get3A_425 : vector<1x16xf32> to vector<16xf32>
        %mul3A_427 = vector.broadcast %squeeze3A_396 : f32 to vector<16xf32>
        %mul3A_428 = arith.mulf %get3A_426, %mul3A_427 : vector<16xf32>
        %swap3A_429 = arith.index_cast %add3A_400 : i32 to index
        %swap3A_430 = arith.constant 32 : index
        %swap3A_431 = tpu.vector_load %arg11[%swap3A_429, %swap3A_430] {strides = array<i32>} : memref<128x128xf32, #tpu.memory_space<vmem>>, vector<1x16xf32>,
        %swap3A_432 = vector.shape_cast %swap3A_431 : vector<1x16xf32> to vector<16xf32>
        %swap3A_433 = vector.shape_cast %mul3A_428 : vector<16xf32> to vector<1x16xf32>
        tpu.vector_store %arg11[%swap3A_429, %swap3A_430], %swap3A_433 {strides = array<i32>} : memref<128x128xf32, #tpu.memory_space<vmem>>, vector<1x16xf32>,
        %get3A_434 = arith.index_cast %add3A_400 : i32 to index
        %get3A_435 = arith.constant 48 : index
        %get3A_436 = tpu.vector_load %arg11[%get3A_434, %get3A_435] {strides = array<i32>} : memref<128x128xf32, #tpu.memory_space<vmem>>, vector<1x16xf32>,
        %get3A_437 = vector.shape_cast %get3A_436 : vector<1x16xf32> to vector<16xf32>
        %mul3A_438 = vector.broadcast %squeeze3A_396 : f32 to vector<16xf32>
        %mul3A_439 = arith.mulf %get3A_437, %mul3A_438 : vector<16xf32>
        %swap3A_440 = arith.index_cast %add3A_400 : i32 to index
        %swap3A_441 = arith.constant 48 : index
        %swap3A_442 = tpu.vector_load %arg11[%swap3A_440, %swap3A_441] {strides = array<i32>} : memref<128x128xf32, #tpu.memory_space<vmem>>, vector<1x16xf32>,
        %swap3A_443 = vector.shape_cast %swap3A_442 : vector<1x16xf32> to vector<16xf32>
        %swap3A_444 = vector.shape_cast %mul3A_439 : vector<16xf32> to vector<1x16xf32>
        tpu.vector_store %arg11[%swap3A_440, %swap3A_441], %swap3A_444 {strides = array<i32>} : memref<128x128xf32, #tpu.memory_space<vmem>>, vector<1x16xf32>,
        %get3A_445 = arith.index_cast %add3A_400 : i32 to index
        %get3A_446 = arith.constant 64 : index
        %get3A_447 = tpu.vector_load %arg11[%get3A_445, %get3A_446] {strides = array<i32>} : memref<128x128xf32, #tpu.memory_space<vmem>>, vector<1x16xf32>,
        %get3A_448 = vector.shape_cast %get3A_447 : vector<1x16xf32> to vector<16xf32>
        %mul3A_449 = vector.broadcast %squeeze3A_396 : f32 to vector<16xf32>
        %mul3A_450 = arith.mulf %get3A_448, %mul3A_449 : vector<16xf32>
        %swap3A_451 = arith.index_cast %add3A_400 : i32 to index
        %swap3A_452 = arith.constant 64 : index
        %swap3A_453 = tpu.vector_load %arg11[%swap3A_451, %swap3A_452] {strides = array<i32>} : memref<128x128xf32, #tpu.memory_space<vmem>>, vector<1x16xf32>,
        %swap3A_454 = vector.shape_cast %swap3A_453 : vector<1x16xf32> to vector<16xf32>
        %swap3A_455 = vector.shape_cast %mul3A_450 : vector<16xf32> to vector<1x16xf32>
        tpu.vector_store %arg11[%swap3A_451, %swap3A_452], %swap3A_455 {strides = array<i32>} : memref<128x128xf32, #tpu.memory_space<vmem>>, vector<1x16xf32>,
        %get3A_456 = arith.index_cast %add3A_400 : i32 to index
        %get3A_457 = arith.constant 80 : index
        %get3A_458 = tpu.vector_load %arg11[%get3A_456, %get3A_457] {strides = array<i32>} : memref<128x128xf32, #tpu.memory_space<vmem>>, vector<1x16xf32>,
        %get3A_459 = vector.shape_cast %get3A_458 : vector<1x16xf32> to vector<16xf32>
        %mul3A_460 = vector.broadcast %squeeze3A_396 : f32 to vector<16xf32>
        %mul3A_461 = arith.mulf %get3A_459, %mul3A_460 : vector<16xf32>
        %swap3A_462 = arith.index_cast %add3A_400 : i32 to index
        %swap3A_463 = arith.constant 80 : index
        %swap3A_464 = tpu.vector_load %arg11[%swap3A_462, %swap3A_463] {strides = array<i32>} : memref<128x128xf32, #tpu.memory_space<vmem>>, vector<1x16xf32>,
        %swap3A_465 = vector.shape_cast %swap3A_464 : vector<1x16xf32> to vector<16xf32>
        %swap3A_466 = vector.shape_cast %mul3A_461 : vector<16xf32> to vector<1x16xf32>
        tpu.vector_store %arg11[%swap3A_462, %swap3A_463], %swap3A_466 {strides = array<i32>} : memref<128x128xf32, #tpu.memory_space<vmem>>, vector<1x16xf32>,
        %get3A_467 = arith.index_cast %add3A_400 : i32 to index
        %get3A_468 = arith.constant 96 : index
        %get3A_469 = tpu.vector_load %arg11[%get3A_467, %get3A_468] {strides = array<i32>} : memref<128x128xf32, #tpu.memory_space<vmem>>, vector<1x16xf32>,
        %get3A_470 = vector.shape_cast %get3A_469 : vector<1x16xf32> to vector<16xf32>
        %mul3A_471 = vector.broadcast %squeeze3A_396 : f32 to vector<16xf32>
        %mul3A_472 = arith.mulf %get3A_470, %mul3A_471 : vector<16xf32>
        %swap3A_473 = arith.index_cast %add3A_400 : i32 to index
        %swap3A_474 = arith.constant 96 : index
        %swap3A_475 = tpu.vector_load %arg11[%swap3A_473, %swap3A_474] {strides = array<i32>} : memref<128x128xf32, #tpu.memory_space<vmem>>, vector<1x16xf32>,
        %swap3A_476 = vector.shape_cast %swap3A_475 : vector<1x16xf32> to vector<16xf32>
        %swap3A_477 = vector.shape_cast %mul3A_472 : vector<16xf32> to vector<1x16xf32>
        tpu.vector_store %arg11[%swap3A_473, %swap3A_474], %swap3A_477 {strides = array<i32>} : memref<128x128xf32, #tpu.memory_space<vmem>>, vector<1x16xf32>,
        %get3A_478 = arith.index_cast %add3A_400 : i32 to index
        %get3A_479 = arith.constant 112 : index
        %get3A_480 = tpu.vector_load %arg11[%get3A_478, %get3A_479] {strides = array<i32>} : memref<128x128xf32, #tpu.memory_space<vmem>>, vector<1x16xf32>,
        %get3A_481 = vector.shape_cast %get3A_480 : vector<1x16xf32> to vector<16xf32>
        %mul3A_482 = vector.broadcast %squeeze3A_396 : f32 to vector<16xf32>
        %mul3A_483 = arith.mulf %get3A_481, %mul3A_482 : vector<16xf32>
        %swap3A_484 = arith.index_cast %add3A_400 : i32 to index
        %swap3A_485 = arith.constant 112 : index
        %swap3A_486 = tpu.vector_load %arg11[%swap3A_484, %swap3A_485] {strides = array<i32>} : memref<128x128xf32, #tpu.memory_space<vmem>>, vector<1x16xf32>,
        %swap3A_487 = vector.shape_cast %swap3A_486 : vector<1x16xf32> to vector<16xf32>
        %swap3A_488 = vector.shape_cast %mul3A_483 : vector<16xf32> to vector<1x16xf32>
        tpu.vector_store %arg11[%swap3A_484, %swap3A_485], %swap3A_488 {strides = array<i32>} : memref<128x128xf32, #tpu.memory_space<vmem>>, vector<1x16xf32>,
        %slice3A_489 = vector.extract_strided_slice %get3A_21 {offsets = [5], sizes = [1], strides = [1]} : vector<16xf32> to vector<1xf32>
        %squeeze3A_490 = vector.extract %slice3A_489[0] : f32 from vector<1xf32>
        %mul3A_491 = arith.constant 16 : i32
        %mul3A_492 = arith.muli %scan3A_16, %mul3A_491 : i32
        %add3A_493 = arith.constant 5 : i32
        %add3A_494 = arith.addi %mul3A_492, %add3A_493 : i32
        %get3A_495 = arith.index_cast %add3A_494 : i32 to index
        %get3A_496 = arith.constant 0 : index
        %get3A_497 = tpu.vector_load %arg11[%get3A_495, %get3A_496] {strides = array<i32>} : memref<128x128xf32, #tpu.memory_space<vmem>>, vector<1x16xf32>,
        %get3A_498 = vector.shape_cast %get3A_497 : vector<1x16xf32> to vector<16xf32>
        %mul3A_499 = vector.broadcast %squeeze3A_490 : f32 to vector<16xf32>
        %mul3A_500 = arith.mulf %get3A_498, %mul3A_499 : vector<16xf32>
        %swap3A_501 = arith.index_cast %add3A_494 : i32 to index
        %swap3A_502 = arith.constant 0 : index
        %swap3A_503 = tpu.vector_load %arg11[%swap3A_501, %swap3A_502] {strides = array<i32>} : memref<128x128xf32, #tpu.memory_space<vmem>>, vector<1x16xf32>,
        %swap3A_504 = vector.shape_cast %swap3A_503 : vector<1x16xf32> to vector<16xf32>
        %swap3A_505 = vector.shape_cast %mul3A_500 : vector<16xf32> to vector<1x16xf32>
        tpu.vector_store %arg11[%swap3A_501, %swap3A_502], %swap3A_505 {strides = array<i32>} : memref<128x128xf32, #tpu.memory_space<vmem>>, vector<1x16xf32>,
        %get3A_506 = arith.index_cast %add3A_494 : i32 to index
        %get3A_507 = arith.constant 16 : index
        %get3A_508 = tpu.vector_load %arg11[%get3A_506, %get3A_507] {strides = array<i32>} : memref<128x128xf32, #tpu.memory_space<vmem>>, vector<1x16xf32>,
        %get3A_509 = vector.shape_cast %get3A_508 : vector<1x16xf32> to vector<16xf32>
        %mul3A_510 = vector.broadcast %squeeze3A_490 : f32 to vector<16xf32>
        %mul3A_511 = arith.mulf %get3A_509, %mul3A_510 : vector<16xf32>
        %swap3A_512 = arith.index_cast %add3A_494 : i32 to index
        %swap3A_513 = arith.constant 16 : index
        %swap3A_514 = tpu.vector_load %arg11[%swap3A_512, %swap3A_513] {strides = array<i32>} : memref<128x128xf32, #tpu.memory_space<vmem>>, vector<1x16xf32>,
        %swap3A_515 = vector.shape_cast %swap3A_514 : vector<1x16xf32> to vector<16xf32>
        %swap3A_516 = vector.shape_cast %mul3A_511 : vector<16xf32> to vector<1x16xf32>
        tpu.vector_store %arg11[%swap3A_512, %swap3A_513], %swap3A_516 {strides = array<i32>} : memref<128x128xf32, #tpu.memory_space<vmem>>, vector<1x16xf32>,
        %get3A_517 = arith.index_cast %add3A_494 : i32 to index
        %get3A_518 = arith.constant 32 : index
        %get3A_519 = tpu.vector_load %arg11[%get3A_517, %get3A_518] {strides = array<i32>} : memref<128x128xf32, #tpu.memory_space<vmem>>, vector<1x16xf32>,
        %get3A_520 = vector.shape_cast %get3A_519 : vector<1x16xf32> to vector<16xf32>
        %mul3A_521 = vector.broadcast %squeeze3A_490 : f32 to vector<16xf32>
        %mul3A_522 = arith.mulf %get3A_520, %mul3A_521 : vector<16xf32>
        %swap3A_523 = arith.index_cast %add3A_494 : i32 to index
        %swap3A_524 = arith.constant 32 : index
        %swap3A_525 = tpu.vector_load %arg11[%swap3A_523, %swap3A_524] {strides = array<i32>} : memref<128x128xf32, #tpu.memory_space<vmem>>, vector<1x16xf32>,
        %swap3A_526 = vector.shape_cast %swap3A_525 : vector<1x16xf32> to vector<16xf32>
        %swap3A_527 = vector.shape_cast %mul3A_522 : vector<16xf32> to vector<1x16xf32>
        tpu.vector_store %arg11[%swap3A_523, %swap3A_524], %swap3A_527 {strides = array<i32>} : memref<128x128xf32, #tpu.memory_space<vmem>>, vector<1x16xf32>,
        %get3A_528 = arith.index_cast %add3A_494 : i32 to index
        %get3A_529 = arith.constant 48 : index
        %get3A_530 = tpu.vector_load %arg11[%get3A_528, %get3A_529] {strides = array<i32>} : memref<128x128xf32, #tpu.memory_space<vmem>>, vector<1x16xf32>,
        %get3A_531 = vector.shape_cast %get3A_530 : vector<1x16xf32> to vector<16xf32>
        %mul3A_532 = vector.broadcast %squeeze3A_490 : f32 to vector<16xf32>
        %mul3A_533 = arith.mulf %get3A_531, %mul3A_532 : vector<16xf32>
        %swap3A_534 = arith.index_cast %add3A_494 : i32 to index
        %swap3A_535 = arith.constant 48 : index
        %swap3A_536 = tpu.vector_load %arg11[%swap3A_534, %swap3A_535] {strides = array<i32>} : memref<128x128xf32, #tpu.memory_space<vmem>>, vector<1x16xf32>,
        %swap3A_537 = vector.shape_cast %swap3A_536 : vector<1x16xf32> to vector<16xf32>
        %swap3A_538 = vector.shape_cast %mul3A_533 : vector<16xf32> to vector<1x16xf32>
        tpu.vector_store %arg11[%swap3A_534, %swap3A_535], %swap3A_538 {strides = array<i32>} : memref<128x128xf32, #tpu.memory_space<vmem>>, vector<1x16xf32>,
        %get3A_539 = arith.index_cast %add3A_494 : i32 to index
        %get3A_540 = arith.constant 64 : index
        %get3A_541 = tpu.vector_load %arg11[%get3A_539, %get3A_540] {strides = array<i32>} : memref<128x128xf32, #tpu.memory_space<vmem>>, vector<1x16xf32>,
        %get3A_542 = vector.shape_cast %get3A_541 : vector<1x16xf32> to vector<16xf32>
        %mul3A_543 = vector.broadcast %squeeze3A_490 : f32 to vector<16xf32>
        %mul3A_544 = arith.mulf %get3A_542, %mul3A_543 : vector<16xf32>
        %swap3A_545 = arith.index_cast %add3A_494 : i32 to index
        %swap3A_546 = arith.constant 64 : index
        %swap3A_547 = tpu.vector_load %arg11[%swap3A_545, %swap3A_546] {strides = array<i32>} : memref<128x128xf32, #tpu.memory_space<vmem>>, vector<1x16xf32>,
        %swap3A_548 = vector.shape_cast %swap3A_547 : vector<1x16xf32> to vector<16xf32>
        %swap3A_549 = vector.shape_cast %mul3A_544 : vector<16xf32> to vector<1x16xf32>
        tpu.vector_store %arg11[%swap3A_545, %swap3A_546], %swap3A_549 {strides = array<i32>} : memref<128x128xf32, #tpu.memory_space<vmem>>, vector<1x16xf32>,
        %get3A_550 = arith.index_cast %add3A_494 : i32 to index
        %get3A_551 = arith.constant 80 : index
        %get3A_552 = tpu.vector_load %arg11[%get3A_550, %get3A_551] {strides = array<i32>} : memref<128x128xf32, #tpu.memory_space<vmem>>, vector<1x16xf32>,
        %get3A_553 = vector.shape_cast %get3A_552 : vector<1x16xf32> to vector<16xf32>
        %mul3A_554 = vector.broadcast %squeeze3A_490 : f32 to vector<16xf32>
        %mul3A_555 = arith.mulf %get3A_553, %mul3A_554 : vector<16xf32>
        %swap3A_556 = arith.index_cast %add3A_494 : i32 to index
        %swap3A_557 = arith.constant 80 : index
        %swap3A_558 = tpu.vector_load %arg11[%swap3A_556, %swap3A_557] {strides = array<i32>} : memref<128x128xf32, #tpu.memory_space<vmem>>, vector<1x16xf32>,
        %swap3A_559 = vector.shape_cast %swap3A_558 : vector<1x16xf32> to vector<16xf32>
        %swap3A_560 = vector.shape_cast %mul3A_555 : vector<16xf32> to vector<1x16xf32>
        tpu.vector_store %arg11[%swap3A_556, %swap3A_557], %swap3A_560 {strides = array<i32>} : memref<128x128xf32, #tpu.memory_space<vmem>>, vector<1x16xf32>,
        %get3A_561 = arith.index_cast %add3A_494 : i32 to index
        %get3A_562 = arith.constant 96 : index
        %get3A_563 = tpu.vector_load %arg11[%get3A_561, %get3A_562] {strides = array<i32>} : memref<128x128xf32, #tpu.memory_space<vmem>>, vector<1x16xf32>,
        %get3A_564 = vector.shape_cast %get3A_563 : vector<1x16xf32> to vector<16xf32>
        %mul3A_565 = vector.broadcast %squeeze3A_490 : f32 to vector<16xf32>
        %mul3A_566 = arith.mulf %get3A_564, %mul3A_565 : vector<16xf32>
        %swap3A_567 = arith.index_cast %add3A_494 : i32 to index
        %swap3A_568 = arith.constant 96 : index
        %swap3A_569 = tpu.vector_load %arg11[%swap3A_567, %swap3A_568] {strides = array<i32>} : memref<128x128xf32, #tpu.memory_space<vmem>>, vector<1x16xf32>,
        %swap3A_570 = vector.shape_cast %swap3A_569 : vector<1x16xf32> to vector<16xf32>
        %swap3A_571 = vector.shape_cast %mul3A_566 : vector<16xf32> to vector<1x16xf32>
        tpu.vector_store %arg11[%swap3A_567, %swap3A_568], %swap3A_571 {strides = array<i32>} : memref<128x128xf32, #tpu.memory_space<vmem>>, vector<1x16xf32>,
        %get3A_572 = arith.index_cast %add3A_494 : i32 to index
        %get3A_573 = arith.constant 112 : index
        %get3A_574 = tpu.vector_load %arg11[%get3A_572, %get3A_573] {strides = array<i32>} : memref<128x128xf32, #tpu.memory_space<vmem>>, vector<1x16xf32>,
        %get3A_575 = vector.shape_cast %get3A_574 : vector<1x16xf32> to vector<16xf32>
        %mul3A_576 = vector.broadcast %squeeze3A_490 : f32 to vector<16xf32>
        %mul3A_577 = arith.mulf %get3A_575, %mul3A_576 : vector<16xf32>
        %swap3A_578 = arith.index_cast %add3A_494 : i32 to index
        %swap3A_579 = arith.constant 112 : index
        %swap3A_580 = tpu.vector_load %arg11[%swap3A_578, %swap3A_579] {strides = array<i32>} : memref<128x128xf32, #tpu.memory_space<vmem>>, vector<1x16xf32>,
        %swap3A_581 = vector.shape_cast %swap3A_580 : vector<1x16xf32> to vector<16xf32>
        %swap3A_582 = vector.shape_cast %mul3A_577 : vector<16xf32> to vector<1x16xf32>
        tpu.vector_store %arg11[%swap3A_578, %swap3A_579], %swap3A_582 {strides = array<i32>} : memref<128x128xf32, #tpu.memory_space<vmem>>, vector<1x16xf32>,
        %slice3A_583 = vector.extract_strided_slice %get3A_21 {offsets = [6], sizes = [1], strides = [1]} : vector<16xf32> to vector<1xf32>
        %squeeze3A_584 = vector.extract %slice3A_583[0] : f32 from vector<1xf32>
        %mul3A_585 = arith.constant 16 : i32
        %mul3A_586 = arith.muli %scan3A_16, %mul3A_585 : i32
        %add3A_587 = arith.constant 6 : i32
        %add3A_588 = arith.addi %mul3A_586, %add3A_587 : i32
        %get3A_589 = arith.index_cast %add3A_588 : i32 to index
        %get3A_590 = arith.constant 0 : index
        %get3A_591 = tpu.vector_load %arg11[%get3A_589, %get3A_590] {strides = array<i32>} : memref<128x128xf32, #tpu.memory_space<vmem>>, vector<1x16xf32>,
        %get3A_592 = vector.shape_cast %get3A_591 : vector<1x16xf32> to vector<16xf32>
        %mul3A_593 = vector.broadcast %squeeze3A_584 : f32 to vector<16xf32>
        %mul3A_594 = arith.mulf %get3A_592, %mul3A_593 : vector<16xf32>
        %swap3A_595 = arith.index_cast %add3A_588 : i32 to index
        %swap3A_596 = arith.constant 0 : index
        %swap3A_597 = tpu.vector_load %arg11[%swap3A_595, %swap3A_596] {strides = array<i32>} : memref<128x128xf32, #tpu.memory_space<vmem>>, vector<1x16xf32>,
        %swap3A_598 = vector.shape_cast %swap3A_597 : vector<1x16xf32> to vector<16xf32>
        %swap3A_599 = vector.shape_cast %mul3A_594 : vector<16xf32> to vector<1x16xf32>
        tpu.vector_store %arg11[%swap3A_595, %swap3A_596], %swap3A_599 {strides = array<i32>} : memref<128x128xf32, #tpu.memory_space<vmem>>, vector<1x16xf32>,
        %get3A_600 = arith.index_cast %add3A_588 : i32 to index
        %get3A_601 = arith.constant 16 : index
        %get3A_602 = tpu.vector_load %arg11[%get3A_600, %get3A_601] {strides = array<i32>} : memref<128x128xf32, #tpu.memory_space<vmem>>, vector<1x16xf32>,
        %get3A_603 = vector.shape_cast %get3A_602 : vector<1x16xf32> to vector<16xf32>
        %mul3A_604 = vector.broadcast %squeeze3A_584 : f32 to vector<16xf32>
        %mul3A_605 = arith.mulf %get3A_603, %mul3A_604 : vector<16xf32>
        %swap3A_606 = arith.index_cast %add3A_588 : i32 to index
        %swap3A_607 = arith.constant 16 : index
        %swap3A_608 = tpu.vector_load %arg11[%swap3A_606, %swap3A_607] {strides = array<i32>} : memref<128x128xf32, #tpu.memory_space<vmem>>, vector<1x16xf32>,
        %swap3A_609 = vector.shape_cast %swap3A_608 : vector<1x16xf32> to vector<16xf32>
        %swap3A_610 = vector.shape_cast %mul3A_605 : vector<16xf32> to vector<1x16xf32>
        tpu.vector_store %arg11[%swap3A_606, %swap3A_607], %swap3A_610 {strides = array<i32>} : memref<128x128xf32, #tpu.memory_space<vmem>>, vector<1x16xf32>,
        %get3A_611 = arith.index_cast %add3A_588 : i32 to index
        %get3A_612 = arith.constant 32 : index
        %get3A_613 = tpu.vector_load %arg11[%get3A_611, %get3A_612] {strides = array<i32>} : memref<128x128xf32, #tpu.memory_space<vmem>>, vector<1x16xf32>,
        %get3A_614 = vector.shape_cast %get3A_613 : vector<1x16xf32> to vector<16xf32>
        %mul3A_615 = vector.broadcast %squeeze3A_584 : f32 to vector<16xf32>
        %mul3A_616 = arith.mulf %get3A_614, %mul3A_615 : vector<16xf32>
        %swap3A_617 = arith.index_cast %add3A_588 : i32 to index
        %swap3A_618 = arith.constant 32 : index
        %swap3A_619 = tpu.vector_load %arg11[%swap3A_617, %swap3A_618] {strides = array<i32>} : memref<128x128xf32, #tpu.memory_space<vmem>>, vector<1x16xf32>,
        %swap3A_620 = vector.shape_cast %swap3A_619 : vector<1x16xf32> to vector<16xf32>
        %swap3A_621 = vector.shape_cast %mul3A_616 : vector<16xf32> to vector<1x16xf32>
        tpu.vector_store %arg11[%swap3A_617, %swap3A_618], %swap3A_621 {strides = array<i32>} : memref<128x128xf32, #tpu.memory_space<vmem>>, vector<1x16xf32>,
        %get3A_622 = arith.index_cast %add3A_588 : i32 to index
        %get3A_623 = arith.constant 48 : index
        %get3A_624 = tpu.vector_load %arg11[%get3A_622, %get3A_623] {strides = array<i32>} : memref<128x128xf32, #tpu.memory_space<vmem>>, vector<1x16xf32>,
        %get3A_625 = vector.shape_cast %get3A_624 : vector<1x16xf32> to vector<16xf32>
        %mul3A_626 = vector.broadcast %squeeze3A_584 : f32 to vector<16xf32>
        %mul3A_627 = arith.mulf %get3A_625, %mul3A_626 : vector<16xf32>
        %swap3A_628 = arith.index_cast %add3A_588 : i32 to index
        %swap3A_629 = arith.constant 48 : index
        %swap3A_630 = tpu.vector_load %arg11[%swap3A_628, %swap3A_629] {strides = array<i32>} : memref<128x128xf32, #tpu.memory_space<vmem>>, vector<1x16xf32>,
        %swap3A_631 = vector.shape_cast %swap3A_630 : vector<1x16xf32> to vector<16xf32>
        %swap3A_632 = vector.shape_cast %mul3A_627 : vector<16xf32> to vector<1x16xf32>
        tpu.vector_store %arg11[%swap3A_628, %swap3A_629], %swap3A_632 {strides = array<i32>} : memref<128x128xf32, #tpu.memory_space<vmem>>, vector<1x16xf32>,
        %get3A_633 = arith.index_cast %add3A_588 : i32 to index
        %get3A_634 = arith.constant 64 : index
        %get3A_635 = tpu.vector_load %arg11[%get3A_633, %get3A_634] {strides = array<i32>} : memref<128x128xf32, #tpu.memory_space<vmem>>, vector<1x16xf32>,
        %get3A_636 = vector.shape_cast %get3A_635 : vector<1x16xf32> to vector<16xf32>
        %mul3A_637 = vector.broadcast %squeeze3A_584 : f32 to vector<16xf32>
        %mul3A_638 = arith.mulf %get3A_636, %mul3A_637 : vector<16xf32>
        %swap3A_639 = arith.index_cast %add3A_588 : i32 to index
        %swap3A_640 = arith.constant 64 : index
        %swap3A_641 = tpu.vector_load %arg11[%swap3A_639, %swap3A_640] {strides = array<i32>} : memref<128x128xf32, #tpu.memory_space<vmem>>, vector<1x16xf32>,
        %swap3A_642 = vector.shape_cast %swap3A_641 : vector<1x16xf32> to vector<16xf32>
        %swap3A_643 = vector.shape_cast %mul3A_638 : vector<16xf32> to vector<1x16xf32>
        tpu.vector_store %arg11[%swap3A_639, %swap3A_640], %swap3A_643 {strides = array<i32>} : memref<128x128xf32, #tpu.memory_space<vmem>>, vector<1x16xf32>,
        %get3A_644 = arith.index_cast %add3A_588 : i32 to index
        %get3A_645 = arith.constant 80 : index
        %get3A_646 = tpu.vector_load %arg11[%get3A_644, %get3A_645] {strides = array<i32>} : memref<128x128xf32, #tpu.memory_space<vmem>>, vector<1x16xf32>,
        %get3A_647 = vector.shape_cast %get3A_646 : vector<1x16xf32> to vector<16xf32>
        %mul3A_648 = vector.broadcast %squeeze3A_584 : f32 to vector<16xf32>
        %mul3A_649 = arith.mulf %get3A_647, %mul3A_648 : vector<16xf32>
        %swap3A_650 = arith.index_cast %add3A_588 : i32 to index
        %swap3A_651 = arith.constant 80 : index
        %swap3A_652 = tpu.vector_load %arg11[%swap3A_650, %swap3A_651] {strides = array<i32>} : memref<128x128xf32, #tpu.memory_space<vmem>>, vector<1x16xf32>,
        %swap3A_653 = vector.shape_cast %swap3A_652 : vector<1x16xf32> to vector<16xf32>
        %swap3A_654 = vector.shape_cast %mul3A_649 : vector<16xf32> to vector<1x16xf32>
        tpu.vector_store %arg11[%swap3A_650, %swap3A_651], %swap3A_654 {strides = array<i32>} : memref<128x128xf32, #tpu.memory_space<vmem>>, vector<1x16xf32>,
        %get3A_655 = arith.index_cast %add3A_588 : i32 to index
        %get3A_656 = arith.constant 96 : index
        %get3A_657 = tpu.vector_load %arg11[%get3A_655, %get3A_656] {strides = array<i32>} : memref<128x128xf32, #tpu.memory_space<vmem>>, vector<1x16xf32>,
        %get3A_658 = vector.shape_cast %get3A_657 : vector<1x16xf32> to vector<16xf32>
        %mul3A_659 = vector.broadcast %squeeze3A_584 : f32 to vector<16xf32>
        %mul3A_660 = arith.mulf %get3A_658, %mul3A_659 : vector<16xf32>
        %swap3A_661 = arith.index_cast %add3A_588 : i32 to index
        %swap3A_662 = arith.constant 96 : index
        %swap3A_663 = tpu.vector_load %arg11[%swap3A_661, %swap3A_662] {strides = array<i32>} : memref<128x128xf32, #tpu.memory_space<vmem>>, vector<1x16xf32>,
        %swap3A_664 = vector.shape_cast %swap3A_663 : vector<1x16xf32> to vector<16xf32>
        %swap3A_665 = vector.shape_cast %mul3A_660 : vector<16xf32> to vector<1x16xf32>
        tpu.vector_store %arg11[%swap3A_661, %swap3A_662], %swap3A_665 {strides = array<i32>} : memref<128x128xf32, #tpu.memory_space<vmem>>, vector<1x16xf32>,
        %get3A_666 = arith.index_cast %add3A_588 : i32 to index
        %get3A_667 = arith.constant 112 : index
        %get3A_668 = tpu.vector_load %arg11[%get3A_666, %get3A_667] {strides = array<i32>} : memref<128x128xf32, #tpu.memory_space<vmem>>, vector<1x16xf32>,
        %get3A_669 = vector.shape_cast %get3A_668 : vector<1x16xf32> to vector<16xf32>
        %mul3A_670 = vector.broadcast %squeeze3A_584 : f32 to vector<16xf32>
        %mul3A_671 = arith.mulf %get3A_669, %mul3A_670 : vector<16xf32>
        %swap3A_672 = arith.index_cast %add3A_588 : i32 to index
        %swap3A_673 = arith.constant 112 : index
        %swap3A_674 = tpu.vector_load %arg11[%swap3A_672, %swap3A_673] {strides = array<i32>} : memref<128x128xf32, #tpu.memory_space<vmem>>, vector<1x16xf32>,
        %swap3A_675 = vector.shape_cast %swap3A_674 : vector<1x16xf32> to vector<16xf32>
        %swap3A_676 = vector.shape_cast %mul3A_671 : vector<16xf32> to vector<1x16xf32>
        tpu.vector_store %arg11[%swap3A_672, %swap3A_673], %swap3A_676 {strides = array<i32>} : memref<128x128xf32, #tpu.memory_space<vmem>>, vector<1x16xf32>,
        %slice3A_677 = vector.extract_strided_slice %get3A_21 {offsets = [7], sizes = [1], strides = [1]} : vector<16xf32> to vector<1xf32>
        %squeeze3A_678 = vector.extract %slice3A_677[0] : f32 from vector<1xf32>
        %mul3A_679 = arith.constant 16 : i32
        %mul3A_680 = arith.muli %scan3A_16, %mul3A_679 : i32
        %add3A_681 = arith.constant 7 : i32
        %add3A_682 = arith.addi %mul3A_680, %add3A_681 : i32
        %get3A_683 = arith.index_cast %add3A_682 : i32 to index
        %get3A_684 = arith.constant 0 : index
        %get3A_685 = tpu.vector_load %arg11[%get3A_683, %get3A_684] {strides = array<i32>} : memref<128x128xf32, #tpu.memory_space<vmem>>, vector<1x16xf32>,
        %get3A_686 = vector.shape_cast %get3A_685 : vector<1x16xf32> to vector<16xf32>
        %mul3A_687 = vector.broadcast %squeeze3A_678 : f32 to vector<16xf32>
        %mul3A_688 = arith.mulf %get3A_686, %mul3A_687 : vector<16xf32>
        %swap3A_689 = arith.index_cast %add3A_682 : i32 to index
        %swap3A_690 = arith.constant 0 : index
        %swap3A_691 = tpu.vector_load %arg11[%swap3A_689, %swap3A_690] {strides = array<i32>} : memref<128x128xf32, #tpu.memory_space<vmem>>, vector<1x16xf32>,
        %swap3A_692 = vector.shape_cast %swap3A_691 : vector<1x16xf32> to vector<16xf32>
        %swap3A_693 = vector.shape_cast %mul3A_688 : vector<16xf32> to vector<1x16xf32>
        tpu.vector_store %arg11[%swap3A_689, %swap3A_690], %swap3A_693 {strides = array<i32>} : memref<128x128xf32, #tpu.memory_space<vmem>>, vector<1x16xf32>,
        %get3A_694 = arith.index_cast %add3A_682 : i32 to index
        %get3A_695 = arith.constant 16 : index
        %get3A_696 = tpu.vector_load %arg11[%get3A_694, %get3A_695] {strides = array<i32>} : memref<128x128xf32, #tpu.memory_space<vmem>>, vector<1x16xf32>,
        %get3A_697 = vector.shape_cast %get3A_696 : vector<1x16xf32> to vector<16xf32>
        %mul3A_698 = vector.broadcast %squeeze3A_678 : f32 to vector<16xf32>
        %mul3A_699 = arith.mulf %get3A_697, %mul3A_698 : vector<16xf32>
        %swap3A_700 = arith.index_cast %add3A_682 : i32 to index
        %swap3A_701 = arith.constant 16 : index
        %swap3A_702 = tpu.vector_load %arg11[%swap3A_700, %swap3A_701] {strides = array<i32>} : memref<128x128xf32, #tpu.memory_space<vmem>>, vector<1x16xf32>,
        %swap3A_703 = vector.shape_cast %swap3A_702 : vector<1x16xf32> to vector<16xf32>
        %swap3A_704 = vector.shape_cast %mul3A_699 : vector<16xf32> to vector<1x16xf32>
        tpu.vector_store %arg11[%swap3A_700, %swap3A_701], %swap3A_704 {strides = array<i32>} : memref<128x128xf32, #tpu.memory_space<vmem>>, vector<1x16xf32>,
        %get3A_705 = arith.index_cast %add3A_682 : i32 to index
        %get3A_706 = arith.constant 32 : index
        %get3A_707 = tpu.vector_load %arg11[%get3A_705, %get3A_706] {strides = array<i32>} : memref<128x128xf32, #tpu.memory_space<vmem>>, vector<1x16xf32>,
        %get3A_708 = vector.shape_cast %get3A_707 : vector<1x16xf32> to vector<16xf32>
        %mul3A_709 = vector.broadcast %squeeze3A_678 : f32 to vector<16xf32>
        %mul3A_710 = arith.mulf %get3A_708, %mul3A_709 : vector<16xf32>
        %swap3A_711 = arith.index_cast %add3A_682 : i32 to index
        %swap3A_712 = arith.constant 32 : index
        %swap3A_713 = tpu.vector_load %arg11[%swap3A_711, %swap3A_712] {strides = array<i32>} : memref<128x128xf32, #tpu.memory_space<vmem>>, vector<1x16xf32>,
        %swap3A_714 = vector.shape_cast %swap3A_713 : vector<1x16xf32> to vector<16xf32>
        %swap3A_715 = vector.shape_cast %mul3A_710 : vector<16xf32> to vector<1x16xf32>
        tpu.vector_store %arg11[%swap3A_711, %swap3A_712], %swap3A_715 {strides = array<i32>} : memref<128x128xf32, #tpu.memory_space<vmem>>, vector<1x16xf32>,
        %get3A_716 = arith.index_cast %add3A_682 : i32 to index
        %get3A_717 = arith.constant 48 : index
        %get3A_718 = tpu.vector_load %arg11[%get3A_716, %get3A_717] {strides = array<i32>} : memref<128x128xf32, #tpu.memory_space<vmem>>, vector<1x16xf32>,
        %get3A_719 = vector.shape_cast %get3A_718 : vector<1x16xf32> to vector<16xf32>
        %mul3A_720 = vector.broadcast %squeeze3A_678 : f32 to vector<16xf32>
        %mul3A_721 = arith.mulf %get3A_719, %mul3A_720 : vector<16xf32>
        %swap3A_722 = arith.index_cast %add3A_682 : i32 to index
        %swap3A_723 = arith.constant 48 : index
        %swap3A_724 = tpu.vector_load %arg11[%swap3A_722, %swap3A_723] {strides = array<i32>} : memref<128x128xf32, #tpu.memory_space<vmem>>, vector<1x16xf32>,
        %swap3A_725 = vector.shape_cast %swap3A_724 : vector<1x16xf32> to vector<16xf32>
        %swap3A_726 = vector.shape_cast %mul3A_721 : vector<16xf32> to vector<1x16xf32>
        tpu.vector_store %arg11[%swap3A_722, %swap3A_723], %swap3A_726 {strides = array<i32>} : memref<128x128xf32, #tpu.memory_space<vmem>>, vector<1x16xf32>,
        %get3A_727 = arith.index_cast %add3A_682 : i32 to index
        %get3A_728 = arith.constant 64 : index
        %get3A_729 = tpu.vector_load %arg11[%get3A_727, %get3A_728] {strides = array<i32>} : memref<128x128xf32, #tpu.memory_space<vmem>>, vector<1x16xf32>,
        %get3A_730 = vector.shape_cast %get3A_729 : vector<1x16xf32> to vector<16xf32>
        %mul3A_731 = vector.broadcast %squeeze3A_678 : f32 to vector<16xf32>
        %mul3A_732 = arith.mulf %get3A_730, %mul3A_731 : vector<16xf32>
        %swap3A_733 = arith.index_cast %add3A_682 : i32 to index
        %swap3A_734 = arith.constant 64 : index
        %swap3A_735 = tpu.vector_load %arg11[%swap3A_733, %swap3A_734] {strides = array<i32>} : memref<128x128xf32, #tpu.memory_space<vmem>>, vector<1x16xf32>,
        %swap3A_736 = vector.shape_cast %swap3A_735 : vector<1x16xf32> to vector<16xf32>
        %swap3A_737 = vector.shape_cast %mul3A_732 : vector<16xf32> to vector<1x16xf32>
        tpu.vector_store %arg11[%swap3A_733, %swap3A_734], %swap3A_737 {strides = array<i32>} : memref<128x128xf32, #tpu.memory_space<vmem>>, vector<1x16xf32>,
        %get3A_738 = arith.index_cast %add3A_682 : i32 to index
        %get3A_739 = arith.constant 80 : index
        %get3A_740 = tpu.vector_load %arg11[%get3A_738, %get3A_739] {strides = array<i32>} : memref<128x128xf32, #tpu.memory_space<vmem>>, vector<1x16xf32>,
        %get3A_741 = vector.shape_cast %get3A_740 : vector<1x16xf32> to vector<16xf32>
        %mul3A_742 = vector.broadcast %squeeze3A_678 : f32 to vector<16xf32>
        %mul3A_743 = arith.mulf %get3A_741, %mul3A_742 : vector<16xf32>
        %swap3A_744 = arith.index_cast %add3A_682 : i32 to index
        %swap3A_745 = arith.constant 80 : index
        %swap3A_746 = tpu.vector_load %arg11[%swap3A_744, %swap3A_745] {strides = array<i32>} : memref<128x128xf32, #tpu.memory_space<vmem>>, vector<1x16xf32>,
        %swap3A_747 = vector.shape_cast %swap3A_746 : vector<1x16xf32> to vector<16xf32>
        %swap3A_748 = vector.shape_cast %mul3A_743 : vector<16xf32> to vector<1x16xf32>
        tpu.vector_store %arg11[%swap3A_744, %swap3A_745], %swap3A_748 {strides = array<i32>} : memref<128x128xf32, #tpu.memory_space<vmem>>, vector<1x16xf32>,
        %get3A_749 = arith.index_cast %add3A_682 : i32 to index
        %get3A_750 = arith.constant 96 : index
        %get3A_751 = tpu.vector_load %arg11[%get3A_749, %get3A_750] {strides = array<i32>} : memref<128x128xf32, #tpu.memory_space<vmem>>, vector<1x16xf32>,
        %get3A_752 = vector.shape_cast %get3A_751 : vector<1x16xf32> to vector<16xf32>
        %mul3A_753 = vector.broadcast %squeeze3A_678 : f32 to vector<16xf32>
        %mul3A_754 = arith.mulf %get3A_752, %mul3A_753 : vector<16xf32>
        %swap3A_755 = arith.index_cast %add3A_682 : i32 to index
        %swap3A_756 = arith.constant 96 : index
        %swap3A_757 = tpu.vector_load %arg11[%swap3A_755, %swap3A_756] {strides = array<i32>} : memref<128x128xf32, #tpu.memory_space<vmem>>, vector<1x16xf32>,
        %swap3A_758 = vector.shape_cast %swap3A_757 : vector<1x16xf32> to vector<16xf32>
        %swap3A_759 = vector.shape_cast %mul3A_754 : vector<16xf32> to vector<1x16xf32>
        tpu.vector_store %arg11[%swap3A_755, %swap3A_756], %swap3A_759 {strides = array<i32>} : memref<128x128xf32, #tpu.memory_space<vmem>>, vector<1x16xf32>,
        %get3A_760 = arith.index_cast %add3A_682 : i32 to index
        %get3A_761 = arith.constant 112 : index
        %get3A_762 = tpu.vector_load %arg11[%get3A_760, %get3A_761] {strides = array<i32>} : memref<128x128xf32, #tpu.memory_space<vmem>>, vector<1x16xf32>,
        %get3A_763 = vector.shape_cast %get3A_762 : vector<1x16xf32> to vector<16xf32>
        %mul3A_764 = vector.broadcast %squeeze3A_678 : f32 to vector<16xf32>
        %mul3A_765 = arith.mulf %get3A_763, %mul3A_764 : vector<16xf32>
        %swap3A_766 = arith.index_cast %add3A_682 : i32 to index
        %swap3A_767 = arith.constant 112 : index
        %swap3A_768 = tpu.vector_load %arg11[%swap3A_766, %swap3A_767] {strides = array<i32>} : memref<128x128xf32, #tpu.memory_space<vmem>>, vector<1x16xf32>,
        %swap3A_769 = vector.shape_cast %swap3A_768 : vector<1x16xf32> to vector<16xf32>
        %swap3A_770 = vector.shape_cast %mul3A_765 : vector<16xf32> to vector<1x16xf32>
        tpu.vector_store %arg11[%swap3A_766, %swap3A_767], %swap3A_770 {strides = array<i32>} : memref<128x128xf32, #tpu.memory_space<vmem>>, vector<1x16xf32>,
        %slice3A_771 = vector.extract_strided_slice %get3A_21 {offsets = [8], sizes = [1], strides = [1]} : vector<16xf32> to vector<1xf32>
        %squeeze3A_772 = vector.extract %slice3A_771[0] : f32 from vector<1xf32>
        %mul3A_773 = arith.constant 16 : i32
        %mul3A_774 = arith.muli %scan3A_16, %mul3A_773 : i32
        %add3A_775 = arith.constant 8 : i32
        %add3A_776 = arith.addi %mul3A_774, %add3A_775 : i32
        %get3A_777 = arith.index_cast %add3A_776 : i32 to index
        %get3A_778 = arith.constant 0 : index
        %get3A_779 = tpu.vector_load %arg11[%get3A_777, %get3A_778] {strides = array<i32>} : memref<128x128xf32, #tpu.memory_space<vmem>>, vector<1x16xf32>,
        %get3A_780 = vector.shape_cast %get3A_779 : vector<1x16xf32> to vector<16xf32>
        %mul3A_781 = vector.broadcast %squeeze3A_772 : f32 to vector<16xf32>
        %mul3A_782 = arith.mulf %get3A_780, %mul3A_781 : vector<16xf32>
        %swap3A_783 = arith.index_cast %add3A_776 : i32 to index
        %swap3A_784 = arith.constant 0 : index
        %swap3A_785 = tpu.vector_load %arg11[%swap3A_783, %swap3A_784] {strides = array<i32>} : memref<128x128xf32, #tpu.memory_space<vmem>>, vector<1x16xf32>,
        %swap3A_786 = vector.shape_cast %swap3A_785 : vector<1x16xf32> to vector<16xf32>
        %swap3A_787 = vector.shape_cast %mul3A_782 : vector<16xf32> to vector<1x16xf32>
        tpu.vector_store %arg11[%swap3A_783, %swap3A_784], %swap3A_787 {strides = array<i32>} : memref<128x128xf32, #tpu.memory_space<vmem>>, vector<1x16xf32>,
        %get3A_788 = arith.index_cast %add3A_776 : i32 to index
        %get3A_789 = arith.constant 16 : index
        %get3A_790 = tpu.vector_load %arg11[%get3A_788, %get3A_789] {strides = array<i32>} : memref<128x128xf32, #tpu.memory_space<vmem>>, vector<1x16xf32>,
        %get3A_791 = vector.shape_cast %get3A_790 : vector<1x16xf32> to vector<16xf32>
        %mul3A_792 = vector.broadcast %squeeze3A_772 : f32 to vector<16xf32>
        %mul3A_793 = arith.mulf %get3A_791, %mul3A_792 : vector<16xf32>
        %swap3A_794 = arith.index_cast %add3A_776 : i32 to index
        %swap3A_795 = arith.constant 16 : index
        %swap3A_796 = tpu.vector_load %arg11[%swap3A_794, %swap3A_795] {strides = array<i32>} : memref<128x128xf32, #tpu.memory_space<vmem>>, vector<1x16xf32>,
        %swap3A_797 = vector.shape_cast %swap3A_796 : vector<1x16xf32> to vector<16xf32>
        %swap3A_798 = vector.shape_cast %mul3A_793 : vector<16xf32> to vector<1x16xf32>
        tpu.vector_store %arg11[%swap3A_794, %swap3A_795], %swap3A_798 {strides = array<i32>} : memref<128x128xf32, #tpu.memory_space<vmem>>, vector<1x16xf32>,
        %get3A_799 = arith.index_cast %add3A_776 : i32 to index
        %get3A_800 = arith.constant 32 : index
        %get3A_801 = tpu.vector_load %arg11[%get3A_799, %get3A_800] {strides = array<i32>} : memref<128x128xf32, #tpu.memory_space<vmem>>, vector<1x16xf32>,
        %get3A_802 = vector.shape_cast %get3A_801 : vector<1x16xf32> to vector<16xf32>
        %mul3A_803 = vector.broadcast %squeeze3A_772 : f32 to vector<16xf32>
        %mul3A_804 = arith.mulf %get3A_802, %mul3A_803 : vector<16xf32>
        %swap3A_805 = arith.index_cast %add3A_776 : i32 to index
        %swap3A_806 = arith.constant 32 : index
        %swap3A_807 = tpu.vector_load %arg11[%swap3A_805, %swap3A_806] {strides = array<i32>} : memref<128x128xf32, #tpu.memory_space<vmem>>, vector<1x16xf32>,
        %swap3A_808 = vector.shape_cast %swap3A_807 : vector<1x16xf32> to vector<16xf32>
        %swap3A_809 = vector.shape_cast %mul3A_804 : vector<16xf32> to vector<1x16xf32>
        tpu.vector_store %arg11[%swap3A_805, %swap3A_806], %swap3A_809 {strides = array<i32>} : memref<128x128xf32, #tpu.memory_space<vmem>>, vector<1x16xf32>,
        %get3A_810 = arith.index_cast %add3A_776 : i32 to index
        %get3A_811 = arith.constant 48 : index
        %get3A_812 = tpu.vector_load %arg11[%get3A_810, %get3A_811] {strides = array<i32>} : memref<128x128xf32, #tpu.memory_space<vmem>>, vector<1x16xf32>,
        %get3A_813 = vector.shape_cast %get3A_812 : vector<1x16xf32> to vector<16xf32>
        %mul3A_814 = vector.broadcast %squeeze3A_772 : f32 to vector<16xf32>
        %mul3A_815 = arith.mulf %get3A_813, %mul3A_814 : vector<16xf32>
        %swap3A_816 = arith.index_cast %add3A_776 : i32 to index
        %swap3A_817 = arith.constant 48 : index
        %swap3A_818 = tpu.vector_load %arg11[%swap3A_816, %swap3A_817] {strides = array<i32>} : memref<128x128xf32, #tpu.memory_space<vmem>>, vector<1x16xf32>,
        %swap3A_819 = vector.shape_cast %swap3A_818 : vector<1x16xf32> to vector<16xf32>
        %swap3A_820 = vector.shape_cast %mul3A_815 : vector<16xf32> to vector<1x16xf32>
        tpu.vector_store %arg11[%swap3A_816, %swap3A_817], %swap3A_820 {strides = array<i32>} : memref<128x128xf32, #tpu.memory_space<vmem>>, vector<1x16xf32>,
        %get3A_821 = arith.index_cast %add3A_776 : i32 to index
        %get3A_822 = arith.constant 64 : index
        %get3A_823 = tpu.vector_load %arg11[%get3A_821, %get3A_822] {strides = array<i32>} : memref<128x128xf32, #tpu.memory_space<vmem>>, vector<1x16xf32>,
        %get3A_824 = vector.shape_cast %get3A_823 : vector<1x16xf32> to vector<16xf32>
        %mul3A_825 = vector.broadcast %squeeze3A_772 : f32 to vector<16xf32>
        %mul3A_826 = arith.mulf %get3A_824, %mul3A_825 : vector<16xf32>
        %swap3A_827 = arith.index_cast %add3A_776 : i32 to index
        %swap3A_828 = arith.constant 64 : index
        %swap3A_829 = tpu.vector_load %arg11[%swap3A_827, %swap3A_828] {strides = array<i32>} : memref<128x128xf32, #tpu.memory_space<vmem>>, vector<1x16xf32>,
        %swap3A_830 = vector.shape_cast %swap3A_829 : vector<1x16xf32> to vector<16xf32>
        %swap3A_831 = vector.shape_cast %mul3A_826 : vector<16xf32> to vector<1x16xf32>
        tpu.vector_store %arg11[%swap3A_827, %swap3A_828], %swap3A_831 {strides = array<i32>} : memref<128x128xf32, #tpu.memory_space<vmem>>, vector<1x16xf32>,
        %get3A_832 = arith.index_cast %add3A_776 : i32 to index
        %get3A_833 = arith.constant 80 : index
        %get3A_834 = tpu.vector_load %arg11[%get3A_832, %get3A_833] {strides = array<i32>} : memref<128x128xf32, #tpu.memory_space<vmem>>, vector<1x16xf32>,
        %get3A_835 = vector.shape_cast %get3A_834 : vector<1x16xf32> to vector<16xf32>
        %mul3A_836 = vector.broadcast %squeeze3A_772 : f32 to vector<16xf32>
        %mul3A_837 = arith.mulf %get3A_835, %mul3A_836 : vector<16xf32>
        %swap3A_838 = arith.index_cast %add3A_776 : i32 to index
        %swap3A_839 = arith.constant 80 : index
        %swap3A_840 = tpu.vector_load %arg11[%swap3A_838, %swap3A_839] {strides = array<i32>} : memref<128x128xf32, #tpu.memory_space<vmem>>, vector<1x16xf32>,
        %swap3A_841 = vector.shape_cast %swap3A_840 : vector<1x16xf32> to vector<16xf32>
        %swap3A_842 = vector.shape_cast %mul3A_837 : vector<16xf32> to vector<1x16xf32>
        tpu.vector_store %arg11[%swap3A_838, %swap3A_839], %swap3A_842 {strides = array<i32>} : memref<128x128xf32, #tpu.memory_space<vmem>>, vector<1x16xf32>,
        %get3A_843 = arith.index_cast %add3A_776 : i32 to index
        %get3A_844 = arith.constant 96 : index
        %get3A_845 = tpu.vector_load %arg11[%get3A_843, %get3A_844] {strides = array<i32>} : memref<128x128xf32, #tpu.memory_space<vmem>>, vector<1x16xf32>,
        %get3A_846 = vector.shape_cast %get3A_845 : vector<1x16xf32> to vector<16xf32>
        %mul3A_847 = vector.broadcast %squeeze3A_772 : f32 to vector<16xf32>
        %mul3A_848 = arith.mulf %get3A_846, %mul3A_847 : vector<16xf32>
        %swap3A_849 = arith.index_cast %add3A_776 : i32 to index
        %swap3A_850 = arith.constant 96 : index
        %swap3A_851 = tpu.vector_load %arg11[%swap3A_849, %swap3A_850] {strides = array<i32>} : memref<128x128xf32, #tpu.memory_space<vmem>>, vector<1x16xf32>,
        %swap3A_852 = vector.shape_cast %swap3A_851 : vector<1x16xf32> to vector<16xf32>
        %swap3A_853 = vector.shape_cast %mul3A_848 : vector<16xf32> to vector<1x16xf32>
        tpu.vector_store %arg11[%swap3A_849, %swap3A_850], %swap3A_853 {strides = array<i32>} : memref<128x128xf32, #tpu.memory_space<vmem>>, vector<1x16xf32>,
        %get3A_854 = arith.index_cast %add3A_776 : i32 to index
        %get3A_855 = arith.constant 112 : index
        %get3A_856 = tpu.vector_load %arg11[%get3A_854, %get3A_855] {strides = array<i32>} : memref<128x128xf32, #tpu.memory_space<vmem>>, vector<1x16xf32>,
        %get3A_857 = vector.shape_cast %get3A_856 : vector<1x16xf32> to vector<16xf32>
        %mul3A_858 = vector.broadcast %squeeze3A_772 : f32 to vector<16xf32>
        %mul3A_859 = arith.mulf %get3A_857, %mul3A_858 : vector<16xf32>
        %swap3A_860 = arith.index_cast %add3A_776 : i32 to index
        %swap3A_861 = arith.constant 112 : index
        %swap3A_862 = tpu.vector_load %arg11[%swap3A_860, %swap3A_861] {strides = array<i32>} : memref<128x128xf32, #tpu.memory_space<vmem>>, vector<1x16xf32>,
        %swap3A_863 = vector.shape_cast %swap3A_862 : vector<1x16xf32> to vector<16xf32>
        %swap3A_864 = vector.shape_cast %mul3A_859 : vector<16xf32> to vector<1x16xf32>
        tpu.vector_store %arg11[%swap3A_860, %swap3A_861], %swap3A_864 {strides = array<i32>} : memref<128x128xf32, #tpu.memory_space<vmem>>, vector<1x16xf32>,
        %slice3A_865 = vector.extract_strided_slice %get3A_21 {offsets = [9], sizes = [1], strides = [1]} : vector<16xf32> to vector<1xf32>
        %squeeze3A_866 = vector.extract %slice3A_865[0] : f32 from vector<1xf32>
        %mul3A_867 = arith.constant 16 : i32
        %mul3A_868 = arith.muli %scan3A_16, %mul3A_867 : i32
        %add3A_869 = arith.constant 9 : i32
        %add3A_870 = arith.addi %mul3A_868, %add3A_869 : i32
        %get3A_871 = arith.index_cast %add3A_870 : i32 to index
        %get3A_872 = arith.constant 0 : index
        %get3A_873 = tpu.vector_load %arg11[%get3A_871, %get3A_872] {strides = array<i32>} : memref<128x128xf32, #tpu.memory_space<vmem>>, vector<1x16xf32>,
        %get3A_874 = vector.shape_cast %get3A_873 : vector<1x16xf32> to vector<16xf32>
        %mul3A_875 = vector.broadcast %squeeze3A_866 : f32 to vector<16xf32>
        %mul3A_876 = arith.mulf %get3A_874, %mul3A_875 : vector<16xf32>
        %swap3A_877 = arith.index_cast %add3A_870 : i32 to index
        %swap3A_878 = arith.constant 0 : index
        %swap3A_879 = tpu.vector_load %arg11[%swap3A_877, %swap3A_878] {strides = array<i32>} : memref<128x128xf32, #tpu.memory_space<vmem>>, vector<1x16xf32>,
        %swap3A_880 = vector.shape_cast %swap3A_879 : vector<1x16xf32> to vector<16xf32>
        %swap3A_881 = vector.shape_cast %mul3A_876 : vector<16xf32> to vector<1x16xf32>
        tpu.vector_store %arg11[%swap3A_877, %swap3A_878], %swap3A_881 {strides = array<i32>} : memref<128x128xf32, #tpu.memory_space<vmem>>, vector<1x16xf32>,
        %get3A_882 = arith.index_cast %add3A_870 : i32 to index
        %get3A_883 = arith.constant 16 : index
        %get3A_884 = tpu.vector_load %arg11[%get3A_882, %get3A_883] {strides = array<i32>} : memref<128x128xf32, #tpu.memory_space<vmem>>, vector<1x16xf32>,
        %get3A_885 = vector.shape_cast %get3A_884 : vector<1x16xf32> to vector<16xf32>
        %mul3A_886 = vector.broadcast %squeeze3A_866 : f32 to vector<16xf32>
        %mul3A_887 = arith.mulf %get3A_885, %mul3A_886 : vector<16xf32>
        %swap3A_888 = arith.index_cast %add3A_870 : i32 to index
        %swap3A_889 = arith.constant 16 : index
        %swap3A_890 = tpu.vector_load %arg11[%swap3A_888, %swap3A_889] {strides = array<i32>} : memref<128x128xf32, #tpu.memory_space<vmem>>, vector<1x16xf32>,
        %swap3A_891 = vector.shape_cast %swap3A_890 : vector<1x16xf32> to vector<16xf32>
        %swap3A_892 = vector.shape_cast %mul3A_887 : vector<16xf32> to vector<1x16xf32>
        tpu.vector_store %arg11[%swap3A_888, %swap3A_889], %swap3A_892 {strides = array<i32>} : memref<128x128xf32, #tpu.memory_space<vmem>>, vector<1x16xf32>,
        %get3A_893 = arith.index_cast %add3A_870 : i32 to index
        %get3A_894 = arith.constant 32 : index
        %get3A_895 = tpu.vector_load %arg11[%get3A_893, %get3A_894] {strides = array<i32>} : memref<128x128xf32, #tpu.memory_space<vmem>>, vector<1x16xf32>,
        %get3A_896 = vector.shape_cast %get3A_895 : vector<1x16xf32> to vector<16xf32>
        %mul3A_897 = vector.broadcast %squeeze3A_866 : f32 to vector<16xf32>
        %mul3A_898 = arith.mulf %get3A_896, %mul3A_897 : vector<16xf32>
        %swap3A_899 = arith.index_cast %add3A_870 : i32 to index
        %swap3A_900 = arith.constant 32 : index
        %swap3A_901 = tpu.vector_load %arg11[%swap3A_899, %swap3A_900] {strides = array<i32>} : memref<128x128xf32, #tpu.memory_space<vmem>>, vector<1x16xf32>,
        %swap3A_902 = vector.shape_cast %swap3A_901 : vector<1x16xf32> to vector<16xf32>
        %swap3A_903 = vector.shape_cast %mul3A_898 : vector<16xf32> to vector<1x16xf32>
        tpu.vector_store %arg11[%swap3A_899, %swap3A_900], %swap3A_903 {strides = array<i32>} : memref<128x128xf32, #tpu.memory_space<vmem>>, vector<1x16xf32>,
        %get3A_904 = arith.index_cast %add3A_870 : i32 to index
        %get3A_905 = arith.constant 48 : index
        %get3A_906 = tpu.vector_load %arg11[%get3A_904, %get3A_905] {strides = array<i32>} : memref<128x128xf32, #tpu.memory_space<vmem>>, vector<1x16xf32>,
        %get3A_907 = vector.shape_cast %get3A_906 : vector<1x16xf32> to vector<16xf32>
        %mul3A_908 = vector.broadcast %squeeze3A_866 : f32 to vector<16xf32>
        %mul3A_909 = arith.mulf %get3A_907, %mul3A_908 : vector<16xf32>
        %swap3A_910 = arith.index_cast %add3A_870 : i32 to index
        %swap3A_911 = arith.constant 48 : index
        %swap3A_912 = tpu.vector_load %arg11[%swap3A_910, %swap3A_911] {strides = array<i32>} : memref<128x128xf32, #tpu.memory_space<vmem>>, vector<1x16xf32>,
        %swap3A_913 = vector.shape_cast %swap3A_912 : vector<1x16xf32> to vector<16xf32>
        %swap3A_914 = vector.shape_cast %mul3A_909 : vector<16xf32> to vector<1x16xf32>
        tpu.vector_store %arg11[%swap3A_910, %swap3A_911], %swap3A_914 {strides = array<i32>} : memref<128x128xf32, #tpu.memory_space<vmem>>, vector<1x16xf32>,
        %get3A_915 = arith.index_cast %add3A_870 : i32 to index
        %get3A_916 = arith.constant 64 : index
        %get3A_917 = tpu.vector_load %arg11[%get3A_915, %get3A_916] {strides = array<i32>} : memref<128x128xf32, #tpu.memory_space<vmem>>, vector<1x16xf32>,
        %get3A_918 = vector.shape_cast %get3A_917 : vector<1x16xf32> to vector<16xf32>
        %mul3A_919 = vector.broadcast %squeeze3A_866 : f32 to vector<16xf32>
        %mul3A_920 = arith.mulf %get3A_918, %mul3A_919 : vector<16xf32>
        %swap3A_921 = arith.index_cast %add3A_870 : i32 to index
        %swap3A_922 = arith.constant 64 : index
        %swap3A_923 = tpu.vector_load %arg11[%swap3A_921, %swap3A_922] {strides = array<i32>} : memref<128x128xf32, #tpu.memory_space<vmem>>, vector<1x16xf32>,
        %swap3A_924 = vector.shape_cast %swap3A_923 : vector<1x16xf32> to vector<16xf32>
        %swap3A_925 = vector.shape_cast %mul3A_920 : vector<16xf32> to vector<1x16xf32>
        tpu.vector_store %arg11[%swap3A_921, %swap3A_922], %swap3A_925 {strides = array<i32>} : memref<128x128xf32, #tpu.memory_space<vmem>>, vector<1x16xf32>,
        %get3A_926 = arith.index_cast %add3A_870 : i32 to index
        %get3A_927 = arith.constant 80 : index
        %get3A_928 = tpu.vector_load %arg11[%get3A_926, %get3A_927] {strides = array<i32>} : memref<128x128xf32, #tpu.memory_space<vmem>>, vector<1x16xf32>,
        %get3A_929 = vector.shape_cast %get3A_928 : vector<1x16xf32> to vector<16xf32>
        %mul3A_930 = vector.broadcast %squeeze3A_866 : f32 to vector<16xf32>
        %mul3A_931 = arith.mulf %get3A_929, %mul3A_930 : vector<16xf32>
        %swap3A_932 = arith.index_cast %add3A_870 : i32 to index
        %swap3A_933 = arith.constant 80 : index
        %swap3A_934 = tpu.vector_load %arg11[%swap3A_932, %swap3A_933] {strides = array<i32>} : memref<128x128xf32, #tpu.memory_space<vmem>>, vector<1x16xf32>,
        %swap3A_935 = vector.shape_cast %swap3A_934 : vector<1x16xf32> to vector<16xf32>
        %swap3A_936 = vector.shape_cast %mul3A_931 : vector<16xf32> to vector<1x16xf32>
        tpu.vector_store %arg11[%swap3A_932, %swap3A_933], %swap3A_936 {strides = array<i32>} : memref<128x128xf32, #tpu.memory_space<vmem>>, vector<1x16xf32>,
        %get3A_937 = arith.index_cast %add3A_870 : i32 to index
        %get3A_938 = arith.constant 96 : index
        %get3A_939 = tpu.vector_load %arg11[%get3A_937, %get3A_938] {strides = array<i32>} : memref<128x128xf32, #tpu.memory_space<vmem>>, vector<1x16xf32>,
        %get3A_940 = vector.shape_cast %get3A_939 : vector<1x16xf32> to vector<16xf32>
        %mul3A_941 = vector.broadcast %squeeze3A_866 : f32 to vector<16xf32>
        %mul3A_942 = arith.mulf %get3A_940, %mul3A_941 : vector<16xf32>
        %swap3A_943 = arith.index_cast %add3A_870 : i32 to index
        %swap3A_944 = arith.constant 96 : index
        %swap3A_945 = tpu.vector_load %arg11[%swap3A_943, %swap3A_944] {strides = array<i32>} : memref<128x128xf32, #tpu.memory_space<vmem>>, vector<1x16xf32>,
        %swap3A_946 = vector.shape_cast %swap3A_945 : vector<1x16xf32> to vector<16xf32>
        %swap3A_947 = vector.shape_cast %mul3A_942 : vector<16xf32> to vector<1x16xf32>
        tpu.vector_store %arg11[%swap3A_943, %swap3A_944], %swap3A_947 {strides = array<i32>} : memref<128x128xf32, #tpu.memory_space<vmem>>, vector<1x16xf32>,
        %get3A_948 = arith.index_cast %add3A_870 : i32 to index
        %get3A_949 = arith.constant 112 : index
        %get3A_950 = tpu.vector_load %arg11[%get3A_948, %get3A_949] {strides = array<i32>} : memref<128x128xf32, #tpu.memory_space<vmem>>, vector<1x16xf32>,
        %get3A_951 = vector.shape_cast %get3A_950 : vector<1x16xf32> to vector<16xf32>
        %mul3A_952 = vector.broadcast %squeeze3A_866 : f32 to vector<16xf32>
        %mul3A_953 = arith.mulf %get3A_951, %mul3A_952 : vector<16xf32>
        %swap3A_954 = arith.index_cast %add3A_870 : i32 to index
        %swap3A_955 = arith.constant 112 : index
        %swap3A_956 = tpu.vector_load %arg11[%swap3A_954, %swap3A_955] {strides = array<i32>} : memref<128x128xf32, #tpu.memory_space<vmem>>, vector<1x16xf32>,
        %swap3A_957 = vector.shape_cast %swap3A_956 : vector<1x16xf32> to vector<16xf32>
        %swap3A_958 = vector.shape_cast %mul3A_953 : vector<16xf32> to vector<1x16xf32>
        tpu.vector_store %arg11[%swap3A_954, %swap3A_955], %swap3A_958 {strides = array<i32>} : memref<128x128xf32, #tpu.memory_space<vmem>>, vector<1x16xf32>,
        %slice3A_959 = vector.extract_strided_slice %get3A_21 {offsets = [10], sizes = [1], strides = [1]} : vector<16xf32> to vector<1xf32>
        %squeeze3A_960 = vector.extract %slice3A_959[0] : f32 from vector<1xf32>
        %mul3A_961 = arith.constant 16 : i32
        %mul3A_962 = arith.muli %scan3A_16, %mul3A_961 : i32
        %add3A_963 = arith.constant 10 : i32
        %add3A_964 = arith.addi %mul3A_962, %add3A_963 : i32
        %get3A_965 = arith.index_cast %add3A_964 : i32 to index
        %get3A_966 = arith.constant 0 : index
        %get3A_967 = tpu.vector_load %arg11[%get3A_965, %get3A_966] {strides = array<i32>} : memref<128x128xf32, #tpu.memory_space<vmem>>, vector<1x16xf32>,
        %get3A_968 = vector.shape_cast %get3A_967 : vector<1x16xf32> to vector<16xf32>
        %mul3A_969 = vector.broadcast %squeeze3A_960 : f32 to vector<16xf32>
        %mul3A_970 = arith.mulf %get3A_968, %mul3A_969 : vector<16xf32>
        %swap3A_971 = arith.index_cast %add3A_964 : i32 to index
        %swap3A_972 = arith.constant 0 : index
        %swap3A_973 = tpu.vector_load %arg11[%swap3A_971, %swap3A_972] {strides = array<i32>} : memref<128x128xf32, #tpu.memory_space<vmem>>, vector<1x16xf32>,
        %swap3A_974 = vector.shape_cast %swap3A_973 : vector<1x16xf32> to vector<16xf32>
        %swap3A_975 = vector.shape_cast %mul3A_970 : vector<16xf32> to vector<1x16xf32>
        tpu.vector_store %arg11[%swap3A_971, %swap3A_972], %swap3A_975 {strides = array<i32>} : memref<128x128xf32, #tpu.memory_space<vmem>>, vector<1x16xf32>,
        %get3A_976 = arith.index_cast %add3A_964 : i32 to index
        %get3A_977 = arith.constant 16 : index
        %get3A_978 = tpu.vector_load %arg11[%get3A_976, %get3A_977] {strides = array<i32>} : memref<128x128xf32, #tpu.memory_space<vmem>>, vector<1x16xf32>,
        %get3A_979 = vector.shape_cast %get3A_978 : vector<1x16xf32> to vector<16xf32>
        %mul3A_980 = vector.broadcast %squeeze3A_960 : f32 to vector<16xf32>
        %mul3A_981 = arith.mulf %get3A_979, %mul3A_980 : vector<16xf32>
        %swap3A_982 = arith.index_cast %add3A_964 : i32 to index
        %swap3A_983 = arith.constant 16 : index
        %swap3A_984 = tpu.vector_load %arg11[%swap3A_982, %swap3A_983] {strides = array<i32>} : memref<128x128xf32, #tpu.memory_space<vmem>>, vector<1x16xf32>,
        %swap3A_985 = vector.shape_cast %swap3A_984 : vector<1x16xf32> to vector<16xf32>
        %swap3A_986 = vector.shape_cast %mul3A_981 : vector<16xf32> to vector<1x16xf32>
        tpu.vector_store %arg11[%swap3A_982, %swap3A_983], %swap3A_986 {strides = array<i32>} : memref<128x128xf32, #tpu.memory_space<vmem>>, vector<1x16xf32>,
        %get3A_987 = arith.index_cast %add3A_964 : i32 to index
        %get3A_988 = arith.constant 32 : index
        %get3A_989 = tpu.vector_load %arg11[%get3A_987, %get3A_988] {strides = array<i32>} : memref<128x128xf32, #tpu.memory_space<vmem>>, vector<1x16xf32>,
        %get3A_990 = vector.shape_cast %get3A_989 : vector<1x16xf32> to vector<16xf32>
        %mul3A_991 = vector.broadcast %squeeze3A_960 : f32 to vector<16xf32>
        %mul3A_992 = arith.mulf %get3A_990, %mul3A_991 : vector<16xf32>
        %swap3A_993 = arith.index_cast %add3A_964 : i32 to index
        %swap3A_994 = arith.constant 32 : index
        %swap3A_995 = tpu.vector_load %arg11[%swap3A_993, %swap3A_994] {strides = array<i32>} : memref<128x128xf32, #tpu.memory_space<vmem>>, vector<1x16xf32>,
        %swap3A_996 = vector.shape_cast %swap3A_995 : vector<1x16xf32> to vector<16xf32>
        %swap3A_997 = vector.shape_cast %mul3A_992 : vector<16xf32> to vector<1x16xf32>
        tpu.vector_store %arg11[%swap3A_993, %swap3A_994], %swap3A_997 {strides = array<i32>} : memref<128x128xf32, #tpu.memory_space<vmem>>, vector<1x16xf32>,
        %get3A_998 = arith.index_cast %add3A_964 : i32 to index
        %get3A_999 = arith.constant 48 : index
        %get3A_1000 = tpu.vector_load %arg11[%get3A_998, %get3A_999] {strides = array<i32>} : memref<128x128xf32, #tpu.memory_space<vmem>>, vector<1x16xf32>,
        %get3A_1001 = vector.shape_cast %get3A_1000 : vector<1x16xf32> to vector<16xf32>
        %mul3A_1002 = vector.broadcast %squeeze3A_960 : f32 to vector<16xf32>
        %mul3A_1003 = arith.mulf %get3A_1001, %mul3A_1002 : vector<16xf32>
        %swap3A_1004 = arith.index_cast %add3A_964 : i32 to index
        %swap3A_1005 = arith.constant 48 : index
        %swap3A_1006 = tpu.vector_load %arg11[%swap3A_1004, %swap3A_1005] {strides = array<i32>} : memref<128x128xf32, #tpu.memory_space<vmem>>, vector<1x16xf32>,
        %swap3A_1007 = vector.shape_cast %swap3A_1006 : vector<1x16xf32> to vector<16xf32>
        %swap3A_1008 = vector.shape_cast %mul3A_1003 : vector<16xf32> to vector<1x16xf32>
        tpu.vector_store %arg11[%swap3A_1004, %swap3A_1005], %swap3A_1008 {strides = array<i32>} : memref<128x128xf32, #tpu.memory_space<vmem>>, vector<1x16xf32>,
        %get3A_1009 = arith.index_cast %add3A_964 : i32 to index
        %get3A_1010 = arith.constant 64 : index
        %get3A_1011 = tpu.vector_load %arg11[%get3A_1009, %get3A_1010] {strides = array<i32>} : memref<128x128xf32, #tpu.memory_space<vmem>>, vector<1x16xf32>,
        %get3A_1012 = vector.shape_cast %get3A_1011 : vector<1x16xf32> to vector<16xf32>
        %mul3A_1013 = vector.broadcast %squeeze3A_960 : f32 to vector<16xf32>
        %mul3A_1014 = arith.mulf %get3A_1012, %mul3A_1013 : vector<16xf32>
        %swap3A_1015 = arith.index_cast %add3A_964 : i32 to index
        %swap3A_1016 = arith.constant 64 : index
        %swap3A_1017 = tpu.vector_load %arg11[%swap3A_1015, %swap3A_1016] {strides = array<i32>} : memref<128x128xf32, #tpu.memory_space<vmem>>, vector<1x16xf32>,
        %swap3A_1018 = vector.shape_cast %swap3A_1017 : vector<1x16xf32> to vector<16xf32>
        %swap3A_1019 = vector.shape_cast %mul3A_1014 : vector<16xf32> to vector<1x16xf32>
        tpu.vector_store %arg11[%swap3A_1015, %swap3A_1016], %swap3A_1019 {strides = array<i32>} : memref<128x128xf32, #tpu.memory_space<vmem>>, vector<1x16xf32>,
        %get3A_1020 = arith.index_cast %add3A_964 : i32 to index
        %get3A_1021 = arith.constant 80 : index
        %get3A_1022 = tpu.vector_load %arg11[%get3A_1020, %get3A_1021] {strides = array<i32>} : memref<128x128xf32, #tpu.memory_space<vmem>>, vector<1x16xf32>,
        %get3A_1023 = vector.shape_cast %get3A_1022 : vector<1x16xf32> to vector<16xf32>
        %mul3A_1024 = vector.broadcast %squeeze3A_960 : f32 to vector<16xf32>
        %mul3A_1025 = arith.mulf %get3A_1023, %mul3A_1024 : vector<16xf32>
        %swap3A_1026 = arith.index_cast %add3A_964 : i32 to index
        %swap3A_1027 = arith.constant 80 : index
        %swap3A_1028 = tpu.vector_load %arg11[%swap3A_1026, %swap3A_1027] {strides = array<i32>} : memref<128x128xf32, #tpu.memory_space<vmem>>, vector<1x16xf32>,
        %swap3A_1029 = vector.shape_cast %swap3A_1028 : vector<1x16xf32> to vector<16xf32>
        %swap3A_1030 = vector.shape_cast %mul3A_1025 : vector<16xf32> to vector<1x16xf32>
        tpu.vector_store %arg11[%swap3A_1026, %swap3A_1027], %swap3A_1030 {strides = array<i32>} : memref<128x128xf32, #tpu.memory_space<vmem>>, vector<1x16xf32>,
        %get3A_1031 = arith.index_cast %add3A_964 : i32 to index
        %get3A_1032 = arith.constant 96 : index
        %get3A_1033 = tpu.vector_load %arg11[%get3A_1031, %get3A_1032] {strides = array<i32>} : memref<128x128xf32, #tpu.memory_space<vmem>>, vector<1x16xf32>,
        %get3A_1034 = vector.shape_cast %get3A_1033 : vector<1x16xf32> to vector<16xf32>
        %mul3A_1035 = vector.broadcast %squeeze3A_960 : f32 to vector<16xf32>
        %mul3A_1036 = arith.mulf %get3A_1034, %mul3A_1035 : vector<16xf32>
        %swap3A_1037 = arith.index_cast %add3A_964 : i32 to index
        %swap3A_1038 = arith.constant 96 : index
        %swap3A_1039 = tpu.vector_load %arg11[%swap3A_1037, %swap3A_1038] {strides = array<i32>} : memref<128x128xf32, #tpu.memory_space<vmem>>, vector<1x16xf32>,
        %swap3A_1040 = vector.shape_cast %swap3A_1039 : vector<1x16xf32> to vector<16xf32>
        %swap3A_1041 = vector.shape_cast %mul3A_1036 : vector<16xf32> to vector<1x16xf32>
        tpu.vector_store %arg11[%swap3A_1037, %swap3A_1038], %swap3A_1041 {strides = array<i32>} : memref<128x128xf32, #tpu.memory_space<vmem>>, vector<1x16xf32>,
        %get3A_1042 = arith.index_cast %add3A_964 : i32 to index
        %get3A_1043 = arith.constant 112 : index
        %get3A_1044 = tpu.vector_load %arg11[%get3A_1042, %get3A_1043] {strides = array<i32>} : memref<128x128xf32, #tpu.memory_space<vmem>>, vector<1x16xf32>,
        %get3A_1045 = vector.shape_cast %get3A_1044 : vector<1x16xf32> to vector<16xf32>
        %mul3A_1046 = vector.broadcast %squeeze3A_960 : f32 to vector<16xf32>
        %mul3A_1047 = arith.mulf %get3A_1045, %mul3A_1046 : vector<16xf32>
        %swap3A_1048 = arith.index_cast %add3A_964 : i32 to index
        %swap3A_1049 = arith.constant 112 : index
        %swap3A_1050 = tpu.vector_load %arg11[%swap3A_1048, %swap3A_1049] {strides = array<i32>} : memref<128x128xf32, #tpu.memory_space<vmem>>, vector<1x16xf32>,
        %swap3A_1051 = vector.shape_cast %swap3A_1050 : vector<1x16xf32> to vector<16xf32>
        %swap3A_1052 = vector.shape_cast %mul3A_1047 : vector<16xf32> to vector<1x16xf32>
        tpu.vector_store %arg11[%swap3A_1048, %swap3A_1049], %swap3A_1052 {strides = array<i32>} : memref<128x128xf32, #tpu.memory_space<vmem>>, vector<1x16xf32>,
        %slice3A_1053 = vector.extract_strided_slice %get3A_21 {offsets = [11], sizes = [1], strides = [1]} : vector<16xf32> to vector<1xf32>
        %squeeze3A_1054 = vector.extract %slice3A_1053[0] : f32 from vector<1xf32>
        %mul3A_1055 = arith.constant 16 : i32
        %mul3A_1056 = arith.muli %scan3A_16, %mul3A_1055 : i32
        %add3A_1057 = arith.constant 11 : i32
        %add3A_1058 = arith.addi %mul3A_1056, %add3A_1057 : i32
        %get3A_1059 = arith.index_cast %add3A_1058 : i32 to index
        %get3A_1060 = arith.constant 0 : index
        %get3A_1061 = tpu.vector_load %arg11[%get3A_1059, %get3A_1060] {strides = array<i32>} : memref<128x128xf32, #tpu.memory_space<vmem>>, vector<1x16xf32>,
        %get3A_1062 = vector.shape_cast %get3A_1061 : vector<1x16xf32> to vector<16xf32>
        %mul3A_1063 = vector.broadcast %squeeze3A_1054 : f32 to vector<16xf32>
        %mul3A_1064 = arith.mulf %get3A_1062, %mul3A_1063 : vector<16xf32>
        %swap3A_1065 = arith.index_cast %add3A_1058 : i32 to index
        %swap3A_1066 = arith.constant 0 : index
        %swap3A_1067 = tpu.vector_load %arg11[%swap3A_1065, %swap3A_1066] {strides = array<i32>} : memref<128x128xf32, #tpu.memory_space<vmem>>, vector<1x16xf32>,
        %swap3A_1068 = vector.shape_cast %swap3A_1067 : vector<1x16xf32> to vector<16xf32>
        %swap3A_1069 = vector.shape_cast %mul3A_1064 : vector<16xf32> to vector<1x16xf32>
        tpu.vector_store %arg11[%swap3A_1065, %swap3A_1066], %swap3A_1069 {strides = array<i32>} : memref<128x128xf32, #tpu.memory_space<vmem>>, vector<1x16xf32>,
        %get3A_1070 = arith.index_cast %add3A_1058 : i32 to index
        %get3A_1071 = arith.constant 16 : index
        %get3A_1072 = tpu.vector_load %arg11[%get3A_1070, %get3A_1071] {strides = array<i32>} : memref<128x128xf32, #tpu.memory_space<vmem>>, vector<1x16xf32>,
        %get3A_1073 = vector.shape_cast %get3A_1072 : vector<1x16xf32> to vector<16xf32>
        %mul3A_1074 = vector.broadcast %squeeze3A_1054 : f32 to vector<16xf32>
        %mul3A_1075 = arith.mulf %get3A_1073, %mul3A_1074 : vector<16xf32>
        %swap3A_1076 = arith.index_cast %add3A_1058 : i32 to index
        %swap3A_1077 = arith.constant 16 : index
        %swap3A_1078 = tpu.vector_load %arg11[%swap3A_1076, %swap3A_1077] {strides = array<i32>} : memref<128x128xf32, #tpu.memory_space<vmem>>, vector<1x16xf32>,
        %swap3A_1079 = vector.shape_cast %swap3A_1078 : vector<1x16xf32> to vector<16xf32>
        %swap3A_1080 = vector.shape_cast %mul3A_1075 : vector<16xf32> to vector<1x16xf32>
        tpu.vector_store %arg11[%swap3A_1076, %swap3A_1077], %swap3A_1080 {strides = array<i32>} : memref<128x128xf32, #tpu.memory_space<vmem>>, vector<1x16xf32>,
        %get3A_1081 = arith.index_cast %add3A_1058 : i32 to index
        %get3A_1082 = arith.constant 32 : index
        %get3A_1083 = tpu.vector_load %arg11[%get3A_1081, %get3A_1082] {strides = array<i32>} : memref<128x128xf32, #tpu.memory_space<vmem>>, vector<1x16xf32>,
        %get3A_1084 = vector.shape_cast %get3A_1083 : vector<1x16xf32> to vector<16xf32>
        %mul3A_1085 = vector.broadcast %squeeze3A_1054 : f32 to vector<16xf32>
        %mul3A_1086 = arith.mulf %get3A_1084, %mul3A_1085 : vector<16xf32>
        %swap3A_1087 = arith.index_cast %add3A_1058 : i32 to index
        %swap3A_1088 = arith.constant 32 : index
        %swap3A_1089 = tpu.vector_load %arg11[%swap3A_1087, %swap3A_1088] {strides = array<i32>} : memref<128x128xf32, #tpu.memory_space<vmem>>, vector<1x16xf32>,
        %swap3A_1090 = vector.shape_cast %swap3A_1089 : vector<1x16xf32> to vector<16xf32>
        %swap3A_1091 = vector.shape_cast %mul3A_1086 : vector<16xf32> to vector<1x16xf32>
        tpu.vector_store %arg11[%swap3A_1087, %swap3A_1088], %swap3A_1091 {strides = array<i32>} : memref<128x128xf32, #tpu.memory_space<vmem>>, vector<1x16xf32>,
        %get3A_1092 = arith.index_cast %add3A_1058 : i32 to index
        %get3A_1093 = arith.constant 48 : index
        %get3A_1094 = tpu.vector_load %arg11[%get3A_1092, %get3A_1093] {strides = array<i32>} : memref<128x128xf32, #tpu.memory_space<vmem>>, vector<1x16xf32>,
        %get3A_1095 = vector.shape_cast %get3A_1094 : vector<1x16xf32> to vector<16xf32>
        %mul3A_1096 = vector.broadcast %squeeze3A_1054 : f32 to vector<16xf32>
        %mul3A_1097 = arith.mulf %get3A_1095, %mul3A_1096 : vector<16xf32>
        %swap3A_1098 = arith.index_cast %add3A_1058 : i32 to index
        %swap3A_1099 = arith.constant 48 : index
        %swap3A_1100 = tpu.vector_load %arg11[%swap3A_1098, %swap3A_1099] {strides = array<i32>} : memref<128x128xf32, #tpu.memory_space<vmem>>, vector<1x16xf32>,
        %swap3A_1101 = vector.shape_cast %swap3A_1100 : vector<1x16xf32> to vector<16xf32>
        %swap3A_1102 = vector.shape_cast %mul3A_1097 : vector<16xf32> to vector<1x16xf32>
        tpu.vector_store %arg11[%swap3A_1098, %swap3A_1099], %swap3A_1102 {strides = array<i32>} : memref<128x128xf32, #tpu.memory_space<vmem>>, vector<1x16xf32>,
        %get3A_1103 = arith.index_cast %add3A_1058 : i32 to index
        %get3A_1104 = arith.constant 64 : index
        %get3A_1105 = tpu.vector_load %arg11[%get3A_1103, %get3A_1104] {strides = array<i32>} : memref<128x128xf32, #tpu.memory_space<vmem>>, vector<1x16xf32>,
        %get3A_1106 = vector.shape_cast %get3A_1105 : vector<1x16xf32> to vector<16xf32>
        %mul3A_1107 = vector.broadcast %squeeze3A_1054 : f32 to vector<16xf32>
        %mul3A_1108 = arith.mulf %get3A_1106, %mul3A_1107 : vector<16xf32>
        %swap3A_1109 = arith.index_cast %add3A_1058 : i32 to index
        %swap3A_1110 = arith.constant 64 : index
        %swap3A_1111 = tpu.vector_load %arg11[%swap3A_1109, %swap3A_1110] {strides = array<i32>} : memref<128x128xf32, #tpu.memory_space<vmem>>, vector<1x16xf32>,
        %swap3A_1112 = vector.shape_cast %swap3A_1111 : vector<1x16xf32> to vector<16xf32>
        %swap3A_1113 = vector.shape_cast %mul3A_1108 : vector<16xf32> to vector<1x16xf32>
        tpu.vector_store %arg11[%swap3A_1109, %swap3A_1110], %swap3A_1113 {strides = array<i32>} : memref<128x128xf32, #tpu.memory_space<vmem>>, vector<1x16xf32>,
        %get3A_1114 = arith.index_cast %add3A_1058 : i32 to index
        %get3A_1115 = arith.constant 80 : index
        %get3A_1116 = tpu.vector_load %arg11[%get3A_1114, %get3A_1115] {strides = array<i32>} : memref<128x128xf32, #tpu.memory_space<vmem>>, vector<1x16xf32>,
        %get3A_1117 = vector.shape_cast %get3A_1116 : vector<1x16xf32> to vector<16xf32>
        %mul3A_1118 = vector.broadcast %squeeze3A_1054 : f32 to vector<16xf32>
        %mul3A_1119 = arith.mulf %get3A_1117, %mul3A_1118 : vector<16xf32>
        %swap3A_1120 = arith.index_cast %add3A_1058 : i32 to index
        %swap3A_1121 = arith.constant 80 : index
        %swap3A_1122 = tpu.vector_load %arg11[%swap3A_1120, %swap3A_1121] {strides = array<i32>} : memref<128x128xf32, #tpu.memory_space<vmem>>, vector<1x16xf32>,
        %swap3A_1123 = vector.shape_cast %swap3A_1122 : vector<1x16xf32> to vector<16xf32>
        %swap3A_1124 = vector.shape_cast %mul3A_1119 : vector<16xf32> to vector<1x16xf32>
        tpu.vector_store %arg11[%swap3A_1120, %swap3A_1121], %swap3A_1124 {strides = array<i32>} : memref<128x128xf32, #tpu.memory_space<vmem>>, vector<1x16xf32>,
        %get3A_1125 = arith.index_cast %add3A_1058 : i32 to index
        %get3A_1126 = arith.constant 96 : index
        %get3A_1127 = tpu.vector_load %arg11[%get3A_1125, %get3A_1126] {strides = array<i32>} : memref<128x128xf32, #tpu.memory_space<vmem>>, vector<1x16xf32>,
        %get3A_1128 = vector.shape_cast %get3A_1127 : vector<1x16xf32> to vector<16xf32>
        %mul3A_1129 = vector.broadcast %squeeze3A_1054 : f32 to vector<16xf32>
        %mul3A_1130 = arith.mulf %get3A_1128, %mul3A_1129 : vector<16xf32>
        %swap3A_1131 = arith.index_cast %add3A_1058 : i32 to index
        %swap3A_1132 = arith.constant 96 : index
        %swap3A_1133 = tpu.vector_load %arg11[%swap3A_1131, %swap3A_1132] {strides = array<i32>} : memref<128x128xf32, #tpu.memory_space<vmem>>, vector<1x16xf32>,
        %swap3A_1134 = vector.shape_cast %swap3A_1133 : vector<1x16xf32> to vector<16xf32>
        %swap3A_1135 = vector.shape_cast %mul3A_1130 : vector<16xf32> to vector<1x16xf32>
        tpu.vector_store %arg11[%swap3A_1131, %swap3A_1132], %swap3A_1135 {strides = array<i32>} : memref<128x128xf32, #tpu.memory_space<vmem>>, vector<1x16xf32>,
        %get3A_1136 = arith.index_cast %add3A_1058 : i32 to index
        %get3A_1137 = arith.constant 112 : index
        %get3A_1138 = tpu.vector_load %arg11[%get3A_1136, %get3A_1137] {strides = array<i32>} : memref<128x128xf32, #tpu.memory_space<vmem>>, vector<1x16xf32>,
        %get3A_1139 = vector.shape_cast %get3A_1138 : vector<1x16xf32> to vector<16xf32>
        %mul3A_1140 = vector.broadcast %squeeze3A_1054 : f32 to vector<16xf32>
        %mul3A_1141 = arith.mulf %get3A_1139, %mul3A_1140 : vector<16xf32>
        %swap3A_1142 = arith.index_cast %add3A_1058 : i32 to index
        %swap3A_1143 = arith.constant 112 : index
        %swap3A_1144 = tpu.vector_load %arg11[%swap3A_1142, %swap3A_1143] {strides = array<i32>} : memref<128x128xf32, #tpu.memory_space<vmem>>, vector<1x16xf32>,
        %swap3A_1145 = vector.shape_cast %swap3A_1144 : vector<1x16xf32> to vector<16xf32>
        %swap3A_1146 = vector.shape_cast %mul3A_1141 : vector<16xf32> to vector<1x16xf32>
        tpu.vector_store %arg11[%swap3A_1142, %swap3A_1143], %swap3A_1146 {strides = array<i32>} : memref<128x128xf32, #tpu.memory_space<vmem>>, vector<1x16xf32>,
        %slice3A_1147 = vector.extract_strided_slice %get3A_21 {offsets = [12], sizes = [1], strides = [1]} : vector<16xf32> to vector<1xf32>
        %squeeze3A_1148 = vector.extract %slice3A_1147[0] : f32 from vector<1xf32>
        %mul3A_1149 = arith.constant 16 : i32
        %mul3A_1150 = arith.muli %scan3A_16, %mul3A_1149 : i32
        %add3A_1151 = arith.constant 12 : i32
        %add3A_1152 = arith.addi %mul3A_1150, %add3A_1151 : i32
        %get3A_1153 = arith.index_cast %add3A_1152 : i32 to index
        %get3A_1154 = arith.constant 0 : index
        %get3A_1155 = tpu.vector_load %arg11[%get3A_1153, %get3A_1154] {strides = array<i32>} : memref<128x128xf32, #tpu.memory_space<vmem>>, vector<1x16xf32>,
        %get3A_1156 = vector.shape_cast %get3A_1155 : vector<1x16xf32> to vector<16xf32>
        %mul3A_1157 = vector.broadcast %squeeze3A_1148 : f32 to vector<16xf32>
        %mul3A_1158 = arith.mulf %get3A_1156, %mul3A_1157 : vector<16xf32>
        %swap3A_1159 = arith.index_cast %add3A_1152 : i32 to index
        %swap3A_1160 = arith.constant 0 : index
        %swap3A_1161 = tpu.vector_load %arg11[%swap3A_1159, %swap3A_1160] {strides = array<i32>} : memref<128x128xf32, #tpu.memory_space<vmem>>, vector<1x16xf32>,
        %swap3A_1162 = vector.shape_cast %swap3A_1161 : vector<1x16xf32> to vector<16xf32>
        %swap3A_1163 = vector.shape_cast %mul3A_1158 : vector<16xf32> to vector<1x16xf32>
        tpu.vector_store %arg11[%swap3A_1159, %swap3A_1160], %swap3A_1163 {strides = array<i32>} : memref<128x128xf32, #tpu.memory_space<vmem>>, vector<1x16xf32>,
        %get3A_1164 = arith.index_cast %add3A_1152 : i32 to index
        %get3A_1165 = arith.constant 16 : index
        %get3A_1166 = tpu.vector_load %arg11[%get3A_1164, %get3A_1165] {strides = array<i32>} : memref<128x128xf32, #tpu.memory_space<vmem>>, vector<1x16xf32>,
        %get3A_1167 = vector.shape_cast %get3A_1166 : vector<1x16xf32> to vector<16xf32>
        %mul3A_1168 = vector.broadcast %squeeze3A_1148 : f32 to vector<16xf32>
        %mul3A_1169 = arith.mulf %get3A_1167, %mul3A_1168 : vector<16xf32>
        %swap3A_1170 = arith.index_cast %add3A_1152 : i32 to index
        %swap3A_1171 = arith.constant 16 : index
        %swap3A_1172 = tpu.vector_load %arg11[%swap3A_1170, %swap3A_1171] {strides = array<i32>} : memref<128x128xf32, #tpu.memory_space<vmem>>, vector<1x16xf32>,
        %swap3A_1173 = vector.shape_cast %swap3A_1172 : vector<1x16xf32> to vector<16xf32>
        %swap3A_1174 = vector.shape_cast %mul3A_1169 : vector<16xf32> to vector<1x16xf32>
        tpu.vector_store %arg11[%swap3A_1170, %swap3A_1171], %swap3A_1174 {strides = array<i32>} : memref<128x128xf32, #tpu.memory_space<vmem>>, vector<1x16xf32>,
        %get3A_1175 = arith.index_cast %add3A_1152 : i32 to index
        %get3A_1176 = arith.constant 32 : index
        %get3A_1177 = tpu.vector_load %arg11[%get3A_1175, %get3A_1176] {strides = array<i32>} : memref<128x128xf32, #tpu.memory_space<vmem>>, vector<1x16xf32>,
        %get3A_1178 = vector.shape_cast %get3A_1177 : vector<1x16xf32> to vector<16xf32>
        %mul3A_1179 = vector.broadcast %squeeze3A_1148 : f32 to vector<16xf32>
        %mul3A_1180 = arith.mulf %get3A_1178, %mul3A_1179 : vector<16xf32>
        %swap3A_1181 = arith.index_cast %add3A_1152 : i32 to index
        %swap3A_1182 = arith.constant 32 : index
        %swap3A_1183 = tpu.vector_load %arg11[%swap3A_1181, %swap3A_1182] {strides = array<i32>} : memref<128x128xf32, #tpu.memory_space<vmem>>, vector<1x16xf32>,
        %swap3A_1184 = vector.shape_cast %swap3A_1183 : vector<1x16xf32> to vector<16xf32>
        %swap3A_1185 = vector.shape_cast %mul3A_1180 : vector<16xf32> to vector<1x16xf32>
        tpu.vector_store %arg11[%swap3A_1181, %swap3A_1182], %swap3A_1185 {strides = array<i32>} : memref<128x128xf32, #tpu.memory_space<vmem>>, vector<1x16xf32>,
        %get3A_1186 = arith.index_cast %add3A_1152 : i32 to index
        %get3A_1187 = arith.constant 48 : index
        %get3A_1188 = tpu.vector_load %arg11[%get3A_1186, %get3A_1187] {strides = array<i32>} : memref<128x128xf32, #tpu.memory_space<vmem>>, vector<1x16xf32>,
        %get3A_1189 = vector.shape_cast %get3A_1188 : vector<1x16xf32> to vector<16xf32>
        %mul3A_1190 = vector.broadcast %squeeze3A_1148 : f32 to vector<16xf32>
        %mul3A_1191 = arith.mulf %get3A_1189, %mul3A_1190 : vector<16xf32>
        %swap3A_1192 = arith.index_cast %add3A_1152 : i32 to index
        %swap3A_1193 = arith.constant 48 : index
        %swap3A_1194 = tpu.vector_load %arg11[%swap3A_1192, %swap3A_1193] {strides = array<i32>} : memref<128x128xf32, #tpu.memory_space<vmem>>, vector<1x16xf32>,
        %swap3A_1195 = vector.shape_cast %swap3A_1194 : vector<1x16xf32> to vector<16xf32>
        %swap3A_1196 = vector.shape_cast %mul3A_1191 : vector<16xf32> to vector<1x16xf32>
        tpu.vector_store %arg11[%swap3A_1192, %swap3A_1193], %swap3A_1196 {strides = array<i32>} : memref<128x128xf32, #tpu.memory_space<vmem>>, vector<1x16xf32>,
        %get3A_1197 = arith.index_cast %add3A_1152 : i32 to index
        %get3A_1198 = arith.constant 64 : index
        %get3A_1199 = tpu.vector_load %arg11[%get3A_1197, %get3A_1198] {strides = array<i32>} : memref<128x128xf32, #tpu.memory_space<vmem>>, vector<1x16xf32>,
        %get3A_1200 = vector.shape_cast %get3A_1199 : vector<1x16xf32> to vector<16xf32>
        %mul3A_1201 = vector.broadcast %squeeze3A_1148 : f32 to vector<16xf32>
        %mul3A_1202 = arith.mulf %get3A_1200, %mul3A_1201 : vector<16xf32>
        %swap3A_1203 = arith.index_cast %add3A_1152 : i32 to index
        %swap3A_1204 = arith.constant 64 : index
        %swap3A_1205 = tpu.vector_load %arg11[%swap3A_1203, %swap3A_1204] {strides = array<i32>} : memref<128x128xf32, #tpu.memory_space<vmem>>, vector<1x16xf32>,
        %swap3A_1206 = vector.shape_cast %swap3A_1205 : vector<1x16xf32> to vector<16xf32>
        %swap3A_1207 = vector.shape_cast %mul3A_1202 : vector<16xf32> to vector<1x16xf32>
        tpu.vector_store %arg11[%swap3A_1203, %swap3A_1204], %swap3A_1207 {strides = array<i32>} : memref<128x128xf32, #tpu.memory_space<vmem>>, vector<1x16xf32>,
        %get3A_1208 = arith.index_cast %add3A_1152 : i32 to index
        %get3A_1209 = arith.constant 80 : index
        %get3A_1210 = tpu.vector_load %arg11[%get3A_1208, %get3A_1209] {strides = array<i32>} : memref<128x128xf32, #tpu.memory_space<vmem>>, vector<1x16xf32>,
        %get3A_1211 = vector.shape_cast %get3A_1210 : vector<1x16xf32> to vector<16xf32>
        %mul3A_1212 = vector.broadcast %squeeze3A_1148 : f32 to vector<16xf32>
        %mul3A_1213 = arith.mulf %get3A_1211, %mul3A_1212 : vector<16xf32>
        %swap3A_1214 = arith.index_cast %add3A_1152 : i32 to index
        %swap3A_1215 = arith.constant 80 : index
        %swap3A_1216 = tpu.vector_load %arg11[%swap3A_1214, %swap3A_1215] {strides = array<i32>} : memref<128x128xf32, #tpu.memory_space<vmem>>, vector<1x16xf32>,
        %swap3A_1217 = vector.shape_cast %swap3A_1216 : vector<1x16xf32> to vector<16xf32>
        %swap3A_1218 = vector.shape_cast %mul3A_1213 : vector<16xf32> to vector<1x16xf32>
        tpu.vector_store %arg11[%swap3A_1214, %swap3A_1215], %swap3A_1218 {strides = array<i32>} : memref<128x128xf32, #tpu.memory_space<vmem>>, vector<1x16xf32>,
        %get3A_1219 = arith.index_cast %add3A_1152 : i32 to index
        %get3A_1220 = arith.constant 96 : index
        %get3A_1221 = tpu.vector_load %arg11[%get3A_1219, %get3A_1220] {strides = array<i32>} : memref<128x128xf32, #tpu.memory_space<vmem>>, vector<1x16xf32>,
        %get3A_1222 = vector.shape_cast %get3A_1221 : vector<1x16xf32> to vector<16xf32>
        %mul3A_1223 = vector.broadcast %squeeze3A_1148 : f32 to vector<16xf32>
        %mul3A_1224 = arith.mulf %get3A_1222, %mul3A_1223 : vector<16xf32>
        %swap3A_1225 = arith.index_cast %add3A_1152 : i32 to index
        %swap3A_1226 = arith.constant 96 : index
        %swap3A_1227 = tpu.vector_load %arg11[%swap3A_1225, %swap3A_1226] {strides = array<i32>} : memref<128x128xf32, #tpu.memory_space<vmem>>, vector<1x16xf32>,
        %swap3A_1228 = vector.shape_cast %swap3A_1227 : vector<1x16xf32> to vector<16xf32>
        %swap3A_1229 = vector.shape_cast %mul3A_1224 : vector<16xf32> to vector<1x16xf32>
        tpu.vector_store %arg11[%swap3A_1225, %swap3A_1226], %swap3A_1229 {strides = array<i32>} : memref<128x128xf32, #tpu.memory_space<vmem>>, vector<1x16xf32>,
        %get3A_1230 = arith.index_cast %add3A_1152 : i32 to index
        %get3A_1231 = arith.constant 112 : index
        %get3A_1232 = tpu.vector_load %arg11[%get3A_1230, %get3A_1231] {strides = array<i32>} : memref<128x128xf32, #tpu.memory_space<vmem>>, vector<1x16xf32>,
        %get3A_1233 = vector.shape_cast %get3A_1232 : vector<1x16xf32> to vector<16xf32>
        %mul3A_1234 = vector.broadcast %squeeze3A_1148 : f32 to vector<16xf32>
        %mul3A_1235 = arith.mulf %get3A_1233, %mul3A_1234 : vector<16xf32>
        %swap3A_1236 = arith.index_cast %add3A_1152 : i32 to index
        %swap3A_1237 = arith.constant 112 : index
        %swap3A_1238 = tpu.vector_load %arg11[%swap3A_1236, %swap3A_1237] {strides = array<i32>} : memref<128x128xf32, #tpu.memory_space<vmem>>, vector<1x16xf32>,
        %swap3A_1239 = vector.shape_cast %swap3A_1238 : vector<1x16xf32> to vector<16xf32>
        %swap3A_1240 = vector.shape_cast %mul3A_1235 : vector<16xf32> to vector<1x16xf32>
        tpu.vector_store %arg11[%swap3A_1236, %swap3A_1237], %swap3A_1240 {strides = array<i32>} : memref<128x128xf32, #tpu.memory_space<vmem>>, vector<1x16xf32>,
        %slice3A_1241 = vector.extract_strided_slice %get3A_21 {offsets = [13], sizes = [1], strides = [1]} : vector<16xf32> to vector<1xf32>
        %squeeze3A_1242 = vector.extract %slice3A_1241[0] : f32 from vector<1xf32>
        %mul3A_1243 = arith.constant 16 : i32
        %mul3A_1244 = arith.muli %scan3A_16, %mul3A_1243 : i32
        %add3A_1245 = arith.constant 13 : i32
        %add3A_1246 = arith.addi %mul3A_1244, %add3A_1245 : i32
        %get3A_1247 = arith.index_cast %add3A_1246 : i32 to index
        %get3A_1248 = arith.constant 0 : index
        %get3A_1249 = tpu.vector_load %arg11[%get3A_1247, %get3A_1248] {strides = array<i32>} : memref<128x128xf32, #tpu.memory_space<vmem>>, vector<1x16xf32>,
        %get3A_1250 = vector.shape_cast %get3A_1249 : vector<1x16xf32> to vector<16xf32>
        %mul3A_1251 = vector.broadcast %squeeze3A_1242 : f32 to vector<16xf32>
        %mul3A_1252 = arith.mulf %get3A_1250, %mul3A_1251 : vector<16xf32>
        %swap3A_1253 = arith.index_cast %add3A_1246 : i32 to index
        %swap3A_1254 = arith.constant 0 : index
        %swap3A_1255 = tpu.vector_load %arg11[%swap3A_1253, %swap3A_1254] {strides = array<i32>} : memref<128x128xf32, #tpu.memory_space<vmem>>, vector<1x16xf32>,
        %swap3A_1256 = vector.shape_cast %swap3A_1255 : vector<1x16xf32> to vector<16xf32>
        %swap3A_1257 = vector.shape_cast %mul3A_1252 : vector<16xf32> to vector<1x16xf32>
        tpu.vector_store %arg11[%swap3A_1253, %swap3A_1254], %swap3A_1257 {strides = array<i32>} : memref<128x128xf32, #tpu.memory_space<vmem>>, vector<1x16xf32>,
        %get3A_1258 = arith.index_cast %add3A_1246 : i32 to index
        %get3A_1259 = arith.constant 16 : index
        %get3A_1260 = tpu.vector_load %arg11[%get3A_1258, %get3A_1259] {strides = array<i32>} : memref<128x128xf32, #tpu.memory_space<vmem>>, vector<1x16xf32>,
        %get3A_1261 = vector.shape_cast %get3A_1260 : vector<1x16xf32> to vector<16xf32>
        %mul3A_1262 = vector.broadcast %squeeze3A_1242 : f32 to vector<16xf32>
        %mul3A_1263 = arith.mulf %get3A_1261, %mul3A_1262 : vector<16xf32>
        %swap3A_1264 = arith.index_cast %add3A_1246 : i32 to index
        %swap3A_1265 = arith.constant 16 : index
        %swap3A_1266 = tpu.vector_load %arg11[%swap3A_1264, %swap3A_1265] {strides = array<i32>} : memref<128x128xf32, #tpu.memory_space<vmem>>, vector<1x16xf32>,
        %swap3A_1267 = vector.shape_cast %swap3A_1266 : vector<1x16xf32> to vector<16xf32>
        %swap3A_1268 = vector.shape_cast %mul3A_1263 : vector<16xf32> to vector<1x16xf32>
        tpu.vector_store %arg11[%swap3A_1264, %swap3A_1265], %swap3A_1268 {strides = array<i32>} : memref<128x128xf32, #tpu.memory_space<vmem>>, vector<1x16xf32>,
        %get3A_1269 = arith.index_cast %add3A_1246 : i32 to index
        %get3A_1270 = arith.constant 32 : index
        %get3A_1271 = tpu.vector_load %arg11[%get3A_1269, %get3A_1270] {strides = array<i32>} : memref<128x128xf32, #tpu.memory_space<vmem>>, vector<1x16xf32>,
        %get3A_1272 = vector.shape_cast %get3A_1271 : vector<1x16xf32> to vector<16xf32>
        %mul3A_1273 = vector.broadcast %squeeze3A_1242 : f32 to vector<16xf32>
        %mul3A_1274 = arith.mulf %get3A_1272, %mul3A_1273 : vector<16xf32>
        %swap3A_1275 = arith.index_cast %add3A_1246 : i32 to index
        %swap3A_1276 = arith.constant 32 : index
        %swap3A_1277 = tpu.vector_load %arg11[%swap3A_1275, %swap3A_1276] {strides = array<i32>} : memref<128x128xf32, #tpu.memory_space<vmem>>, vector<1x16xf32>,
        %swap3A_1278 = vector.shape_cast %swap3A_1277 : vector<1x16xf32> to vector<16xf32>
        %swap3A_1279 = vector.shape_cast %mul3A_1274 : vector<16xf32> to vector<1x16xf32>
        tpu.vector_store %arg11[%swap3A_1275, %swap3A_1276], %swap3A_1279 {strides = array<i32>} : memref<128x128xf32, #tpu.memory_space<vmem>>, vector<1x16xf32>,
        %get3A_1280 = arith.index_cast %add3A_1246 : i32 to index
        %get3A_1281 = arith.constant 48 : index
        %get3A_1282 = tpu.vector_load %arg11[%get3A_1280, %get3A_1281] {strides = array<i32>} : memref<128x128xf32, #tpu.memory_space<vmem>>, vector<1x16xf32>,
        %get3A_1283 = vector.shape_cast %get3A_1282 : vector<1x16xf32> to vector<16xf32>
        %mul3A_1284 = vector.broadcast %squeeze3A_1242 : f32 to vector<16xf32>
        %mul3A_1285 = arith.mulf %get3A_1283, %mul3A_1284 : vector<16xf32>
        %swap3A_1286 = arith.index_cast %add3A_1246 : i32 to index
        %swap3A_1287 = arith.constant 48 : index
        %swap3A_1288 = tpu.vector_load %arg11[%swap3A_1286, %swap3A_1287] {strides = array<i32>} : memref<128x128xf32, #tpu.memory_space<vmem>>, vector<1x16xf32>,
        %swap3A_1289 = vector.shape_cast %swap3A_1288 : vector<1x16xf32> to vector<16xf32>
        %swap3A_1290 = vector.shape_cast %mul3A_1285 : vector<16xf32> to vector<1x16xf32>
        tpu.vector_store %arg11[%swap3A_1286, %swap3A_1287], %swap3A_1290 {strides = array<i32>} : memref<128x128xf32, #tpu.memory_space<vmem>>, vector<1x16xf32>,
        %get3A_1291 = arith.index_cast %add3A_1246 : i32 to index
        %get3A_1292 = arith.constant 64 : index
        %get3A_1293 = tpu.vector_load %arg11[%get3A_1291, %get3A_1292] {strides = array<i32>} : memref<128x128xf32, #tpu.memory_space<vmem>>, vector<1x16xf32>,
        %get3A_1294 = vector.shape_cast %get3A_1293 : vector<1x16xf32> to vector<16xf32>
        %mul3A_1295 = vector.broadcast %squeeze3A_1242 : f32 to vector<16xf32>
        %mul3A_1296 = arith.mulf %get3A_1294, %mul3A_1295 : vector<16xf32>
        %swap3A_1297 = arith.index_cast %add3A_1246 : i32 to index
        %swap3A_1298 = arith.constant 64 : index
        %swap3A_1299 = tpu.vector_load %arg11[%swap3A_1297, %swap3A_1298] {strides = array<i32>} : memref<128x128xf32, #tpu.memory_space<vmem>>, vector<1x16xf32>,
        %swap3A_1300 = vector.shape_cast %swap3A_1299 : vector<1x16xf32> to vector<16xf32>
        %swap3A_1301 = vector.shape_cast %mul3A_1296 : vector<16xf32> to vector<1x16xf32>
        tpu.vector_store %arg11[%swap3A_1297, %swap3A_1298], %swap3A_1301 {strides = array<i32>} : memref<128x128xf32, #tpu.memory_space<vmem>>, vector<1x16xf32>,
        %get3A_1302 = arith.index_cast %add3A_1246 : i32 to index
        %get3A_1303 = arith.constant 80 : index
        %get3A_1304 = tpu.vector_load %arg11[%get3A_1302, %get3A_1303] {strides = array<i32>} : memref<128x128xf32, #tpu.memory_space<vmem>>, vector<1x16xf32>,
        %get3A_1305 = vector.shape_cast %get3A_1304 : vector<1x16xf32> to vector<16xf32>
        %mul3A_1306 = vector.broadcast %squeeze3A_1242 : f32 to vector<16xf32>
        %mul3A_1307 = arith.mulf %get3A_1305, %mul3A_1306 : vector<16xf32>
        %swap3A_1308 = arith.index_cast %add3A_1246 : i32 to index
        %swap3A_1309 = arith.constant 80 : index
        %swap3A_1310 = tpu.vector_load %arg11[%swap3A_1308, %swap3A_1309] {strides = array<i32>} : memref<128x128xf32, #tpu.memory_space<vmem>>, vector<1x16xf32>,
        %swap3A_1311 = vector.shape_cast %swap3A_1310 : vector<1x16xf32> to vector<16xf32>
        %swap3A_1312 = vector.shape_cast %mul3A_1307 : vector<16xf32> to vector<1x16xf32>
        tpu.vector_store %arg11[%swap3A_1308, %swap3A_1309], %swap3A_1312 {strides = array<i32>} : memref<128x128xf32, #tpu.memory_space<vmem>>, vector<1x16xf32>,
        %get3A_1313 = arith.index_cast %add3A_1246 : i32 to index
        %get3A_1314 = arith.constant 96 : index
        %get3A_1315 = tpu.vector_load %arg11[%get3A_1313, %get3A_1314] {strides = array<i32>} : memref<128x128xf32, #tpu.memory_space<vmem>>, vector<1x16xf32>,
        %get3A_1316 = vector.shape_cast %get3A_1315 : vector<1x16xf32> to vector<16xf32>
        %mul3A_1317 = vector.broadcast %squeeze3A_1242 : f32 to vector<16xf32>
        %mul3A_1318 = arith.mulf %get3A_1316, %mul3A_1317 : vector<16xf32>
        %swap3A_1319 = arith.index_cast %add3A_1246 : i32 to index
        %swap3A_1320 = arith.constant 96 : index
        %swap3A_1321 = tpu.vector_load %arg11[%swap3A_1319, %swap3A_1320] {strides = array<i32>} : memref<128x128xf32, #tpu.memory_space<vmem>>, vector<1x16xf32>,
        %swap3A_1322 = vector.shape_cast %swap3A_1321 : vector<1x16xf32> to vector<16xf32>
        %swap3A_1323 = vector.shape_cast %mul3A_1318 : vector<16xf32> to vector<1x16xf32>
        tpu.vector_store %arg11[%swap3A_1319, %swap3A_1320], %swap3A_1323 {strides = array<i32>} : memref<128x128xf32, #tpu.memory_space<vmem>>, vector<1x16xf32>,
        %get3A_1324 = arith.index_cast %add3A_1246 : i32 to index
        %get3A_1325 = arith.constant 112 : index
        %get3A_1326 = tpu.vector_load %arg11[%get3A_1324, %get3A_1325] {strides = array<i32>} : memref<128x128xf32, #tpu.memory_space<vmem>>, vector<1x16xf32>,
        %get3A_1327 = vector.shape_cast %get3A_1326 : vector<1x16xf32> to vector<16xf32>
        %mul3A_1328 = vector.broadcast %squeeze3A_1242 : f32 to vector<16xf32>
        %mul3A_1329 = arith.mulf %get3A_1327, %mul3A_1328 : vector<16xf32>
        %swap3A_1330 = arith.index_cast %add3A_1246 : i32 to index
        %swap3A_1331 = arith.constant 112 : index
        %swap3A_1332 = tpu.vector_load %arg11[%swap3A_1330, %swap3A_1331] {strides = array<i32>} : memref<128x128xf32, #tpu.memory_space<vmem>>, vector<1x16xf32>,
        %swap3A_1333 = vector.shape_cast %swap3A_1332 : vector<1x16xf32> to vector<16xf32>
        %swap3A_1334 = vector.shape_cast %mul3A_1329 : vector<16xf32> to vector<1x16xf32>
        tpu.vector_store %arg11[%swap3A_1330, %swap3A_1331], %swap3A_1334 {strides = array<i32>} : memref<128x128xf32, #tpu.memory_space<vmem>>, vector<1x16xf32>,
        %slice3A_1335 = vector.extract_strided_slice %get3A_21 {offsets = [14], sizes = [1], strides = [1]} : vector<16xf32> to vector<1xf32>
        %squeeze3A_1336 = vector.extract %slice3A_1335[0] : f32 from vector<1xf32>
        %mul3A_1337 = arith.constant 16 : i32
        %mul3A_1338 = arith.muli %scan3A_16, %mul3A_1337 : i32
        %add3A_1339 = arith.constant 14 : i32
        %add3A_1340 = arith.addi %mul3A_1338, %add3A_1339 : i32
        %get3A_1341 = arith.index_cast %add3A_1340 : i32 to index
        %get3A_1342 = arith.constant 0 : index
        %get3A_1343 = tpu.vector_load %arg11[%get3A_1341, %get3A_1342] {strides = array<i32>} : memref<128x128xf32, #tpu.memory_space<vmem>>, vector<1x16xf32>,
        %get3A_1344 = vector.shape_cast %get3A_1343 : vector<1x16xf32> to vector<16xf32>
        %mul3A_1345 = vector.broadcast %squeeze3A_1336 : f32 to vector<16xf32>
        %mul3A_1346 = arith.mulf %get3A_1344, %mul3A_1345 : vector<16xf32>
        %swap3A_1347 = arith.index_cast %add3A_1340 : i32 to index
        %swap3A_1348 = arith.constant 0 : index
        %swap3A_1349 = tpu.vector_load %arg11[%swap3A_1347, %swap3A_1348] {strides = array<i32>} : memref<128x128xf32, #tpu.memory_space<vmem>>, vector<1x16xf32>,
        %swap3A_1350 = vector.shape_cast %swap3A_1349 : vector<1x16xf32> to vector<16xf32>
        %swap3A_1351 = vector.shape_cast %mul3A_1346 : vector<16xf32> to vector<1x16xf32>
        tpu.vector_store %arg11[%swap3A_1347, %swap3A_1348], %swap3A_1351 {strides = array<i32>} : memref<128x128xf32, #tpu.memory_space<vmem>>, vector<1x16xf32>,
        %get3A_1352 = arith.index_cast %add3A_1340 : i32 to index
        %get3A_1353 = arith.constant 16 : index
        %get3A_1354 = tpu.vector_load %arg11[%get3A_1352, %get3A_1353] {strides = array<i32>} : memref<128x128xf32, #tpu.memory_space<vmem>>, vector<1x16xf32>,
        %get3A_1355 = vector.shape_cast %get3A_1354 : vector<1x16xf32> to vector<16xf32>
        %mul3A_1356 = vector.broadcast %squeeze3A_1336 : f32 to vector<16xf32>
        %mul3A_1357 = arith.mulf %get3A_1355, %mul3A_1356 : vector<16xf32>
        %swap3A_1358 = arith.index_cast %add3A_1340 : i32 to index
        %swap3A_1359 = arith.constant 16 : index
        %swap3A_1360 = tpu.vector_load %arg11[%swap3A_1358, %swap3A_1359] {strides = array<i32>} : memref<128x128xf32, #tpu.memory_space<vmem>>, vector<1x16xf32>,
        %swap3A_1361 = vector.shape_cast %swap3A_1360 : vector<1x16xf32> to vector<16xf32>
        %swap3A_1362 = vector.shape_cast %mul3A_1357 : vector<16xf32> to vector<1x16xf32>
        tpu.vector_store %arg11[%swap3A_1358, %swap3A_1359], %swap3A_1362 {strides = array<i32>} : memref<128x128xf32, #tpu.memory_space<vmem>>, vector<1x16xf32>,
        %get3A_1363 = arith.index_cast %add3A_1340 : i32 to index
        %get3A_1364 = arith.constant 32 : index
        %get3A_1365 = tpu.vector_load %arg11[%get3A_1363, %get3A_1364] {strides = array<i32>} : memref<128x128xf32, #tpu.memory_space<vmem>>, vector<1x16xf32>,
        %get3A_1366 = vector.shape_cast %get3A_1365 : vector<1x16xf32> to vector<16xf32>
        %mul3A_1367 = vector.broadcast %squeeze3A_1336 : f32 to vector<16xf32>
        %mul3A_1368 = arith.mulf %get3A_1366, %mul3A_1367 : vector<16xf32>
        %swap3A_1369 = arith.index_cast %add3A_1340 : i32 to index
        %swap3A_1370 = arith.constant 32 : index
        %swap3A_1371 = tpu.vector_load %arg11[%swap3A_1369, %swap3A_1370] {strides = array<i32>} : memref<128x128xf32, #tpu.memory_space<vmem>>, vector<1x16xf32>,
        %swap3A_1372 = vector.shape_cast %swap3A_1371 : vector<1x16xf32> to vector<16xf32>
        %swap3A_1373 = vector.shape_cast %mul3A_1368 : vector<16xf32> to vector<1x16xf32>
        tpu.vector_store %arg11[%swap3A_1369, %swap3A_1370], %swap3A_1373 {strides = array<i32>} : memref<128x128xf32, #tpu.memory_space<vmem>>, vector<1x16xf32>,
        %get3A_1374 = arith.index_cast %add3A_1340 : i32 to index
        %get3A_1375 = arith.constant 48 : index
        %get3A_1376 = tpu.vector_load %arg11[%get3A_1374, %get3A_1375] {strides = array<i32>} : memref<128x128xf32, #tpu.memory_space<vmem>>, vector<1x16xf32>,
        %get3A_1377 = vector.shape_cast %get3A_1376 : vector<1x16xf32> to vector<16xf32>
        %mul3A_1378 = vector.broadcast %squeeze3A_1336 : f32 to vector<16xf32>
        %mul3A_1379 = arith.mulf %get3A_1377, %mul3A_1378 : vector<16xf32>
        %swap3A_1380 = arith.index_cast %add3A_1340 : i32 to index
        %swap3A_1381 = arith.constant 48 : index
        %swap3A_1382 = tpu.vector_load %arg11[%swap3A_1380, %swap3A_1381] {strides = array<i32>} : memref<128x128xf32, #tpu.memory_space<vmem>>, vector<1x16xf32>,
        %swap3A_1383 = vector.shape_cast %swap3A_1382 : vector<1x16xf32> to vector<16xf32>
        %swap3A_1384 = vector.shape_cast %mul3A_1379 : vector<16xf32> to vector<1x16xf32>
        tpu.vector_store %arg11[%swap3A_1380, %swap3A_1381], %swap3A_1384 {strides = array<i32>} : memref<128x128xf32, #tpu.memory_space<vmem>>, vector<1x16xf32>,
        %get3A_1385 = arith.index_cast %add3A_1340 : i32 to index
        %get3A_1386 = arith.constant 64 : index
        %get3A_1387 = tpu.vector_load %arg11[%get3A_1385, %get3A_1386] {strides = array<i32>} : memref<128x128xf32, #tpu.memory_space<vmem>>, vector<1x16xf32>,
        %get3A_1388 = vector.shape_cast %get3A_1387 : vector<1x16xf32> to vector<16xf32>
        %mul3A_1389 = vector.broadcast %squeeze3A_1336 : f32 to vector<16xf32>
        %mul3A_1390 = arith.mulf %get3A_1388, %mul3A_1389 : vector<16xf32>
        %swap3A_1391 = arith.index_cast %add3A_1340 : i32 to index
        %swap3A_1392 = arith.constant 64 : index
        %swap3A_1393 = tpu.vector_load %arg11[%swap3A_1391, %swap3A_1392] {strides = array<i32>} : memref<128x128xf32, #tpu.memory_space<vmem>>, vector<1x16xf32>,
        %swap3A_1394 = vector.shape_cast %swap3A_1393 : vector<1x16xf32> to vector<16xf32>
        %swap3A_1395 = vector.shape_cast %mul3A_1390 : vector<16xf32> to vector<1x16xf32>
        tpu.vector_store %arg11[%swap3A_1391, %swap3A_1392], %swap3A_1395 {strides = array<i32>} : memref<128x128xf32, #tpu.memory_space<vmem>>, vector<1x16xf32>,
        %get3A_1396 = arith.index_cast %add3A_1340 : i32 to index
        %get3A_1397 = arith.constant 80 : index
        %get3A_1398 = tpu.vector_load %arg11[%get3A_1396, %get3A_1397] {strides = array<i32>} : memref<128x128xf32, #tpu.memory_space<vmem>>, vector<1x16xf32>,
        %get3A_1399 = vector.shape_cast %get3A_1398 : vector<1x16xf32> to vector<16xf32>
        %mul3A_1400 = vector.broadcast %squeeze3A_1336 : f32 to vector<16xf32>
        %mul3A_1401 = arith.mulf %get3A_1399, %mul3A_1400 : vector<16xf32>
        %swap3A_1402 = arith.index_cast %add3A_1340 : i32 to index
        %swap3A_1403 = arith.constant 80 : index
        %swap3A_1404 = tpu.vector_load %arg11[%swap3A_1402, %swap3A_1403] {strides = array<i32>} : memref<128x128xf32, #tpu.memory_space<vmem>>, vector<1x16xf32>,
        %swap3A_1405 = vector.shape_cast %swap3A_1404 : vector<1x16xf32> to vector<16xf32>
        %swap3A_1406 = vector.shape_cast %mul3A_1401 : vector<16xf32> to vector<1x16xf32>
        tpu.vector_store %arg11[%swap3A_1402, %swap3A_1403], %swap3A_1406 {strides = array<i32>} : memref<128x128xf32, #tpu.memory_space<vmem>>, vector<1x16xf32>,
        %get3A_1407 = arith.index_cast %add3A_1340 : i32 to index
        %get3A_1408 = arith.constant 96 : index
        %get3A_1409 = tpu.vector_load %arg11[%get3A_1407, %get3A_1408] {strides = array<i32>} : memref<128x128xf32, #tpu.memory_space<vmem>>, vector<1x16xf32>,
        %get3A_1410 = vector.shape_cast %get3A_1409 : vector<1x16xf32> to vector<16xf32>
        %mul3A_1411 = vector.broadcast %squeeze3A_1336 : f32 to vector<16xf32>
        %mul3A_1412 = arith.mulf %get3A_1410, %mul3A_1411 : vector<16xf32>
        %swap3A_1413 = arith.index_cast %add3A_1340 : i32 to index
        %swap3A_1414 = arith.constant 96 : index
        %swap3A_1415 = tpu.vector_load %arg11[%swap3A_1413, %swap3A_1414] {strides = array<i32>} : memref<128x128xf32, #tpu.memory_space<vmem>>, vector<1x16xf32>,
        %swap3A_1416 = vector.shape_cast %swap3A_1415 : vector<1x16xf32> to vector<16xf32>
        %swap3A_1417 = vector.shape_cast %mul3A_1412 : vector<16xf32> to vector<1x16xf32>
        tpu.vector_store %arg11[%swap3A_1413, %swap3A_1414], %swap3A_1417 {strides = array<i32>} : memref<128x128xf32, #tpu.memory_space<vmem>>, vector<1x16xf32>,
        %get3A_1418 = arith.index_cast %add3A_1340 : i32 to index
        %get3A_1419 = arith.constant 112 : index
        %get3A_1420 = tpu.vector_load %arg11[%get3A_1418, %get3A_1419] {strides = array<i32>} : memref<128x128xf32, #tpu.memory_space<vmem>>, vector<1x16xf32>,
        %get3A_1421 = vector.shape_cast %get3A_1420 : vector<1x16xf32> to vector<16xf32>
        %mul3A_1422 = vector.broadcast %squeeze3A_1336 : f32 to vector<16xf32>
        %mul3A_1423 = arith.mulf %get3A_1421, %mul3A_1422 : vector<16xf32>
        %swap3A_1424 = arith.index_cast %add3A_1340 : i32 to index
        %swap3A_1425 = arith.constant 112 : index
        %swap3A_1426 = tpu.vector_load %arg11[%swap3A_1424, %swap3A_1425] {strides = array<i32>} : memref<128x128xf32, #tpu.memory_space<vmem>>, vector<1x16xf32>,
        %swap3A_1427 = vector.shape_cast %swap3A_1426 : vector<1x16xf32> to vector<16xf32>
        %swap3A_1428 = vector.shape_cast %mul3A_1423 : vector<16xf32> to vector<1x16xf32>
        tpu.vector_store %arg11[%swap3A_1424, %swap3A_1425], %swap3A_1428 {strides = array<i32>} : memref<128x128xf32, #tpu.memory_space<vmem>>, vector<1x16xf32>,
        %slice3A_1429 = vector.extract_strided_slice %get3A_21 {offsets = [15], sizes = [1], strides = [1]} : vector<16xf32> to vector<1xf32>
        %squeeze3A_1430 = vector.extract %slice3A_1429[0] : f32 from vector<1xf32>
        %mul3A_1431 = arith.constant 16 : i32
        %mul3A_1432 = arith.muli %scan3A_16, %mul3A_1431 : i32
        %add3A_1433 = arith.constant 15 : i32
        %add3A_1434 = arith.addi %mul3A_1432, %add3A_1433 : i32
        %get3A_1435 = arith.index_cast %add3A_1434 : i32 to index
        %get3A_1436 = arith.constant 0 : index
        %get3A_1437 = tpu.vector_load %arg11[%get3A_1435, %get3A_1436] {strides = array<i32>} : memref<128x128xf32, #tpu.memory_space<vmem>>, vector<1x16xf32>,
        %get3A_1438 = vector.shape_cast %get3A_1437 : vector<1x16xf32> to vector<16xf32>
        %mul3A_1439 = vector.broadcast %squeeze3A_1430 : f32 to vector<16xf32>
        %mul3A_1440 = arith.mulf %get3A_1438, %mul3A_1439 : vector<16xf32>
        %swap3A_1441 = arith.index_cast %add3A_1434 : i32 to index
        %swap3A_1442 = arith.constant 0 : index
        %swap3A_1443 = tpu.vector_load %arg11[%swap3A_1441, %swap3A_1442] {strides = array<i32>} : memref<128x128xf32, #tpu.memory_space<vmem>>, vector<1x16xf32>,
        %swap3A_1444 = vector.shape_cast %swap3A_1443 : vector<1x16xf32> to vector<16xf32>
        %swap3A_1445 = vector.shape_cast %mul3A_1440 : vector<16xf32> to vector<1x16xf32>
        tpu.vector_store %arg11[%swap3A_1441, %swap3A_1442], %swap3A_1445 {strides = array<i32>} : memref<128x128xf32, #tpu.memory_space<vmem>>, vector<1x16xf32>,
        %get3A_1446 = arith.index_cast %add3A_1434 : i32 to index
        %get3A_1447 = arith.constant 16 : index
        %get3A_1448 = tpu.vector_load %arg11[%get3A_1446, %get3A_1447] {strides = array<i32>} : memref<128x128xf32, #tpu.memory_space<vmem>>, vector<1x16xf32>,
        %get3A_1449 = vector.shape_cast %get3A_1448 : vector<1x16xf32> to vector<16xf32>
        %mul3A_1450 = vector.broadcast %squeeze3A_1430 : f32 to vector<16xf32>
        %mul3A_1451 = arith.mulf %get3A_1449, %mul3A_1450 : vector<16xf32>
        %swap3A_1452 = arith.index_cast %add3A_1434 : i32 to index
        %swap3A_1453 = arith.constant 16 : index
        %swap3A_1454 = tpu.vector_load %arg11[%swap3A_1452, %swap3A_1453] {strides = array<i32>} : memref<128x128xf32, #tpu.memory_space<vmem>>, vector<1x16xf32>,
        %swap3A_1455 = vector.shape_cast %swap3A_1454 : vector<1x16xf32> to vector<16xf32>
        %swap3A_1456 = vector.shape_cast %mul3A_1451 : vector<16xf32> to vector<1x16xf32>
        tpu.vector_store %arg11[%swap3A_1452, %swap3A_1453], %swap3A_1456 {strides = array<i32>} : memref<128x128xf32, #tpu.memory_space<vmem>>, vector<1x16xf32>,
        %get3A_1457 = arith.index_cast %add3A_1434 : i32 to index
        %get3A_1458 = arith.constant 32 : index
        %get3A_1459 = tpu.vector_load %arg11[%get3A_1457, %get3A_1458] {strides = array<i32>} : memref<128x128xf32, #tpu.memory_space<vmem>>, vector<1x16xf32>,
        %get3A_1460 = vector.shape_cast %get3A_1459 : vector<1x16xf32> to vector<16xf32>
        %mul3A_1461 = vector.broadcast %squeeze3A_1430 : f32 to vector<16xf32>
        %mul3A_1462 = arith.mulf %get3A_1460, %mul3A_1461 : vector<16xf32>
        %swap3A_1463 = arith.index_cast %add3A_1434 : i32 to index
        %swap3A_1464 = arith.constant 32 : index
        %swap3A_1465 = tpu.vector_load %arg11[%swap3A_1463, %swap3A_1464] {strides = array<i32>} : memref<128x128xf32, #tpu.memory_space<vmem>>, vector<1x16xf32>,
        %swap3A_1466 = vector.shape_cast %swap3A_1465 : vector<1x16xf32> to vector<16xf32>
        %swap3A_1467 = vector.shape_cast %mul3A_1462 : vector<16xf32> to vector<1x16xf32>
        tpu.vector_store %arg11[%swap3A_1463, %swap3A_1464], %swap3A_1467 {strides = array<i32>} : memref<128x128xf32, #tpu.memory_space<vmem>>, vector<1x16xf32>,
        %get3A_1468 = arith.index_cast %add3A_1434 : i32 to index
        %get3A_1469 = arith.constant 48 : index
        %get3A_1470 = tpu.vector_load %arg11[%get3A_1468, %get3A_1469] {strides = array<i32>} : memref<128x128xf32, #tpu.memory_space<vmem>>, vector<1x16xf32>,
        %get3A_1471 = vector.shape_cast %get3A_1470 : vector<1x16xf32> to vector<16xf32>
        %mul3A_1472 = vector.broadcast %squeeze3A_1430 : f32 to vector<16xf32>
        %mul3A_1473 = arith.mulf %get3A_1471, %mul3A_1472 : vector<16xf32>
        %swap3A_1474 = arith.index_cast %add3A_1434 : i32 to index
        %swap3A_1475 = arith.constant 48 : index
        %swap3A_1476 = tpu.vector_load %arg11[%swap3A_1474, %swap3A_1475] {strides = array<i32>} : memref<128x128xf32, #tpu.memory_space<vmem>>, vector<1x16xf32>,
        %swap3A_1477 = vector.shape_cast %swap3A_1476 : vector<1x16xf32> to vector<16xf32>
        %swap3A_1478 = vector.shape_cast %mul3A_1473 : vector<16xf32> to vector<1x16xf32>
        tpu.vector_store %arg11[%swap3A_1474, %swap3A_1475], %swap3A_1478 {strides = array<i32>} : memref<128x128xf32, #tpu.memory_space<vmem>>, vector<1x16xf32>,
        %get3A_1479 = arith.index_cast %add3A_1434 : i32 to index
        %get3A_1480 = arith.constant 64 : index
        %get3A_1481 = tpu.vector_load %arg11[%get3A_1479, %get3A_1480] {strides = array<i32>} : memref<128x128xf32, #tpu.memory_space<vmem>>, vector<1x16xf32>,
        %get3A_1482 = vector.shape_cast %get3A_1481 : vector<1x16xf32> to vector<16xf32>
        %mul3A_1483 = vector.broadcast %squeeze3A_1430 : f32 to vector<16xf32>
        %mul3A_1484 = arith.mulf %get3A_1482, %mul3A_1483 : vector<16xf32>
        %swap3A_1485 = arith.index_cast %add3A_1434 : i32 to index
        %swap3A_1486 = arith.constant 64 : index
        %swap3A_1487 = tpu.vector_load %arg11[%swap3A_1485, %swap3A_1486] {strides = array<i32>} : memref<128x128xf32, #tpu.memory_space<vmem>>, vector<1x16xf32>,
        %swap3A_1488 = vector.shape_cast %swap3A_1487 : vector<1x16xf32> to vector<16xf32>
        %swap3A_1489 = vector.shape_cast %mul3A_1484 : vector<16xf32> to vector<1x16xf32>
        tpu.vector_store %arg11[%swap3A_1485, %swap3A_1486], %swap3A_1489 {strides = array<i32>} : memref<128x128xf32, #tpu.memory_space<vmem>>, vector<1x16xf32>,
        %get3A_1490 = arith.index_cast %add3A_1434 : i32 to index
        %get3A_1491 = arith.constant 80 : index
        %get3A_1492 = tpu.vector_load %arg11[%get3A_1490, %get3A_1491] {strides = array<i32>} : memref<128x128xf32, #tpu.memory_space<vmem>>, vector<1x16xf32>,
        %get3A_1493 = vector.shape_cast %get3A_1492 : vector<1x16xf32> to vector<16xf32>
        %mul3A_1494 = vector.broadcast %squeeze3A_1430 : f32 to vector<16xf32>
        %mul3A_1495 = arith.mulf %get3A_1493, %mul3A_1494 : vector<16xf32>
        %swap3A_1496 = arith.index_cast %add3A_1434 : i32 to index
        %swap3A_1497 = arith.constant 80 : index
        %swap3A_1498 = tpu.vector_load %arg11[%swap3A_1496, %swap3A_1497] {strides = array<i32>} : memref<128x128xf32, #tpu.memory_space<vmem>>, vector<1x16xf32>,
        %swap3A_1499 = vector.shape_cast %swap3A_1498 : vector<1x16xf32> to vector<16xf32>
        %swap3A_1500 = vector.shape_cast %mul3A_1495 : vector<16xf32> to vector<1x16xf32>
        tpu.vector_store %arg11[%swap3A_1496, %swap3A_1497], %swap3A_1500 {strides = array<i32>} : memref<128x128xf32, #tpu.memory_space<vmem>>, vector<1x16xf32>,
        %get3A_1501 = arith.index_cast %add3A_1434 : i32 to index
        %get3A_1502 = arith.constant 96 : index
        %get3A_1503 = tpu.vector_load %arg11[%get3A_1501, %get3A_1502] {strides = array<i32>} : memref<128x128xf32, #tpu.memory_space<vmem>>, vector<1x16xf32>,
        %get3A_1504 = vector.shape_cast %get3A_1503 : vector<1x16xf32> to vector<16xf32>
        %mul3A_1505 = vector.broadcast %squeeze3A_1430 : f32 to vector<16xf32>
        %mul3A_1506 = arith.mulf %get3A_1504, %mul3A_1505 : vector<16xf32>
        %swap3A_1507 = arith.index_cast %add3A_1434 : i32 to index
        %swap3A_1508 = arith.constant 96 : index
        %swap3A_1509 = tpu.vector_load %arg11[%swap3A_1507, %swap3A_1508] {strides = array<i32>} : memref<128x128xf32, #tpu.memory_space<vmem>>, vector<1x16xf32>,
        %swap3A_1510 = vector.shape_cast %swap3A_1509 : vector<1x16xf32> to vector<16xf32>
        %swap3A_1511 = vector.shape_cast %mul3A_1506 : vector<16xf32> to vector<1x16xf32>
        tpu.vector_store %arg11[%swap3A_1507, %swap3A_1508], %swap3A_1511 {strides = array<i32>} : memref<128x128xf32, #tpu.memory_space<vmem>>, vector<1x16xf32>,
        %get3A_1512 = arith.index_cast %add3A_1434 : i32 to index
        %get3A_1513 = arith.constant 112 : index
        %get3A_1514 = tpu.vector_load %arg11[%get3A_1512, %get3A_1513] {strides = array<i32>} : memref<128x128xf32, #tpu.memory_space<vmem>>, vector<1x16xf32>,
        %get3A_1515 = vector.shape_cast %get3A_1514 : vector<1x16xf32> to vector<16xf32>
        %mul3A_1516 = vector.broadcast %squeeze3A_1430 : f32 to vector<16xf32>
        %mul3A_1517 = arith.mulf %get3A_1515, %mul3A_1516 : vector<16xf32>
        %swap3A_1518 = arith.index_cast %add3A_1434 : i32 to index
        %swap3A_1519 = arith.constant 112 : index
        %swap3A_1520 = tpu.vector_load %arg11[%swap3A_1518, %swap3A_1519] {strides = array<i32>} : memref<128x128xf32, #tpu.memory_space<vmem>>, vector<1x16xf32>,
        %swap3A_1521 = vector.shape_cast %swap3A_1520 : vector<1x16xf32> to vector<16xf32>
        %swap3A_1522 = vector.shape_cast %mul3A_1517 : vector<16xf32> to vector<1x16xf32>
        tpu.vector_store %arg11[%swap3A_1518, %swap3A_1519], %swap3A_1522 {strides = array<i32>} : memref<128x128xf32, #tpu.memory_space<vmem>>, vector<1x16xf32>,
      }
      %scan3A_15 = arith.constant 8 : i32
      "tpu.region"() ({
        %run_scoped3A = tpu.sem_alloc : memref<!tpu.dma_semaphore, #tpu.memory_space<semaphore_mem>>
        %dma_start3A = arith.constant 0 : i32
        %dma_start3A_16 = tpu.memref_slice %arg9[%scan3A_9, %dma_start3A] : memref<80x128xi32, #tpu.memory_space<vmem>> -> memref<1x128xi32, #tpu.memory_space<vmem>>
        %dma_start3A_17 = tpu.memref_squeeze %dma_start3A_16 : memref<1x128xi32, #tpu.memory_space<vmem>> -> memref<128xi32, #tpu.memory_space<vmem>>
        %dma_start3A_18 = arith.constant 0 : i32
        %dma_start3A_19 = arith.constant 0 : i32
        %dma_start3A_20 = tpu.memref_slice %arg12[%dma_start3A_18, %dma_start3A_19] : memref<10240x128xf32, #tpu.memory_space<vmem_shared>> -> memref<10240x128xf32, #tpu.memory_space<vmem_shared>>
        tpu.enqueue_indirect_dma source(%arg11 : memref<128x128xf32, #tpu.memory_space<vmem>>) target(%dma_start3A_20 : memref<10240x128xf32, #tpu.memory_space<vmem_shared>>) offsets(%dma_start3A_17 : memref<128xi32, #tpu.memory_space<vmem>>) semaphore(%run_scoped3A : memref<!tpu.dma_semaphore, #tpu.memory_space<semaphore_mem>>) {add = true}
        %dma_wait3A = arith.constant 0 : i32
        %dma_wait3A_21 = tpu.memref_slice %arg9[%scan3A_9, %dma_wait3A] : memref<80x128xi32, #tpu.memory_space<vmem>> -> memref<1x128xi32, #tpu.memory_space<vmem>>
        %dma_wait3A_22 = tpu.memref_squeeze %dma_wait3A_21 : memref<1x128xi32, #tpu.memory_space<vmem>> -> memref<128xi32, #tpu.memory_space<vmem>>
        %dma_wait3A_23 = arith.constant 0 : i32
        %dma_wait3A_24 = arith.constant 0 : i32
        %dma_wait3A_25 = tpu.memref_slice %arg12[%dma_wait3A_23, %dma_wait3A_24] : memref<10240x128xf32, #tpu.memory_space<vmem_shared>> -> memref<10240x128xf32, #tpu.memory_space<vmem_shared>>
        tpu.wait_indirect_dma semaphore(%run_scoped3A : memref<!tpu.dma_semaphore, #tpu.memory_space<semaphore_mem>>) src(%arg11 : memref<128x128xf32, #tpu.memory_space<vmem>>) dst(%dma_wait3A_25 : memref<10240x128xf32, #tpu.memory_space<vmem_shared>>)
        tpu.yield
      }) : () -> ()
    }
    %scan3A_7 = arith.constant 80 : i32
    %barrier3A_8 = arith.constant 0 : index
    tpu.barrier barrier_id(%barrier3A_8)
    "tpu.region"() ({
      %run_scoped3A = tpu.sem_alloc : memref<!tpu.dma_semaphore, #tpu.memory_space<semaphore_mem>>
      %dma_start3A = arith.constant 0 : i32
      %dma_start3A_9 = tpu.memref_slice %arg7[%arg0, %mul3A_2, %dma_start3A] : memref<2x10240x128xf32, #tpu.memory_space<hbm>> -> memref<1x640x128xf32, #tpu.memory_space<hbm>>
      %dma_start3A_10 = tpu.memref_squeeze %dma_start3A_9 : memref<1x640x128xf32, #tpu.memory_space<hbm>> -> memref<640x128xf32, #tpu.memory_space<hbm>>
      %dma_start3A_11 = arith.constant 0 : i32
      %dma_start3A_12 = tpu.memref_slice %arg12[%mul3A_2, %dma_start3A_11] : memref<10240x128xf32, #tpu.memory_space<vmem_shared>> -> memref<640x128xf32, #tpu.memory_space<vmem_shared>>
      tpu.enqueue_dma source(%dma_start3A_12 : memref<640x128xf32, #tpu.memory_space<vmem_shared>>) target(%dma_start3A_10 : memref<640x128xf32, #tpu.memory_space<hbm>>) target_semaphore(%run_scoped3A : memref<!tpu.dma_semaphore, #tpu.memory_space<semaphore_mem>>)
      %dma_wait3A = arith.constant 0 : i32
      %dma_wait3A_13 = tpu.memref_slice %arg7[%arg0, %mul3A_2, %dma_wait3A] : memref<2x10240x128xf32, #tpu.memory_space<hbm>> -> memref<1x640x128xf32, #tpu.memory_space<hbm>>
      %dma_wait3A_14 = tpu.memref_squeeze %dma_wait3A_13 : memref<1x640x128xf32, #tpu.memory_space<hbm>> -> memref<640x128xf32, #tpu.memory_space<hbm>>
      %dma_wait3A_15 = arith.constant 0 : i32
      %dma_wait3A_16 = tpu.memref_slice %arg12[%mul3A_2, %dma_wait3A_15] : memref<10240x128xf32, #tpu.memory_space<vmem_shared>> -> memref<640x128xf32, #tpu.memory_space<vmem_shared>>
      tpu.wait_dma2 semaphore(%run_scoped3A : memref<!tpu.dma_semaphore, #tpu.memory_space<semaphore_mem>>) src(%dma_wait3A_16 : memref<640x128xf32, #tpu.memory_space<vmem_shared>>) dst(%dma_wait3A_14 : memref<640x128xf32, #tpu.memory_space<hbm>>)
      tpu.yield
    }) : () -> ()
    return
  }
}

#map = affine_map<(d0, d1) -> (0, 0)>
#map1 = affine_map<(d0, d1) -> (0, 0, 0)>
module attributes {stable_mosaic.version = 14 : i64} {
  func.func @_msg_pass(%arg0: i32, %arg1: i32, %arg2: memref<10240x128xf32, #tpu.memory_space<hbm>>, %arg3: memref<32x80x128xi32, #tpu.memory_space<hbm>>, %arg4: memref<32x80x128xi32, #tpu.memory_space<hbm>>, %arg5: memref<32x80x128xf32, #tpu.memory_space<hbm>>, %arg6: memref<10240x128xf32, #tpu.memory_space<hbm>>, %arg7: memref<2x10240x128xf32, #tpu.memory_space<hbm>>, %arg8: memref<80x128xi32, #tpu.memory_space<vmem>>, %arg9: memref<80x128xi32, #tpu.memory_space<vmem>>, %arg10: memref<80x128xf32, #tpu.memory_space<vmem>>, %arg11: memref<128x128xf32, #tpu.memory_space<vmem>>, %arg12: memref<10240x128xf32, #tpu.memory_space<vmem_shared>>) attributes {dimension_semantics = [#tpu.dimension_semantics<core_parallel>, #tpu.dimension_semantics<subcore_parallel>], iteration_bounds = array<i64: 2, 16>, scalar_prefetch = 0 : i64, scratch_operands = 5 : i64, tpu.core_type = #tpu.core_type<sc_vector_subcore>, window_params = [{transform_indices = #map}, {transform_indices = #map1}, {transform_indices = #map1}, {transform_indices = #map1}, {transform_indices = #map}, {transform_indices = #map1}]} {
    %mul3A = arith.constant 16 : i32
    %mul3A_0 = arith.muli %arg0, %mul3A : i32
    %add3A = arith.addi %mul3A_0, %arg1 : i32
    %mul3A_1 = arith.constant 640 : i32
    %mul3A_2 = arith.muli %arg1, %mul3A_1 : i32
    "tpu.region"() ({
      %run_scoped3A = tpu.sem_alloc : memref<!tpu.dma_semaphore, #tpu.memory_space<semaphore_mem>>
      %dma_start3A = arith.constant 0 : i32
      %dma_start3A_9 = tpu.memref_slice %arg12[%mul3A_2, %dma_start3A] : memref<10240x128xf32, #tpu.memory_space<vmem_shared>> -> memref<640x128xf32, #tpu.memory_space<vmem_shared>>
      %dma_start3A_10 = arith.constant 0 : i32
      %dma_start3A_11 = tpu.memref_slice %arg6[%mul3A_2, %dma_start3A_10] : memref<10240x128xf32, #tpu.memory_space<hbm>> -> memref<640x128xf32, #tpu.memory_space<hbm>>
      tpu.enqueue_dma source(%dma_start3A_11 : memref<640x128xf32, #tpu.memory_space<hbm>>) target(%dma_start3A_9 : memref<640x128xf32, #tpu.memory_space<vmem_shared>>) target_semaphore(%run_scoped3A : memref<!tpu.dma_semaphore, #tpu.memory_space<semaphore_mem>>)
      %dma_wait3A = arith.constant 0 : i32
      %dma_wait3A_12 = tpu.memref_slice %arg12[%mul3A_2, %dma_wait3A] : memref<10240x128xf32, #tpu.memory_space<vmem_shared>> -> memref<640x128xf32, #tpu.memory_space<vmem_shared>>
      %dma_wait3A_13 = arith.constant 0 : i32
      %dma_wait3A_14 = tpu.memref_slice %arg6[%mul3A_2, %dma_wait3A_13] : memref<10240x128xf32, #tpu.memory_space<hbm>> -> memref<640x128xf32, #tpu.memory_space<hbm>>
      tpu.wait_dma2 semaphore(%run_scoped3A : memref<!tpu.dma_semaphore, #tpu.memory_space<semaphore_mem>>) src(%dma_wait3A_14 : memref<640x128xf32, #tpu.memory_space<hbm>>) dst(%dma_wait3A_12 : memref<640x128xf32, #tpu.memory_space<vmem_shared>>)
      tpu.yield
    }) : () -> ()
    "tpu.region"() ({
      %run_scoped3A = tpu.sem_alloc : memref<!tpu.dma_semaphore, #tpu.memory_space<semaphore_mem>>
      %dma_start3A = arith.constant 0 : i32
      %dma_start3A_9 = arith.constant 0 : i32
      %dma_start3A_10 = tpu.memref_slice %arg3[%add3A, %dma_start3A, %dma_start3A_9] : memref<32x80x128xi32, #tpu.memory_space<hbm>> -> memref<1x80x128xi32, #tpu.memory_space<hbm>>
      %dma_start3A_11 = tpu.memref_squeeze %dma_start3A_10 : memref<1x80x128xi32, #tpu.memory_space<hbm>> -> memref<80x128xi32, #tpu.memory_space<hbm>>
      %dma_start3A_12 = arith.constant 0 : i32
      %dma_start3A_13 = arith.constant 0 : i32
      %dma_start3A_14 = tpu.memref_slice %arg3[%add3A, %dma_start3A_12, %dma_start3A_13] : memref<32x80x128xi32, #tpu.memory_space<hbm>> -> memref<1x80x128xi32, #tpu.memory_space<hbm>>
      %dma_start3A_15 = tpu.memref_squeeze %dma_start3A_14 : memref<1x80x128xi32, #tpu.memory_space<hbm>> -> memref<80x128xi32, #tpu.memory_space<hbm>>
      tpu.enqueue_dma source(%dma_start3A_15 : memref<80x128xi32, #tpu.memory_space<hbm>>) target(%arg8 : memref<80x128xi32, #tpu.memory_space<vmem>>) target_semaphore(%run_scoped3A : memref<!tpu.dma_semaphore, #tpu.memory_space<semaphore_mem>>)
      %dma_wait3A = arith.constant 0 : i32
      %dma_wait3A_16 = arith.constant 0 : i32
      %dma_wait3A_17 = tpu.memref_slice %arg3[%add3A, %dma_wait3A, %dma_wait3A_16] : memref<32x80x128xi32, #tpu.memory_space<hbm>> -> memref<1x80x128xi32, #tpu.memory_space<hbm>>
      %dma_wait3A_18 = tpu.memref_squeeze %dma_wait3A_17 : memref<1x80x128xi32, #tpu.memory_space<hbm>> -> memref<80x128xi32, #tpu.memory_space<hbm>>
      %dma_wait3A_19 = arith.constant 0 : i32
      %dma_wait3A_20 = arith.constant 0 : i32
      %dma_wait3A_21 = tpu.memref_slice %arg3[%add3A, %dma_wait3A_19, %dma_wait3A_20] : memref<32x80x128xi32, #tpu.memory_space<hbm>> -> memref<1x80x128xi32, #tpu.memory_space<hbm>>
      %dma_wait3A_22 = tpu.memref_squeeze %dma_wait3A_21 : memref<1x80x128xi32, #tpu.memory_space<hbm>> -> memref<80x128xi32, #tpu.memory_space<hbm>>
      tpu.wait_dma2 semaphore(%run_scoped3A : memref<!tpu.dma_semaphore, #tpu.memory_space<semaphore_mem>>) src(%dma_wait3A_22 : memref<80x128xi32, #tpu.memory_space<hbm>>) dst(%arg8 : memref<80x128xi32, #tpu.memory_space<vmem>>)
      tpu.yield
    }) : () -> ()
    "tpu.region"() ({
      %run_scoped3A = tpu.sem_alloc : memref<!tpu.dma_semaphore, #tpu.memory_space<semaphore_mem>>
      %dma_start3A = arith.constant 0 : i32
      %dma_start3A_9 = arith.constant 0 : i32
      %dma_start3A_10 = tpu.memref_slice %arg4[%add3A, %dma_start3A, %dma_start3A_9] : memref<32x80x128xi32, #tpu.memory_space<hbm>> -> memref<1x80x128xi32, #tpu.memory_space<hbm>>
      %dma_start3A_11 = tpu.memref_squeeze %dma_start3A_10 : memref<1x80x128xi32, #tpu.memory_space<hbm>> -> memref<80x128xi32, #tpu.memory_space<hbm>>
      %dma_start3A_12 = arith.constant 0 : i32
      %dma_start3A_13 = arith.constant 0 : i32
      %dma_start3A_14 = tpu.memref_slice %arg4[%add3A, %dma_start3A_12, %dma_start3A_13] : memref<32x80x128xi32, #tpu.memory_space<hbm>> -> memref<1x80x128xi32, #tpu.memory_space<hbm>>
      %dma_start3A_15 = tpu.memref_squeeze %dma_start3A_14 : memref<1x80x128xi32, #tpu.memory_space<hbm>> -> memref<80x128xi32, #tpu.memory_space<hbm>>
      tpu.enqueue_dma source(%dma_start3A_15 : memref<80x128xi32, #tpu.memory_space<hbm>>) target(%arg9 : memref<80x128xi32, #tpu.memory_space<vmem>>) target_semaphore(%run_scoped3A : memref<!tpu.dma_semaphore, #tpu.memory_space<semaphore_mem>>)
      %dma_wait3A = arith.constant 0 : i32
      %dma_wait3A_16 = arith.constant 0 : i32
      %dma_wait3A_17 = tpu.memref_slice %arg4[%add3A, %dma_wait3A, %dma_wait3A_16] : memref<32x80x128xi32, #tpu.memory_space<hbm>> -> memref<1x80x128xi32, #tpu.memory_space<hbm>>
      %dma_wait3A_18 = tpu.memref_squeeze %dma_wait3A_17 : memref<1x80x128xi32, #tpu.memory_space<hbm>> -> memref<80x128xi32, #tpu.memory_space<hbm>>
      %dma_wait3A_19 = arith.constant 0 : i32
      %dma_wait3A_20 = arith.constant 0 : i32
      %dma_wait3A_21 = tpu.memref_slice %arg4[%add3A, %dma_wait3A_19, %dma_wait3A_20] : memref<32x80x128xi32, #tpu.memory_space<hbm>> -> memref<1x80x128xi32, #tpu.memory_space<hbm>>
      %dma_wait3A_22 = tpu.memref_squeeze %dma_wait3A_21 : memref<1x80x128xi32, #tpu.memory_space<hbm>> -> memref<80x128xi32, #tpu.memory_space<hbm>>
      tpu.wait_dma2 semaphore(%run_scoped3A : memref<!tpu.dma_semaphore, #tpu.memory_space<semaphore_mem>>) src(%dma_wait3A_22 : memref<80x128xi32, #tpu.memory_space<hbm>>) dst(%arg9 : memref<80x128xi32, #tpu.memory_space<vmem>>)
      tpu.yield
    }) : () -> ()
    "tpu.region"() ({
      %run_scoped3A = tpu.sem_alloc : memref<!tpu.dma_semaphore, #tpu.memory_space<semaphore_mem>>
      %dma_start3A = arith.constant 0 : i32
      %dma_start3A_9 = arith.constant 0 : i32
      %dma_start3A_10 = tpu.memref_slice %arg5[%add3A, %dma_start3A, %dma_start3A_9] : memref<32x80x128xf32, #tpu.memory_space<hbm>> -> memref<1x80x128xf32, #tpu.memory_space<hbm>>
      %dma_start3A_11 = tpu.memref_squeeze %dma_start3A_10 : memref<1x80x128xf32, #tpu.memory_space<hbm>> -> memref<80x128xf32, #tpu.memory_space<hbm>>
      %dma_start3A_12 = arith.constant 0 : i32
      %dma_start3A_13 = arith.constant 0 : i32
      %dma_start3A_14 = tpu.memref_slice %arg5[%add3A, %dma_start3A_12, %dma_start3A_13] : memref<32x80x128xf32, #tpu.memory_space<hbm>> -> memref<1x80x128xf32, #tpu.memory_space<hbm>>
      %dma_start3A_15 = tpu.memref_squeeze %dma_start3A_14 : memref<1x80x128xf32, #tpu.memory_space<hbm>> -> memref<80x128xf32, #tpu.memory_space<hbm>>
      tpu.enqueue_dma source(%dma_start3A_15 : memref<80x128xf32, #tpu.memory_space<hbm>>) target(%arg10 : memref<80x128xf32, #tpu.memory_space<vmem>>) target_semaphore(%run_scoped3A : memref<!tpu.dma_semaphore, #tpu.memory_space<semaphore_mem>>)
      %dma_wait3A = arith.constant 0 : i32
      %dma_wait3A_16 = arith.constant 0 : i32
      %dma_wait3A_17 = tpu.memref_slice %arg5[%add3A, %dma_wait3A, %dma_wait3A_16] : memref<32x80x128xf32, #tpu.memory_space<hbm>> -> memref<1x80x128xf32, #tpu.memory_space<hbm>>
      %dma_wait3A_18 = tpu.memref_squeeze %dma_wait3A_17 : memref<1x80x128xf32, #tpu.memory_space<hbm>> -> memref<80x128xf32, #tpu.memory_space<hbm>>
      %dma_wait3A_19 = arith.constant 0 : i32
      %dma_wait3A_20 = arith.constant 0 : i32
      %dma_wait3A_21 = tpu.memref_slice %arg5[%add3A, %dma_wait3A_19, %dma_wait3A_20] : memref<32x80x128xf32, #tpu.memory_space<hbm>> -> memref<1x80x128xf32, #tpu.memory_space<hbm>>
      %dma_wait3A_22 = tpu.memref_squeeze %dma_wait3A_21 : memref<1x80x128xf32, #tpu.memory_space<hbm>> -> memref<80x128xf32, #tpu.memory_space<hbm>>
      tpu.wait_dma2 semaphore(%run_scoped3A : memref<!tpu.dma_semaphore, #tpu.memory_space<semaphore_mem>>) src(%dma_wait3A_22 : memref<80x128xf32, #tpu.memory_space<hbm>>) dst(%arg10 : memref<80x128xf32, #tpu.memory_space<vmem>>)
      tpu.yield
    }) : () -> ()
    %barrier3A = arith.constant 0 : index
    tpu.barrier barrier_id(%barrier3A)
    %scan3A = arith.constant 0 : i32
    %scan3A_3 = arith.constant 0 : i32
    %scan3A_4 = arith.constant 80 : i32
    %scan3A_5 = arith.addi %scan3A_3, %scan3A_4 : i32
    %scan3A_6 = arith.constant 1 : i32
    scf.for %scan3A_9 = %scan3A_3 to %scan3A_5 step %scan3A_6  : i32 {
      "tpu.region"() ({
        %run_scoped3A = tpu.sem_alloc : memref<!tpu.dma_semaphore, #tpu.memory_space<semaphore_mem>>
        %dma_start3A = arith.constant 0 : i32
        %dma_start3A_16 = tpu.memref_slice %arg8[%scan3A_9, %dma_start3A] : memref<80x128xi32, #tpu.memory_space<vmem>> -> memref<1x128xi32, #tpu.memory_space<vmem>>
        %dma_start3A_17 = tpu.memref_squeeze %dma_start3A_16 : memref<1x128xi32, #tpu.memory_space<vmem>> -> memref<128xi32, #tpu.memory_space<vmem>>
        %dma_start3A_18 = arith.constant 0 : i32
        %dma_start3A_19 = arith.constant 0 : i32
        %dma_start3A_20 = tpu.memref_slice %arg2[%dma_start3A_18, %dma_start3A_19] : memref<10240x128xf32, #tpu.memory_space<hbm>> -> memref<10240x128xf32, #tpu.memory_space<hbm>>
        tpu.enqueue_indirect_dma source(%dma_start3A_20 : memref<10240x128xf32, #tpu.memory_space<hbm>>) target(%arg11 : memref<128x128xf32, #tpu.memory_space<vmem>>) offsets(%dma_start3A_17 : memref<128xi32, #tpu.memory_space<vmem>>) semaphore(%run_scoped3A : memref<!tpu.dma_semaphore, #tpu.memory_space<semaphore_mem>>)
        %dma_wait3A = arith.constant 0 : i32
        %dma_wait3A_21 = tpu.memref_slice %arg8[%scan3A_9, %dma_wait3A] : memref<80x128xi32, #tpu.memory_space<vmem>> -> memref<1x128xi32, #tpu.memory_space<vmem>>
        %dma_wait3A_22 = tpu.memref_squeeze %dma_wait3A_21 : memref<1x128xi32, #tpu.memory_space<vmem>> -> memref<128xi32, #tpu.memory_space<vmem>>
        %dma_wait3A_23 = arith.constant 0 : i32
        %dma_wait3A_24 = arith.constant 0 : i32
        %dma_wait3A_25 = tpu.memref_slice %arg2[%dma_wait3A_23, %dma_wait3A_24] : memref<10240x128xf32, #tpu.memory_space<hbm>> -> memref<10240x128xf32, #tpu.memory_space<hbm>>
        tpu.wait_indirect_dma semaphore(%run_scoped3A : memref<!tpu.dma_semaphore, #tpu.memory_space<semaphore_mem>>) src(%dma_wait3A_25 : memref<10240x128xf32, #tpu.memory_space<hbm>>) dst(%arg11 : memref<128x128xf32, #tpu.memory_space<vmem>>)
        tpu.yield
      }) : () -> ()
      %scan3A_10 = arith.constant 0 : i32
      %scan3A_11 = arith.constant 0 : i32
      %scan3A_12 = arith.constant 8 : i32
      %scan3A_13 = arith.addi %scan3A_11, %scan3A_12 : i32
      %scan3A_14 = arith.constant 1 : i32
      scf.for %scan3A_16 = %scan3A_11 to %scan3A_13 step %scan3A_14  : i32 {
        %mul3A_17 = arith.constant 16 : i32
        %mul3A_18 = arith.muli %scan3A_16, %mul3A_17 : i32
        %get3A = arith.index_cast %scan3A_9 : i32 to index
        %get3A_19 = arith.index_cast %mul3A_18 : i32 to index
        %get3A_20 = tpu.vector_load %arg10[%get3A, %get3A_19] {strides = array<i32>} : memref<80x128xf32, #tpu.memory_space<vmem>>, vector<1x16xf32>,
        %get3A_21 = vector.shape_cast %get3A_20 : vector<1x16xf32> to vector<16xf32>
        %slice3A = vector.extract_strided_slice %get3A_21 {offsets = [0], sizes = [1], strides = [1]} : vector<16xf32> to vector<1xf32>
        %squeeze3A = vector.extract %slice3A[0] : f32 from vector<1xf32>
        %mul3A_22 = arith.constant 16 : i32
        %mul3A_23 = arith.muli %scan3A_16, %mul3A_22 : i32
        %add3A_24 = arith.constant 0 : i32
        %add3A_25 = arith.addi %mul3A_23, %add3A_24 : i32
        %get3A_26 = arith.index_cast %add3A_25 : i32 to index
        %get3A_27 = arith.constant 0 : index
        %get3A_28 = tpu.vector_load %arg11[%get3A_26, %get3A_27] {strides = array<i32>} : memref<128x128xf32, #tpu.memory_space<vmem>>, vector<1x16xf32>,
        %get3A_29 = vector.shape_cast %get3A_28 : vector<1x16xf32> to vector<16xf32>
        %mul3A_30 = vector.broadcast %squeeze3A : f32 to vector<16xf32>
        %mul3A_31 = arith.mulf %get3A_29, %mul3A_30 : vector<16xf32>
        %swap3A = arith.index_cast %add3A_25 : i32 to index
        %swap3A_32 = arith.constant 0 : index
        %swap3A_33 = tpu.vector_load %arg11[%swap3A, %swap3A_32] {strides = array<i32>} : memref<128x128xf32, #tpu.memory_space<vmem>>, vector<1x16xf32>,
        %swap3A_34 = vector.shape_cast %swap3A_33 : vector<1x16xf32> to vector<16xf32>
        %swap3A_35 = vector.shape_cast %mul3A_31 : vector<16xf32> to vector<1x16xf32>
        tpu.vector_store %arg11[%swap3A, %swap3A_32], %swap3A_35 {strides = array<i32>} : memref<128x128xf32, #tpu.memory_space<vmem>>, vector<1x16xf32>,
        %get3A_36 = arith.index_cast %add3A_25 : i32 to index
        %get3A_37 = arith.constant 16 : index
        %get3A_38 = tpu.vector_load %arg11[%get3A_36, %get3A_37] {strides = array<i32>} : memref<128x128xf32, #tpu.memory_space<vmem>>, vector<1x16xf32>,
        %get3A_39 = vector.shape_cast %get3A_38 : vector<1x16xf32> to vector<16xf32>
        %mul3A_40 = vector.broadcast %squeeze3A : f32 to vector<16xf32>
        %mul3A_41 = arith.mulf %get3A_39, %mul3A_40 : vector<16xf32>
        %swap3A_42 = arith.index_cast %add3A_25 : i32 to index
        %swap3A_43 = arith.constant 16 : index
        %swap3A_44 = tpu.vector_load %arg11[%swap3A_42, %swap3A_43] {strides = array<i32>} : memref<128x128xf32, #tpu.memory_space<vmem>>, vector<1x16xf32>,
        %swap3A_45 = vector.shape_cast %swap3A_44 : vector<1x16xf32> to vector<16xf32>
        %swap3A_46 = vector.shape_cast %mul3A_41 : vector<16xf32> to vector<1x16xf32>
        tpu.vector_store %arg11[%swap3A_42, %swap3A_43], %swap3A_46 {strides = array<i32>} : memref<128x128xf32, #tpu.memory_space<vmem>>, vector<1x16xf32>,
        %get3A_47 = arith.index_cast %add3A_25 : i32 to index
        %get3A_48 = arith.constant 32 : index
        %get3A_49 = tpu.vector_load %arg11[%get3A_47, %get3A_48] {strides = array<i32>} : memref<128x128xf32, #tpu.memory_space<vmem>>, vector<1x16xf32>,
        %get3A_50 = vector.shape_cast %get3A_49 : vector<1x16xf32> to vector<16xf32>
        %mul3A_51 = vector.broadcast %squeeze3A : f32 to vector<16xf32>
        %mul3A_52 = arith.mulf %get3A_50, %mul3A_51 : vector<16xf32>
        %swap3A_53 = arith.index_cast %add3A_25 : i32 to index
        %swap3A_54 = arith.constant 32 : index
        %swap3A_55 = tpu.vector_load %arg11[%swap3A_53, %swap3A_54] {strides = array<i32>} : memref<128x128xf32, #tpu.memory_space<vmem>>, vector<1x16xf32>,
        %swap3A_56 = vector.shape_cast %swap3A_55 : vector<1x16xf32> to vector<16xf32>
        %swap3A_57 = vector.shape_cast %mul3A_52 : vector<16xf32> to vector<1x16xf32>
        tpu.vector_store %arg11[%swap3A_53, %swap3A_54], %swap3A_57 {strides = array<i32>} : memref<128x128xf32, #tpu.memory_space<vmem>>, vector<1x16xf32>,
        %get3A_58 = arith.index_cast %add3A_25 : i32 to index
        %get3A_59 = arith.constant 48 : index
        %get3A_60 = tpu.vector_load %arg11[%get3A_58, %get3A_59] {strides = array<i32>} : memref<128x128xf32, #tpu.memory_space<vmem>>, vector<1x16xf32>,
        %get3A_61 = vector.shape_cast %get3A_60 : vector<1x16xf32> to vector<16xf32>
        %mul3A_62 = vector.broadcast %squeeze3A : f32 to vector<16xf32>
        %mul3A_63 = arith.mulf %get3A_61, %mul3A_62 : vector<16xf32>
        %swap3A_64 = arith.index_cast %add3A_25 : i32 to index
        %swap3A_65 = arith.constant 48 : index
        %swap3A_66 = tpu.vector_load %arg11[%swap3A_64, %swap3A_65] {strides = array<i32>} : memref<128x128xf32, #tpu.memory_space<vmem>>, vector<1x16xf32>,
        %swap3A_67 = vector.shape_cast %swap3A_66 : vector<1x16xf32> to vector<16xf32>
        %swap3A_68 = vector.shape_cast %mul3A_63 : vector<16xf32> to vector<1x16xf32>
        tpu.vector_store %arg11[%swap3A_64, %swap3A_65], %swap3A_68 {strides = array<i32>} : memref<128x128xf32, #tpu.memory_space<vmem>>, vector<1x16xf32>,
        %get3A_69 = arith.index_cast %add3A_25 : i32 to index
        %get3A_70 = arith.constant 64 : index
        %get3A_71 = tpu.vector_load %arg11[%get3A_69, %get3A_70] {strides = array<i32>} : memref<128x128xf32, #tpu.memory_space<vmem>>, vector<1x16xf32>,
        %get3A_72 = vector.shape_cast %get3A_71 : vector<1x16xf32> to vector<16xf32>
        %mul3A_73 = vector.broadcast %squeeze3A : f32 to vector<16xf32>
        %mul3A_74 = arith.mulf %get3A_72, %mul3A_73 : vector<16xf32>
        %swap3A_75 = arith.index_cast %add3A_25 : i32 to index
        %swap3A_76 = arith.constant 64 : index
        %swap3A_77 = tpu.vector_load %arg11[%swap3A_75, %swap3A_76] {strides = array<i32>} : memref<128x128xf32, #tpu.memory_space<vmem>>, vector<1x16xf32>,
        %swap3A_78 = vector.shape_cast %swap3A_77 : vector<1x16xf32> to vector<16xf32>
        %swap3A_79 = vector.shape_cast %mul3A_74 : vector<16xf32> to vector<1x16xf32>
        tpu.vector_store %arg11[%swap3A_75, %swap3A_76], %swap3A_79 {strides = array<i32>} : memref<128x128xf32, #tpu.memory_space<vmem>>, vector<1x16xf32>,
        %get3A_80 = arith.index_cast %add3A_25 : i32 to index
        %get3A_81 = arith.constant 80 : index
        %get3A_82 = tpu.vector_load %arg11[%get3A_80, %get3A_81] {strides = array<i32>} : memref<128x128xf32, #tpu.memory_space<vmem>>, vector<1x16xf32>,
        %get3A_83 = vector.shape_cast %get3A_82 : vector<1x16xf32> to vector<16xf32>
        %mul3A_84 = vector.broadcast %squeeze3A : f32 to vector<16xf32>
        %mul3A_85 = arith.mulf %get3A_83, %mul3A_84 : vector<16xf32>
        %swap3A_86 = arith.index_cast %add3A_25 : i32 to index
        %swap3A_87 = arith.constant 80 : index
        %swap3A_88 = tpu.vector_load %arg11[%swap3A_86, %swap3A_87] {strides = array<i32>} : memref<128x128xf32, #tpu.memory_space<vmem>>, vector<1x16xf32>,
        %swap3A_89 = vector.shape_cast %swap3A_88 : vector<1x16xf32> to vector<16xf32>
        %swap3A_90 = vector.shape_cast %mul3A_85 : vector<16xf32> to vector<1x16xf32>
        tpu.vector_store %arg11[%swap3A_86, %swap3A_87], %swap3A_90 {strides = array<i32>} : memref<128x128xf32, #tpu.memory_space<vmem>>, vector<1x16xf32>,
        %get3A_91 = arith.index_cast %add3A_25 : i32 to index
        %get3A_92 = arith.constant 96 : index
        %get3A_93 = tpu.vector_load %arg11[%get3A_91, %get3A_92] {strides = array<i32>} : memref<128x128xf32, #tpu.memory_space<vmem>>, vector<1x16xf32>,
        %get3A_94 = vector.shape_cast %get3A_93 : vector<1x16xf32> to vector<16xf32>
        %mul3A_95 = vector.broadcast %squeeze3A : f32 to vector<16xf32>
        %mul3A_96 = arith.mulf %get3A_94, %mul3A_95 : vector<16xf32>
        %swap3A_97 = arith.index_cast %add3A_25 : i32 to index
        %swap3A_98 = arith.constant 96 : index
        %swap3A_99 = tpu.vector_load %arg11[%swap3A_97, %swap3A_98] {strides = array<i32>} : memref<128x128xf32, #tpu.memory_space<vmem>>, vector<1x16xf32>,
        %swap3A_100 = vector.shape_cast %swap3A_99 : vector<1x16xf32> to vector<16xf32>
        %swap3A_101 = vector.shape_cast %mul3A_96 : vector<16xf32> to vector<1x16xf32>
        tpu.vector_store %arg11[%swap3A_97, %swap3A_98], %swap3A_101 {strides = array<i32>} : memref<128x128xf32, #tpu.memory_space<vmem>>, vector<1x16xf32>,
        %get3A_102 = arith.index_cast %add3A_25 : i32 to index
        %get3A_103 = arith.constant 112 : index
        %get3A_104 = tpu.vector_load %arg11[%get3A_102, %get3A_103] {strides = array<i32>} : memref<128x128xf32, #tpu.memory_space<vmem>>, vector<1x16xf32>,
        %get3A_105 = vector.shape_cast %get3A_104 : vector<1x16xf32> to vector<16xf32>
        %mul3A_106 = vector.broadcast %squeeze3A : f32 to vector<16xf32>
        %mul3A_107 = arith.mulf %get3A_105, %mul3A_106 : vector<16xf32>
        %swap3A_108 = arith.index_cast %add3A_25 : i32 to index
        %swap3A_109 = arith.constant 112 : index
        %swap3A_110 = tpu.vector_load %arg11[%swap3A_108, %swap3A_109] {strides = array<i32>} : memref<128x128xf32, #tpu.memory_space<vmem>>, vector<1x16xf32>,
        %swap3A_111 = vector.shape_cast %swap3A_110 : vector<1x16xf32> to vector<16xf32>
        %swap3A_112 = vector.shape_cast %mul3A_107 : vector<16xf32> to vector<1x16xf32>
        tpu.vector_store %arg11[%swap3A_108, %swap3A_109], %swap3A_112 {strides = array<i32>} : memref<128x128xf32, #tpu.memory_space<vmem>>, vector<1x16xf32>,
        %slice3A_113 = vector.extract_strided_slice %get3A_21 {offsets = [1], sizes = [1], strides = [1]} : vector<16xf32> to vector<1xf32>
        %squeeze3A_114 = vector.extract %slice3A_113[0] : f32 from vector<1xf32>
        %mul3A_115 = arith.constant 16 : i32
        %mul3A_116 = arith.muli %scan3A_16, %mul3A_115 : i32
        %add3A_117 = arith.constant 1 : i32
        %add3A_118 = arith.addi %mul3A_116, %add3A_117 : i32
        %get3A_119 = arith.index_cast %add3A_118 : i32 to index
        %get3A_120 = arith.constant 0 : index
        %get3A_121 = tpu.vector_load %arg11[%get3A_119, %get3A_120] {strides = array<i32>} : memref<128x128xf32, #tpu.memory_space<vmem>>, vector<1x16xf32>,
        %get3A_122 = vector.shape_cast %get3A_121 : vector<1x16xf32> to vector<16xf32>
        %mul3A_123 = vector.broadcast %squeeze3A_114 : f32 to vector<16xf32>
        %mul3A_124 = arith.mulf %get3A_122, %mul3A_123 : vector<16xf32>
        %swap3A_125 = arith.index_cast %add3A_118 : i32 to index
        %swap3A_126 = arith.constant 0 : index
        %swap3A_127 = tpu.vector_load %arg11[%swap3A_125, %swap3A_126] {strides = array<i32>} : memref<128x128xf32, #tpu.memory_space<vmem>>, vector<1x16xf32>,
        %swap3A_128 = vector.shape_cast %swap3A_127 : vector<1x16xf32> to vector<16xf32>
        %swap3A_129 = vector.shape_cast %mul3A_124 : vector<16xf32> to vector<1x16xf32>
        tpu.vector_store %arg11[%swap3A_125, %swap3A_126], %swap3A_129 {strides = array<i32>} : memref<128x128xf32, #tpu.memory_space<vmem>>, vector<1x16xf32>,
        %get3A_130 = arith.index_cast %add3A_118 : i32 to index
        %get3A_131 = arith.constant 16 : index
        %get3A_132 = tpu.vector_load %arg11[%get3A_130, %get3A_131] {strides = array<i32>} : memref<128x128xf32, #tpu.memory_space<vmem>>, vector<1x16xf32>,
        %get3A_133 = vector.shape_cast %get3A_132 : vector<1x16xf32> to vector<16xf32>
        %mul3A_134 = vector.broadcast %squeeze3A_114 : f32 to vector<16xf32>
        %mul3A_135 = arith.mulf %get3A_133, %mul3A_134 : vector<16xf32>
        %swap3A_136 = arith.index_cast %add3A_118 : i32 to index
        %swap3A_137 = arith.constant 16 : index
        %swap3A_138 = tpu.vector_load %arg11[%swap3A_136, %swap3A_137] {strides = array<i32>} : memref<128x128xf32, #tpu.memory_space<vmem>>, vector<1x16xf32>,
        %swap3A_139 = vector.shape_cast %swap3A_138 : vector<1x16xf32> to vector<16xf32>
        %swap3A_140 = vector.shape_cast %mul3A_135 : vector<16xf32> to vector<1x16xf32>
        tpu.vector_store %arg11[%swap3A_136, %swap3A_137], %swap3A_140 {strides = array<i32>} : memref<128x128xf32, #tpu.memory_space<vmem>>, vector<1x16xf32>,
        %get3A_141 = arith.index_cast %add3A_118 : i32 to index
        %get3A_142 = arith.constant 32 : index
        %get3A_143 = tpu.vector_load %arg11[%get3A_141, %get3A_142] {strides = array<i32>} : memref<128x128xf32, #tpu.memory_space<vmem>>, vector<1x16xf32>,
        %get3A_144 = vector.shape_cast %get3A_143 : vector<1x16xf32> to vector<16xf32>
        %mul3A_145 = vector.broadcast %squeeze3A_114 : f32 to vector<16xf32>
        %mul3A_146 = arith.mulf %get3A_144, %mul3A_145 : vector<16xf32>
        %swap3A_147 = arith.index_cast %add3A_118 : i32 to index
        %swap3A_148 = arith.constant 32 : index
        %swap3A_149 = tpu.vector_load %arg11[%swap3A_147, %swap3A_148] {strides = array<i32>} : memref<128x128xf32, #tpu.memory_space<vmem>>, vector<1x16xf32>,
        %swap3A_150 = vector.shape_cast %swap3A_149 : vector<1x16xf32> to vector<16xf32>
        %swap3A_151 = vector.shape_cast %mul3A_146 : vector<16xf32> to vector<1x16xf32>
        tpu.vector_store %arg11[%swap3A_147, %swap3A_148], %swap3A_151 {strides = array<i32>} : memref<128x128xf32, #tpu.memory_space<vmem>>, vector<1x16xf32>,
        %get3A_152 = arith.index_cast %add3A_118 : i32 to index
        %get3A_153 = arith.constant 48 : index
        %get3A_154 = tpu.vector_load %arg11[%get3A_152, %get3A_153] {strides = array<i32>} : memref<128x128xf32, #tpu.memory_space<vmem>>, vector<1x16xf32>,
        %get3A_155 = vector.shape_cast %get3A_154 : vector<1x16xf32> to vector<16xf32>
        %mul3A_156 = vector.broadcast %squeeze3A_114 : f32 to vector<16xf32>
        %mul3A_157 = arith.mulf %get3A_155, %mul3A_156 : vector<16xf32>
        %swap3A_158 = arith.index_cast %add3A_118 : i32 to index
        %swap3A_159 = arith.constant 48 : index
        %swap3A_160 = tpu.vector_load %arg11[%swap3A_158, %swap3A_159] {strides = array<i32>} : memref<128x128xf32, #tpu.memory_space<vmem>>, vector<1x16xf32>,
        %swap3A_161 = vector.shape_cast %swap3A_160 : vector<1x16xf32> to vector<16xf32>
        %swap3A_162 = vector.shape_cast %mul3A_157 : vector<16xf32> to vector<1x16xf32>
        tpu.vector_store %arg11[%swap3A_158, %swap3A_159], %swap3A_162 {strides = array<i32>} : memref<128x128xf32, #tpu.memory_space<vmem>>, vector<1x16xf32>,
        %get3A_163 = arith.index_cast %add3A_118 : i32 to index
        %get3A_164 = arith.constant 64 : index
        %get3A_165 = tpu.vector_load %arg11[%get3A_163, %get3A_164] {strides = array<i32>} : memref<128x128xf32, #tpu.memory_space<vmem>>, vector<1x16xf32>,
        %get3A_166 = vector.shape_cast %get3A_165 : vector<1x16xf32> to vector<16xf32>
        %mul3A_167 = vector.broadcast %squeeze3A_114 : f32 to vector<16xf32>
        %mul3A_168 = arith.mulf %get3A_166, %mul3A_167 : vector<16xf32>
        %swap3A_169 = arith.index_cast %add3A_118 : i32 to index
        %swap3A_170 = arith.constant 64 : index
        %swap3A_171 = tpu.vector_load %arg11[%swap3A_169, %swap3A_170] {strides = array<i32>} : memref<128x128xf32, #tpu.memory_space<vmem>>, vector<1x16xf32>,
        %swap3A_172 = vector.shape_cast %swap3A_171 : vector<1x16xf32> to vector<16xf32>
        %swap3A_173 = vector.shape_cast %mul3A_168 : vector<16xf32> to vector<1x16xf32>
        tpu.vector_store %arg11[%swap3A_169, %swap3A_170], %swap3A_173 {strides = array<i32>} : memref<128x128xf32, #tpu.memory_space<vmem>>, vector<1x16xf32>,
        %get3A_174 = arith.index_cast %add3A_118 : i32 to index
        %get3A_175 = arith.constant 80 : index
        %get3A_176 = tpu.vector_load %arg11[%get3A_174, %get3A_175] {strides = array<i32>} : memref<128x128xf32, #tpu.memory_space<vmem>>, vector<1x16xf32>,
        %get3A_177 = vector.shape_cast %get3A_176 : vector<1x16xf32> to vector<16xf32>
        %mul3A_178 = vector.broadcast %squeeze3A_114 : f32 to vector<16xf32>
        %mul3A_179 = arith.mulf %get3A_177, %mul3A_178 : vector<16xf32>
        %swap3A_180 = arith.index_cast %add3A_118 : i32 to index
        %swap3A_181 = arith.constant 80 : index
        %swap3A_182 = tpu.vector_load %arg11[%swap3A_180, %swap3A_181] {strides = array<i32>} : memref<128x128xf32, #tpu.memory_space<vmem>>, vector<1x16xf32>,
        %swap3A_183 = vector.shape_cast %swap3A_182 : vector<1x16xf32> to vector<16xf32>
        %swap3A_184 = vector.shape_cast %mul3A_179 : vector<16xf32> to vector<1x16xf32>
        tpu.vector_store %arg11[%swap3A_180, %swap3A_181], %swap3A_184 {strides = array<i32>} : memref<128x128xf32, #tpu.memory_space<vmem>>, vector<1x16xf32>,
        %get3A_185 = arith.index_cast %add3A_118 : i32 to index
        %get3A_186 = arith.constant 96 : index
        %get3A_187 = tpu.vector_load %arg11[%get3A_185, %get3A_186] {strides = array<i32>} : memref<128x128xf32, #tpu.memory_space<vmem>>, vector<1x16xf32>,
        %get3A_188 = vector.shape_cast %get3A_187 : vector<1x16xf32> to vector<16xf32>
        %mul3A_189 = vector.broadcast %squeeze3A_114 : f32 to vector<16xf32>
        %mul3A_190 = arith.mulf %get3A_188, %mul3A_189 : vector<16xf32>
        %swap3A_191 = arith.index_cast %add3A_118 : i32 to index
        %swap3A_192 = arith.constant 96 : index
        %swap3A_193 = tpu.vector_load %arg11[%swap3A_191, %swap3A_192] {strides = array<i32>} : memref<128x128xf32, #tpu.memory_space<vmem>>, vector<1x16xf32>,
        %swap3A_194 = vector.shape_cast %swap3A_193 : vector<1x16xf32> to vector<16xf32>
        %swap3A_195 = vector.shape_cast %mul3A_190 : vector<16xf32> to vector<1x16xf32>
        tpu.vector_store %arg11[%swap3A_191, %swap3A_192], %swap3A_195 {strides = array<i32>} : memref<128x128xf32, #tpu.memory_space<vmem>>, vector<1x16xf32>,
        %get3A_196 = arith.index_cast %add3A_118 : i32 to index
        %get3A_197 = arith.constant 112 : index
        %get3A_198 = tpu.vector_load %arg11[%get3A_196, %get3A_197] {strides = array<i32>} : memref<128x128xf32, #tpu.memory_space<vmem>>, vector<1x16xf32>,
        %get3A_199 = vector.shape_cast %get3A_198 : vector<1x16xf32> to vector<16xf32>
        %mul3A_200 = vector.broadcast %squeeze3A_114 : f32 to vector<16xf32>
        %mul3A_201 = arith.mulf %get3A_199, %mul3A_200 : vector<16xf32>
        %swap3A_202 = arith.index_cast %add3A_118 : i32 to index
        %swap3A_203 = arith.constant 112 : index
        %swap3A_204 = tpu.vector_load %arg11[%swap3A_202, %swap3A_203] {strides = array<i32>} : memref<128x128xf32, #tpu.memory_space<vmem>>, vector<1x16xf32>,
        %swap3A_205 = vector.shape_cast %swap3A_204 : vector<1x16xf32> to vector<16xf32>
        %swap3A_206 = vector.shape_cast %mul3A_201 : vector<16xf32> to vector<1x16xf32>
        tpu.vector_store %arg11[%swap3A_202, %swap3A_203], %swap3A_206 {strides = array<i32>} : memref<128x128xf32, #tpu.memory_space<vmem>>, vector<1x16xf32>,
        %slice3A_207 = vector.extract_strided_slice %get3A_21 {offsets = [2], sizes = [1], strides = [1]} : vector<16xf32> to vector<1xf32>
        %squeeze3A_208 = vector.extract %slice3A_207[0] : f32 from vector<1xf32>
        %mul3A_209 = arith.constant 16 : i32
        %mul3A_210 = arith.muli %scan3A_16, %mul3A_209 : i32
        %add3A_211 = arith.constant 2 : i32
        %add3A_212 = arith.addi %mul3A_210, %add3A_211 : i32
        %get3A_213 = arith.index_cast %add3A_212 : i32 to index
        %get3A_214 = arith.constant 0 : index
        %get3A_215 = tpu.vector_load %arg11[%get3A_213, %get3A_214] {strides = array<i32>} : memref<128x128xf32, #tpu.memory_space<vmem>>, vector<1x16xf32>,
        %get3A_216 = vector.shape_cast %get3A_215 : vector<1x16xf32> to vector<16xf32>
        %mul3A_217 = vector.broadcast %squeeze3A_208 : f32 to vector<16xf32>
        %mul3A_218 = arith.mulf %get3A_216, %mul3A_217 : vector<16xf32>
        %swap3A_219 = arith.index_cast %add3A_212 : i32 to index
        %swap3A_220 = arith.constant 0 : index
        %swap3A_221 = tpu.vector_load %arg11[%swap3A_219, %swap3A_220] {strides = array<i32>} : memref<128x128xf32, #tpu.memory_space<vmem>>, vector<1x16xf32>,
        %swap3A_222 = vector.shape_cast %swap3A_221 : vector<1x16xf32> to vector<16xf32>
        %swap3A_223 = vector.shape_cast %mul3A_218 : vector<16xf32> to vector<1x16xf32>
        tpu.vector_store %arg11[%swap3A_219, %swap3A_220], %swap3A_223 {strides = array<i32>} : memref<128x128xf32, #tpu.memory_space<vmem>>, vector<1x16xf32>,
        %get3A_224 = arith.index_cast %add3A_212 : i32 to index
        %get3A_225 = arith.constant 16 : index
        %get3A_226 = tpu.vector_load %arg11[%get3A_224, %get3A_225] {strides = array<i32>} : memref<128x128xf32, #tpu.memory_space<vmem>>, vector<1x16xf32>,
        %get3A_227 = vector.shape_cast %get3A_226 : vector<1x16xf32> to vector<16xf32>
        %mul3A_228 = vector.broadcast %squeeze3A_208 : f32 to vector<16xf32>
        %mul3A_229 = arith.mulf %get3A_227, %mul3A_228 : vector<16xf32>
        %swap3A_230 = arith.index_cast %add3A_212 : i32 to index
        %swap3A_231 = arith.constant 16 : index
        %swap3A_232 = tpu.vector_load %arg11[%swap3A_230, %swap3A_231] {strides = array<i32>} : memref<128x128xf32, #tpu.memory_space<vmem>>, vector<1x16xf32>,
        %swap3A_233 = vector.shape_cast %swap3A_232 : vector<1x16xf32> to vector<16xf32>
        %swap3A_234 = vector.shape_cast %mul3A_229 : vector<16xf32> to vector<1x16xf32>
        tpu.vector_store %arg11[%swap3A_230, %swap3A_231], %swap3A_234 {strides = array<i32>} : memref<128x128xf32, #tpu.memory_space<vmem>>, vector<1x16xf32>,
        %get3A_235 = arith.index_cast %add3A_212 : i32 to index
        %get3A_236 = arith.constant 32 : index
        %get3A_237 = tpu.vector_load %arg11[%get3A_235, %get3A_236] {strides = array<i32>} : memref<128x128xf32, #tpu.memory_space<vmem>>, vector<1x16xf32>,
        %get3A_238 = vector.shape_cast %get3A_237 : vector<1x16xf32> to vector<16xf32>
        %mul3A_239 = vector.broadcast %squeeze3A_208 : f32 to vector<16xf32>
        %mul3A_240 = arith.mulf %get3A_238, %mul3A_239 : vector<16xf32>
        %swap3A_241 = arith.index_cast %add3A_212 : i32 to index
        %swap3A_242 = arith.constant 32 : index
        %swap3A_243 = tpu.vector_load %arg11[%swap3A_241, %swap3A_242] {strides = array<i32>} : memref<128x128xf32, #tpu.memory_space<vmem>>, vector<1x16xf32>,
        %swap3A_244 = vector.shape_cast %swap3A_243 : vector<1x16xf32> to vector<16xf32>
        %swap3A_245 = vector.shape_cast %mul3A_240 : vector<16xf32> to vector<1x16xf32>
        tpu.vector_store %arg11[%swap3A_241, %swap3A_242], %swap3A_245 {strides = array<i32>} : memref<128x128xf32, #tpu.memory_space<vmem>>, vector<1x16xf32>,
        %get3A_246 = arith.index_cast %add3A_212 : i32 to index
        %get3A_247 = arith.constant 48 : index
        %get3A_248 = tpu.vector_load %arg11[%get3A_246, %get3A_247] {strides = array<i32>} : memref<128x128xf32, #tpu.memory_space<vmem>>, vector<1x16xf32>,
        %get3A_249 = vector.shape_cast %get3A_248 : vector<1x16xf32> to vector<16xf32>
        %mul3A_250 = vector.broadcast %squeeze3A_208 : f32 to vector<16xf32>
        %mul3A_251 = arith.mulf %get3A_249, %mul3A_250 : vector<16xf32>
        %swap3A_252 = arith.index_cast %add3A_212 : i32 to index
        %swap3A_253 = arith.constant 48 : index
        %swap3A_254 = tpu.vector_load %arg11[%swap3A_252, %swap3A_253] {strides = array<i32>} : memref<128x128xf32, #tpu.memory_space<vmem>>, vector<1x16xf32>,
        %swap3A_255 = vector.shape_cast %swap3A_254 : vector<1x16xf32> to vector<16xf32>
        %swap3A_256 = vector.shape_cast %mul3A_251 : vector<16xf32> to vector<1x16xf32>
        tpu.vector_store %arg11[%swap3A_252, %swap3A_253], %swap3A_256 {strides = array<i32>} : memref<128x128xf32, #tpu.memory_space<vmem>>, vector<1x16xf32>,
        %get3A_257 = arith.index_cast %add3A_212 : i32 to index
        %get3A_258 = arith.constant 64 : index
        %get3A_259 = tpu.vector_load %arg11[%get3A_257, %get3A_258] {strides = array<i32>} : memref<128x128xf32, #tpu.memory_space<vmem>>, vector<1x16xf32>,
        %get3A_260 = vector.shape_cast %get3A_259 : vector<1x16xf32> to vector<16xf32>
        %mul3A_261 = vector.broadcast %squeeze3A_208 : f32 to vector<16xf32>
        %mul3A_262 = arith.mulf %get3A_260, %mul3A_261 : vector<16xf32>
        %swap3A_263 = arith.index_cast %add3A_212 : i32 to index
        %swap3A_264 = arith.constant 64 : index
        %swap3A_265 = tpu.vector_load %arg11[%swap3A_263, %swap3A_264] {strides = array<i32>} : memref<128x128xf32, #tpu.memory_space<vmem>>, vector<1x16xf32>,
        %swap3A_266 = vector.shape_cast %swap3A_265 : vector<1x16xf32> to vector<16xf32>
        %swap3A_267 = vector.shape_cast %mul3A_262 : vector<16xf32> to vector<1x16xf32>
        tpu.vector_store %arg11[%swap3A_263, %swap3A_264], %swap3A_267 {strides = array<i32>} : memref<128x128xf32, #tpu.memory_space<vmem>>, vector<1x16xf32>,
        %get3A_268 = arith.index_cast %add3A_212 : i32 to index
        %get3A_269 = arith.constant 80 : index
        %get3A_270 = tpu.vector_load %arg11[%get3A_268, %get3A_269] {strides = array<i32>} : memref<128x128xf32, #tpu.memory_space<vmem>>, vector<1x16xf32>,
        %get3A_271 = vector.shape_cast %get3A_270 : vector<1x16xf32> to vector<16xf32>
        %mul3A_272 = vector.broadcast %squeeze3A_208 : f32 to vector<16xf32>
        %mul3A_273 = arith.mulf %get3A_271, %mul3A_272 : vector<16xf32>
        %swap3A_274 = arith.index_cast %add3A_212 : i32 to index
        %swap3A_275 = arith.constant 80 : index
        %swap3A_276 = tpu.vector_load %arg11[%swap3A_274, %swap3A_275] {strides = array<i32>} : memref<128x128xf32, #tpu.memory_space<vmem>>, vector<1x16xf32>,
        %swap3A_277 = vector.shape_cast %swap3A_276 : vector<1x16xf32> to vector<16xf32>
        %swap3A_278 = vector.shape_cast %mul3A_273 : vector<16xf32> to vector<1x16xf32>
        tpu.vector_store %arg11[%swap3A_274, %swap3A_275], %swap3A_278 {strides = array<i32>} : memref<128x128xf32, #tpu.memory_space<vmem>>, vector<1x16xf32>,
        %get3A_279 = arith.index_cast %add3A_212 : i32 to index
        %get3A_280 = arith.constant 96 : index
        %get3A_281 = tpu.vector_load %arg11[%get3A_279, %get3A_280] {strides = array<i32>} : memref<128x128xf32, #tpu.memory_space<vmem>>, vector<1x16xf32>,
        %get3A_282 = vector.shape_cast %get3A_281 : vector<1x16xf32> to vector<16xf32>
        %mul3A_283 = vector.broadcast %squeeze3A_208 : f32 to vector<16xf32>
        %mul3A_284 = arith.mulf %get3A_282, %mul3A_283 : vector<16xf32>
        %swap3A_285 = arith.index_cast %add3A_212 : i32 to index
        %swap3A_286 = arith.constant 96 : index
        %swap3A_287 = tpu.vector_load %arg11[%swap3A_285, %swap3A_286] {strides = array<i32>} : memref<128x128xf32, #tpu.memory_space<vmem>>, vector<1x16xf32>,
        %swap3A_288 = vector.shape_cast %swap3A_287 : vector<1x16xf32> to vector<16xf32>
        %swap3A_289 = vector.shape_cast %mul3A_284 : vector<16xf32> to vector<1x16xf32>
        tpu.vector_store %arg11[%swap3A_285, %swap3A_286], %swap3A_289 {strides = array<i32>} : memref<128x128xf32, #tpu.memory_space<vmem>>, vector<1x16xf32>,
        %get3A_290 = arith.index_cast %add3A_212 : i32 to index
        %get3A_291 = arith.constant 112 : index
        %get3A_292 = tpu.vector_load %arg11[%get3A_290, %get3A_291] {strides = array<i32>} : memref<128x128xf32, #tpu.memory_space<vmem>>, vector<1x16xf32>,
        %get3A_293 = vector.shape_cast %get3A_292 : vector<1x16xf32> to vector<16xf32>
        %mul3A_294 = vector.broadcast %squeeze3A_208 : f32 to vector<16xf32>
        %mul3A_295 = arith.mulf %get3A_293, %mul3A_294 : vector<16xf32>
        %swap3A_296 = arith.index_cast %add3A_212 : i32 to index
        %swap3A_297 = arith.constant 112 : index
        %swap3A_298 = tpu.vector_load %arg11[%swap3A_296, %swap3A_297] {strides = array<i32>} : memref<128x128xf32, #tpu.memory_space<vmem>>, vector<1x16xf32>,
        %swap3A_299 = vector.shape_cast %swap3A_298 : vector<1x16xf32> to vector<16xf32>
        %swap3A_300 = vector.shape_cast %mul3A_295 : vector<16xf32> to vector<1x16xf32>
        tpu.vector_store %arg11[%swap3A_296, %swap3A_297], %swap3A_300 {strides = array<i32>} : memref<128x128xf32, #tpu.memory_space<vmem>>, vector<1x16xf32>,
        %slice3A_301 = vector.extract_strided_slice %get3A_21 {offsets = [3], sizes = [1], strides = [1]} : vector<16xf32> to vector<1xf32>
        %squeeze3A_302 = vector.extract %slice3A_301[0] : f32 from vector<1xf32>
        %mul3A_303 = arith.constant 16 : i32
        %mul3A_304 = arith.muli %scan3A_16, %mul3A_303 : i32
        %add3A_305 = arith.constant 3 : i32
        %add3A_306 = arith.addi %mul3A_304, %add3A_305 : i32
        %get3A_307 = arith.index_cast %add3A_306 : i32 to index
        %get3A_308 = arith.constant 0 : index
        %get3A_309 = tpu.vector_load %arg11[%get3A_307, %get3A_308] {strides = array<i32>} : memref<128x128xf32, #tpu.memory_space<vmem>>, vector<1x16xf32>,
        %get3A_310 = vector.shape_cast %get3A_309 : vector<1x16xf32> to vector<16xf32>
        %mul3A_311 = vector.broadcast %squeeze3A_302 : f32 to vector<16xf32>
        %mul3A_312 = arith.mulf %get3A_310, %mul3A_311 : vector<16xf32>
        %swap3A_313 = arith.index_cast %add3A_306 : i32 to index
        %swap3A_314 = arith.constant 0 : index
        %swap3A_315 = tpu.vector_load %arg11[%swap3A_313, %swap3A_314] {strides = array<i32>} : memref<128x128xf32, #tpu.memory_space<vmem>>, vector<1x16xf32>,
        %swap3A_316 = vector.shape_cast %swap3A_315 : vector<1x16xf32> to vector<16xf32>
        %swap3A_317 = vector.shape_cast %mul3A_312 : vector<16xf32> to vector<1x16xf32>
        tpu.vector_store %arg11[%swap3A_313, %swap3A_314], %swap3A_317 {strides = array<i32>} : memref<128x128xf32, #tpu.memory_space<vmem>>, vector<1x16xf32>,
        %get3A_318 = arith.index_cast %add3A_306 : i32 to index
        %get3A_319 = arith.constant 16 : index
        %get3A_320 = tpu.vector_load %arg11[%get3A_318, %get3A_319] {strides = array<i32>} : memref<128x128xf32, #tpu.memory_space<vmem>>, vector<1x16xf32>,
        %get3A_321 = vector.shape_cast %get3A_320 : vector<1x16xf32> to vector<16xf32>
        %mul3A_322 = vector.broadcast %squeeze3A_302 : f32 to vector<16xf32>
        %mul3A_323 = arith.mulf %get3A_321, %mul3A_322 : vector<16xf32>
        %swap3A_324 = arith.index_cast %add3A_306 : i32 to index
        %swap3A_325 = arith.constant 16 : index
        %swap3A_326 = tpu.vector_load %arg11[%swap3A_324, %swap3A_325] {strides = array<i32>} : memref<128x128xf32, #tpu.memory_space<vmem>>, vector<1x16xf32>,
        %swap3A_327 = vector.shape_cast %swap3A_326 : vector<1x16xf32> to vector<16xf32>
        %swap3A_328 = vector.shape_cast %mul3A_323 : vector<16xf32> to vector<1x16xf32>
        tpu.vector_store %arg11[%swap3A_324, %swap3A_325], %swap3A_328 {strides = array<i32>} : memref<128x128xf32, #tpu.memory_space<vmem>>, vector<1x16xf32>,
        %get3A_329 = arith.index_cast %add3A_306 : i32 to index
        %get3A_330 = arith.constant 32 : index
        %get3A_331 = tpu.vector_load %arg11[%get3A_329, %get3A_330] {strides = array<i32>} : memref<128x128xf32, #tpu.memory_space<vmem>>, vector<1x16xf32>,
        %get3A_332 = vector.shape_cast %get3A_331 : vector<1x16xf32> to vector<16xf32>
        %mul3A_333 = vector.broadcast %squeeze3A_302 : f32 to vector<16xf32>
        %mul3A_334 = arith.mulf %get3A_332, %mul3A_333 : vector<16xf32>
        %swap3A_335 = arith.index_cast %add3A_306 : i32 to index
        %swap3A_336 = arith.constant 32 : index
        %swap3A_337 = tpu.vector_load %arg11[%swap3A_335, %swap3A_336] {strides = array<i32>} : memref<128x128xf32, #tpu.memory_space<vmem>>, vector<1x16xf32>,
        %swap3A_338 = vector.shape_cast %swap3A_337 : vector<1x16xf32> to vector<16xf32>
        %swap3A_339 = vector.shape_cast %mul3A_334 : vector<16xf32> to vector<1x16xf32>
        tpu.vector_store %arg11[%swap3A_335, %swap3A_336], %swap3A_339 {strides = array<i32>} : memref<128x128xf32, #tpu.memory_space<vmem>>, vector<1x16xf32>,
        %get3A_340 = arith.index_cast %add3A_306 : i32 to index
        %get3A_341 = arith.constant 48 : index
        %get3A_342 = tpu.vector_load %arg11[%get3A_340, %get3A_341] {strides = array<i32>} : memref<128x128xf32, #tpu.memory_space<vmem>>, vector<1x16xf32>,
        %get3A_343 = vector.shape_cast %get3A_342 : vector<1x16xf32> to vector<16xf32>
        %mul3A_344 = vector.broadcast %squeeze3A_302 : f32 to vector<16xf32>
        %mul3A_345 = arith.mulf %get3A_343, %mul3A_344 : vector<16xf32>
        %swap3A_346 = arith.index_cast %add3A_306 : i32 to index
        %swap3A_347 = arith.constant 48 : index
        %swap3A_348 = tpu.vector_load %arg11[%swap3A_346, %swap3A_347] {strides = array<i32>} : memref<128x128xf32, #tpu.memory_space<vmem>>, vector<1x16xf32>,
        %swap3A_349 = vector.shape_cast %swap3A_348 : vector<1x16xf32> to vector<16xf32>
        %swap3A_350 = vector.shape_cast %mul3A_345 : vector<16xf32> to vector<1x16xf32>
        tpu.vector_store %arg11[%swap3A_346, %swap3A_347], %swap3A_350 {strides = array<i32>} : memref<128x128xf32, #tpu.memory_space<vmem>>, vector<1x16xf32>,
        %get3A_351 = arith.index_cast %add3A_306 : i32 to index
        %get3A_352 = arith.constant 64 : index
        %get3A_353 = tpu.vector_load %arg11[%get3A_351, %get3A_352] {strides = array<i32>} : memref<128x128xf32, #tpu.memory_space<vmem>>, vector<1x16xf32>,
        %get3A_354 = vector.shape_cast %get3A_353 : vector<1x16xf32> to vector<16xf32>
        %mul3A_355 = vector.broadcast %squeeze3A_302 : f32 to vector<16xf32>
        %mul3A_356 = arith.mulf %get3A_354, %mul3A_355 : vector<16xf32>
        %swap3A_357 = arith.index_cast %add3A_306 : i32 to index
        %swap3A_358 = arith.constant 64 : index
        %swap3A_359 = tpu.vector_load %arg11[%swap3A_357, %swap3A_358] {strides = array<i32>} : memref<128x128xf32, #tpu.memory_space<vmem>>, vector<1x16xf32>,
        %swap3A_360 = vector.shape_cast %swap3A_359 : vector<1x16xf32> to vector<16xf32>
        %swap3A_361 = vector.shape_cast %mul3A_356 : vector<16xf32> to vector<1x16xf32>
        tpu.vector_store %arg11[%swap3A_357, %swap3A_358], %swap3A_361 {strides = array<i32>} : memref<128x128xf32, #tpu.memory_space<vmem>>, vector<1x16xf32>,
        %get3A_362 = arith.index_cast %add3A_306 : i32 to index
        %get3A_363 = arith.constant 80 : index
        %get3A_364 = tpu.vector_load %arg11[%get3A_362, %get3A_363] {strides = array<i32>} : memref<128x128xf32, #tpu.memory_space<vmem>>, vector<1x16xf32>,
        %get3A_365 = vector.shape_cast %get3A_364 : vector<1x16xf32> to vector<16xf32>
        %mul3A_366 = vector.broadcast %squeeze3A_302 : f32 to vector<16xf32>
        %mul3A_367 = arith.mulf %get3A_365, %mul3A_366 : vector<16xf32>
        %swap3A_368 = arith.index_cast %add3A_306 : i32 to index
        %swap3A_369 = arith.constant 80 : index
        %swap3A_370 = tpu.vector_load %arg11[%swap3A_368, %swap3A_369] {strides = array<i32>} : memref<128x128xf32, #tpu.memory_space<vmem>>, vector<1x16xf32>,
        %swap3A_371 = vector.shape_cast %swap3A_370 : vector<1x16xf32> to vector<16xf32>
        %swap3A_372 = vector.shape_cast %mul3A_367 : vector<16xf32> to vector<1x16xf32>
        tpu.vector_store %arg11[%swap3A_368, %swap3A_369], %swap3A_372 {strides = array<i32>} : memref<128x128xf32, #tpu.memory_space<vmem>>, vector<1x16xf32>,
        %get3A_373 = arith.index_cast %add3A_306 : i32 to index
        %get3A_374 = arith.constant 96 : index
        %get3A_375 = tpu.vector_load %arg11[%get3A_373, %get3A_374] {strides = array<i32>} : memref<128x128xf32, #tpu.memory_space<vmem>>, vector<1x16xf32>,
        %get3A_376 = vector.shape_cast %get3A_375 : vector<1x16xf32> to vector<16xf32>
        %mul3A_377 = vector.broadcast %squeeze3A_302 : f32 to vector<16xf32>
        %mul3A_378 = arith.mulf %get3A_376, %mul3A_377 : vector<16xf32>
        %swap3A_379 = arith.index_cast %add3A_306 : i32 to index
        %swap3A_380 = arith.constant 96 : index
        %swap3A_381 = tpu.vector_load %arg11[%swap3A_379, %swap3A_380] {strides = array<i32>} : memref<128x128xf32, #tpu.memory_space<vmem>>, vector<1x16xf32>,
        %swap3A_382 = vector.shape_cast %swap3A_381 : vector<1x16xf32> to vector<16xf32>
        %swap3A_383 = vector.shape_cast %mul3A_378 : vector<16xf32> to vector<1x16xf32>
        tpu.vector_store %arg11[%swap3A_379, %swap3A_380], %swap3A_383 {strides = array<i32>} : memref<128x128xf32, #tpu.memory_space<vmem>>, vector<1x16xf32>,
        %get3A_384 = arith.index_cast %add3A_306 : i32 to index
        %get3A_385 = arith.constant 112 : index
        %get3A_386 = tpu.vector_load %arg11[%get3A_384, %get3A_385] {strides = array<i32>} : memref<128x128xf32, #tpu.memory_space<vmem>>, vector<1x16xf32>,
        %get3A_387 = vector.shape_cast %get3A_386 : vector<1x16xf32> to vector<16xf32>
        %mul3A_388 = vector.broadcast %squeeze3A_302 : f32 to vector<16xf32>
        %mul3A_389 = arith.mulf %get3A_387, %mul3A_388 : vector<16xf32>
        %swap3A_390 = arith.index_cast %add3A_306 : i32 to index
        %swap3A_391 = arith.constant 112 : index
        %swap3A_392 = tpu.vector_load %arg11[%swap3A_390, %swap3A_391] {strides = array<i32>} : memref<128x128xf32, #tpu.memory_space<vmem>>, vector<1x16xf32>,
        %swap3A_393 = vector.shape_cast %swap3A_392 : vector<1x16xf32> to vector<16xf32>
        %swap3A_394 = vector.shape_cast %mul3A_389 : vector<16xf32> to vector<1x16xf32>
        tpu.vector_store %arg11[%swap3A_390, %swap3A_391], %swap3A_394 {strides = array<i32>} : memref<128x128xf32, #tpu.memory_space<vmem>>, vector<1x16xf32>,
        %slice3A_395 = vector.extract_strided_slice %get3A_21 {offsets = [4], sizes = [1], strides = [1]} : vector<16xf32> to vector<1xf32>
        %squeeze3A_396 = vector.extract %slice3A_395[0] : f32 from vector<1xf32>
        %mul3A_397 = arith.constant 16 : i32
        %mul3A_398 = arith.muli %scan3A_16, %mul3A_397 : i32
        %add3A_399 = arith.constant 4 : i32
        %add3A_400 = arith.addi %mul3A_398, %add3A_399 : i32
        %get3A_401 = arith.index_cast %add3A_400 : i32 to index
        %get3A_402 = arith.constant 0 : index
        %get3A_403 = tpu.vector_load %arg11[%get3A_401, %get3A_402] {strides = array<i32>} : memref<128x128xf32, #tpu.memory_space<vmem>>, vector<1x16xf32>,
        %get3A_404 = vector.shape_cast %get3A_403 : vector<1x16xf32> to vector<16xf32>
        %mul3A_405 = vector.broadcast %squeeze3A_396 : f32 to vector<16xf32>
        %mul3A_406 = arith.mulf %get3A_404, %mul3A_405 : vector<16xf32>
        %swap3A_407 = arith.index_cast %add3A_400 : i32 to index
        %swap3A_408 = arith.constant 0 : index
        %swap3A_409 = tpu.vector_load %arg11[%swap3A_407, %swap3A_408] {strides = array<i32>} : memref<128x128xf32, #tpu.memory_space<vmem>>, vector<1x16xf32>,
        %swap3A_410 = vector.shape_cast %swap3A_409 : vector<1x16xf32> to vector<16xf32>
        %swap3A_411 = vector.shape_cast %mul3A_406 : vector<16xf32> to vector<1x16xf32>
        tpu.vector_store %arg11[%swap3A_407, %swap3A_408], %swap3A_411 {strides = array<i32>} : memref<128x128xf32, #tpu.memory_space<vmem>>, vector<1x16xf32>,
        %get3A_412 = arith.index_cast %add3A_400 : i32 to index
        %get3A_413 = arith.constant 16 : index
        %get3A_414 = tpu.vector_load %arg11[%get3A_412, %get3A_413] {strides = array<i32>} : memref<128x128xf32, #tpu.memory_space<vmem>>, vector<1x16xf32>,
        %get3A_415 = vector.shape_cast %get3A_414 : vector<1x16xf32> to vector<16xf32>
        %mul3A_416 = vector.broadcast %squeeze3A_396 : f32 to vector<16xf32>
        %mul3A_417 = arith.mulf %get3A_415, %mul3A_416 : vector<16xf32>
        %swap3A_418 = arith.index_cast %add3A_400 : i32 to index
        %swap3A_419 = arith.constant 16 : index
        %swap3A_420 = tpu.vector_load %arg11[%swap3A_418, %swap3A_419] {strides = array<i32>} : memref<128x128xf32, #tpu.memory_space<vmem>>, vector<1x16xf32>,
        %swap3A_421 = vector.shape_cast %swap3A_420 : vector<1x16xf32> to vector<16xf32>
        %swap3A_422 = vector.shape_cast %mul3A_417 : vector<16xf32> to vector<1x16xf32>
        tpu.vector_store %arg11[%swap3A_418, %swap3A_419], %swap3A_422 {strides = array<i32>} : memref<128x128xf32, #tpu.memory_space<vmem>>, vector<1x16xf32>,
        %get3A_423 = arith.index_cast %add3A_400 : i32 to index
        %get3A_424 = arith.constant 32 : index
        %get3A_425 = tpu.vector_load %arg11[%get3A_423, %get3A_424] {strides = array<i32>} : memref<128x128xf32, #tpu.memory_space<vmem>>, vector<1x16xf32>,
        %get3A_426 = vector.shape_cast %get3A_425 : vector<1x16xf32> to vector<16xf32>
        %mul3A_427 = vector.broadcast %squeeze3A_396 : f32 to vector<16xf32>
        %mul3A_428 = arith.mulf %get3A_426, %mul3A_427 : vector<16xf32>
        %swap3A_429 = arith.index_cast %add3A_400 : i32 to index
        %swap3A_430 = arith.constant 32 : index
        %swap3A_431 = tpu.vector_load %arg11[%swap3A_429, %swap3A_430] {strides = array<i32>} : memref<128x128xf32, #tpu.memory_space<vmem>>, vector<1x16xf32>,
        %swap3A_432 = vector.shape_cast %swap3A_431 : vector<1x16xf32> to vector<16xf32>
        %swap3A_433 = vector.shape_cast %mul3A_428 : vector<16xf32> to vector<1x16xf32>
        tpu.vector_store %arg11[%swap3A_429, %swap3A_430], %swap3A_433 {strides = array<i32>} : memref<128x128xf32, #tpu.memory_space<vmem>>, vector<1x16xf32>,
        %get3A_434 = arith.index_cast %add3A_400 : i32 to index
        %get3A_435 = arith.constant 48 : index
        %get3A_436 = tpu.vector_load %arg11[%get3A_434, %get3A_435] {strides = array<i32>} : memref<128x128xf32, #tpu.memory_space<vmem>>, vector<1x16xf32>,
        %get3A_437 = vector.shape_cast %get3A_436 : vector<1x16xf32> to vector<16xf32>
        %mul3A_438 = vector.broadcast %squeeze3A_396 : f32 to vector<16xf32>
        %mul3A_439 = arith.mulf %get3A_437, %mul3A_438 : vector<16xf32>
        %swap3A_440 = arith.index_cast %add3A_400 : i32 to index
        %swap3A_441 = arith.constant 48 : index
        %swap3A_442 = tpu.vector_load %arg11[%swap3A_440, %swap3A_441] {strides = array<i32>} : memref<128x128xf32, #tpu.memory_space<vmem>>, vector<1x16xf32>,
        %swap3A_443 = vector.shape_cast %swap3A_442 : vector<1x16xf32> to vector<16xf32>
        %swap3A_444 = vector.shape_cast %mul3A_439 : vector<16xf32> to vector<1x16xf32>
        tpu.vector_store %arg11[%swap3A_440, %swap3A_441], %swap3A_444 {strides = array<i32>} : memref<128x128xf32, #tpu.memory_space<vmem>>, vector<1x16xf32>,
        %get3A_445 = arith.index_cast %add3A_400 : i32 to index
        %get3A_446 = arith.constant 64 : index
        %get3A_447 = tpu.vector_load %arg11[%get3A_445, %get3A_446] {strides = array<i32>} : memref<128x128xf32, #tpu.memory_space<vmem>>, vector<1x16xf32>,
        %get3A_448 = vector.shape_cast %get3A_447 : vector<1x16xf32> to vector<16xf32>
        %mul3A_449 = vector.broadcast %squeeze3A_396 : f32 to vector<16xf32>
        %mul3A_450 = arith.mulf %get3A_448, %mul3A_449 : vector<16xf32>
        %swap3A_451 = arith.index_cast %add3A_400 : i32 to index
        %swap3A_452 = arith.constant 64 : index
        %swap3A_453 = tpu.vector_load %arg11[%swap3A_451, %swap3A_452] {strides = array<i32>} : memref<128x128xf32, #tpu.memory_space<vmem>>, vector<1x16xf32>,
        %swap3A_454 = vector.shape_cast %swap3A_453 : vector<1x16xf32> to vector<16xf32>
        %swap3A_455 = vector.shape_cast %mul3A_450 : vector<16xf32> to vector<1x16xf32>
        tpu.vector_store %arg11[%swap3A_451, %swap3A_452], %swap3A_455 {strides = array<i32>} : memref<128x128xf32, #tpu.memory_space<vmem>>, vector<1x16xf32>,
        %get3A_456 = arith.index_cast %add3A_400 : i32 to index
        %get3A_457 = arith.constant 80 : index
        %get3A_458 = tpu.vector_load %arg11[%get3A_456, %get3A_457] {strides = array<i32>} : memref<128x128xf32, #tpu.memory_space<vmem>>, vector<1x16xf32>,
        %get3A_459 = vector.shape_cast %get3A_458 : vector<1x16xf32> to vector<16xf32>
        %mul3A_460 = vector.broadcast %squeeze3A_396 : f32 to vector<16xf32>
        %mul3A_461 = arith.mulf %get3A_459, %mul3A_460 : vector<16xf32>
        %swap3A_462 = arith.index_cast %add3A_400 : i32 to index
        %swap3A_463 = arith.constant 80 : index
        %swap3A_464 = tpu.vector_load %arg11[%swap3A_462, %swap3A_463] {strides = array<i32>} : memref<128x128xf32, #tpu.memory_space<vmem>>, vector<1x16xf32>,
        %swap3A_465 = vector.shape_cast %swap3A_464 : vector<1x16xf32> to vector<16xf32>
        %swap3A_466 = vector.shape_cast %mul3A_461 : vector<16xf32> to vector<1x16xf32>
        tpu.vector_store %arg11[%swap3A_462, %swap3A_463], %swap3A_466 {strides = array<i32>} : memref<128x128xf32, #tpu.memory_space<vmem>>, vector<1x16xf32>,
        %get3A_467 = arith.index_cast %add3A_400 : i32 to index
        %get3A_468 = arith.constant 96 : index
        %get3A_469 = tpu.vector_load %arg11[%get3A_467, %get3A_468] {strides = array<i32>} : memref<128x128xf32, #tpu.memory_space<vmem>>, vector<1x16xf32>,
        %get3A_470 = vector.shape_cast %get3A_469 : vector<1x16xf32> to vector<16xf32>
        %mul3A_471 = vector.broadcast %squeeze3A_396 : f32 to vector<16xf32>
        %mul3A_472 = arith.mulf %get3A_470, %mul3A_471 : vector<16xf32>
        %swap3A_473 = arith.index_cast %add3A_400 : i32 to index
        %swap3A_474 = arith.constant 96 : index
        %swap3A_475 = tpu.vector_load %arg11[%swap3A_473, %swap3A_474] {strides = array<i32>} : memref<128x128xf32, #tpu.memory_space<vmem>>, vector<1x16xf32>,
        %swap3A_476 = vector.shape_cast %swap3A_475 : vector<1x16xf32> to vector<16xf32>
        %swap3A_477 = vector.shape_cast %mul3A_472 : vector<16xf32> to vector<1x16xf32>
        tpu.vector_store %arg11[%swap3A_473, %swap3A_474], %swap3A_477 {strides = array<i32>} : memref<128x128xf32, #tpu.memory_space<vmem>>, vector<1x16xf32>,
        %get3A_478 = arith.index_cast %add3A_400 : i32 to index
        %get3A_479 = arith.constant 112 : index
        %get3A_480 = tpu.vector_load %arg11[%get3A_478, %get3A_479] {strides = array<i32>} : memref<128x128xf32, #tpu.memory_space<vmem>>, vector<1x16xf32>,
        %get3A_481 = vector.shape_cast %get3A_480 : vector<1x16xf32> to vector<16xf32>
        %mul3A_482 = vector.broadcast %squeeze3A_396 : f32 to vector<16xf32>
        %mul3A_483 = arith.mulf %get3A_481, %mul3A_482 : vector<16xf32>
        %swap3A_484 = arith.index_cast %add3A_400 : i32 to index
        %swap3A_485 = arith.constant 112 : index
        %swap3A_486 = tpu.vector_load %arg11[%swap3A_484, %swap3A_485] {strides = array<i32>} : memref<128x128xf32, #tpu.memory_space<vmem>>, vector<1x16xf32>,
        %swap3A_487 = vector.shape_cast %swap3A_486 : vector<1x16xf32> to vector<16xf32>
        %swap3A_488 = vector.shape_cast %mul3A_483 : vector<16xf32> to vector<1x16xf32>
        tpu.vector_store %arg11[%swap3A_484, %swap3A_485], %swap3A_488 {strides = array<i32>} : memref<128x128xf32, #tpu.memory_space<vmem>>, vector<1x16xf32>,
        %slice3A_489 = vector.extract_strided_slice %get3A_21 {offsets = [5], sizes = [1], strides = [1]} : vector<16xf32> to vector<1xf32>
        %squeeze3A_490 = vector.extract %slice3A_489[0] : f32 from vector<1xf32>
        %mul3A_491 = arith.constant 16 : i32
        %mul3A_492 = arith.muli %scan3A_16, %mul3A_491 : i32
        %add3A_493 = arith.constant 5 : i32
        %add3A_494 = arith.addi %mul3A_492, %add3A_493 : i32
        %get3A_495 = arith.index_cast %add3A_494 : i32 to index
        %get3A_496 = arith.constant 0 : index
        %get3A_497 = tpu.vector_load %arg11[%get3A_495, %get3A_496] {strides = array<i32>} : memref<128x128xf32, #tpu.memory_space<vmem>>, vector<1x16xf32>,
        %get3A_498 = vector.shape_cast %get3A_497 : vector<1x16xf32> to vector<16xf32>
        %mul3A_499 = vector.broadcast %squeeze3A_490 : f32 to vector<16xf32>
        %mul3A_500 = arith.mulf %get3A_498, %mul3A_499 : vector<16xf32>
        %swap3A_501 = arith.index_cast %add3A_494 : i32 to index
        %swap3A_502 = arith.constant 0 : index
        %swap3A_503 = tpu.vector_load %arg11[%swap3A_501, %swap3A_502] {strides = array<i32>} : memref<128x128xf32, #tpu.memory_space<vmem>>, vector<1x16xf32>,
        %swap3A_504 = vector.shape_cast %swap3A_503 : vector<1x16xf32> to vector<16xf32>
        %swap3A_505 = vector.shape_cast %mul3A_500 : vector<16xf32> to vector<1x16xf32>
        tpu.vector_store %arg11[%swap3A_501, %swap3A_502], %swap3A_505 {strides = array<i32>} : memref<128x128xf32, #tpu.memory_space<vmem>>, vector<1x16xf32>,
        %get3A_506 = arith.index_cast %add3A_494 : i32 to index
        %get3A_507 = arith.constant 16 : index
        %get3A_508 = tpu.vector_load %arg11[%get3A_506, %get3A_507] {strides = array<i32>} : memref<128x128xf32, #tpu.memory_space<vmem>>, vector<1x16xf32>,
        %get3A_509 = vector.shape_cast %get3A_508 : vector<1x16xf32> to vector<16xf32>
        %mul3A_510 = vector.broadcast %squeeze3A_490 : f32 to vector<16xf32>
        %mul3A_511 = arith.mulf %get3A_509, %mul3A_510 : vector<16xf32>
        %swap3A_512 = arith.index_cast %add3A_494 : i32 to index
        %swap3A_513 = arith.constant 16 : index
        %swap3A_514 = tpu.vector_load %arg11[%swap3A_512, %swap3A_513] {strides = array<i32>} : memref<128x128xf32, #tpu.memory_space<vmem>>, vector<1x16xf32>,
        %swap3A_515 = vector.shape_cast %swap3A_514 : vector<1x16xf32> to vector<16xf32>
        %swap3A_516 = vector.shape_cast %mul3A_511 : vector<16xf32> to vector<1x16xf32>
        tpu.vector_store %arg11[%swap3A_512, %swap3A_513], %swap3A_516 {strides = array<i32>} : memref<128x128xf32, #tpu.memory_space<vmem>>, vector<1x16xf32>,
        %get3A_517 = arith.index_cast %add3A_494 : i32 to index
        %get3A_518 = arith.constant 32 : index
        %get3A_519 = tpu.vector_load %arg11[%get3A_517, %get3A_518] {strides = array<i32>} : memref<128x128xf32, #tpu.memory_space<vmem>>, vector<1x16xf32>,
        %get3A_520 = vector.shape_cast %get3A_519 : vector<1x16xf32> to vector<16xf32>
        %mul3A_521 = vector.broadcast %squeeze3A_490 : f32 to vector<16xf32>
        %mul3A_522 = arith.mulf %get3A_520, %mul3A_521 : vector<16xf32>
        %swap3A_523 = arith.index_cast %add3A_494 : i32 to index
        %swap3A_524 = arith.constant 32 : index
        %swap3A_525 = tpu.vector_load %arg11[%swap3A_523, %swap3A_524] {strides = array<i32>} : memref<128x128xf32, #tpu.memory_space<vmem>>, vector<1x16xf32>,
        %swap3A_526 = vector.shape_cast %swap3A_525 : vector<1x16xf32> to vector<16xf32>
        %swap3A_527 = vector.shape_cast %mul3A_522 : vector<16xf32> to vector<1x16xf32>
        tpu.vector_store %arg11[%swap3A_523, %swap3A_524], %swap3A_527 {strides = array<i32>} : memref<128x128xf32, #tpu.memory_space<vmem>>, vector<1x16xf32>,
        %get3A_528 = arith.index_cast %add3A_494 : i32 to index
        %get3A_529 = arith.constant 48 : index
        %get3A_530 = tpu.vector_load %arg11[%get3A_528, %get3A_529] {strides = array<i32>} : memref<128x128xf32, #tpu.memory_space<vmem>>, vector<1x16xf32>,
        %get3A_531 = vector.shape_cast %get3A_530 : vector<1x16xf32> to vector<16xf32>
        %mul3A_532 = vector.broadcast %squeeze3A_490 : f32 to vector<16xf32>
        %mul3A_533 = arith.mulf %get3A_531, %mul3A_532 : vector<16xf32>
        %swap3A_534 = arith.index_cast %add3A_494 : i32 to index
        %swap3A_535 = arith.constant 48 : index
        %swap3A_536 = tpu.vector_load %arg11[%swap3A_534, %swap3A_535] {strides = array<i32>} : memref<128x128xf32, #tpu.memory_space<vmem>>, vector<1x16xf32>,
        %swap3A_537 = vector.shape_cast %swap3A_536 : vector<1x16xf32> to vector<16xf32>
        %swap3A_538 = vector.shape_cast %mul3A_533 : vector<16xf32> to vector<1x16xf32>
        tpu.vector_store %arg11[%swap3A_534, %swap3A_535], %swap3A_538 {strides = array<i32>} : memref<128x128xf32, #tpu.memory_space<vmem>>, vector<1x16xf32>,
        %get3A_539 = arith.index_cast %add3A_494 : i32 to index
        %get3A_540 = arith.constant 64 : index
        %get3A_541 = tpu.vector_load %arg11[%get3A_539, %get3A_540] {strides = array<i32>} : memref<128x128xf32, #tpu.memory_space<vmem>>, vector<1x16xf32>,
        %get3A_542 = vector.shape_cast %get3A_541 : vector<1x16xf32> to vector<16xf32>
        %mul3A_543 = vector.broadcast %squeeze3A_490 : f32 to vector<16xf32>
        %mul3A_544 = arith.mulf %get3A_542, %mul3A_543 : vector<16xf32>
        %swap3A_545 = arith.index_cast %add3A_494 : i32 to index
        %swap3A_546 = arith.constant 64 : index
        %swap3A_547 = tpu.vector_load %arg11[%swap3A_545, %swap3A_546] {strides = array<i32>} : memref<128x128xf32, #tpu.memory_space<vmem>>, vector<1x16xf32>,
        %swap3A_548 = vector.shape_cast %swap3A_547 : vector<1x16xf32> to vector<16xf32>
        %swap3A_549 = vector.shape_cast %mul3A_544 : vector<16xf32> to vector<1x16xf32>
        tpu.vector_store %arg11[%swap3A_545, %swap3A_546], %swap3A_549 {strides = array<i32>} : memref<128x128xf32, #tpu.memory_space<vmem>>, vector<1x16xf32>,
        %get3A_550 = arith.index_cast %add3A_494 : i32 to index
        %get3A_551 = arith.constant 80 : index
        %get3A_552 = tpu.vector_load %arg11[%get3A_550, %get3A_551] {strides = array<i32>} : memref<128x128xf32, #tpu.memory_space<vmem>>, vector<1x16xf32>,
        %get3A_553 = vector.shape_cast %get3A_552 : vector<1x16xf32> to vector<16xf32>
        %mul3A_554 = vector.broadcast %squeeze3A_490 : f32 to vector<16xf32>
        %mul3A_555 = arith.mulf %get3A_553, %mul3A_554 : vector<16xf32>
        %swap3A_556 = arith.index_cast %add3A_494 : i32 to index
        %swap3A_557 = arith.constant 80 : index
        %swap3A_558 = tpu.vector_load %arg11[%swap3A_556, %swap3A_557] {strides = array<i32>} : memref<128x128xf32, #tpu.memory_space<vmem>>, vector<1x16xf32>,
        %swap3A_559 = vector.shape_cast %swap3A_558 : vector<1x16xf32> to vector<16xf32>
        %swap3A_560 = vector.shape_cast %mul3A_555 : vector<16xf32> to vector<1x16xf32>
        tpu.vector_store %arg11[%swap3A_556, %swap3A_557], %swap3A_560 {strides = array<i32>} : memref<128x128xf32, #tpu.memory_space<vmem>>, vector<1x16xf32>,
        %get3A_561 = arith.index_cast %add3A_494 : i32 to index
        %get3A_562 = arith.constant 96 : index
        %get3A_563 = tpu.vector_load %arg11[%get3A_561, %get3A_562] {strides = array<i32>} : memref<128x128xf32, #tpu.memory_space<vmem>>, vector<1x16xf32>,
        %get3A_564 = vector.shape_cast %get3A_563 : vector<1x16xf32> to vector<16xf32>
        %mul3A_565 = vector.broadcast %squeeze3A_490 : f32 to vector<16xf32>
        %mul3A_566 = arith.mulf %get3A_564, %mul3A_565 : vector<16xf32>
        %swap3A_567 = arith.index_cast %add3A_494 : i32 to index
        %swap3A_568 = arith.constant 96 : index
        %swap3A_569 = tpu.vector_load %arg11[%swap3A_567, %swap3A_568] {strides = array<i32>} : memref<128x128xf32, #tpu.memory_space<vmem>>, vector<1x16xf32>,
        %swap3A_570 = vector.shape_cast %swap3A_569 : vector<1x16xf32> to vector<16xf32>
        %swap3A_571 = vector.shape_cast %mul3A_566 : vector<16xf32> to vector<1x16xf32>
        tpu.vector_store %arg11[%swap3A_567, %swap3A_568], %swap3A_571 {strides = array<i32>} : memref<128x128xf32, #tpu.memory_space<vmem>>, vector<1x16xf32>,
        %get3A_572 = arith.index_cast %add3A_494 : i32 to index
        %get3A_573 = arith.constant 112 : index
        %get3A_574 = tpu.vector_load %arg11[%get3A_572, %get3A_573] {strides = array<i32>} : memref<128x128xf32, #tpu.memory_space<vmem>>, vector<1x16xf32>,
        %get3A_575 = vector.shape_cast %get3A_574 : vector<1x16xf32> to vector<16xf32>
        %mul3A_576 = vector.broadcast %squeeze3A_490 : f32 to vector<16xf32>
        %mul3A_577 = arith.mulf %get3A_575, %mul3A_576 : vector<16xf32>
        %swap3A_578 = arith.index_cast %add3A_494 : i32 to index
        %swap3A_579 = arith.constant 112 : index
        %swap3A_580 = tpu.vector_load %arg11[%swap3A_578, %swap3A_579] {strides = array<i32>} : memref<128x128xf32, #tpu.memory_space<vmem>>, vector<1x16xf32>,
        %swap3A_581 = vector.shape_cast %swap3A_580 : vector<1x16xf32> to vector<16xf32>
        %swap3A_582 = vector.shape_cast %mul3A_577 : vector<16xf32> to vector<1x16xf32>
        tpu.vector_store %arg11[%swap3A_578, %swap3A_579], %swap3A_582 {strides = array<i32>} : memref<128x128xf32, #tpu.memory_space<vmem>>, vector<1x16xf32>,
        %slice3A_583 = vector.extract_strided_slice %get3A_21 {offsets = [6], sizes = [1], strides = [1]} : vector<16xf32> to vector<1xf32>
        %squeeze3A_584 = vector.extract %slice3A_583[0] : f32 from vector<1xf32>
        %mul3A_585 = arith.constant 16 : i32
        %mul3A_586 = arith.muli %scan3A_16, %mul3A_585 : i32
        %add3A_587 = arith.constant 6 : i32
        %add3A_588 = arith.addi %mul3A_586, %add3A_587 : i32
        %get3A_589 = arith.index_cast %add3A_588 : i32 to index
        %get3A_590 = arith.constant 0 : index
        %get3A_591 = tpu.vector_load %arg11[%get3A_589, %get3A_590] {strides = array<i32>} : memref<128x128xf32, #tpu.memory_space<vmem>>, vector<1x16xf32>,
        %get3A_592 = vector.shape_cast %get3A_591 : vector<1x16xf32> to vector<16xf32>
        %mul3A_593 = vector.broadcast %squeeze3A_584 : f32 to vector<16xf32>
        %mul3A_594 = arith.mulf %get3A_592, %mul3A_593 : vector<16xf32>
        %swap3A_595 = arith.index_cast %add3A_588 : i32 to index
        %swap3A_596 = arith.constant 0 : index
        %swap3A_597 = tpu.vector_load %arg11[%swap3A_595, %swap3A_596] {strides = array<i32>} : memref<128x128xf32, #tpu.memory_space<vmem>>, vector<1x16xf32>,
        %swap3A_598 = vector.shape_cast %swap3A_597 : vector<1x16xf32> to vector<16xf32>
        %swap3A_599 = vector.shape_cast %mul3A_594 : vector<16xf32> to vector<1x16xf32>
        tpu.vector_store %arg11[%swap3A_595, %swap3A_596], %swap3A_599 {strides = array<i32>} : memref<128x128xf32, #tpu.memory_space<vmem>>, vector<1x16xf32>,
        %get3A_600 = arith.index_cast %add3A_588 : i32 to index
        %get3A_601 = arith.constant 16 : index
        %get3A_602 = tpu.vector_load %arg11[%get3A_600, %get3A_601] {strides = array<i32>} : memref<128x128xf32, #tpu.memory_space<vmem>>, vector<1x16xf32>,
        %get3A_603 = vector.shape_cast %get3A_602 : vector<1x16xf32> to vector<16xf32>
        %mul3A_604 = vector.broadcast %squeeze3A_584 : f32 to vector<16xf32>
        %mul3A_605 = arith.mulf %get3A_603, %mul3A_604 : vector<16xf32>
        %swap3A_606 = arith.index_cast %add3A_588 : i32 to index
        %swap3A_607 = arith.constant 16 : index
        %swap3A_608 = tpu.vector_load %arg11[%swap3A_606, %swap3A_607] {strides = array<i32>} : memref<128x128xf32, #tpu.memory_space<vmem>>, vector<1x16xf32>,
        %swap3A_609 = vector.shape_cast %swap3A_608 : vector<1x16xf32> to vector<16xf32>
        %swap3A_610 = vector.shape_cast %mul3A_605 : vector<16xf32> to vector<1x16xf32>
        tpu.vector_store %arg11[%swap3A_606, %swap3A_607], %swap3A_610 {strides = array<i32>} : memref<128x128xf32, #tpu.memory_space<vmem>>, vector<1x16xf32>,
        %get3A_611 = arith.index_cast %add3A_588 : i32 to index
        %get3A_612 = arith.constant 32 : index
        %get3A_613 = tpu.vector_load %arg11[%get3A_611, %get3A_612] {strides = array<i32>} : memref<128x128xf32, #tpu.memory_space<vmem>>, vector<1x16xf32>,
        %get3A_614 = vector.shape_cast %get3A_613 : vector<1x16xf32> to vector<16xf32>
        %mul3A_615 = vector.broadcast %squeeze3A_584 : f32 to vector<16xf32>
        %mul3A_616 = arith.mulf %get3A_614, %mul3A_615 : vector<16xf32>
        %swap3A_617 = arith.index_cast %add3A_588 : i32 to index
        %swap3A_618 = arith.constant 32 : index
        %swap3A_619 = tpu.vector_load %arg11[%swap3A_617, %swap3A_618] {strides = array<i32>} : memref<128x128xf32, #tpu.memory_space<vmem>>, vector<1x16xf32>,
        %swap3A_620 = vector.shape_cast %swap3A_619 : vector<1x16xf32> to vector<16xf32>
        %swap3A_621 = vector.shape_cast %mul3A_616 : vector<16xf32> to vector<1x16xf32>
        tpu.vector_store %arg11[%swap3A_617, %swap3A_618], %swap3A_621 {strides = array<i32>} : memref<128x128xf32, #tpu.memory_space<vmem>>, vector<1x16xf32>,
        %get3A_622 = arith.index_cast %add3A_588 : i32 to index
        %get3A_623 = arith.constant 48 : index
        %get3A_624 = tpu.vector_load %arg11[%get3A_622, %get3A_623] {strides = array<i32>} : memref<128x128xf32, #tpu.memory_space<vmem>>, vector<1x16xf32>,
        %get3A_625 = vector.shape_cast %get3A_624 : vector<1x16xf32> to vector<16xf32>
        %mul3A_626 = vector.broadcast %squeeze3A_584 : f32 to vector<16xf32>
        %mul3A_627 = arith.mulf %get3A_625, %mul3A_626 : vector<16xf32>
        %swap3A_628 = arith.index_cast %add3A_588 : i32 to index
        %swap3A_629 = arith.constant 48 : index
        %swap3A_630 = tpu.vector_load %arg11[%swap3A_628, %swap3A_629] {strides = array<i32>} : memref<128x128xf32, #tpu.memory_space<vmem>>, vector<1x16xf32>,
        %swap3A_631 = vector.shape_cast %swap3A_630 : vector<1x16xf32> to vector<16xf32>
        %swap3A_632 = vector.shape_cast %mul3A_627 : vector<16xf32> to vector<1x16xf32>
        tpu.vector_store %arg11[%swap3A_628, %swap3A_629], %swap3A_632 {strides = array<i32>} : memref<128x128xf32, #tpu.memory_space<vmem>>, vector<1x16xf32>,
        %get3A_633 = arith.index_cast %add3A_588 : i32 to index
        %get3A_634 = arith.constant 64 : index
        %get3A_635 = tpu.vector_load %arg11[%get3A_633, %get3A_634] {strides = array<i32>} : memref<128x128xf32, #tpu.memory_space<vmem>>, vector<1x16xf32>,
        %get3A_636 = vector.shape_cast %get3A_635 : vector<1x16xf32> to vector<16xf32>
        %mul3A_637 = vector.broadcast %squeeze3A_584 : f32 to vector<16xf32>
        %mul3A_638 = arith.mulf %get3A_636, %mul3A_637 : vector<16xf32>
        %swap3A_639 = arith.index_cast %add3A_588 : i32 to index
        %swap3A_640 = arith.constant 64 : index
        %swap3A_641 = tpu.vector_load %arg11[%swap3A_639, %swap3A_640] {strides = array<i32>} : memref<128x128xf32, #tpu.memory_space<vmem>>, vector<1x16xf32>,
        %swap3A_642 = vector.shape_cast %swap3A_641 : vector<1x16xf32> to vector<16xf32>
        %swap3A_643 = vector.shape_cast %mul3A_638 : vector<16xf32> to vector<1x16xf32>
        tpu.vector_store %arg11[%swap3A_639, %swap3A_640], %swap3A_643 {strides = array<i32>} : memref<128x128xf32, #tpu.memory_space<vmem>>, vector<1x16xf32>,
        %get3A_644 = arith.index_cast %add3A_588 : i32 to index
        %get3A_645 = arith.constant 80 : index
        %get3A_646 = tpu.vector_load %arg11[%get3A_644, %get3A_645] {strides = array<i32>} : memref<128x128xf32, #tpu.memory_space<vmem>>, vector<1x16xf32>,
        %get3A_647 = vector.shape_cast %get3A_646 : vector<1x16xf32> to vector<16xf32>
        %mul3A_648 = vector.broadcast %squeeze3A_584 : f32 to vector<16xf32>
        %mul3A_649 = arith.mulf %get3A_647, %mul3A_648 : vector<16xf32>
        %swap3A_650 = arith.index_cast %add3A_588 : i32 to index
        %swap3A_651 = arith.constant 80 : index
        %swap3A_652 = tpu.vector_load %arg11[%swap3A_650, %swap3A_651] {strides = array<i32>} : memref<128x128xf32, #tpu.memory_space<vmem>>, vector<1x16xf32>,
        %swap3A_653 = vector.shape_cast %swap3A_652 : vector<1x16xf32> to vector<16xf32>
        %swap3A_654 = vector.shape_cast %mul3A_649 : vector<16xf32> to vector<1x16xf32>
        tpu.vector_store %arg11[%swap3A_650, %swap3A_651], %swap3A_654 {strides = array<i32>} : memref<128x128xf32, #tpu.memory_space<vmem>>, vector<1x16xf32>,
        %get3A_655 = arith.index_cast %add3A_588 : i32 to index
        %get3A_656 = arith.constant 96 : index
        %get3A_657 = tpu.vector_load %arg11[%get3A_655, %get3A_656] {strides = array<i32>} : memref<128x128xf32, #tpu.memory_space<vmem>>, vector<1x16xf32>,
        %get3A_658 = vector.shape_cast %get3A_657 : vector<1x16xf32> to vector<16xf32>
        %mul3A_659 = vector.broadcast %squeeze3A_584 : f32 to vector<16xf32>
        %mul3A_660 = arith.mulf %get3A_658, %mul3A_659 : vector<16xf32>
        %swap3A_661 = arith.index_cast %add3A_588 : i32 to index
        %swap3A_662 = arith.constant 96 : index
        %swap3A_663 = tpu.vector_load %arg11[%swap3A_661, %swap3A_662] {strides = array<i32>} : memref<128x128xf32, #tpu.memory_space<vmem>>, vector<1x16xf32>,
        %swap3A_664 = vector.shape_cast %swap3A_663 : vector<1x16xf32> to vector<16xf32>
        %swap3A_665 = vector.shape_cast %mul3A_660 : vector<16xf32> to vector<1x16xf32>
        tpu.vector_store %arg11[%swap3A_661, %swap3A_662], %swap3A_665 {strides = array<i32>} : memref<128x128xf32, #tpu.memory_space<vmem>>, vector<1x16xf32>,
        %get3A_666 = arith.index_cast %add3A_588 : i32 to index
        %get3A_667 = arith.constant 112 : index
        %get3A_668 = tpu.vector_load %arg11[%get3A_666, %get3A_667] {strides = array<i32>} : memref<128x128xf32, #tpu.memory_space<vmem>>, vector<1x16xf32>,
        %get3A_669 = vector.shape_cast %get3A_668 : vector<1x16xf32> to vector<16xf32>
        %mul3A_670 = vector.broadcast %squeeze3A_584 : f32 to vector<16xf32>
        %mul3A_671 = arith.mulf %get3A_669, %mul3A_670 : vector<16xf32>
        %swap3A_672 = arith.index_cast %add3A_588 : i32 to index
        %swap3A_673 = arith.constant 112 : index
        %swap3A_674 = tpu.vector_load %arg11[%swap3A_672, %swap3A_673] {strides = array<i32>} : memref<128x128xf32, #tpu.memory_space<vmem>>, vector<1x16xf32>,
        %swap3A_675 = vector.shape_cast %swap3A_674 : vector<1x16xf32> to vector<16xf32>
        %swap3A_676 = vector.shape_cast %mul3A_671 : vector<16xf32> to vector<1x16xf32>
        tpu.vector_store %arg11[%swap3A_672, %swap3A_673], %swap3A_676 {strides = array<i32>} : memref<128x128xf32, #tpu.memory_space<vmem>>, vector<1x16xf32>,
        %slice3A_677 = vector.extract_strided_slice %get3A_21 {offsets = [7], sizes = [1], strides = [1]} : vector<16xf32> to vector<1xf32>
        %squeeze3A_678 = vector.extract %slice3A_677[0] : f32 from vector<1xf32>
        %mul3A_679 = arith.constant 16 : i32
        %mul3A_680 = arith.muli %scan3A_16, %mul3A_679 : i32
        %add3A_681 = arith.constant 7 : i32
        %add3A_682 = arith.addi %mul3A_680, %add3A_681 : i32
        %get3A_683 = arith.index_cast %add3A_682 : i32 to index
        %get3A_684 = arith.constant 0 : index
        %get3A_685 = tpu.vector_load %arg11[%get3A_683, %get3A_684] {strides = array<i32>} : memref<128x128xf32, #tpu.memory_space<vmem>>, vector<1x16xf32>,
        %get3A_686 = vector.shape_cast %get3A_685 : vector<1x16xf32> to vector<16xf32>
        %mul3A_687 = vector.broadcast %squeeze3A_678 : f32 to vector<16xf32>
        %mul3A_688 = arith.mulf %get3A_686, %mul3A_687 : vector<16xf32>
        %swap3A_689 = arith.index_cast %add3A_682 : i32 to index
        %swap3A_690 = arith.constant 0 : index
        %swap3A_691 = tpu.vector_load %arg11[%swap3A_689, %swap3A_690] {strides = array<i32>} : memref<128x128xf32, #tpu.memory_space<vmem>>, vector<1x16xf32>,
        %swap3A_692 = vector.shape_cast %swap3A_691 : vector<1x16xf32> to vector<16xf32>
        %swap3A_693 = vector.shape_cast %mul3A_688 : vector<16xf32> to vector<1x16xf32>
        tpu.vector_store %arg11[%swap3A_689, %swap3A_690], %swap3A_693 {strides = array<i32>} : memref<128x128xf32, #tpu.memory_space<vmem>>, vector<1x16xf32>,
        %get3A_694 = arith.index_cast %add3A_682 : i32 to index
        %get3A_695 = arith.constant 16 : index
        %get3A_696 = tpu.vector_load %arg11[%get3A_694, %get3A_695] {strides = array<i32>} : memref<128x128xf32, #tpu.memory_space<vmem>>, vector<1x16xf32>,
        %get3A_697 = vector.shape_cast %get3A_696 : vector<1x16xf32> to vector<16xf32>
        %mul3A_698 = vector.broadcast %squeeze3A_678 : f32 to vector<16xf32>
        %mul3A_699 = arith.mulf %get3A_697, %mul3A_698 : vector<16xf32>
        %swap3A_700 = arith.index_cast %add3A_682 : i32 to index
        %swap3A_701 = arith.constant 16 : index
        %swap3A_702 = tpu.vector_load %arg11[%swap3A_700, %swap3A_701] {strides = array<i32>} : memref<128x128xf32, #tpu.memory_space<vmem>>, vector<1x16xf32>,
        %swap3A_703 = vector.shape_cast %swap3A_702 : vector<1x16xf32> to vector<16xf32>
        %swap3A_704 = vector.shape_cast %mul3A_699 : vector<16xf32> to vector<1x16xf32>
        tpu.vector_store %arg11[%swap3A_700, %swap3A_701], %swap3A_704 {strides = array<i32>} : memref<128x128xf32, #tpu.memory_space<vmem>>, vector<1x16xf32>,
        %get3A_705 = arith.index_cast %add3A_682 : i32 to index
        %get3A_706 = arith.constant 32 : index
        %get3A_707 = tpu.vector_load %arg11[%get3A_705, %get3A_706] {strides = array<i32>} : memref<128x128xf32, #tpu.memory_space<vmem>>, vector<1x16xf32>,
        %get3A_708 = vector.shape_cast %get3A_707 : vector<1x16xf32> to vector<16xf32>
        %mul3A_709 = vector.broadcast %squeeze3A_678 : f32 to vector<16xf32>
        %mul3A_710 = arith.mulf %get3A_708, %mul3A_709 : vector<16xf32>
        %swap3A_711 = arith.index_cast %add3A_682 : i32 to index
        %swap3A_712 = arith.constant 32 : index
        %swap3A_713 = tpu.vector_load %arg11[%swap3A_711, %swap3A_712] {strides = array<i32>} : memref<128x128xf32, #tpu.memory_space<vmem>>, vector<1x16xf32>,
        %swap3A_714 = vector.shape_cast %swap3A_713 : vector<1x16xf32> to vector<16xf32>
        %swap3A_715 = vector.shape_cast %mul3A_710 : vector<16xf32> to vector<1x16xf32>
        tpu.vector_store %arg11[%swap3A_711, %swap3A_712], %swap3A_715 {strides = array<i32>} : memref<128x128xf32, #tpu.memory_space<vmem>>, vector<1x16xf32>,
        %get3A_716 = arith.index_cast %add3A_682 : i32 to index
        %get3A_717 = arith.constant 48 : index
        %get3A_718 = tpu.vector_load %arg11[%get3A_716, %get3A_717] {strides = array<i32>} : memref<128x128xf32, #tpu.memory_space<vmem>>, vector<1x16xf32>,
        %get3A_719 = vector.shape_cast %get3A_718 : vector<1x16xf32> to vector<16xf32>
        %mul3A_720 = vector.broadcast %squeeze3A_678 : f32 to vector<16xf32>
        %mul3A_721 = arith.mulf %get3A_719, %mul3A_720 : vector<16xf32>
        %swap3A_722 = arith.index_cast %add3A_682 : i32 to index
        %swap3A_723 = arith.constant 48 : index
        %swap3A_724 = tpu.vector_load %arg11[%swap3A_722, %swap3A_723] {strides = array<i32>} : memref<128x128xf32, #tpu.memory_space<vmem>>, vector<1x16xf32>,
        %swap3A_725 = vector.shape_cast %swap3A_724 : vector<1x16xf32> to vector<16xf32>
        %swap3A_726 = vector.shape_cast %mul3A_721 : vector<16xf32> to vector<1x16xf32>
        tpu.vector_store %arg11[%swap3A_722, %swap3A_723], %swap3A_726 {strides = array<i32>} : memref<128x128xf32, #tpu.memory_space<vmem>>, vector<1x16xf32>,
        %get3A_727 = arith.index_cast %add3A_682 : i32 to index
        %get3A_728 = arith.constant 64 : index
        %get3A_729 = tpu.vector_load %arg11[%get3A_727, %get3A_728] {strides = array<i32>} : memref<128x128xf32, #tpu.memory_space<vmem>>, vector<1x16xf32>,
        %get3A_730 = vector.shape_cast %get3A_729 : vector<1x16xf32> to vector<16xf32>
        %mul3A_731 = vector.broadcast %squeeze3A_678 : f32 to vector<16xf32>
        %mul3A_732 = arith.mulf %get3A_730, %mul3A_731 : vector<16xf32>
        %swap3A_733 = arith.index_cast %add3A_682 : i32 to index
        %swap3A_734 = arith.constant 64 : index
        %swap3A_735 = tpu.vector_load %arg11[%swap3A_733, %swap3A_734] {strides = array<i32>} : memref<128x128xf32, #tpu.memory_space<vmem>>, vector<1x16xf32>,
        %swap3A_736 = vector.shape_cast %swap3A_735 : vector<1x16xf32> to vector<16xf32>
        %swap3A_737 = vector.shape_cast %mul3A_732 : vector<16xf32> to vector<1x16xf32>
        tpu.vector_store %arg11[%swap3A_733, %swap3A_734], %swap3A_737 {strides = array<i32>} : memref<128x128xf32, #tpu.memory_space<vmem>>, vector<1x16xf32>,
        %get3A_738 = arith.index_cast %add3A_682 : i32 to index
        %get3A_739 = arith.constant 80 : index
        %get3A_740 = tpu.vector_load %arg11[%get3A_738, %get3A_739] {strides = array<i32>} : memref<128x128xf32, #tpu.memory_space<vmem>>, vector<1x16xf32>,
        %get3A_741 = vector.shape_cast %get3A_740 : vector<1x16xf32> to vector<16xf32>
        %mul3A_742 = vector.broadcast %squeeze3A_678 : f32 to vector<16xf32>
        %mul3A_743 = arith.mulf %get3A_741, %mul3A_742 : vector<16xf32>
        %swap3A_744 = arith.index_cast %add3A_682 : i32 to index
        %swap3A_745 = arith.constant 80 : index
        %swap3A_746 = tpu.vector_load %arg11[%swap3A_744, %swap3A_745] {strides = array<i32>} : memref<128x128xf32, #tpu.memory_space<vmem>>, vector<1x16xf32>,
        %swap3A_747 = vector.shape_cast %swap3A_746 : vector<1x16xf32> to vector<16xf32>
        %swap3A_748 = vector.shape_cast %mul3A_743 : vector<16xf32> to vector<1x16xf32>
        tpu.vector_store %arg11[%swap3A_744, %swap3A_745], %swap3A_748 {strides = array<i32>} : memref<128x128xf32, #tpu.memory_space<vmem>>, vector<1x16xf32>,
        %get3A_749 = arith.index_cast %add3A_682 : i32 to index
        %get3A_750 = arith.constant 96 : index
        %get3A_751 = tpu.vector_load %arg11[%get3A_749, %get3A_750] {strides = array<i32>} : memref<128x128xf32, #tpu.memory_space<vmem>>, vector<1x16xf32>,
        %get3A_752 = vector.shape_cast %get3A_751 : vector<1x16xf32> to vector<16xf32>
        %mul3A_753 = vector.broadcast %squeeze3A_678 : f32 to vector<16xf32>
        %mul3A_754 = arith.mulf %get3A_752, %mul3A_753 : vector<16xf32>
        %swap3A_755 = arith.index_cast %add3A_682 : i32 to index
        %swap3A_756 = arith.constant 96 : index
        %swap3A_757 = tpu.vector_load %arg11[%swap3A_755, %swap3A_756] {strides = array<i32>} : memref<128x128xf32, #tpu.memory_space<vmem>>, vector<1x16xf32>,
        %swap3A_758 = vector.shape_cast %swap3A_757 : vector<1x16xf32> to vector<16xf32>
        %swap3A_759 = vector.shape_cast %mul3A_754 : vector<16xf32> to vector<1x16xf32>
        tpu.vector_store %arg11[%swap3A_755, %swap3A_756], %swap3A_759 {strides = array<i32>} : memref<128x128xf32, #tpu.memory_space<vmem>>, vector<1x16xf32>,
        %get3A_760 = arith.index_cast %add3A_682 : i32 to index
        %get3A_761 = arith.constant 112 : index
        %get3A_762 = tpu.vector_load %arg11[%get3A_760, %get3A_761] {strides = array<i32>} : memref<128x128xf32, #tpu.memory_space<vmem>>, vector<1x16xf32>,
        %get3A_763 = vector.shape_cast %get3A_762 : vector<1x16xf32> to vector<16xf32>
        %mul3A_764 = vector.broadcast %squeeze3A_678 : f32 to vector<16xf32>
        %mul3A_765 = arith.mulf %get3A_763, %mul3A_764 : vector<16xf32>
        %swap3A_766 = arith.index_cast %add3A_682 : i32 to index
        %swap3A_767 = arith.constant 112 : index
        %swap3A_768 = tpu.vector_load %arg11[%swap3A_766, %swap3A_767] {strides = array<i32>} : memref<128x128xf32, #tpu.memory_space<vmem>>, vector<1x16xf32>,
        %swap3A_769 = vector.shape_cast %swap3A_768 : vector<1x16xf32> to vector<16xf32>
        %swap3A_770 = vector.shape_cast %mul3A_765 : vector<16xf32> to vector<1x16xf32>
        tpu.vector_store %arg11[%swap3A_766, %swap3A_767], %swap3A_770 {strides = array<i32>} : memref<128x128xf32, #tpu.memory_space<vmem>>, vector<1x16xf32>,
        %slice3A_771 = vector.extract_strided_slice %get3A_21 {offsets = [8], sizes = [1], strides = [1]} : vector<16xf32> to vector<1xf32>
        %squeeze3A_772 = vector.extract %slice3A_771[0] : f32 from vector<1xf32>
        %mul3A_773 = arith.constant 16 : i32
        %mul3A_774 = arith.muli %scan3A_16, %mul3A_773 : i32
        %add3A_775 = arith.constant 8 : i32
        %add3A_776 = arith.addi %mul3A_774, %add3A_775 : i32
        %get3A_777 = arith.index_cast %add3A_776 : i32 to index
        %get3A_778 = arith.constant 0 : index
        %get3A_779 = tpu.vector_load %arg11[%get3A_777, %get3A_778] {strides = array<i32>} : memref<128x128xf32, #tpu.memory_space<vmem>>, vector<1x16xf32>,
        %get3A_780 = vector.shape_cast %get3A_779 : vector<1x16xf32> to vector<16xf32>
        %mul3A_781 = vector.broadcast %squeeze3A_772 : f32 to vector<16xf32>
        %mul3A_782 = arith.mulf %get3A_780, %mul3A_781 : vector<16xf32>
        %swap3A_783 = arith.index_cast %add3A_776 : i32 to index
        %swap3A_784 = arith.constant 0 : index
        %swap3A_785 = tpu.vector_load %arg11[%swap3A_783, %swap3A_784] {strides = array<i32>} : memref<128x128xf32, #tpu.memory_space<vmem>>, vector<1x16xf32>,
        %swap3A_786 = vector.shape_cast %swap3A_785 : vector<1x16xf32> to vector<16xf32>
        %swap3A_787 = vector.shape_cast %mul3A_782 : vector<16xf32> to vector<1x16xf32>
        tpu.vector_store %arg11[%swap3A_783, %swap3A_784], %swap3A_787 {strides = array<i32>} : memref<128x128xf32, #tpu.memory_space<vmem>>, vector<1x16xf32>,
        %get3A_788 = arith.index_cast %add3A_776 : i32 to index
        %get3A_789 = arith.constant 16 : index
        %get3A_790 = tpu.vector_load %arg11[%get3A_788, %get3A_789] {strides = array<i32>} : memref<128x128xf32, #tpu.memory_space<vmem>>, vector<1x16xf32>,
        %get3A_791 = vector.shape_cast %get3A_790 : vector<1x16xf32> to vector<16xf32>
        %mul3A_792 = vector.broadcast %squeeze3A_772 : f32 to vector<16xf32>
        %mul3A_793 = arith.mulf %get3A_791, %mul3A_792 : vector<16xf32>
        %swap3A_794 = arith.index_cast %add3A_776 : i32 to index
        %swap3A_795 = arith.constant 16 : index
        %swap3A_796 = tpu.vector_load %arg11[%swap3A_794, %swap3A_795] {strides = array<i32>} : memref<128x128xf32, #tpu.memory_space<vmem>>, vector<1x16xf32>,
        %swap3A_797 = vector.shape_cast %swap3A_796 : vector<1x16xf32> to vector<16xf32>
        %swap3A_798 = vector.shape_cast %mul3A_793 : vector<16xf32> to vector<1x16xf32>
        tpu.vector_store %arg11[%swap3A_794, %swap3A_795], %swap3A_798 {strides = array<i32>} : memref<128x128xf32, #tpu.memory_space<vmem>>, vector<1x16xf32>,
        %get3A_799 = arith.index_cast %add3A_776 : i32 to index
        %get3A_800 = arith.constant 32 : index
        %get3A_801 = tpu.vector_load %arg11[%get3A_799, %get3A_800] {strides = array<i32>} : memref<128x128xf32, #tpu.memory_space<vmem>>, vector<1x16xf32>,
        %get3A_802 = vector.shape_cast %get3A_801 : vector<1x16xf32> to vector<16xf32>
        %mul3A_803 = vector.broadcast %squeeze3A_772 : f32 to vector<16xf32>
        %mul3A_804 = arith.mulf %get3A_802, %mul3A_803 : vector<16xf32>
        %swap3A_805 = arith.index_cast %add3A_776 : i32 to index
        %swap3A_806 = arith.constant 32 : index
        %swap3A_807 = tpu.vector_load %arg11[%swap3A_805, %swap3A_806] {strides = array<i32>} : memref<128x128xf32, #tpu.memory_space<vmem>>, vector<1x16xf32>,
        %swap3A_808 = vector.shape_cast %swap3A_807 : vector<1x16xf32> to vector<16xf32>
        %swap3A_809 = vector.shape_cast %mul3A_804 : vector<16xf32> to vector<1x16xf32>
        tpu.vector_store %arg11[%swap3A_805, %swap3A_806], %swap3A_809 {strides = array<i32>} : memref<128x128xf32, #tpu.memory_space<vmem>>, vector<1x16xf32>,
        %get3A_810 = arith.index_cast %add3A_776 : i32 to index
        %get3A_811 = arith.constant 48 : index
        %get3A_812 = tpu.vector_load %arg11[%get3A_810, %get3A_811] {strides = array<i32>} : memref<128x128xf32, #tpu.memory_space<vmem>>, vector<1x16xf32>,
        %get3A_813 = vector.shape_cast %get3A_812 : vector<1x16xf32> to vector<16xf32>
        %mul3A_814 = vector.broadcast %squeeze3A_772 : f32 to vector<16xf32>
        %mul3A_815 = arith.mulf %get3A_813, %mul3A_814 : vector<16xf32>
        %swap3A_816 = arith.index_cast %add3A_776 : i32 to index
        %swap3A_817 = arith.constant 48 : index
        %swap3A_818 = tpu.vector_load %arg11[%swap3A_816, %swap3A_817] {strides = array<i32>} : memref<128x128xf32, #tpu.memory_space<vmem>>, vector<1x16xf32>,
        %swap3A_819 = vector.shape_cast %swap3A_818 : vector<1x16xf32> to vector<16xf32>
        %swap3A_820 = vector.shape_cast %mul3A_815 : vector<16xf32> to vector<1x16xf32>
        tpu.vector_store %arg11[%swap3A_816, %swap3A_817], %swap3A_820 {strides = array<i32>} : memref<128x128xf32, #tpu.memory_space<vmem>>, vector<1x16xf32>,
        %get3A_821 = arith.index_cast %add3A_776 : i32 to index
        %get3A_822 = arith.constant 64 : index
        %get3A_823 = tpu.vector_load %arg11[%get3A_821, %get3A_822] {strides = array<i32>} : memref<128x128xf32, #tpu.memory_space<vmem>>, vector<1x16xf32>,
        %get3A_824 = vector.shape_cast %get3A_823 : vector<1x16xf32> to vector<16xf32>
        %mul3A_825 = vector.broadcast %squeeze3A_772 : f32 to vector<16xf32>
        %mul3A_826 = arith.mulf %get3A_824, %mul3A_825 : vector<16xf32>
        %swap3A_827 = arith.index_cast %add3A_776 : i32 to index
        %swap3A_828 = arith.constant 64 : index
        %swap3A_829 = tpu.vector_load %arg11[%swap3A_827, %swap3A_828] {strides = array<i32>} : memref<128x128xf32, #tpu.memory_space<vmem>>, vector<1x16xf32>,
        %swap3A_830 = vector.shape_cast %swap3A_829 : vector<1x16xf32> to vector<16xf32>
        %swap3A_831 = vector.shape_cast %mul3A_826 : vector<16xf32> to vector<1x16xf32>
        tpu.vector_store %arg11[%swap3A_827, %swap3A_828], %swap3A_831 {strides = array<i32>} : memref<128x128xf32, #tpu.memory_space<vmem>>, vector<1x16xf32>,
        %get3A_832 = arith.index_cast %add3A_776 : i32 to index
        %get3A_833 = arith.constant 80 : index
        %get3A_834 = tpu.vector_load %arg11[%get3A_832, %get3A_833] {strides = array<i32>} : memref<128x128xf32, #tpu.memory_space<vmem>>, vector<1x16xf32>,
        %get3A_835 = vector.shape_cast %get3A_834 : vector<1x16xf32> to vector<16xf32>
        %mul3A_836 = vector.broadcast %squeeze3A_772 : f32 to vector<16xf32>
        %mul3A_837 = arith.mulf %get3A_835, %mul3A_836 : vector<16xf32>
        %swap3A_838 = arith.index_cast %add3A_776 : i32 to index
        %swap3A_839 = arith.constant 80 : index
        %swap3A_840 = tpu.vector_load %arg11[%swap3A_838, %swap3A_839] {strides = array<i32>} : memref<128x128xf32, #tpu.memory_space<vmem>>, vector<1x16xf32>,
        %swap3A_841 = vector.shape_cast %swap3A_840 : vector<1x16xf32> to vector<16xf32>
        %swap3A_842 = vector.shape_cast %mul3A_837 : vector<16xf32> to vector<1x16xf32>
        tpu.vector_store %arg11[%swap3A_838, %swap3A_839], %swap3A_842 {strides = array<i32>} : memref<128x128xf32, #tpu.memory_space<vmem>>, vector<1x16xf32>,
        %get3A_843 = arith.index_cast %add3A_776 : i32 to index
        %get3A_844 = arith.constant 96 : index
        %get3A_845 = tpu.vector_load %arg11[%get3A_843, %get3A_844] {strides = array<i32>} : memref<128x128xf32, #tpu.memory_space<vmem>>, vector<1x16xf32>,
        %get3A_846 = vector.shape_cast %get3A_845 : vector<1x16xf32> to vector<16xf32>
        %mul3A_847 = vector.broadcast %squeeze3A_772 : f32 to vector<16xf32>
        %mul3A_848 = arith.mulf %get3A_846, %mul3A_847 : vector<16xf32>
        %swap3A_849 = arith.index_cast %add3A_776 : i32 to index
        %swap3A_850 = arith.constant 96 : index
        %swap3A_851 = tpu.vector_load %arg11[%swap3A_849, %swap3A_850] {strides = array<i32>} : memref<128x128xf32, #tpu.memory_space<vmem>>, vector<1x16xf32>,
        %swap3A_852 = vector.shape_cast %swap3A_851 : vector<1x16xf32> to vector<16xf32>
        %swap3A_853 = vector.shape_cast %mul3A_848 : vector<16xf32> to vector<1x16xf32>
        tpu.vector_store %arg11[%swap3A_849, %swap3A_850], %swap3A_853 {strides = array<i32>} : memref<128x128xf32, #tpu.memory_space<vmem>>, vector<1x16xf32>,
        %get3A_854 = arith.index_cast %add3A_776 : i32 to index
        %get3A_855 = arith.constant 112 : index
        %get3A_856 = tpu.vector_load %arg11[%get3A_854, %get3A_855] {strides = array<i32>} : memref<128x128xf32, #tpu.memory_space<vmem>>, vector<1x16xf32>,
        %get3A_857 = vector.shape_cast %get3A_856 : vector<1x16xf32> to vector<16xf32>
        %mul3A_858 = vector.broadcast %squeeze3A_772 : f32 to vector<16xf32>
        %mul3A_859 = arith.mulf %get3A_857, %mul3A_858 : vector<16xf32>
        %swap3A_860 = arith.index_cast %add3A_776 : i32 to index
        %swap3A_861 = arith.constant 112 : index
        %swap3A_862 = tpu.vector_load %arg11[%swap3A_860, %swap3A_861] {strides = array<i32>} : memref<128x128xf32, #tpu.memory_space<vmem>>, vector<1x16xf32>,
        %swap3A_863 = vector.shape_cast %swap3A_862 : vector<1x16xf32> to vector<16xf32>
        %swap3A_864 = vector.shape_cast %mul3A_859 : vector<16xf32> to vector<1x16xf32>
        tpu.vector_store %arg11[%swap3A_860, %swap3A_861], %swap3A_864 {strides = array<i32>} : memref<128x128xf32, #tpu.memory_space<vmem>>, vector<1x16xf32>,
        %slice3A_865 = vector.extract_strided_slice %get3A_21 {offsets = [9], sizes = [1], strides = [1]} : vector<16xf32> to vector<1xf32>
        %squeeze3A_866 = vector.extract %slice3A_865[0] : f32 from vector<1xf32>
        %mul3A_867 = arith.constant 16 : i32
        %mul3A_868 = arith.muli %scan3A_16, %mul3A_867 : i32
        %add3A_869 = arith.constant 9 : i32
        %add3A_870 = arith.addi %mul3A_868, %add3A_869 : i32
        %get3A_871 = arith.index_cast %add3A_870 : i32 to index
        %get3A_872 = arith.constant 0 : index
        %get3A_873 = tpu.vector_load %arg11[%get3A_871, %get3A_872] {strides = array<i32>} : memref<128x128xf32, #tpu.memory_space<vmem>>, vector<1x16xf32>,
        %get3A_874 = vector.shape_cast %get3A_873 : vector<1x16xf32> to vector<16xf32>
        %mul3A_875 = vector.broadcast %squeeze3A_866 : f32 to vector<16xf32>
        %mul3A_876 = arith.mulf %get3A_874, %mul3A_875 : vector<16xf32>
        %swap3A_877 = arith.index_cast %add3A_870 : i32 to index
        %swap3A_878 = arith.constant 0 : index
        %swap3A_879 = tpu.vector_load %arg11[%swap3A_877, %swap3A_878] {strides = array<i32>} : memref<128x128xf32, #tpu.memory_space<vmem>>, vector<1x16xf32>,
        %swap3A_880 = vector.shape_cast %swap3A_879 : vector<1x16xf32> to vector<16xf32>
        %swap3A_881 = vector.shape_cast %mul3A_876 : vector<16xf32> to vector<1x16xf32>
        tpu.vector_store %arg11[%swap3A_877, %swap3A_878], %swap3A_881 {strides = array<i32>} : memref<128x128xf32, #tpu.memory_space<vmem>>, vector<1x16xf32>,
        %get3A_882 = arith.index_cast %add3A_870 : i32 to index
        %get3A_883 = arith.constant 16 : index
        %get3A_884 = tpu.vector_load %arg11[%get3A_882, %get3A_883] {strides = array<i32>} : memref<128x128xf32, #tpu.memory_space<vmem>>, vector<1x16xf32>,
        %get3A_885 = vector.shape_cast %get3A_884 : vector<1x16xf32> to vector<16xf32>
        %mul3A_886 = vector.broadcast %squeeze3A_866 : f32 to vector<16xf32>
        %mul3A_887 = arith.mulf %get3A_885, %mul3A_886 : vector<16xf32>
        %swap3A_888 = arith.index_cast %add3A_870 : i32 to index
        %swap3A_889 = arith.constant 16 : index
        %swap3A_890 = tpu.vector_load %arg11[%swap3A_888, %swap3A_889] {strides = array<i32>} : memref<128x128xf32, #tpu.memory_space<vmem>>, vector<1x16xf32>,
        %swap3A_891 = vector.shape_cast %swap3A_890 : vector<1x16xf32> to vector<16xf32>
        %swap3A_892 = vector.shape_cast %mul3A_887 : vector<16xf32> to vector<1x16xf32>
        tpu.vector_store %arg11[%swap3A_888, %swap3A_889], %swap3A_892 {strides = array<i32>} : memref<128x128xf32, #tpu.memory_space<vmem>>, vector<1x16xf32>,
        %get3A_893 = arith.index_cast %add3A_870 : i32 to index
        %get3A_894 = arith.constant 32 : index
        %get3A_895 = tpu.vector_load %arg11[%get3A_893, %get3A_894] {strides = array<i32>} : memref<128x128xf32, #tpu.memory_space<vmem>>, vector<1x16xf32>,
        %get3A_896 = vector.shape_cast %get3A_895 : vector<1x16xf32> to vector<16xf32>
        %mul3A_897 = vector.broadcast %squeeze3A_866 : f32 to vector<16xf32>
        %mul3A_898 = arith.mulf %get3A_896, %mul3A_897 : vector<16xf32>
        %swap3A_899 = arith.index_cast %add3A_870 : i32 to index
        %swap3A_900 = arith.constant 32 : index
        %swap3A_901 = tpu.vector_load %arg11[%swap3A_899, %swap3A_900] {strides = array<i32>} : memref<128x128xf32, #tpu.memory_space<vmem>>, vector<1x16xf32>,
        %swap3A_902 = vector.shape_cast %swap3A_901 : vector<1x16xf32> to vector<16xf32>
        %swap3A_903 = vector.shape_cast %mul3A_898 : vector<16xf32> to vector<1x16xf32>
        tpu.vector_store %arg11[%swap3A_899, %swap3A_900], %swap3A_903 {strides = array<i32>} : memref<128x128xf32, #tpu.memory_space<vmem>>, vector<1x16xf32>,
        %get3A_904 = arith.index_cast %add3A_870 : i32 to index
        %get3A_905 = arith.constant 48 : index
        %get3A_906 = tpu.vector_load %arg11[%get3A_904, %get3A_905] {strides = array<i32>} : memref<128x128xf32, #tpu.memory_space<vmem>>, vector<1x16xf32>,
        %get3A_907 = vector.shape_cast %get3A_906 : vector<1x16xf32> to vector<16xf32>
        %mul3A_908 = vector.broadcast %squeeze3A_866 : f32 to vector<16xf32>
        %mul3A_909 = arith.mulf %get3A_907, %mul3A_908 : vector<16xf32>
        %swap3A_910 = arith.index_cast %add3A_870 : i32 to index
        %swap3A_911 = arith.constant 48 : index
        %swap3A_912 = tpu.vector_load %arg11[%swap3A_910, %swap3A_911] {strides = array<i32>} : memref<128x128xf32, #tpu.memory_space<vmem>>, vector<1x16xf32>,
        %swap3A_913 = vector.shape_cast %swap3A_912 : vector<1x16xf32> to vector<16xf32>
        %swap3A_914 = vector.shape_cast %mul3A_909 : vector<16xf32> to vector<1x16xf32>
        tpu.vector_store %arg11[%swap3A_910, %swap3A_911], %swap3A_914 {strides = array<i32>} : memref<128x128xf32, #tpu.memory_space<vmem>>, vector<1x16xf32>,
        %get3A_915 = arith.index_cast %add3A_870 : i32 to index
        %get3A_916 = arith.constant 64 : index
        %get3A_917 = tpu.vector_load %arg11[%get3A_915, %get3A_916] {strides = array<i32>} : memref<128x128xf32, #tpu.memory_space<vmem>>, vector<1x16xf32>,
        %get3A_918 = vector.shape_cast %get3A_917 : vector<1x16xf32> to vector<16xf32>
        %mul3A_919 = vector.broadcast %squeeze3A_866 : f32 to vector<16xf32>
        %mul3A_920 = arith.mulf %get3A_918, %mul3A_919 : vector<16xf32>
        %swap3A_921 = arith.index_cast %add3A_870 : i32 to index
        %swap3A_922 = arith.constant 64 : index
        %swap3A_923 = tpu.vector_load %arg11[%swap3A_921, %swap3A_922] {strides = array<i32>} : memref<128x128xf32, #tpu.memory_space<vmem>>, vector<1x16xf32>,
        %swap3A_924 = vector.shape_cast %swap3A_923 : vector<1x16xf32> to vector<16xf32>
        %swap3A_925 = vector.shape_cast %mul3A_920 : vector<16xf32> to vector<1x16xf32>
        tpu.vector_store %arg11[%swap3A_921, %swap3A_922], %swap3A_925 {strides = array<i32>} : memref<128x128xf32, #tpu.memory_space<vmem>>, vector<1x16xf32>,
        %get3A_926 = arith.index_cast %add3A_870 : i32 to index
        %get3A_927 = arith.constant 80 : index
        %get3A_928 = tpu.vector_load %arg11[%get3A_926, %get3A_927] {strides = array<i32>} : memref<128x128xf32, #tpu.memory_space<vmem>>, vector<1x16xf32>,
        %get3A_929 = vector.shape_cast %get3A_928 : vector<1x16xf32> to vector<16xf32>
        %mul3A_930 = vector.broadcast %squeeze3A_866 : f32 to vector<16xf32>
        %mul3A_931 = arith.mulf %get3A_929, %mul3A_930 : vector<16xf32>
        %swap3A_932 = arith.index_cast %add3A_870 : i32 to index
        %swap3A_933 = arith.constant 80 : index
        %swap3A_934 = tpu.vector_load %arg11[%swap3A_932, %swap3A_933] {strides = array<i32>} : memref<128x128xf32, #tpu.memory_space<vmem>>, vector<1x16xf32>,
        %swap3A_935 = vector.shape_cast %swap3A_934 : vector<1x16xf32> to vector<16xf32>
        %swap3A_936 = vector.shape_cast %mul3A_931 : vector<16xf32> to vector<1x16xf32>
        tpu.vector_store %arg11[%swap3A_932, %swap3A_933], %swap3A_936 {strides = array<i32>} : memref<128x128xf32, #tpu.memory_space<vmem>>, vector<1x16xf32>,
        %get3A_937 = arith.index_cast %add3A_870 : i32 to index
        %get3A_938 = arith.constant 96 : index
        %get3A_939 = tpu.vector_load %arg11[%get3A_937, %get3A_938] {strides = array<i32>} : memref<128x128xf32, #tpu.memory_space<vmem>>, vector<1x16xf32>,
        %get3A_940 = vector.shape_cast %get3A_939 : vector<1x16xf32> to vector<16xf32>
        %mul3A_941 = vector.broadcast %squeeze3A_866 : f32 to vector<16xf32>
        %mul3A_942 = arith.mulf %get3A_940, %mul3A_941 : vector<16xf32>
        %swap3A_943 = arith.index_cast %add3A_870 : i32 to index
        %swap3A_944 = arith.constant 96 : index
        %swap3A_945 = tpu.vector_load %arg11[%swap3A_943, %swap3A_944] {strides = array<i32>} : memref<128x128xf32, #tpu.memory_space<vmem>>, vector<1x16xf32>,
        %swap3A_946 = vector.shape_cast %swap3A_945 : vector<1x16xf32> to vector<16xf32>
        %swap3A_947 = vector.shape_cast %mul3A_942 : vector<16xf32> to vector<1x16xf32>
        tpu.vector_store %arg11[%swap3A_943, %swap3A_944], %swap3A_947 {strides = array<i32>} : memref<128x128xf32, #tpu.memory_space<vmem>>, vector<1x16xf32>,
        %get3A_948 = arith.index_cast %add3A_870 : i32 to index
        %get3A_949 = arith.constant 112 : index
        %get3A_950 = tpu.vector_load %arg11[%get3A_948, %get3A_949] {strides = array<i32>} : memref<128x128xf32, #tpu.memory_space<vmem>>, vector<1x16xf32>,
        %get3A_951 = vector.shape_cast %get3A_950 : vector<1x16xf32> to vector<16xf32>
        %mul3A_952 = vector.broadcast %squeeze3A_866 : f32 to vector<16xf32>
        %mul3A_953 = arith.mulf %get3A_951, %mul3A_952 : vector<16xf32>
        %swap3A_954 = arith.index_cast %add3A_870 : i32 to index
        %swap3A_955 = arith.constant 112 : index
        %swap3A_956 = tpu.vector_load %arg11[%swap3A_954, %swap3A_955] {strides = array<i32>} : memref<128x128xf32, #tpu.memory_space<vmem>>, vector<1x16xf32>,
        %swap3A_957 = vector.shape_cast %swap3A_956 : vector<1x16xf32> to vector<16xf32>
        %swap3A_958 = vector.shape_cast %mul3A_953 : vector<16xf32> to vector<1x16xf32>
        tpu.vector_store %arg11[%swap3A_954, %swap3A_955], %swap3A_958 {strides = array<i32>} : memref<128x128xf32, #tpu.memory_space<vmem>>, vector<1x16xf32>,
        %slice3A_959 = vector.extract_strided_slice %get3A_21 {offsets = [10], sizes = [1], strides = [1]} : vector<16xf32> to vector<1xf32>
        %squeeze3A_960 = vector.extract %slice3A_959[0] : f32 from vector<1xf32>
        %mul3A_961 = arith.constant 16 : i32
        %mul3A_962 = arith.muli %scan3A_16, %mul3A_961 : i32
        %add3A_963 = arith.constant 10 : i32
        %add3A_964 = arith.addi %mul3A_962, %add3A_963 : i32
        %get3A_965 = arith.index_cast %add3A_964 : i32 to index
        %get3A_966 = arith.constant 0 : index
        %get3A_967 = tpu.vector_load %arg11[%get3A_965, %get3A_966] {strides = array<i32>} : memref<128x128xf32, #tpu.memory_space<vmem>>, vector<1x16xf32>,
        %get3A_968 = vector.shape_cast %get3A_967 : vector<1x16xf32> to vector<16xf32>
        %mul3A_969 = vector.broadcast %squeeze3A_960 : f32 to vector<16xf32>
        %mul3A_970 = arith.mulf %get3A_968, %mul3A_969 : vector<16xf32>
        %swap3A_971 = arith.index_cast %add3A_964 : i32 to index
        %swap3A_972 = arith.constant 0 : index
        %swap3A_973 = tpu.vector_load %arg11[%swap3A_971, %swap3A_972] {strides = array<i32>} : memref<128x128xf32, #tpu.memory_space<vmem>>, vector<1x16xf32>,
        %swap3A_974 = vector.shape_cast %swap3A_973 : vector<1x16xf32> to vector<16xf32>
        %swap3A_975 = vector.shape_cast %mul3A_970 : vector<16xf32> to vector<1x16xf32>
        tpu.vector_store %arg11[%swap3A_971, %swap3A_972], %swap3A_975 {strides = array<i32>} : memref<128x128xf32, #tpu.memory_space<vmem>>, vector<1x16xf32>,
        %get3A_976 = arith.index_cast %add3A_964 : i32 to index
        %get3A_977 = arith.constant 16 : index
        %get3A_978 = tpu.vector_load %arg11[%get3A_976, %get3A_977] {strides = array<i32>} : memref<128x128xf32, #tpu.memory_space<vmem>>, vector<1x16xf32>,
        %get3A_979 = vector.shape_cast %get3A_978 : vector<1x16xf32> to vector<16xf32>
        %mul3A_980 = vector.broadcast %squeeze3A_960 : f32 to vector<16xf32>
        %mul3A_981 = arith.mulf %get3A_979, %mul3A_980 : vector<16xf32>
        %swap3A_982 = arith.index_cast %add3A_964 : i32 to index
        %swap3A_983 = arith.constant 16 : index
        %swap3A_984 = tpu.vector_load %arg11[%swap3A_982, %swap3A_983] {strides = array<i32>} : memref<128x128xf32, #tpu.memory_space<vmem>>, vector<1x16xf32>,
        %swap3A_985 = vector.shape_cast %swap3A_984 : vector<1x16xf32> to vector<16xf32>
        %swap3A_986 = vector.shape_cast %mul3A_981 : vector<16xf32> to vector<1x16xf32>
        tpu.vector_store %arg11[%swap3A_982, %swap3A_983], %swap3A_986 {strides = array<i32>} : memref<128x128xf32, #tpu.memory_space<vmem>>, vector<1x16xf32>,
        %get3A_987 = arith.index_cast %add3A_964 : i32 to index
        %get3A_988 = arith.constant 32 : index
        %get3A_989 = tpu.vector_load %arg11[%get3A_987, %get3A_988] {strides = array<i32>} : memref<128x128xf32, #tpu.memory_space<vmem>>, vector<1x16xf32>,
        %get3A_990 = vector.shape_cast %get3A_989 : vector<1x16xf32> to vector<16xf32>
        %mul3A_991 = vector.broadcast %squeeze3A_960 : f32 to vector<16xf32>
        %mul3A_992 = arith.mulf %get3A_990, %mul3A_991 : vector<16xf32>
        %swap3A_993 = arith.index_cast %add3A_964 : i32 to index
        %swap3A_994 = arith.constant 32 : index
        %swap3A_995 = tpu.vector_load %arg11[%swap3A_993, %swap3A_994] {strides = array<i32>} : memref<128x128xf32, #tpu.memory_space<vmem>>, vector<1x16xf32>,
        %swap3A_996 = vector.shape_cast %swap3A_995 : vector<1x16xf32> to vector<16xf32>
        %swap3A_997 = vector.shape_cast %mul3A_992 : vector<16xf32> to vector<1x16xf32>
        tpu.vector_store %arg11[%swap3A_993, %swap3A_994], %swap3A_997 {strides = array<i32>} : memref<128x128xf32, #tpu.memory_space<vmem>>, vector<1x16xf32>,
        %get3A_998 = arith.index_cast %add3A_964 : i32 to index
        %get3A_999 = arith.constant 48 : index
        %get3A_1000 = tpu.vector_load %arg11[%get3A_998, %get3A_999] {strides = array<i32>} : memref<128x128xf32, #tpu.memory_space<vmem>>, vector<1x16xf32>,
        %get3A_1001 = vector.shape_cast %get3A_1000 : vector<1x16xf32> to vector<16xf32>
        %mul3A_1002 = vector.broadcast %squeeze3A_960 : f32 to vector<16xf32>
        %mul3A_1003 = arith.mulf %get3A_1001, %mul3A_1002 : vector<16xf32>
        %swap3A_1004 = arith.index_cast %add3A_964 : i32 to index
        %swap3A_1005 = arith.constant 48 : index
        %swap3A_1006 = tpu.vector_load %arg11[%swap3A_1004, %swap3A_1005] {strides = array<i32>} : memref<128x128xf32, #tpu.memory_space<vmem>>, vector<1x16xf32>,
        %swap3A_1007 = vector.shape_cast %swap3A_1006 : vector<1x16xf32> to vector<16xf32>
        %swap3A_1008 = vector.shape_cast %mul3A_1003 : vector<16xf32> to vector<1x16xf32>
        tpu.vector_store %arg11[%swap3A_1004, %swap3A_1005], %swap3A_1008 {strides = array<i32>} : memref<128x128xf32, #tpu.memory_space<vmem>>, vector<1x16xf32>,
        %get3A_1009 = arith.index_cast %add3A_964 : i32 to index
        %get3A_1010 = arith.constant 64 : index
        %get3A_1011 = tpu.vector_load %arg11[%get3A_1009, %get3A_1010] {strides = array<i32>} : memref<128x128xf32, #tpu.memory_space<vmem>>, vector<1x16xf32>,
        %get3A_1012 = vector.shape_cast %get3A_1011 : vector<1x16xf32> to vector<16xf32>
        %mul3A_1013 = vector.broadcast %squeeze3A_960 : f32 to vector<16xf32>
        %mul3A_1014 = arith.mulf %get3A_1012, %mul3A_1013 : vector<16xf32>
        %swap3A_1015 = arith.index_cast %add3A_964 : i32 to index
        %swap3A_1016 = arith.constant 64 : index
        %swap3A_1017 = tpu.vector_load %arg11[%swap3A_1015, %swap3A_1016] {strides = array<i32>} : memref<128x128xf32, #tpu.memory_space<vmem>>, vector<1x16xf32>,
        %swap3A_1018 = vector.shape_cast %swap3A_1017 : vector<1x16xf32> to vector<16xf32>
        %swap3A_1019 = vector.shape_cast %mul3A_1014 : vector<16xf32> to vector<1x16xf32>
        tpu.vector_store %arg11[%swap3A_1015, %swap3A_1016], %swap3A_1019 {strides = array<i32>} : memref<128x128xf32, #tpu.memory_space<vmem>>, vector<1x16xf32>,
        %get3A_1020 = arith.index_cast %add3A_964 : i32 to index
        %get3A_1021 = arith.constant 80 : index
        %get3A_1022 = tpu.vector_load %arg11[%get3A_1020, %get3A_1021] {strides = array<i32>} : memref<128x128xf32, #tpu.memory_space<vmem>>, vector<1x16xf32>,
        %get3A_1023 = vector.shape_cast %get3A_1022 : vector<1x16xf32> to vector<16xf32>
        %mul3A_1024 = vector.broadcast %squeeze3A_960 : f32 to vector<16xf32>
        %mul3A_1025 = arith.mulf %get3A_1023, %mul3A_1024 : vector<16xf32>
        %swap3A_1026 = arith.index_cast %add3A_964 : i32 to index
        %swap3A_1027 = arith.constant 80 : index
        %swap3A_1028 = tpu.vector_load %arg11[%swap3A_1026, %swap3A_1027] {strides = array<i32>} : memref<128x128xf32, #tpu.memory_space<vmem>>, vector<1x16xf32>,
        %swap3A_1029 = vector.shape_cast %swap3A_1028 : vector<1x16xf32> to vector<16xf32>
        %swap3A_1030 = vector.shape_cast %mul3A_1025 : vector<16xf32> to vector<1x16xf32>
        tpu.vector_store %arg11[%swap3A_1026, %swap3A_1027], %swap3A_1030 {strides = array<i32>} : memref<128x128xf32, #tpu.memory_space<vmem>>, vector<1x16xf32>,
        %get3A_1031 = arith.index_cast %add3A_964 : i32 to index
        %get3A_1032 = arith.constant 96 : index
        %get3A_1033 = tpu.vector_load %arg11[%get3A_1031, %get3A_1032] {strides = array<i32>} : memref<128x128xf32, #tpu.memory_space<vmem>>, vector<1x16xf32>,
        %get3A_1034 = vector.shape_cast %get3A_1033 : vector<1x16xf32> to vector<16xf32>
        %mul3A_1035 = vector.broadcast %squeeze3A_960 : f32 to vector<16xf32>
        %mul3A_1036 = arith.mulf %get3A_1034, %mul3A_1035 : vector<16xf32>
        %swap3A_1037 = arith.index_cast %add3A_964 : i32 to index
        %swap3A_1038 = arith.constant 96 : index
        %swap3A_1039 = tpu.vector_load %arg11[%swap3A_1037, %swap3A_1038] {strides = array<i32>} : memref<128x128xf32, #tpu.memory_space<vmem>>, vector<1x16xf32>,
        %swap3A_1040 = vector.shape_cast %swap3A_1039 : vector<1x16xf32> to vector<16xf32>
        %swap3A_1041 = vector.shape_cast %mul3A_1036 : vector<16xf32> to vector<1x16xf32>
        tpu.vector_store %arg11[%swap3A_1037, %swap3A_1038], %swap3A_1041 {strides = array<i32>} : memref<128x128xf32, #tpu.memory_space<vmem>>, vector<1x16xf32>,
        %get3A_1042 = arith.index_cast %add3A_964 : i32 to index
        %get3A_1043 = arith.constant 112 : index
        %get3A_1044 = tpu.vector_load %arg11[%get3A_1042, %get3A_1043] {strides = array<i32>} : memref<128x128xf32, #tpu.memory_space<vmem>>, vector<1x16xf32>,
        %get3A_1045 = vector.shape_cast %get3A_1044 : vector<1x16xf32> to vector<16xf32>
        %mul3A_1046 = vector.broadcast %squeeze3A_960 : f32 to vector<16xf32>
        %mul3A_1047 = arith.mulf %get3A_1045, %mul3A_1046 : vector<16xf32>
        %swap3A_1048 = arith.index_cast %add3A_964 : i32 to index
        %swap3A_1049 = arith.constant 112 : index
        %swap3A_1050 = tpu.vector_load %arg11[%swap3A_1048, %swap3A_1049] {strides = array<i32>} : memref<128x128xf32, #tpu.memory_space<vmem>>, vector<1x16xf32>,
        %swap3A_1051 = vector.shape_cast %swap3A_1050 : vector<1x16xf32> to vector<16xf32>
        %swap3A_1052 = vector.shape_cast %mul3A_1047 : vector<16xf32> to vector<1x16xf32>
        tpu.vector_store %arg11[%swap3A_1048, %swap3A_1049], %swap3A_1052 {strides = array<i32>} : memref<128x128xf32, #tpu.memory_space<vmem>>, vector<1x16xf32>,
        %slice3A_1053 = vector.extract_strided_slice %get3A_21 {offsets = [11], sizes = [1], strides = [1]} : vector<16xf32> to vector<1xf32>
        %squeeze3A_1054 = vector.extract %slice3A_1053[0] : f32 from vector<1xf32>
        %mul3A_1055 = arith.constant 16 : i32
        %mul3A_1056 = arith.muli %scan3A_16, %mul3A_1055 : i32
        %add3A_1057 = arith.constant 11 : i32
        %add3A_1058 = arith.addi %mul3A_1056, %add3A_1057 : i32
        %get3A_1059 = arith.index_cast %add3A_1058 : i32 to index
        %get3A_1060 = arith.constant 0 : index
        %get3A_1061 = tpu.vector_load %arg11[%get3A_1059, %get3A_1060] {strides = array<i32>} : memref<128x128xf32, #tpu.memory_space<vmem>>, vector<1x16xf32>,
        %get3A_1062 = vector.shape_cast %get3A_1061 : vector<1x16xf32> to vector<16xf32>
        %mul3A_1063 = vector.broadcast %squeeze3A_1054 : f32 to vector<16xf32>
        %mul3A_1064 = arith.mulf %get3A_1062, %mul3A_1063 : vector<16xf32>
        %swap3A_1065 = arith.index_cast %add3A_1058 : i32 to index
        %swap3A_1066 = arith.constant 0 : index
        %swap3A_1067 = tpu.vector_load %arg11[%swap3A_1065, %swap3A_1066] {strides = array<i32>} : memref<128x128xf32, #tpu.memory_space<vmem>>, vector<1x16xf32>,
        %swap3A_1068 = vector.shape_cast %swap3A_1067 : vector<1x16xf32> to vector<16xf32>
        %swap3A_1069 = vector.shape_cast %mul3A_1064 : vector<16xf32> to vector<1x16xf32>
        tpu.vector_store %arg11[%swap3A_1065, %swap3A_1066], %swap3A_1069 {strides = array<i32>} : memref<128x128xf32, #tpu.memory_space<vmem>>, vector<1x16xf32>,
        %get3A_1070 = arith.index_cast %add3A_1058 : i32 to index
        %get3A_1071 = arith.constant 16 : index
        %get3A_1072 = tpu.vector_load %arg11[%get3A_1070, %get3A_1071] {strides = array<i32>} : memref<128x128xf32, #tpu.memory_space<vmem>>, vector<1x16xf32>,
        %get3A_1073 = vector.shape_cast %get3A_1072 : vector<1x16xf32> to vector<16xf32>
        %mul3A_1074 = vector.broadcast %squeeze3A_1054 : f32 to vector<16xf32>
        %mul3A_1075 = arith.mulf %get3A_1073, %mul3A_1074 : vector<16xf32>
        %swap3A_1076 = arith.index_cast %add3A_1058 : i32 to index
        %swap3A_1077 = arith.constant 16 : index
        %swap3A_1078 = tpu.vector_load %arg11[%swap3A_1076, %swap3A_1077] {strides = array<i32>} : memref<128x128xf32, #tpu.memory_space<vmem>>, vector<1x16xf32>,
        %swap3A_1079 = vector.shape_cast %swap3A_1078 : vector<1x16xf32> to vector<16xf32>
        %swap3A_1080 = vector.shape_cast %mul3A_1075 : vector<16xf32> to vector<1x16xf32>
        tpu.vector_store %arg11[%swap3A_1076, %swap3A_1077], %swap3A_1080 {strides = array<i32>} : memref<128x128xf32, #tpu.memory_space<vmem>>, vector<1x16xf32>,
        %get3A_1081 = arith.index_cast %add3A_1058 : i32 to index
        %get3A_1082 = arith.constant 32 : index
        %get3A_1083 = tpu.vector_load %arg11[%get3A_1081, %get3A_1082] {strides = array<i32>} : memref<128x128xf32, #tpu.memory_space<vmem>>, vector<1x16xf32>,
        %get3A_1084 = vector.shape_cast %get3A_1083 : vector<1x16xf32> to vector<16xf32>
        %mul3A_1085 = vector.broadcast %squeeze3A_1054 : f32 to vector<16xf32>
        %mul3A_1086 = arith.mulf %get3A_1084, %mul3A_1085 : vector<16xf32>
        %swap3A_1087 = arith.index_cast %add3A_1058 : i32 to index
        %swap3A_1088 = arith.constant 32 : index
        %swap3A_1089 = tpu.vector_load %arg11[%swap3A_1087, %swap3A_1088] {strides = array<i32>} : memref<128x128xf32, #tpu.memory_space<vmem>>, vector<1x16xf32>,
        %swap3A_1090 = vector.shape_cast %swap3A_1089 : vector<1x16xf32> to vector<16xf32>
        %swap3A_1091 = vector.shape_cast %mul3A_1086 : vector<16xf32> to vector<1x16xf32>
        tpu.vector_store %arg11[%swap3A_1087, %swap3A_1088], %swap3A_1091 {strides = array<i32>} : memref<128x128xf32, #tpu.memory_space<vmem>>, vector<1x16xf32>,
        %get3A_1092 = arith.index_cast %add3A_1058 : i32 to index
        %get3A_1093 = arith.constant 48 : index
        %get3A_1094 = tpu.vector_load %arg11[%get3A_1092, %get3A_1093] {strides = array<i32>} : memref<128x128xf32, #tpu.memory_space<vmem>>, vector<1x16xf32>,
        %get3A_1095 = vector.shape_cast %get3A_1094 : vector<1x16xf32> to vector<16xf32>
        %mul3A_1096 = vector.broadcast %squeeze3A_1054 : f32 to vector<16xf32>
        %mul3A_1097 = arith.mulf %get3A_1095, %mul3A_1096 : vector<16xf32>
        %swap3A_1098 = arith.index_cast %add3A_1058 : i32 to index
        %swap3A_1099 = arith.constant 48 : index
        %swap3A_1100 = tpu.vector_load %arg11[%swap3A_1098, %swap3A_1099] {strides = array<i32>} : memref<128x128xf32, #tpu.memory_space<vmem>>, vector<1x16xf32>,
        %swap3A_1101 = vector.shape_cast %swap3A_1100 : vector<1x16xf32> to vector<16xf32>
        %swap3A_1102 = vector.shape_cast %mul3A_1097 : vector<16xf32> to vector<1x16xf32>
        tpu.vector_store %arg11[%swap3A_1098, %swap3A_1099], %swap3A_1102 {strides = array<i32>} : memref<128x128xf32, #tpu.memory_space<vmem>>, vector<1x16xf32>,
        %get3A_1103 = arith.index_cast %add3A_1058 : i32 to index
        %get3A_1104 = arith.constant 64 : index
        %get3A_1105 = tpu.vector_load %arg11[%get3A_1103, %get3A_1104] {strides = array<i32>} : memref<128x128xf32, #tpu.memory_space<vmem>>, vector<1x16xf32>,
        %get3A_1106 = vector.shape_cast %get3A_1105 : vector<1x16xf32> to vector<16xf32>
        %mul3A_1107 = vector.broadcast %squeeze3A_1054 : f32 to vector<16xf32>
        %mul3A_1108 = arith.mulf %get3A_1106, %mul3A_1107 : vector<16xf32>
        %swap3A_1109 = arith.index_cast %add3A_1058 : i32 to index
        %swap3A_1110 = arith.constant 64 : index
        %swap3A_1111 = tpu.vector_load %arg11[%swap3A_1109, %swap3A_1110] {strides = array<i32>} : memref<128x128xf32, #tpu.memory_space<vmem>>, vector<1x16xf32>,
        %swap3A_1112 = vector.shape_cast %swap3A_1111 : vector<1x16xf32> to vector<16xf32>
        %swap3A_1113 = vector.shape_cast %mul3A_1108 : vector<16xf32> to vector<1x16xf32>
        tpu.vector_store %arg11[%swap3A_1109, %swap3A_1110], %swap3A_1113 {strides = array<i32>} : memref<128x128xf32, #tpu.memory_space<vmem>>, vector<1x16xf32>,
        %get3A_1114 = arith.index_cast %add3A_1058 : i32 to index
        %get3A_1115 = arith.constant 80 : index
        %get3A_1116 = tpu.vector_load %arg11[%get3A_1114, %get3A_1115] {strides = array<i32>} : memref<128x128xf32, #tpu.memory_space<vmem>>, vector<1x16xf32>,
        %get3A_1117 = vector.shape_cast %get3A_1116 : vector<1x16xf32> to vector<16xf32>
        %mul3A_1118 = vector.broadcast %squeeze3A_1054 : f32 to vector<16xf32>
        %mul3A_1119 = arith.mulf %get3A_1117, %mul3A_1118 : vector<16xf32>
        %swap3A_1120 = arith.index_cast %add3A_1058 : i32 to index
        %swap3A_1121 = arith.constant 80 : index
        %swap3A_1122 = tpu.vector_load %arg11[%swap3A_1120, %swap3A_1121] {strides = array<i32>} : memref<128x128xf32, #tpu.memory_space<vmem>>, vector<1x16xf32>,
        %swap3A_1123 = vector.shape_cast %swap3A_1122 : vector<1x16xf32> to vector<16xf32>
        %swap3A_1124 = vector.shape_cast %mul3A_1119 : vector<16xf32> to vector<1x16xf32>
        tpu.vector_store %arg11[%swap3A_1120, %swap3A_1121], %swap3A_1124 {strides = array<i32>} : memref<128x128xf32, #tpu.memory_space<vmem>>, vector<1x16xf32>,
        %get3A_1125 = arith.index_cast %add3A_1058 : i32 to index
        %get3A_1126 = arith.constant 96 : index
        %get3A_1127 = tpu.vector_load %arg11[%get3A_1125, %get3A_1126] {strides = array<i32>} : memref<128x128xf32, #tpu.memory_space<vmem>>, vector<1x16xf32>,
        %get3A_1128 = vector.shape_cast %get3A_1127 : vector<1x16xf32> to vector<16xf32>
        %mul3A_1129 = vector.broadcast %squeeze3A_1054 : f32 to vector<16xf32>
        %mul3A_1130 = arith.mulf %get3A_1128, %mul3A_1129 : vector<16xf32>
        %swap3A_1131 = arith.index_cast %add3A_1058 : i32 to index
        %swap3A_1132 = arith.constant 96 : index
        %swap3A_1133 = tpu.vector_load %arg11[%swap3A_1131, %swap3A_1132] {strides = array<i32>} : memref<128x128xf32, #tpu.memory_space<vmem>>, vector<1x16xf32>,
        %swap3A_1134 = vector.shape_cast %swap3A_1133 : vector<1x16xf32> to vector<16xf32>
        %swap3A_1135 = vector.shape_cast %mul3A_1130 : vector<16xf32> to vector<1x16xf32>
        tpu.vector_store %arg11[%swap3A_1131, %swap3A_1132], %swap3A_1135 {strides = array<i32>} : memref<128x128xf32, #tpu.memory_space<vmem>>, vector<1x16xf32>,
        %get3A_1136 = arith.index_cast %add3A_1058 : i32 to index
        %get3A_1137 = arith.constant 112 : index
        %get3A_1138 = tpu.vector_load %arg11[%get3A_1136, %get3A_1137] {strides = array<i32>} : memref<128x128xf32, #tpu.memory_space<vmem>>, vector<1x16xf32>,
        %get3A_1139 = vector.shape_cast %get3A_1138 : vector<1x16xf32> to vector<16xf32>
        %mul3A_1140 = vector.broadcast %squeeze3A_1054 : f32 to vector<16xf32>
        %mul3A_1141 = arith.mulf %get3A_1139, %mul3A_1140 : vector<16xf32>
        %swap3A_1142 = arith.index_cast %add3A_1058 : i32 to index
        %swap3A_1143 = arith.constant 112 : index
        %swap3A_1144 = tpu.vector_load %arg11[%swap3A_1142, %swap3A_1143] {strides = array<i32>} : memref<128x128xf32, #tpu.memory_space<vmem>>, vector<1x16xf32>,
        %swap3A_1145 = vector.shape_cast %swap3A_1144 : vector<1x16xf32> to vector<16xf32>
        %swap3A_1146 = vector.shape_cast %mul3A_1141 : vector<16xf32> to vector<1x16xf32>
        tpu.vector_store %arg11[%swap3A_1142, %swap3A_1143], %swap3A_1146 {strides = array<i32>} : memref<128x128xf32, #tpu.memory_space<vmem>>, vector<1x16xf32>,
        %slice3A_1147 = vector.extract_strided_slice %get3A_21 {offsets = [12], sizes = [1], strides = [1]} : vector<16xf32> to vector<1xf32>
        %squeeze3A_1148 = vector.extract %slice3A_1147[0] : f32 from vector<1xf32>
        %mul3A_1149 = arith.constant 16 : i32
        %mul3A_1150 = arith.muli %scan3A_16, %mul3A_1149 : i32
        %add3A_1151 = arith.constant 12 : i32
        %add3A_1152 = arith.addi %mul3A_1150, %add3A_1151 : i32
        %get3A_1153 = arith.index_cast %add3A_1152 : i32 to index
        %get3A_1154 = arith.constant 0 : index
        %get3A_1155 = tpu.vector_load %arg11[%get3A_1153, %get3A_1154] {strides = array<i32>} : memref<128x128xf32, #tpu.memory_space<vmem>>, vector<1x16xf32>,
        %get3A_1156 = vector.shape_cast %get3A_1155 : vector<1x16xf32> to vector<16xf32>
        %mul3A_1157 = vector.broadcast %squeeze3A_1148 : f32 to vector<16xf32>
        %mul3A_1158 = arith.mulf %get3A_1156, %mul3A_1157 : vector<16xf32>
        %swap3A_1159 = arith.index_cast %add3A_1152 : i32 to index
        %swap3A_1160 = arith.constant 0 : index
        %swap3A_1161 = tpu.vector_load %arg11[%swap3A_1159, %swap3A_1160] {strides = array<i32>} : memref<128x128xf32, #tpu.memory_space<vmem>>, vector<1x16xf32>,
        %swap3A_1162 = vector.shape_cast %swap3A_1161 : vector<1x16xf32> to vector<16xf32>
        %swap3A_1163 = vector.shape_cast %mul3A_1158 : vector<16xf32> to vector<1x16xf32>
        tpu.vector_store %arg11[%swap3A_1159, %swap3A_1160], %swap3A_1163 {strides = array<i32>} : memref<128x128xf32, #tpu.memory_space<vmem>>, vector<1x16xf32>,
        %get3A_1164 = arith.index_cast %add3A_1152 : i32 to index
        %get3A_1165 = arith.constant 16 : index
        %get3A_1166 = tpu.vector_load %arg11[%get3A_1164, %get3A_1165] {strides = array<i32>} : memref<128x128xf32, #tpu.memory_space<vmem>>, vector<1x16xf32>,
        %get3A_1167 = vector.shape_cast %get3A_1166 : vector<1x16xf32> to vector<16xf32>
        %mul3A_1168 = vector.broadcast %squeeze3A_1148 : f32 to vector<16xf32>
        %mul3A_1169 = arith.mulf %get3A_1167, %mul3A_1168 : vector<16xf32>
        %swap3A_1170 = arith.index_cast %add3A_1152 : i32 to index
        %swap3A_1171 = arith.constant 16 : index
        %swap3A_1172 = tpu.vector_load %arg11[%swap3A_1170, %swap3A_1171] {strides = array<i32>} : memref<128x128xf32, #tpu.memory_space<vmem>>, vector<1x16xf32>,
        %swap3A_1173 = vector.shape_cast %swap3A_1172 : vector<1x16xf32> to vector<16xf32>
        %swap3A_1174 = vector.shape_cast %mul3A_1169 : vector<16xf32> to vector<1x16xf32>
        tpu.vector_store %arg11[%swap3A_1170, %swap3A_1171], %swap3A_1174 {strides = array<i32>} : memref<128x128xf32, #tpu.memory_space<vmem>>, vector<1x16xf32>,
        %get3A_1175 = arith.index_cast %add3A_1152 : i32 to index
        %get3A_1176 = arith.constant 32 : index
        %get3A_1177 = tpu.vector_load %arg11[%get3A_1175, %get3A_1176] {strides = array<i32>} : memref<128x128xf32, #tpu.memory_space<vmem>>, vector<1x16xf32>,
        %get3A_1178 = vector.shape_cast %get3A_1177 : vector<1x16xf32> to vector<16xf32>
        %mul3A_1179 = vector.broadcast %squeeze3A_1148 : f32 to vector<16xf32>
        %mul3A_1180 = arith.mulf %get3A_1178, %mul3A_1179 : vector<16xf32>
        %swap3A_1181 = arith.index_cast %add3A_1152 : i32 to index
        %swap3A_1182 = arith.constant 32 : index
        %swap3A_1183 = tpu.vector_load %arg11[%swap3A_1181, %swap3A_1182] {strides = array<i32>} : memref<128x128xf32, #tpu.memory_space<vmem>>, vector<1x16xf32>,
        %swap3A_1184 = vector.shape_cast %swap3A_1183 : vector<1x16xf32> to vector<16xf32>
        %swap3A_1185 = vector.shape_cast %mul3A_1180 : vector<16xf32> to vector<1x16xf32>
        tpu.vector_store %arg11[%swap3A_1181, %swap3A_1182], %swap3A_1185 {strides = array<i32>} : memref<128x128xf32, #tpu.memory_space<vmem>>, vector<1x16xf32>,
        %get3A_1186 = arith.index_cast %add3A_1152 : i32 to index
        %get3A_1187 = arith.constant 48 : index
        %get3A_1188 = tpu.vector_load %arg11[%get3A_1186, %get3A_1187] {strides = array<i32>} : memref<128x128xf32, #tpu.memory_space<vmem>>, vector<1x16xf32>,
        %get3A_1189 = vector.shape_cast %get3A_1188 : vector<1x16xf32> to vector<16xf32>
        %mul3A_1190 = vector.broadcast %squeeze3A_1148 : f32 to vector<16xf32>
        %mul3A_1191 = arith.mulf %get3A_1189, %mul3A_1190 : vector<16xf32>
        %swap3A_1192 = arith.index_cast %add3A_1152 : i32 to index
        %swap3A_1193 = arith.constant 48 : index
        %swap3A_1194 = tpu.vector_load %arg11[%swap3A_1192, %swap3A_1193] {strides = array<i32>} : memref<128x128xf32, #tpu.memory_space<vmem>>, vector<1x16xf32>,
        %swap3A_1195 = vector.shape_cast %swap3A_1194 : vector<1x16xf32> to vector<16xf32>
        %swap3A_1196 = vector.shape_cast %mul3A_1191 : vector<16xf32> to vector<1x16xf32>
        tpu.vector_store %arg11[%swap3A_1192, %swap3A_1193], %swap3A_1196 {strides = array<i32>} : memref<128x128xf32, #tpu.memory_space<vmem>>, vector<1x16xf32>,
        %get3A_1197 = arith.index_cast %add3A_1152 : i32 to index
        %get3A_1198 = arith.constant 64 : index
        %get3A_1199 = tpu.vector_load %arg11[%get3A_1197, %get3A_1198] {strides = array<i32>} : memref<128x128xf32, #tpu.memory_space<vmem>>, vector<1x16xf32>,
        %get3A_1200 = vector.shape_cast %get3A_1199 : vector<1x16xf32> to vector<16xf32>
        %mul3A_1201 = vector.broadcast %squeeze3A_1148 : f32 to vector<16xf32>
        %mul3A_1202 = arith.mulf %get3A_1200, %mul3A_1201 : vector<16xf32>
        %swap3A_1203 = arith.index_cast %add3A_1152 : i32 to index
        %swap3A_1204 = arith.constant 64 : index
        %swap3A_1205 = tpu.vector_load %arg11[%swap3A_1203, %swap3A_1204] {strides = array<i32>} : memref<128x128xf32, #tpu.memory_space<vmem>>, vector<1x16xf32>,
        %swap3A_1206 = vector.shape_cast %swap3A_1205 : vector<1x16xf32> to vector<16xf32>
        %swap3A_1207 = vector.shape_cast %mul3A_1202 : vector<16xf32> to vector<1x16xf32>
        tpu.vector_store %arg11[%swap3A_1203, %swap3A_1204], %swap3A_1207 {strides = array<i32>} : memref<128x128xf32, #tpu.memory_space<vmem>>, vector<1x16xf32>,
        %get3A_1208 = arith.index_cast %add3A_1152 : i32 to index
        %get3A_1209 = arith.constant 80 : index
        %get3A_1210 = tpu.vector_load %arg11[%get3A_1208, %get3A_1209] {strides = array<i32>} : memref<128x128xf32, #tpu.memory_space<vmem>>, vector<1x16xf32>,
        %get3A_1211 = vector.shape_cast %get3A_1210 : vector<1x16xf32> to vector<16xf32>
        %mul3A_1212 = vector.broadcast %squeeze3A_1148 : f32 to vector<16xf32>
        %mul3A_1213 = arith.mulf %get3A_1211, %mul3A_1212 : vector<16xf32>
        %swap3A_1214 = arith.index_cast %add3A_1152 : i32 to index
        %swap3A_1215 = arith.constant 80 : index
        %swap3A_1216 = tpu.vector_load %arg11[%swap3A_1214, %swap3A_1215] {strides = array<i32>} : memref<128x128xf32, #tpu.memory_space<vmem>>, vector<1x16xf32>,
        %swap3A_1217 = vector.shape_cast %swap3A_1216 : vector<1x16xf32> to vector<16xf32>
        %swap3A_1218 = vector.shape_cast %mul3A_1213 : vector<16xf32> to vector<1x16xf32>
        tpu.vector_store %arg11[%swap3A_1214, %swap3A_1215], %swap3A_1218 {strides = array<i32>} : memref<128x128xf32, #tpu.memory_space<vmem>>, vector<1x16xf32>,
        %get3A_1219 = arith.index_cast %add3A_1152 : i32 to index
        %get3A_1220 = arith.constant 96 : index
        %get3A_1221 = tpu.vector_load %arg11[%get3A_1219, %get3A_1220] {strides = array<i32>} : memref<128x128xf32, #tpu.memory_space<vmem>>, vector<1x16xf32>,
        %get3A_1222 = vector.shape_cast %get3A_1221 : vector<1x16xf32> to vector<16xf32>
        %mul3A_1223 = vector.broadcast %squeeze3A_1148 : f32 to vector<16xf32>
        %mul3A_1224 = arith.mulf %get3A_1222, %mul3A_1223 : vector<16xf32>
        %swap3A_1225 = arith.index_cast %add3A_1152 : i32 to index
        %swap3A_1226 = arith.constant 96 : index
        %swap3A_1227 = tpu.vector_load %arg11[%swap3A_1225, %swap3A_1226] {strides = array<i32>} : memref<128x128xf32, #tpu.memory_space<vmem>>, vector<1x16xf32>,
        %swap3A_1228 = vector.shape_cast %swap3A_1227 : vector<1x16xf32> to vector<16xf32>
        %swap3A_1229 = vector.shape_cast %mul3A_1224 : vector<16xf32> to vector<1x16xf32>
        tpu.vector_store %arg11[%swap3A_1225, %swap3A_1226], %swap3A_1229 {strides = array<i32>} : memref<128x128xf32, #tpu.memory_space<vmem>>, vector<1x16xf32>,
        %get3A_1230 = arith.index_cast %add3A_1152 : i32 to index
        %get3A_1231 = arith.constant 112 : index
        %get3A_1232 = tpu.vector_load %arg11[%get3A_1230, %get3A_1231] {strides = array<i32>} : memref<128x128xf32, #tpu.memory_space<vmem>>, vector<1x16xf32>,
        %get3A_1233 = vector.shape_cast %get3A_1232 : vector<1x16xf32> to vector<16xf32>
        %mul3A_1234 = vector.broadcast %squeeze3A_1148 : f32 to vector<16xf32>
        %mul3A_1235 = arith.mulf %get3A_1233, %mul3A_1234 : vector<16xf32>
        %swap3A_1236 = arith.index_cast %add3A_1152 : i32 to index
        %swap3A_1237 = arith.constant 112 : index
        %swap3A_1238 = tpu.vector_load %arg11[%swap3A_1236, %swap3A_1237] {strides = array<i32>} : memref<128x128xf32, #tpu.memory_space<vmem>>, vector<1x16xf32>,
        %swap3A_1239 = vector.shape_cast %swap3A_1238 : vector<1x16xf32> to vector<16xf32>
        %swap3A_1240 = vector.shape_cast %mul3A_1235 : vector<16xf32> to vector<1x16xf32>
        tpu.vector_store %arg11[%swap3A_1236, %swap3A_1237], %swap3A_1240 {strides = array<i32>} : memref<128x128xf32, #tpu.memory_space<vmem>>, vector<1x16xf32>,
        %slice3A_1241 = vector.extract_strided_slice %get3A_21 {offsets = [13], sizes = [1], strides = [1]} : vector<16xf32> to vector<1xf32>
        %squeeze3A_1242 = vector.extract %slice3A_1241[0] : f32 from vector<1xf32>
        %mul3A_1243 = arith.constant 16 : i32
        %mul3A_1244 = arith.muli %scan3A_16, %mul3A_1243 : i32
        %add3A_1245 = arith.constant 13 : i32
        %add3A_1246 = arith.addi %mul3A_1244, %add3A_1245 : i32
        %get3A_1247 = arith.index_cast %add3A_1246 : i32 to index
        %get3A_1248 = arith.constant 0 : index
        %get3A_1249 = tpu.vector_load %arg11[%get3A_1247, %get3A_1248] {strides = array<i32>} : memref<128x128xf32, #tpu.memory_space<vmem>>, vector<1x16xf32>,
        %get3A_1250 = vector.shape_cast %get3A_1249 : vector<1x16xf32> to vector<16xf32>
        %mul3A_1251 = vector.broadcast %squeeze3A_1242 : f32 to vector<16xf32>
        %mul3A_1252 = arith.mulf %get3A_1250, %mul3A_1251 : vector<16xf32>
        %swap3A_1253 = arith.index_cast %add3A_1246 : i32 to index
        %swap3A_1254 = arith.constant 0 : index
        %swap3A_1255 = tpu.vector_load %arg11[%swap3A_1253, %swap3A_1254] {strides = array<i32>} : memref<128x128xf32, #tpu.memory_space<vmem>>, vector<1x16xf32>,
        %swap3A_1256 = vector.shape_cast %swap3A_1255 : vector<1x16xf32> to vector<16xf32>
        %swap3A_1257 = vector.shape_cast %mul3A_1252 : vector<16xf32> to vector<1x16xf32>
        tpu.vector_store %arg11[%swap3A_1253, %swap3A_1254], %swap3A_1257 {strides = array<i32>} : memref<128x128xf32, #tpu.memory_space<vmem>>, vector<1x16xf32>,
        %get3A_1258 = arith.index_cast %add3A_1246 : i32 to index
        %get3A_1259 = arith.constant 16 : index
        %get3A_1260 = tpu.vector_load %arg11[%get3A_1258, %get3A_1259] {strides = array<i32>} : memref<128x128xf32, #tpu.memory_space<vmem>>, vector<1x16xf32>,
        %get3A_1261 = vector.shape_cast %get3A_1260 : vector<1x16xf32> to vector<16xf32>
        %mul3A_1262 = vector.broadcast %squeeze3A_1242 : f32 to vector<16xf32>
        %mul3A_1263 = arith.mulf %get3A_1261, %mul3A_1262 : vector<16xf32>
        %swap3A_1264 = arith.index_cast %add3A_1246 : i32 to index
        %swap3A_1265 = arith.constant 16 : index
        %swap3A_1266 = tpu.vector_load %arg11[%swap3A_1264, %swap3A_1265] {strides = array<i32>} : memref<128x128xf32, #tpu.memory_space<vmem>>, vector<1x16xf32>,
        %swap3A_1267 = vector.shape_cast %swap3A_1266 : vector<1x16xf32> to vector<16xf32>
        %swap3A_1268 = vector.shape_cast %mul3A_1263 : vector<16xf32> to vector<1x16xf32>
        tpu.vector_store %arg11[%swap3A_1264, %swap3A_1265], %swap3A_1268 {strides = array<i32>} : memref<128x128xf32, #tpu.memory_space<vmem>>, vector<1x16xf32>,
        %get3A_1269 = arith.index_cast %add3A_1246 : i32 to index
        %get3A_1270 = arith.constant 32 : index
        %get3A_1271 = tpu.vector_load %arg11[%get3A_1269, %get3A_1270] {strides = array<i32>} : memref<128x128xf32, #tpu.memory_space<vmem>>, vector<1x16xf32>,
        %get3A_1272 = vector.shape_cast %get3A_1271 : vector<1x16xf32> to vector<16xf32>
        %mul3A_1273 = vector.broadcast %squeeze3A_1242 : f32 to vector<16xf32>
        %mul3A_1274 = arith.mulf %get3A_1272, %mul3A_1273 : vector<16xf32>
        %swap3A_1275 = arith.index_cast %add3A_1246 : i32 to index
        %swap3A_1276 = arith.constant 32 : index
        %swap3A_1277 = tpu.vector_load %arg11[%swap3A_1275, %swap3A_1276] {strides = array<i32>} : memref<128x128xf32, #tpu.memory_space<vmem>>, vector<1x16xf32>,
        %swap3A_1278 = vector.shape_cast %swap3A_1277 : vector<1x16xf32> to vector<16xf32>
        %swap3A_1279 = vector.shape_cast %mul3A_1274 : vector<16xf32> to vector<1x16xf32>
        tpu.vector_store %arg11[%swap3A_1275, %swap3A_1276], %swap3A_1279 {strides = array<i32>} : memref<128x128xf32, #tpu.memory_space<vmem>>, vector<1x16xf32>,
        %get3A_1280 = arith.index_cast %add3A_1246 : i32 to index
        %get3A_1281 = arith.constant 48 : index
        %get3A_1282 = tpu.vector_load %arg11[%get3A_1280, %get3A_1281] {strides = array<i32>} : memref<128x128xf32, #tpu.memory_space<vmem>>, vector<1x16xf32>,
        %get3A_1283 = vector.shape_cast %get3A_1282 : vector<1x16xf32> to vector<16xf32>
        %mul3A_1284 = vector.broadcast %squeeze3A_1242 : f32 to vector<16xf32>
        %mul3A_1285 = arith.mulf %get3A_1283, %mul3A_1284 : vector<16xf32>
        %swap3A_1286 = arith.index_cast %add3A_1246 : i32 to index
        %swap3A_1287 = arith.constant 48 : index
        %swap3A_1288 = tpu.vector_load %arg11[%swap3A_1286, %swap3A_1287] {strides = array<i32>} : memref<128x128xf32, #tpu.memory_space<vmem>>, vector<1x16xf32>,
        %swap3A_1289 = vector.shape_cast %swap3A_1288 : vector<1x16xf32> to vector<16xf32>
        %swap3A_1290 = vector.shape_cast %mul3A_1285 : vector<16xf32> to vector<1x16xf32>
        tpu.vector_store %arg11[%swap3A_1286, %swap3A_1287], %swap3A_1290 {strides = array<i32>} : memref<128x128xf32, #tpu.memory_space<vmem>>, vector<1x16xf32>,
        %get3A_1291 = arith.index_cast %add3A_1246 : i32 to index
        %get3A_1292 = arith.constant 64 : index
        %get3A_1293 = tpu.vector_load %arg11[%get3A_1291, %get3A_1292] {strides = array<i32>} : memref<128x128xf32, #tpu.memory_space<vmem>>, vector<1x16xf32>,
        %get3A_1294 = vector.shape_cast %get3A_1293 : vector<1x16xf32> to vector<16xf32>
        %mul3A_1295 = vector.broadcast %squeeze3A_1242 : f32 to vector<16xf32>
        %mul3A_1296 = arith.mulf %get3A_1294, %mul3A_1295 : vector<16xf32>
        %swap3A_1297 = arith.index_cast %add3A_1246 : i32 to index
        %swap3A_1298 = arith.constant 64 : index
        %swap3A_1299 = tpu.vector_load %arg11[%swap3A_1297, %swap3A_1298] {strides = array<i32>} : memref<128x128xf32, #tpu.memory_space<vmem>>, vector<1x16xf32>,
        %swap3A_1300 = vector.shape_cast %swap3A_1299 : vector<1x16xf32> to vector<16xf32>
        %swap3A_1301 = vector.shape_cast %mul3A_1296 : vector<16xf32> to vector<1x16xf32>
        tpu.vector_store %arg11[%swap3A_1297, %swap3A_1298], %swap3A_1301 {strides = array<i32>} : memref<128x128xf32, #tpu.memory_space<vmem>>, vector<1x16xf32>,
        %get3A_1302 = arith.index_cast %add3A_1246 : i32 to index
        %get3A_1303 = arith.constant 80 : index
        %get3A_1304 = tpu.vector_load %arg11[%get3A_1302, %get3A_1303] {strides = array<i32>} : memref<128x128xf32, #tpu.memory_space<vmem>>, vector<1x16xf32>,
        %get3A_1305 = vector.shape_cast %get3A_1304 : vector<1x16xf32> to vector<16xf32>
        %mul3A_1306 = vector.broadcast %squeeze3A_1242 : f32 to vector<16xf32>
        %mul3A_1307 = arith.mulf %get3A_1305, %mul3A_1306 : vector<16xf32>
        %swap3A_1308 = arith.index_cast %add3A_1246 : i32 to index
        %swap3A_1309 = arith.constant 80 : index
        %swap3A_1310 = tpu.vector_load %arg11[%swap3A_1308, %swap3A_1309] {strides = array<i32>} : memref<128x128xf32, #tpu.memory_space<vmem>>, vector<1x16xf32>,
        %swap3A_1311 = vector.shape_cast %swap3A_1310 : vector<1x16xf32> to vector<16xf32>
        %swap3A_1312 = vector.shape_cast %mul3A_1307 : vector<16xf32> to vector<1x16xf32>
        tpu.vector_store %arg11[%swap3A_1308, %swap3A_1309], %swap3A_1312 {strides = array<i32>} : memref<128x128xf32, #tpu.memory_space<vmem>>, vector<1x16xf32>,
        %get3A_1313 = arith.index_cast %add3A_1246 : i32 to index
        %get3A_1314 = arith.constant 96 : index
        %get3A_1315 = tpu.vector_load %arg11[%get3A_1313, %get3A_1314] {strides = array<i32>} : memref<128x128xf32, #tpu.memory_space<vmem>>, vector<1x16xf32>,
        %get3A_1316 = vector.shape_cast %get3A_1315 : vector<1x16xf32> to vector<16xf32>
        %mul3A_1317 = vector.broadcast %squeeze3A_1242 : f32 to vector<16xf32>
        %mul3A_1318 = arith.mulf %get3A_1316, %mul3A_1317 : vector<16xf32>
        %swap3A_1319 = arith.index_cast %add3A_1246 : i32 to index
        %swap3A_1320 = arith.constant 96 : index
        %swap3A_1321 = tpu.vector_load %arg11[%swap3A_1319, %swap3A_1320] {strides = array<i32>} : memref<128x128xf32, #tpu.memory_space<vmem>>, vector<1x16xf32>,
        %swap3A_1322 = vector.shape_cast %swap3A_1321 : vector<1x16xf32> to vector<16xf32>
        %swap3A_1323 = vector.shape_cast %mul3A_1318 : vector<16xf32> to vector<1x16xf32>
        tpu.vector_store %arg11[%swap3A_1319, %swap3A_1320], %swap3A_1323 {strides = array<i32>} : memref<128x128xf32, #tpu.memory_space<vmem>>, vector<1x16xf32>,
        %get3A_1324 = arith.index_cast %add3A_1246 : i32 to index
        %get3A_1325 = arith.constant 112 : index
        %get3A_1326 = tpu.vector_load %arg11[%get3A_1324, %get3A_1325] {strides = array<i32>} : memref<128x128xf32, #tpu.memory_space<vmem>>, vector<1x16xf32>,
        %get3A_1327 = vector.shape_cast %get3A_1326 : vector<1x16xf32> to vector<16xf32>
        %mul3A_1328 = vector.broadcast %squeeze3A_1242 : f32 to vector<16xf32>
        %mul3A_1329 = arith.mulf %get3A_1327, %mul3A_1328 : vector<16xf32>
        %swap3A_1330 = arith.index_cast %add3A_1246 : i32 to index
        %swap3A_1331 = arith.constant 112 : index
        %swap3A_1332 = tpu.vector_load %arg11[%swap3A_1330, %swap3A_1331] {strides = array<i32>} : memref<128x128xf32, #tpu.memory_space<vmem>>, vector<1x16xf32>,
        %swap3A_1333 = vector.shape_cast %swap3A_1332 : vector<1x16xf32> to vector<16xf32>
        %swap3A_1334 = vector.shape_cast %mul3A_1329 : vector<16xf32> to vector<1x16xf32>
        tpu.vector_store %arg11[%swap3A_1330, %swap3A_1331], %swap3A_1334 {strides = array<i32>} : memref<128x128xf32, #tpu.memory_space<vmem>>, vector<1x16xf32>,
        %slice3A_1335 = vector.extract_strided_slice %get3A_21 {offsets = [14], sizes = [1], strides = [1]} : vector<16xf32> to vector<1xf32>
        %squeeze3A_1336 = vector.extract %slice3A_1335[0] : f32 from vector<1xf32>
        %mul3A_1337 = arith.constant 16 : i32
        %mul3A_1338 = arith.muli %scan3A_16, %mul3A_1337 : i32
        %add3A_1339 = arith.constant 14 : i32
        %add3A_1340 = arith.addi %mul3A_1338, %add3A_1339 : i32
        %get3A_1341 = arith.index_cast %add3A_1340 : i32 to index
        %get3A_1342 = arith.constant 0 : index
        %get3A_1343 = tpu.vector_load %arg11[%get3A_1341, %get3A_1342] {strides = array<i32>} : memref<128x128xf32, #tpu.memory_space<vmem>>, vector<1x16xf32>,
        %get3A_1344 = vector.shape_cast %get3A_1343 : vector<1x16xf32> to vector<16xf32>
        %mul3A_1345 = vector.broadcast %squeeze3A_1336 : f32 to vector<16xf32>
        %mul3A_1346 = arith.mulf %get3A_1344, %mul3A_1345 : vector<16xf32>
        %swap3A_1347 = arith.index_cast %add3A_1340 : i32 to index
        %swap3A_1348 = arith.constant 0 : index
        %swap3A_1349 = tpu.vector_load %arg11[%swap3A_1347, %swap3A_1348] {strides = array<i32>} : memref<128x128xf32, #tpu.memory_space<vmem>>, vector<1x16xf32>,
        %swap3A_1350 = vector.shape_cast %swap3A_1349 : vector<1x16xf32> to vector<16xf32>
        %swap3A_1351 = vector.shape_cast %mul3A_1346 : vector<16xf32> to vector<1x16xf32>
        tpu.vector_store %arg11[%swap3A_1347, %swap3A_1348], %swap3A_1351 {strides = array<i32>} : memref<128x128xf32, #tpu.memory_space<vmem>>, vector<1x16xf32>,
        %get3A_1352 = arith.index_cast %add3A_1340 : i32 to index
        %get3A_1353 = arith.constant 16 : index
        %get3A_1354 = tpu.vector_load %arg11[%get3A_1352, %get3A_1353] {strides = array<i32>} : memref<128x128xf32, #tpu.memory_space<vmem>>, vector<1x16xf32>,
        %get3A_1355 = vector.shape_cast %get3A_1354 : vector<1x16xf32> to vector<16xf32>
        %mul3A_1356 = vector.broadcast %squeeze3A_1336 : f32 to vector<16xf32>
        %mul3A_1357 = arith.mulf %get3A_1355, %mul3A_1356 : vector<16xf32>
        %swap3A_1358 = arith.index_cast %add3A_1340 : i32 to index
        %swap3A_1359 = arith.constant 16 : index
        %swap3A_1360 = tpu.vector_load %arg11[%swap3A_1358, %swap3A_1359] {strides = array<i32>} : memref<128x128xf32, #tpu.memory_space<vmem>>, vector<1x16xf32>,
        %swap3A_1361 = vector.shape_cast %swap3A_1360 : vector<1x16xf32> to vector<16xf32>
        %swap3A_1362 = vector.shape_cast %mul3A_1357 : vector<16xf32> to vector<1x16xf32>
        tpu.vector_store %arg11[%swap3A_1358, %swap3A_1359], %swap3A_1362 {strides = array<i32>} : memref<128x128xf32, #tpu.memory_space<vmem>>, vector<1x16xf32>,
        %get3A_1363 = arith.index_cast %add3A_1340 : i32 to index
        %get3A_1364 = arith.constant 32 : index
        %get3A_1365 = tpu.vector_load %arg11[%get3A_1363, %get3A_1364] {strides = array<i32>} : memref<128x128xf32, #tpu.memory_space<vmem>>, vector<1x16xf32>,
        %get3A_1366 = vector.shape_cast %get3A_1365 : vector<1x16xf32> to vector<16xf32>
        %mul3A_1367 = vector.broadcast %squeeze3A_1336 : f32 to vector<16xf32>
        %mul3A_1368 = arith.mulf %get3A_1366, %mul3A_1367 : vector<16xf32>
        %swap3A_1369 = arith.index_cast %add3A_1340 : i32 to index
        %swap3A_1370 = arith.constant 32 : index
        %swap3A_1371 = tpu.vector_load %arg11[%swap3A_1369, %swap3A_1370] {strides = array<i32>} : memref<128x128xf32, #tpu.memory_space<vmem>>, vector<1x16xf32>,
        %swap3A_1372 = vector.shape_cast %swap3A_1371 : vector<1x16xf32> to vector<16xf32>
        %swap3A_1373 = vector.shape_cast %mul3A_1368 : vector<16xf32> to vector<1x16xf32>
        tpu.vector_store %arg11[%swap3A_1369, %swap3A_1370], %swap3A_1373 {strides = array<i32>} : memref<128x128xf32, #tpu.memory_space<vmem>>, vector<1x16xf32>,
        %get3A_1374 = arith.index_cast %add3A_1340 : i32 to index
        %get3A_1375 = arith.constant 48 : index
        %get3A_1376 = tpu.vector_load %arg11[%get3A_1374, %get3A_1375] {strides = array<i32>} : memref<128x128xf32, #tpu.memory_space<vmem>>, vector<1x16xf32>,
        %get3A_1377 = vector.shape_cast %get3A_1376 : vector<1x16xf32> to vector<16xf32>
        %mul3A_1378 = vector.broadcast %squeeze3A_1336 : f32 to vector<16xf32>
        %mul3A_1379 = arith.mulf %get3A_1377, %mul3A_1378 : vector<16xf32>
        %swap3A_1380 = arith.index_cast %add3A_1340 : i32 to index
        %swap3A_1381 = arith.constant 48 : index
        %swap3A_1382 = tpu.vector_load %arg11[%swap3A_1380, %swap3A_1381] {strides = array<i32>} : memref<128x128xf32, #tpu.memory_space<vmem>>, vector<1x16xf32>,
        %swap3A_1383 = vector.shape_cast %swap3A_1382 : vector<1x16xf32> to vector<16xf32>
        %swap3A_1384 = vector.shape_cast %mul3A_1379 : vector<16xf32> to vector<1x16xf32>
        tpu.vector_store %arg11[%swap3A_1380, %swap3A_1381], %swap3A_1384 {strides = array<i32>} : memref<128x128xf32, #tpu.memory_space<vmem>>, vector<1x16xf32>,
        %get3A_1385 = arith.index_cast %add3A_1340 : i32 to index
        %get3A_1386 = arith.constant 64 : index
        %get3A_1387 = tpu.vector_load %arg11[%get3A_1385, %get3A_1386] {strides = array<i32>} : memref<128x128xf32, #tpu.memory_space<vmem>>, vector<1x16xf32>,
        %get3A_1388 = vector.shape_cast %get3A_1387 : vector<1x16xf32> to vector<16xf32>
        %mul3A_1389 = vector.broadcast %squeeze3A_1336 : f32 to vector<16xf32>
        %mul3A_1390 = arith.mulf %get3A_1388, %mul3A_1389 : vector<16xf32>
        %swap3A_1391 = arith.index_cast %add3A_1340 : i32 to index
        %swap3A_1392 = arith.constant 64 : index
        %swap3A_1393 = tpu.vector_load %arg11[%swap3A_1391, %swap3A_1392] {strides = array<i32>} : memref<128x128xf32, #tpu.memory_space<vmem>>, vector<1x16xf32>,
        %swap3A_1394 = vector.shape_cast %swap3A_1393 : vector<1x16xf32> to vector<16xf32>
        %swap3A_1395 = vector.shape_cast %mul3A_1390 : vector<16xf32> to vector<1x16xf32>
        tpu.vector_store %arg11[%swap3A_1391, %swap3A_1392], %swap3A_1395 {strides = array<i32>} : memref<128x128xf32, #tpu.memory_space<vmem>>, vector<1x16xf32>,
        %get3A_1396 = arith.index_cast %add3A_1340 : i32 to index
        %get3A_1397 = arith.constant 80 : index
        %get3A_1398 = tpu.vector_load %arg11[%get3A_1396, %get3A_1397] {strides = array<i32>} : memref<128x128xf32, #tpu.memory_space<vmem>>, vector<1x16xf32>,
        %get3A_1399 = vector.shape_cast %get3A_1398 : vector<1x16xf32> to vector<16xf32>
        %mul3A_1400 = vector.broadcast %squeeze3A_1336 : f32 to vector<16xf32>
        %mul3A_1401 = arith.mulf %get3A_1399, %mul3A_1400 : vector<16xf32>
        %swap3A_1402 = arith.index_cast %add3A_1340 : i32 to index
        %swap3A_1403 = arith.constant 80 : index
        %swap3A_1404 = tpu.vector_load %arg11[%swap3A_1402, %swap3A_1403] {strides = array<i32>} : memref<128x128xf32, #tpu.memory_space<vmem>>, vector<1x16xf32>,
        %swap3A_1405 = vector.shape_cast %swap3A_1404 : vector<1x16xf32> to vector<16xf32>
        %swap3A_1406 = vector.shape_cast %mul3A_1401 : vector<16xf32> to vector<1x16xf32>
        tpu.vector_store %arg11[%swap3A_1402, %swap3A_1403], %swap3A_1406 {strides = array<i32>} : memref<128x128xf32, #tpu.memory_space<vmem>>, vector<1x16xf32>,
        %get3A_1407 = arith.index_cast %add3A_1340 : i32 to index
        %get3A_1408 = arith.constant 96 : index
        %get3A_1409 = tpu.vector_load %arg11[%get3A_1407, %get3A_1408] {strides = array<i32>} : memref<128x128xf32, #tpu.memory_space<vmem>>, vector<1x16xf32>,
        %get3A_1410 = vector.shape_cast %get3A_1409 : vector<1x16xf32> to vector<16xf32>
        %mul3A_1411 = vector.broadcast %squeeze3A_1336 : f32 to vector<16xf32>
        %mul3A_1412 = arith.mulf %get3A_1410, %mul3A_1411 : vector<16xf32>
        %swap3A_1413 = arith.index_cast %add3A_1340 : i32 to index
        %swap3A_1414 = arith.constant 96 : index
        %swap3A_1415 = tpu.vector_load %arg11[%swap3A_1413, %swap3A_1414] {strides = array<i32>} : memref<128x128xf32, #tpu.memory_space<vmem>>, vector<1x16xf32>,
        %swap3A_1416 = vector.shape_cast %swap3A_1415 : vector<1x16xf32> to vector<16xf32>
        %swap3A_1417 = vector.shape_cast %mul3A_1412 : vector<16xf32> to vector<1x16xf32>
        tpu.vector_store %arg11[%swap3A_1413, %swap3A_1414], %swap3A_1417 {strides = array<i32>} : memref<128x128xf32, #tpu.memory_space<vmem>>, vector<1x16xf32>,
        %get3A_1418 = arith.index_cast %add3A_1340 : i32 to index
        %get3A_1419 = arith.constant 112 : index
        %get3A_1420 = tpu.vector_load %arg11[%get3A_1418, %get3A_1419] {strides = array<i32>} : memref<128x128xf32, #tpu.memory_space<vmem>>, vector<1x16xf32>,
        %get3A_1421 = vector.shape_cast %get3A_1420 : vector<1x16xf32> to vector<16xf32>
        %mul3A_1422 = vector.broadcast %squeeze3A_1336 : f32 to vector<16xf32>
        %mul3A_1423 = arith.mulf %get3A_1421, %mul3A_1422 : vector<16xf32>
        %swap3A_1424 = arith.index_cast %add3A_1340 : i32 to index
        %swap3A_1425 = arith.constant 112 : index
        %swap3A_1426 = tpu.vector_load %arg11[%swap3A_1424, %swap3A_1425] {strides = array<i32>} : memref<128x128xf32, #tpu.memory_space<vmem>>, vector<1x16xf32>,
        %swap3A_1427 = vector.shape_cast %swap3A_1426 : vector<1x16xf32> to vector<16xf32>
        %swap3A_1428 = vector.shape_cast %mul3A_1423 : vector<16xf32> to vector<1x16xf32>
        tpu.vector_store %arg11[%swap3A_1424, %swap3A_1425], %swap3A_1428 {strides = array<i32>} : memref<128x128xf32, #tpu.memory_space<vmem>>, vector<1x16xf32>,
        %slice3A_1429 = vector.extract_strided_slice %get3A_21 {offsets = [15], sizes = [1], strides = [1]} : vector<16xf32> to vector<1xf32>
        %squeeze3A_1430 = vector.extract %slice3A_1429[0] : f32 from vector<1xf32>
        %mul3A_1431 = arith.constant 16 : i32
        %mul3A_1432 = arith.muli %scan3A_16, %mul3A_1431 : i32
        %add3A_1433 = arith.constant 15 : i32
        %add3A_1434 = arith.addi %mul3A_1432, %add3A_1433 : i32
        %get3A_1435 = arith.index_cast %add3A_1434 : i32 to index
        %get3A_1436 = arith.constant 0 : index
        %get3A_1437 = tpu.vector_load %arg11[%get3A_1435, %get3A_1436] {strides = array<i32>} : memref<128x128xf32, #tpu.memory_space<vmem>>, vector<1x16xf32>,
        %get3A_1438 = vector.shape_cast %get3A_1437 : vector<1x16xf32> to vector<16xf32>
        %mul3A_1439 = vector.broadcast %squeeze3A_1430 : f32 to vector<16xf32>
        %mul3A_1440 = arith.mulf %get3A_1438, %mul3A_1439 : vector<16xf32>
        %swap3A_1441 = arith.index_cast %add3A_1434 : i32 to index
        %swap3A_1442 = arith.constant 0 : index
        %swap3A_1443 = tpu.vector_load %arg11[%swap3A_1441, %swap3A_1442] {strides = array<i32>} : memref<128x128xf32, #tpu.memory_space<vmem>>, vector<1x16xf32>,
        %swap3A_1444 = vector.shape_cast %swap3A_1443 : vector<1x16xf32> to vector<16xf32>
        %swap3A_1445 = vector.shape_cast %mul3A_1440 : vector<16xf32> to vector<1x16xf32>
        tpu.vector_store %arg11[%swap3A_1441, %swap3A_1442], %swap3A_1445 {strides = array<i32>} : memref<128x128xf32, #tpu.memory_space<vmem>>, vector<1x16xf32>,
        %get3A_1446 = arith.index_cast %add3A_1434 : i32 to index
        %get3A_1447 = arith.constant 16 : index
        %get3A_1448 = tpu.vector_load %arg11[%get3A_1446, %get3A_1447] {strides = array<i32>} : memref<128x128xf32, #tpu.memory_space<vmem>>, vector<1x16xf32>,
        %get3A_1449 = vector.shape_cast %get3A_1448 : vector<1x16xf32> to vector<16xf32>
        %mul3A_1450 = vector.broadcast %squeeze3A_1430 : f32 to vector<16xf32>
        %mul3A_1451 = arith.mulf %get3A_1449, %mul3A_1450 : vector<16xf32>
        %swap3A_1452 = arith.index_cast %add3A_1434 : i32 to index
        %swap3A_1453 = arith.constant 16 : index
        %swap3A_1454 = tpu.vector_load %arg11[%swap3A_1452, %swap3A_1453] {strides = array<i32>} : memref<128x128xf32, #tpu.memory_space<vmem>>, vector<1x16xf32>,
        %swap3A_1455 = vector.shape_cast %swap3A_1454 : vector<1x16xf32> to vector<16xf32>
        %swap3A_1456 = vector.shape_cast %mul3A_1451 : vector<16xf32> to vector<1x16xf32>
        tpu.vector_store %arg11[%swap3A_1452, %swap3A_1453], %swap3A_1456 {strides = array<i32>} : memref<128x128xf32, #tpu.memory_space<vmem>>, vector<1x16xf32>,
        %get3A_1457 = arith.index_cast %add3A_1434 : i32 to index
        %get3A_1458 = arith.constant 32 : index
        %get3A_1459 = tpu.vector_load %arg11[%get3A_1457, %get3A_1458] {strides = array<i32>} : memref<128x128xf32, #tpu.memory_space<vmem>>, vector<1x16xf32>,
        %get3A_1460 = vector.shape_cast %get3A_1459 : vector<1x16xf32> to vector<16xf32>
        %mul3A_1461 = vector.broadcast %squeeze3A_1430 : f32 to vector<16xf32>
        %mul3A_1462 = arith.mulf %get3A_1460, %mul3A_1461 : vector<16xf32>
        %swap3A_1463 = arith.index_cast %add3A_1434 : i32 to index
        %swap3A_1464 = arith.constant 32 : index
        %swap3A_1465 = tpu.vector_load %arg11[%swap3A_1463, %swap3A_1464] {strides = array<i32>} : memref<128x128xf32, #tpu.memory_space<vmem>>, vector<1x16xf32>,
        %swap3A_1466 = vector.shape_cast %swap3A_1465 : vector<1x16xf32> to vector<16xf32>
        %swap3A_1467 = vector.shape_cast %mul3A_1462 : vector<16xf32> to vector<1x16xf32>
        tpu.vector_store %arg11[%swap3A_1463, %swap3A_1464], %swap3A_1467 {strides = array<i32>} : memref<128x128xf32, #tpu.memory_space<vmem>>, vector<1x16xf32>,
        %get3A_1468 = arith.index_cast %add3A_1434 : i32 to index
        %get3A_1469 = arith.constant 48 : index
        %get3A_1470 = tpu.vector_load %arg11[%get3A_1468, %get3A_1469] {strides = array<i32>} : memref<128x128xf32, #tpu.memory_space<vmem>>, vector<1x16xf32>,
        %get3A_1471 = vector.shape_cast %get3A_1470 : vector<1x16xf32> to vector<16xf32>
        %mul3A_1472 = vector.broadcast %squeeze3A_1430 : f32 to vector<16xf32>
        %mul3A_1473 = arith.mulf %get3A_1471, %mul3A_1472 : vector<16xf32>
        %swap3A_1474 = arith.index_cast %add3A_1434 : i32 to index
        %swap3A_1475 = arith.constant 48 : index
        %swap3A_1476 = tpu.vector_load %arg11[%swap3A_1474, %swap3A_1475] {strides = array<i32>} : memref<128x128xf32, #tpu.memory_space<vmem>>, vector<1x16xf32>,
        %swap3A_1477 = vector.shape_cast %swap3A_1476 : vector<1x16xf32> to vector<16xf32>
        %swap3A_1478 = vector.shape_cast %mul3A_1473 : vector<16xf32> to vector<1x16xf32>
        tpu.vector_store %arg11[%swap3A_1474, %swap3A_1475], %swap3A_1478 {strides = array<i32>} : memref<128x128xf32, #tpu.memory_space<vmem>>, vector<1x16xf32>,
        %get3A_1479 = arith.index_cast %add3A_1434 : i32 to index
        %get3A_1480 = arith.constant 64 : index
        %get3A_1481 = tpu.vector_load %arg11[%get3A_1479, %get3A_1480] {strides = array<i32>} : memref<128x128xf32, #tpu.memory_space<vmem>>, vector<1x16xf32>,
        %get3A_1482 = vector.shape_cast %get3A_1481 : vector<1x16xf32> to vector<16xf32>
        %mul3A_1483 = vector.broadcast %squeeze3A_1430 : f32 to vector<16xf32>
        %mul3A_1484 = arith.mulf %get3A_1482, %mul3A_1483 : vector<16xf32>
        %swap3A_1485 = arith.index_cast %add3A_1434 : i32 to index
        %swap3A_1486 = arith.constant 64 : index
        %swap3A_1487 = tpu.vector_load %arg11[%swap3A_1485, %swap3A_1486] {strides = array<i32>} : memref<128x128xf32, #tpu.memory_space<vmem>>, vector<1x16xf32>,
        %swap3A_1488 = vector.shape_cast %swap3A_1487 : vector<1x16xf32> to vector<16xf32>
        %swap3A_1489 = vector.shape_cast %mul3A_1484 : vector<16xf32> to vector<1x16xf32>
        tpu.vector_store %arg11[%swap3A_1485, %swap3A_1486], %swap3A_1489 {strides = array<i32>} : memref<128x128xf32, #tpu.memory_space<vmem>>, vector<1x16xf32>,
        %get3A_1490 = arith.index_cast %add3A_1434 : i32 to index
        %get3A_1491 = arith.constant 80 : index
        %get3A_1492 = tpu.vector_load %arg11[%get3A_1490, %get3A_1491] {strides = array<i32>} : memref<128x128xf32, #tpu.memory_space<vmem>>, vector<1x16xf32>,
        %get3A_1493 = vector.shape_cast %get3A_1492 : vector<1x16xf32> to vector<16xf32>
        %mul3A_1494 = vector.broadcast %squeeze3A_1430 : f32 to vector<16xf32>
        %mul3A_1495 = arith.mulf %get3A_1493, %mul3A_1494 : vector<16xf32>
        %swap3A_1496 = arith.index_cast %add3A_1434 : i32 to index
        %swap3A_1497 = arith.constant 80 : index
        %swap3A_1498 = tpu.vector_load %arg11[%swap3A_1496, %swap3A_1497] {strides = array<i32>} : memref<128x128xf32, #tpu.memory_space<vmem>>, vector<1x16xf32>,
        %swap3A_1499 = vector.shape_cast %swap3A_1498 : vector<1x16xf32> to vector<16xf32>
        %swap3A_1500 = vector.shape_cast %mul3A_1495 : vector<16xf32> to vector<1x16xf32>
        tpu.vector_store %arg11[%swap3A_1496, %swap3A_1497], %swap3A_1500 {strides = array<i32>} : memref<128x128xf32, #tpu.memory_space<vmem>>, vector<1x16xf32>,
        %get3A_1501 = arith.index_cast %add3A_1434 : i32 to index
        %get3A_1502 = arith.constant 96 : index
        %get3A_1503 = tpu.vector_load %arg11[%get3A_1501, %get3A_1502] {strides = array<i32>} : memref<128x128xf32, #tpu.memory_space<vmem>>, vector<1x16xf32>,
        %get3A_1504 = vector.shape_cast %get3A_1503 : vector<1x16xf32> to vector<16xf32>
        %mul3A_1505 = vector.broadcast %squeeze3A_1430 : f32 to vector<16xf32>
        %mul3A_1506 = arith.mulf %get3A_1504, %mul3A_1505 : vector<16xf32>
        %swap3A_1507 = arith.index_cast %add3A_1434 : i32 to index
        %swap3A_1508 = arith.constant 96 : index
        %swap3A_1509 = tpu.vector_load %arg11[%swap3A_1507, %swap3A_1508] {strides = array<i32>} : memref<128x128xf32, #tpu.memory_space<vmem>>, vector<1x16xf32>,
        %swap3A_1510 = vector.shape_cast %swap3A_1509 : vector<1x16xf32> to vector<16xf32>
        %swap3A_1511 = vector.shape_cast %mul3A_1506 : vector<16xf32> to vector<1x16xf32>
        tpu.vector_store %arg11[%swap3A_1507, %swap3A_1508], %swap3A_1511 {strides = array<i32>} : memref<128x128xf32, #tpu.memory_space<vmem>>, vector<1x16xf32>,
        %get3A_1512 = arith.index_cast %add3A_1434 : i32 to index
        %get3A_1513 = arith.constant 112 : index
        %get3A_1514 = tpu.vector_load %arg11[%get3A_1512, %get3A_1513] {strides = array<i32>} : memref<128x128xf32, #tpu.memory_space<vmem>>, vector<1x16xf32>,
        %get3A_1515 = vector.shape_cast %get3A_1514 : vector<1x16xf32> to vector<16xf32>
        %mul3A_1516 = vector.broadcast %squeeze3A_1430 : f32 to vector<16xf32>
        %mul3A_1517 = arith.mulf %get3A_1515, %mul3A_1516 : vector<16xf32>
        %swap3A_1518 = arith.index_cast %add3A_1434 : i32 to index
        %swap3A_1519 = arith.constant 112 : index
        %swap3A_1520 = tpu.vector_load %arg11[%swap3A_1518, %swap3A_1519] {strides = array<i32>} : memref<128x128xf32, #tpu.memory_space<vmem>>, vector<1x16xf32>,
        %swap3A_1521 = vector.shape_cast %swap3A_1520 : vector<1x16xf32> to vector<16xf32>
        %swap3A_1522 = vector.shape_cast %mul3A_1517 : vector<16xf32> to vector<1x16xf32>
        tpu.vector_store %arg11[%swap3A_1518, %swap3A_1519], %swap3A_1522 {strides = array<i32>} : memref<128x128xf32, #tpu.memory_space<vmem>>, vector<1x16xf32>,
      }
      %scan3A_15 = arith.constant 8 : i32
      "tpu.region"() ({
        %run_scoped3A = tpu.sem_alloc : memref<!tpu.dma_semaphore, #tpu.memory_space<semaphore_mem>>
        %dma_start3A = arith.constant 0 : i32
        %dma_start3A_16 = tpu.memref_slice %arg9[%scan3A_9, %dma_start3A] : memref<80x128xi32, #tpu.memory_space<vmem>> -> memref<1x128xi32, #tpu.memory_space<vmem>>
        %dma_start3A_17 = tpu.memref_squeeze %dma_start3A_16 : memref<1x128xi32, #tpu.memory_space<vmem>> -> memref<128xi32, #tpu.memory_space<vmem>>
        %dma_start3A_18 = arith.constant 0 : i32
        %dma_start3A_19 = arith.constant 0 : i32
        %dma_start3A_20 = tpu.memref_slice %arg12[%dma_start3A_18, %dma_start3A_19] : memref<10240x128xf32, #tpu.memory_space<vmem_shared>> -> memref<10240x128xf32, #tpu.memory_space<vmem_shared>>
        tpu.enqueue_indirect_dma source(%arg11 : memref<128x128xf32, #tpu.memory_space<vmem>>) target(%dma_start3A_20 : memref<10240x128xf32, #tpu.memory_space<vmem_shared>>) offsets(%dma_start3A_17 : memref<128xi32, #tpu.memory_space<vmem>>) semaphore(%run_scoped3A : memref<!tpu.dma_semaphore, #tpu.memory_space<semaphore_mem>>) {add = true}
        %dma_wait3A = arith.constant 0 : i32
        %dma_wait3A_21 = tpu.memref_slice %arg9[%scan3A_9, %dma_wait3A] : memref<80x128xi32, #tpu.memory_space<vmem>> -> memref<1x128xi32, #tpu.memory_space<vmem>>
        %dma_wait3A_22 = tpu.memref_squeeze %dma_wait3A_21 : memref<1x128xi32, #tpu.memory_space<vmem>> -> memref<128xi32, #tpu.memory_space<vmem>>
        %dma_wait3A_23 = arith.constant 0 : i32
        %dma_wait3A_24 = arith.constant 0 : i32
        %dma_wait3A_25 = tpu.memref_slice %arg12[%dma_wait3A_23, %dma_wait3A_24] : memref<10240x128xf32, #tpu.memory_space<vmem_shared>> -> memref<10240x128xf32, #tpu.memory_space<vmem_shared>>
        tpu.wait_indirect_dma semaphore(%run_scoped3A : memref<!tpu.dma_semaphore, #tpu.memory_space<semaphore_mem>>) src(%arg11 : memref<128x128xf32, #tpu.memory_space<vmem>>) dst(%dma_wait3A_25 : memref<10240x128xf32, #tpu.memory_space<vmem_shared>>)
        tpu.yield
      }) : () -> ()
    }
    %scan3A_7 = arith.constant 80 : i32
    %barrier3A_8 = arith.constant 0 : index
    tpu.barrier barrier_id(%barrier3A_8)
    "tpu.region"() ({
      %run_scoped3A = tpu.sem_alloc : memref<!tpu.dma_semaphore, #tpu.memory_space<semaphore_mem>>
      %dma_start3A = arith.constant 0 : i32
      %dma_start3A_9 = tpu.memref_slice %arg7[%arg0, %mul3A_2, %dma_start3A] : memref<2x10240x128xf32, #tpu.memory_space<hbm>> -> memref<1x640x128xf32, #tpu.memory_space<hbm>>
      %dma_start3A_10 = tpu.memref_squeeze %dma_start3A_9 : memref<1x640x128xf32, #tpu.memory_space<hbm>> -> memref<640x128xf32, #tpu.memory_space<hbm>>
      %dma_start3A_11 = arith.constant 0 : i32
      %dma_start3A_12 = tpu.memref_slice %arg12[%mul3A_2, %dma_start3A_11] : memref<10240x128xf32, #tpu.memory_space<vmem_shared>> -> memref<640x128xf32, #tpu.memory_space<vmem_shared>>
      tpu.enqueue_dma source(%dma_start3A_12 : memref<640x128xf32, #tpu.memory_space<vmem_shared>>) target(%dma_start3A_10 : memref<640x128xf32, #tpu.memory_space<hbm>>) target_semaphore(%run_scoped3A : memref<!tpu.dma_semaphore, #tpu.memory_space<semaphore_mem>>)
      %dma_wait3A = arith.constant 0 : i32
      %dma_wait3A_13 = tpu.memref_slice %arg7[%arg0, %mul3A_2, %dma_wait3A] : memref<2x10240x128xf32, #tpu.memory_space<hbm>> -> memref<1x640x128xf32, #tpu.memory_space<hbm>>
      %dma_wait3A_14 = tpu.memref_squeeze %dma_wait3A_13 : memref<1x640x128xf32, #tpu.memory_space<hbm>> -> memref<640x128xf32, #tpu.memory_space<hbm>>
      %dma_wait3A_15 = arith.constant 0 : i32
      %dma_wait3A_16 = tpu.memref_slice %arg12[%mul3A_2, %dma_wait3A_15] : memref<10240x128xf32, #tpu.memory_space<vmem_shared>> -> memref<640x128xf32, #tpu.memory_space<vmem_shared>>
      tpu.wait_dma2 semaphore(%run_scoped3A : memref<!tpu.dma_semaphore, #tpu.memory_space<semaphore_mem>>) src(%dma_wait3A_16 : memref<640x128xf32, #tpu.memory_space<vmem_shared>>) dst(%dma_wait3A_14 : memref<640x128xf32, #tpu.memory_space<hbm>>)
      tpu.yield
    }) : () -> ()
    return
  }
}

#map = affine_map<(d0, d1) -> (0, 0, 0)>
#map1 = affine_map<(d0, d1) -> (0)>
#map2 = affine_map<(d0, d1) -> (0, 0)>
module attributes {stable_mosaic.version = 14 : i64} {
  func.func @_degree(%arg0: i32, %arg1: i32, %arg2: memref<32x80x128xi32, #tpu.memory_space<hbm>>, %arg3: memref<32x80x128xf32, #tpu.memory_space<hbm>>, %arg4: memref<10240xf32, #tpu.memory_space<hbm>>, %arg5: memref<2x10240xf32, #tpu.memory_space<hbm>>, %arg6: memref<80x128xi32, #tpu.memory_space<vmem>>, %arg7: memref<80x128xf32, #tpu.memory_space<vmem>>, %arg8: memref<10240xf32, #tpu.memory_space<vmem_shared>>) attributes {dimension_semantics = [#tpu.dimension_semantics<core_parallel>, #tpu.dimension_semantics<subcore_parallel>], iteration_bounds = array<i64: 2, 16>, scalar_prefetch = 0 : i64, scratch_operands = 3 : i64, tpu.core_type = #tpu.core_type<sc_vector_subcore>, window_params = [{transform_indices = #map}, {transform_indices = #map}, {transform_indices = #map1}, {transform_indices = #map2}]} {
    %mul3A = arith.constant 16 : i32
    %mul3A_0 = arith.muli %arg0, %mul3A : i32
    %add3A = arith.addi %mul3A_0, %arg1 : i32
    %mul3A_1 = arith.constant 640 : i32
    %mul3A_2 = arith.muli %arg1, %mul3A_1 : i32
    "tpu.region"() ({
      %run_scoped3A = tpu.sem_alloc : memref<!tpu.dma_semaphore, #tpu.memory_space<semaphore_mem>>
      %dma_start3A = tpu.memref_slice %arg8[%mul3A_2] : memref<10240xf32, #tpu.memory_space<vmem_shared>> -> memref<640xf32, #tpu.memory_space<vmem_shared>>
      %dma_start3A_9 = tpu.memref_slice %arg4[%mul3A_2] : memref<10240xf32, #tpu.memory_space<hbm>> -> memref<640xf32, #tpu.memory_space<hbm>>
      tpu.enqueue_dma source(%dma_start3A_9 : memref<640xf32, #tpu.memory_space<hbm>>) target(%dma_start3A : memref<640xf32, #tpu.memory_space<vmem_shared>>) target_semaphore(%run_scoped3A : memref<!tpu.dma_semaphore, #tpu.memory_space<semaphore_mem>>)
      %dma_wait3A = tpu.memref_slice %arg8[%mul3A_2] : memref<10240xf32, #tpu.memory_space<vmem_shared>> -> memref<640xf32, #tpu.memory_space<vmem_shared>>
      %dma_wait3A_10 = tpu.memref_slice %arg4[%mul3A_2] : memref<10240xf32, #tpu.memory_space<hbm>> -> memref<640xf32, #tpu.memory_space<hbm>>
      tpu.wait_dma2 semaphore(%run_scoped3A : memref<!tpu.dma_semaphore, #tpu.memory_space<semaphore_mem>>) src(%dma_wait3A_10 : memref<640xf32, #tpu.memory_space<hbm>>) dst(%dma_wait3A : memref<640xf32, #tpu.memory_space<vmem_shared>>)
      tpu.yield
    }) : () -> ()
    "tpu.region"() ({
      %run_scoped3A = tpu.sem_alloc : memref<!tpu.dma_semaphore, #tpu.memory_space<semaphore_mem>>
      %dma_start3A = arith.constant 0 : i32
      %dma_start3A_9 = arith.constant 0 : i32
      %dma_start3A_10 = tpu.memref_slice %arg2[%add3A, %dma_start3A, %dma_start3A_9] : memref<32x80x128xi32, #tpu.memory_space<hbm>> -> memref<1x80x128xi32, #tpu.memory_space<hbm>>
      %dma_start3A_11 = tpu.memref_squeeze %dma_start3A_10 : memref<1x80x128xi32, #tpu.memory_space<hbm>> -> memref<80x128xi32, #tpu.memory_space<hbm>>
      %dma_start3A_12 = arith.constant 0 : i32
      %dma_start3A_13 = arith.constant 0 : i32
      %dma_start3A_14 = tpu.memref_slice %arg2[%add3A, %dma_start3A_12, %dma_start3A_13] : memref<32x80x128xi32, #tpu.memory_space<hbm>> -> memref<1x80x128xi32, #tpu.memory_space<hbm>>
      %dma_start3A_15 = tpu.memref_squeeze %dma_start3A_14 : memref<1x80x128xi32, #tpu.memory_space<hbm>> -> memref<80x128xi32, #tpu.memory_space<hbm>>
      tpu.enqueue_dma source(%dma_start3A_15 : memref<80x128xi32, #tpu.memory_space<hbm>>) target(%arg6 : memref<80x128xi32, #tpu.memory_space<vmem>>) target_semaphore(%run_scoped3A : memref<!tpu.dma_semaphore, #tpu.memory_space<semaphore_mem>>)
      %dma_wait3A = arith.constant 0 : i32
      %dma_wait3A_16 = arith.constant 0 : i32
      %dma_wait3A_17 = tpu.memref_slice %arg2[%add3A, %dma_wait3A, %dma_wait3A_16] : memref<32x80x128xi32, #tpu.memory_space<hbm>> -> memref<1x80x128xi32, #tpu.memory_space<hbm>>
      %dma_wait3A_18 = tpu.memref_squeeze %dma_wait3A_17 : memref<1x80x128xi32, #tpu.memory_space<hbm>> -> memref<80x128xi32, #tpu.memory_space<hbm>>
      %dma_wait3A_19 = arith.constant 0 : i32
      %dma_wait3A_20 = arith.constant 0 : i32
      %dma_wait3A_21 = tpu.memref_slice %arg2[%add3A, %dma_wait3A_19, %dma_wait3A_20] : memref<32x80x128xi32, #tpu.memory_space<hbm>> -> memref<1x80x128xi32, #tpu.memory_space<hbm>>
      %dma_wait3A_22 = tpu.memref_squeeze %dma_wait3A_21 : memref<1x80x128xi32, #tpu.memory_space<hbm>> -> memref<80x128xi32, #tpu.memory_space<hbm>>
      tpu.wait_dma2 semaphore(%run_scoped3A : memref<!tpu.dma_semaphore, #tpu.memory_space<semaphore_mem>>) src(%dma_wait3A_22 : memref<80x128xi32, #tpu.memory_space<hbm>>) dst(%arg6 : memref<80x128xi32, #tpu.memory_space<vmem>>)
      tpu.yield
    }) : () -> ()
    "tpu.region"() ({
      %run_scoped3A = tpu.sem_alloc : memref<!tpu.dma_semaphore, #tpu.memory_space<semaphore_mem>>
      %dma_start3A = arith.constant 0 : i32
      %dma_start3A_9 = arith.constant 0 : i32
      %dma_start3A_10 = tpu.memref_slice %arg3[%add3A, %dma_start3A, %dma_start3A_9] : memref<32x80x128xf32, #tpu.memory_space<hbm>> -> memref<1x80x128xf32, #tpu.memory_space<hbm>>
      %dma_start3A_11 = tpu.memref_squeeze %dma_start3A_10 : memref<1x80x128xf32, #tpu.memory_space<hbm>> -> memref<80x128xf32, #tpu.memory_space<hbm>>
      %dma_start3A_12 = arith.constant 0 : i32
      %dma_start3A_13 = arith.constant 0 : i32
      %dma_start3A_14 = tpu.memref_slice %arg3[%add3A, %dma_start3A_12, %dma_start3A_13] : memref<32x80x128xf32, #tpu.memory_space<hbm>> -> memref<1x80x128xf32, #tpu.memory_space<hbm>>
      %dma_start3A_15 = tpu.memref_squeeze %dma_start3A_14 : memref<1x80x128xf32, #tpu.memory_space<hbm>> -> memref<80x128xf32, #tpu.memory_space<hbm>>
      tpu.enqueue_dma source(%dma_start3A_15 : memref<80x128xf32, #tpu.memory_space<hbm>>) target(%arg7 : memref<80x128xf32, #tpu.memory_space<vmem>>) target_semaphore(%run_scoped3A : memref<!tpu.dma_semaphore, #tpu.memory_space<semaphore_mem>>)
      %dma_wait3A = arith.constant 0 : i32
      %dma_wait3A_16 = arith.constant 0 : i32
      %dma_wait3A_17 = tpu.memref_slice %arg3[%add3A, %dma_wait3A, %dma_wait3A_16] : memref<32x80x128xf32, #tpu.memory_space<hbm>> -> memref<1x80x128xf32, #tpu.memory_space<hbm>>
      %dma_wait3A_18 = tpu.memref_squeeze %dma_wait3A_17 : memref<1x80x128xf32, #tpu.memory_space<hbm>> -> memref<80x128xf32, #tpu.memory_space<hbm>>
      %dma_wait3A_19 = arith.constant 0 : i32
      %dma_wait3A_20 = arith.constant 0 : i32
      %dma_wait3A_21 = tpu.memref_slice %arg3[%add3A, %dma_wait3A_19, %dma_wait3A_20] : memref<32x80x128xf32, #tpu.memory_space<hbm>> -> memref<1x80x128xf32, #tpu.memory_space<hbm>>
      %dma_wait3A_22 = tpu.memref_squeeze %dma_wait3A_21 : memref<1x80x128xf32, #tpu.memory_space<hbm>> -> memref<80x128xf32, #tpu.memory_space<hbm>>
      tpu.wait_dma2 semaphore(%run_scoped3A : memref<!tpu.dma_semaphore, #tpu.memory_space<semaphore_mem>>) src(%dma_wait3A_22 : memref<80x128xf32, #tpu.memory_space<hbm>>) dst(%arg7 : memref<80x128xf32, #tpu.memory_space<vmem>>)
      tpu.yield
    }) : () -> ()
    %barrier3A = arith.constant 0 : index
    tpu.barrier barrier_id(%barrier3A)
    %scan3A = arith.constant 0 : i32
    %scan3A_3 = arith.constant 0 : i32
    %scan3A_4 = arith.constant 80 : i32
    %scan3A_5 = arith.addi %scan3A_3, %scan3A_4 : i32
    %scan3A_6 = arith.constant 1 : i32
    scf.for %scan3A_9 = %scan3A_3 to %scan3A_5 step %scan3A_6  : i32 {
      "tpu.region"() ({
        %run_scoped3A = tpu.sem_alloc : memref<!tpu.dma_semaphore, #tpu.memory_space<semaphore_mem>>
        %dma_start3A = arith.constant 0 : i32
        %dma_start3A_10 = tpu.memref_slice %arg7[%scan3A_9, %dma_start3A] : memref<80x128xf32, #tpu.memory_space<vmem>> -> memref<1x128xf32, #tpu.memory_space<vmem>>
        %dma_start3A_11 = tpu.memref_squeeze %dma_start3A_10 : memref<1x128xf32, #tpu.memory_space<vmem>> -> memref<128xf32, #tpu.memory_space<vmem>>
        %dma_start3A_12 = arith.constant 0 : i32
        %dma_start3A_13 = tpu.memref_slice %arg6[%scan3A_9, %dma_start3A_12] : memref<80x128xi32, #tpu.memory_space<vmem>> -> memref<1x128xi32, #tpu.memory_space<vmem>>
        %dma_start3A_14 = tpu.memref_squeeze %dma_start3A_13 : memref<1x128xi32, #tpu.memory_space<vmem>> -> memref<128xi32, #tpu.memory_space<vmem>>
        %dma_start3A_15 = arith.constant 0 : i32
        %dma_start3A_16 = tpu.memref_slice %arg8[%dma_start3A_15] : memref<10240xf32, #tpu.memory_space<vmem_shared>> -> memref<10240xf32, #tpu.memory_space<vmem_shared>>
        tpu.enqueue_indirect_dma source(%dma_start3A_11 : memref<128xf32, #tpu.memory_space<vmem>>) target(%dma_start3A_16 : memref<10240xf32, #tpu.memory_space<vmem_shared>>) offsets(%dma_start3A_14 : memref<128xi32, #tpu.memory_space<vmem>>) semaphore(%run_scoped3A : memref<!tpu.dma_semaphore, #tpu.memory_space<semaphore_mem>>) {add = true}
        %dma_wait3A = arith.constant 0 : i32
        %dma_wait3A_17 = tpu.memref_slice %arg7[%scan3A_9, %dma_wait3A] : memref<80x128xf32, #tpu.memory_space<vmem>> -> memref<1x128xf32, #tpu.memory_space<vmem>>
        %dma_wait3A_18 = tpu.memref_squeeze %dma_wait3A_17 : memref<1x128xf32, #tpu.memory_space<vmem>> -> memref<128xf32, #tpu.memory_space<vmem>>
        %dma_wait3A_19 = arith.constant 0 : i32
        %dma_wait3A_20 = tpu.memref_slice %arg6[%scan3A_9, %dma_wait3A_19] : memref<80x128xi32, #tpu.memory_space<vmem>> -> memref<1x128xi32, #tpu.memory_space<vmem>>
        %dma_wait3A_21 = tpu.memref_squeeze %dma_wait3A_20 : memref<1x128xi32, #tpu.memory_space<vmem>> -> memref<128xi32, #tpu.memory_space<vmem>>
        %dma_wait3A_22 = arith.constant 0 : i32
        %dma_wait3A_23 = tpu.memref_slice %arg8[%dma_wait3A_22] : memref<10240xf32, #tpu.memory_space<vmem_shared>> -> memref<10240xf32, #tpu.memory_space<vmem_shared>>
        tpu.wait_indirect_dma semaphore(%run_scoped3A : memref<!tpu.dma_semaphore, #tpu.memory_space<semaphore_mem>>) src(%dma_wait3A_18 : memref<128xf32, #tpu.memory_space<vmem>>) dst(%dma_wait3A_23 : memref<10240xf32, #tpu.memory_space<vmem_shared>>)
        tpu.yield
      }) : () -> ()
    }
    %scan3A_7 = arith.constant 80 : i32
    %barrier3A_8 = arith.constant 0 : index
    tpu.barrier barrier_id(%barrier3A_8)
    "tpu.region"() ({
      %run_scoped3A = tpu.sem_alloc : memref<!tpu.dma_semaphore, #tpu.memory_space<semaphore_mem>>
      %dma_start3A = tpu.memref_slice %arg5[%arg0, %mul3A_2] : memref<2x10240xf32, #tpu.memory_space<hbm>> -> memref<1x640xf32, #tpu.memory_space<hbm>>
      %dma_start3A_9 = tpu.memref_squeeze %dma_start3A : memref<1x640xf32, #tpu.memory_space<hbm>> -> memref<640xf32, #tpu.memory_space<hbm>>
      %dma_start3A_10 = tpu.memref_slice %arg8[%mul3A_2] : memref<10240xf32, #tpu.memory_space<vmem_shared>> -> memref<640xf32, #tpu.memory_space<vmem_shared>>
      tpu.enqueue_dma source(%dma_start3A_10 : memref<640xf32, #tpu.memory_space<vmem_shared>>) target(%dma_start3A_9 : memref<640xf32, #tpu.memory_space<hbm>>) target_semaphore(%run_scoped3A : memref<!tpu.dma_semaphore, #tpu.memory_space<semaphore_mem>>)
      %dma_wait3A = tpu.memref_slice %arg5[%arg0, %mul3A_2] : memref<2x10240xf32, #tpu.memory_space<hbm>> -> memref<1x640xf32, #tpu.memory_space<hbm>>
      %dma_wait3A_11 = tpu.memref_squeeze %dma_wait3A : memref<1x640xf32, #tpu.memory_space<hbm>> -> memref<640xf32, #tpu.memory_space<hbm>>
      %dma_wait3A_12 = tpu.memref_slice %arg8[%mul3A_2] : memref<10240xf32, #tpu.memory_space<vmem_shared>> -> memref<640xf32, #tpu.memory_space<vmem_shared>>
      tpu.wait_dma2 semaphore(%run_scoped3A : memref<!tpu.dma_semaphore, #tpu.memory_space<semaphore_mem>>) src(%dma_wait3A_12 : memref<640xf32, #tpu.memory_space<vmem_shared>>) dst(%dma_wait3A_11 : memref<640xf32, #tpu.memory_space<hbm>>)
      tpu.yield
    }) : () -> ()
    return
  }
}

module attributes {stable_mosaic.version = 14 : i64} {
  func.func @_tc1_body(%arg0: i32, %arg1: memref<2048x2xf32, #tpu.memory_space<vmem>>, %arg2: memref<2048x128xf32, #tpu.memory_space<vmem>>, %arg3: memref<128x128xf32, #tpu.memory_space<vmem>>, %arg4: memref<2048x128xf32, #tpu.memory_space<vmem>>, %arg5: memref<2048x1xf32, #tpu.memory_space<vmem>>) attributes {dimension_semantics = [#tpu.dimension_semantics<arbitrary>], iteration_bounds = array<i64: 5>, scalar_prefetch = 0 : i64, scratch_operands = 0 : i64, tpu.core_type = #tpu.core_type<tc>, window_params = [{transform_indices = @transform_0, window_bounds = array<i64: 2048, 2>}, {transform_indices = @transform_1, window_bounds = array<i64: 2048, 128>}, {pipeline_mode = #tpu.pipeline_mode<synchronous>, transform_indices = @transform_2, window_bounds = array<i64: 128, 128>}, {transform_indices = @transform_3, window_bounds = array<i64: 2048, 128>}, {transform_indices = @transform_4, window_bounds = array<i64: 2048, 1>}]} {
    %get3A = arith.constant 0 : index
    %get3A_0 = arith.constant 0 : index
    %get3A_1 = vector.load %arg1[%get3A, %get3A_0] : memref<2048x2xf32, #tpu.memory_space<vmem>>, vector<2048x1xf32>
    %add3A = arith.constant 1.000000e+00 : f32
    %add3A_2 = vector.broadcast %add3A : f32 to vector<2048x1xf32>
    %add3A_3 = arith.addf %add3A_2, %get3A_1 : vector<2048x1xf32>
    %get3A_4 = arith.constant 0 : index
    %get3A_5 = arith.constant 1 : index
    %get3A_6 = vector.load %arg1[%get3A_4, %get3A_5] : memref<2048x2xf32, #tpu.memory_space<vmem>>, vector<2048x1xf32>
    %add3A_7 = arith.addf %add3A_3, %get3A_6 : vector<2048x1xf32>
    %rsqrt3A = math.rsqrt %add3A_7 : vector<2048x1xf32>
    %get3A_8 = arith.constant 0 : index
    %get3A_9 = arith.constant 0 : index
    %get3A_10 = vector.load %arg2[%get3A_8, %get3A_9] : memref<2048x128xf32, #tpu.memory_space<vmem>>, vector<2048x128xf32>
    %get3A_11 = arith.constant 0 : index
    %get3A_12 = arith.constant 0 : index
    %get3A_13 = vector.load %arg3[%get3A_11, %get3A_12] : memref<128x128xf32, #tpu.memory_space<vmem>>, vector<128x128xf32>
    %dot_general3A = arith.constant dense<0.000000e+00> : vector<2048x128xf32>
    %dot_general3A_14 = tpu.matmul %get3A_10, %get3A_13, %dot_general3A {dimension_numbers = #tpu.dot_dimension_numbers<[1], [0], [0], [1], [0, 0, 1, 1], [], []>, transpose_lhs_hint = false} : vector<2048x128xf32>, vector<128x128xf32>, vector<2048x128xf32> -> vector<2048x128xf32>
    %mul3A = vector.broadcast %rsqrt3A : vector<2048x1xf32> to vector<2048x128xf32>
    %mul3A_15 = arith.mulf %dot_general3A_14, %mul3A : vector<2048x128xf32>
    %swap3A = arith.constant 0 : index
    %swap3A_16 = arith.constant 0 : index
    %swap3A_17 = vector.load %arg4[%swap3A, %swap3A_16] : memref<2048x128xf32, #tpu.memory_space<vmem>>, vector<2048x128xf32>
    tpu.vector_store %arg4[%swap3A, %swap3A_16], %mul3A_15 {strides = array<i32>} : memref<2048x128xf32, #tpu.memory_space<vmem>>, vector<2048x128xf32>,
    %swap3A_18 = arith.constant 0 : index
    %swap3A_19 = arith.constant 0 : index
    %swap3A_20 = vector.load %arg5[%swap3A_18, %swap3A_19] : memref<2048x1xf32, #tpu.memory_space<vmem>>, vector<2048x1xf32>
    tpu.vector_store %arg5[%swap3A_18, %swap3A_19], %rsqrt3A {strides = array<i32>} : memref<2048x1xf32, #tpu.memory_space<vmem>>, vector<2048x1xf32>,
    return
  }
  func.func @transform_0(%arg0: i32) -> (i32, i32) {
    %c0_i32 = arith.constant 0 : i32
    %c0_i32_0 = arith.constant 0 : i32
    return %arg0, %c0_i32 : i32, i32
  }
  func.func @transform_1(%arg0: i32) -> (i32, i32) {
    %c0_i32 = arith.constant 0 : i32
    %c0_i32_0 = arith.constant 0 : i32
    return %arg0, %c0_i32 : i32, i32
  }
  func.func @transform_2(%arg0: i32) -> (i32, i32) {
    %c0_i32 = arith.constant 0 : i32
    %c0_i32_0 = arith.constant 0 : i32
    %c0_i32_1 = arith.constant 0 : i32
    return %c0_i32, %c0_i32_0 : i32, i32
  }
  func.func @transform_3(%arg0: i32) -> (i32, i32) {
    %c0_i32 = arith.constant 0 : i32
    %c0_i32_0 = arith.constant 0 : i32
    return %arg0, %c0_i32 : i32, i32
  }
  func.func @transform_4(%arg0: i32) -> (i32, i32) {
    %c0_i32 = arith.constant 0 : i32
    %c0_i32_0 = arith.constant 0 : i32
    return %arg0, %c0_i32 : i32, i32
  }
}

module attributes {stable_mosaic.version = 14 : i64} {
  func.func @_tc_fin_body(%arg0: i32, %arg1: memref<2x2048x128xf32, #tpu.memory_space<vmem>>, %arg2: memref<2048x128xf32, #tpu.memory_space<vmem>>, %arg3: memref<2048x1xf32, #tpu.memory_space<vmem>>, %arg4: memref<1x128xf32, #tpu.memory_space<vmem>>, %arg5: memref<2048x128xf32, #tpu.memory_space<vmem>>) attributes {dimension_semantics = [#tpu.dimension_semantics<arbitrary>], iteration_bounds = array<i64: 5>, scalar_prefetch = 0 : i64, scratch_operands = 0 : i64, tpu.core_type = #tpu.core_type<tc>, window_params = [{transform_indices = @transform_0, window_bounds = array<i64: 2, 2048, 128>}, {transform_indices = @transform_1, window_bounds = array<i64: 2048, 128>}, {transform_indices = @transform_2, window_bounds = array<i64: 2048, 1>}, {pipeline_mode = #tpu.pipeline_mode<synchronous>, transform_indices = @transform_3, window_bounds = array<i64: 1, 128>}, {transform_indices = @transform_4, window_bounds = array<i64: 2048, 128>}]} {
    %get3A = arith.constant 0 : index
    %get3A_0 = arith.constant 0 : index
    %get3A_1 = arith.constant 0 : index
    %get3A_2 = vector.load %arg1[%get3A, %get3A_0, %get3A_1] : memref<2x2048x128xf32, #tpu.memory_space<vmem>>, vector<2x2048x128xf32>
    %get3A_3 = arith.constant 0 : index
    %get3A_4 = arith.constant 0 : index
    %get3A_5 = vector.load %arg3[%get3A_3, %get3A_4] : memref<2048x1xf32, #tpu.memory_space<vmem>>, vector<2048x1xf32>
    %slice3A = vector.extract_strided_slice %get3A_2 {offsets = [0, 0, 0], sizes = [1, 2048, 128], strides = [1, 1, 1]} : vector<2x2048x128xf32> to vector<1x2048x128xf32>
    %squeeze3A = vector.shape_cast %slice3A : vector<1x2048x128xf32> to vector<2048x128xf32>
    %slice3A_6 = vector.extract_strided_slice %get3A_2 {offsets = [1, 0, 0], sizes = [1, 2048, 128], strides = [1, 1, 1]} : vector<2x2048x128xf32> to vector<1x2048x128xf32>
    %squeeze3A_7 = vector.shape_cast %slice3A_6 : vector<1x2048x128xf32> to vector<2048x128xf32>
    %add3A = arith.addf %squeeze3A, %squeeze3A_7 : vector<2048x128xf32>
    %get3A_8 = arith.constant 0 : index
    %get3A_9 = arith.constant 0 : index
    %get3A_10 = vector.load %arg2[%get3A_8, %get3A_9] : memref<2048x128xf32, #tpu.memory_space<vmem>>, vector<2048x128xf32>
    %add3A_11 = arith.addf %add3A, %get3A_10 : vector<2048x128xf32>
    %mul3A = vector.broadcast %get3A_5 : vector<2048x1xf32> to vector<2048x128xf32>
    %mul3A_12 = arith.mulf %mul3A, %add3A_11 : vector<2048x128xf32>
    %get3A_13 = arith.constant 0 : index
    %get3A_14 = arith.constant 0 : index
    %get3A_15 = vector.load %arg4[%get3A_13, %get3A_14] : memref<1x128xf32, #tpu.memory_space<vmem>>, vector<1x128xf32>
    %add3A_16 = vector.broadcast %get3A_15 : vector<1x128xf32> to vector<2048x128xf32>
    %add3A_17 = arith.addf %mul3A_12, %add3A_16 : vector<2048x128xf32>
    %swap3A = arith.constant 0 : index
    %swap3A_18 = arith.constant 0 : index
    %swap3A_19 = vector.load %arg5[%swap3A, %swap3A_18] : memref<2048x128xf32, #tpu.memory_space<vmem>>, vector<2048x128xf32>
    tpu.vector_store %arg5[%swap3A, %swap3A_18], %add3A_17 {strides = array<i32>} : memref<2048x128xf32, #tpu.memory_space<vmem>>, vector<2048x128xf32>,
    return
  }
  func.func @transform_0(%arg0: i32) -> (i32, i32, i32) {
    %c0_i32 = arith.constant 0 : i32
    %c0_i32_0 = arith.constant 0 : i32
    %c0_i32_1 = arith.constant 0 : i32
    return %c0_i32, %arg0, %c0_i32_0 : i32, i32, i32
  }
  func.func @transform_1(%arg0: i32) -> (i32, i32) {
    %c0_i32 = arith.constant 0 : i32
    %c0_i32_0 = arith.constant 0 : i32
    return %arg0, %c0_i32 : i32, i32
  }
  func.func @transform_2(%arg0: i32) -> (i32, i32) {
    %c0_i32 = arith.constant 0 : i32
    %c0_i32_0 = arith.constant 0 : i32
    return %arg0, %c0_i32 : i32, i32
  }
  func.func @transform_3(%arg0: i32) -> (i32, i32) {
    %c0_i32 = arith.constant 0 : i32
    %c0_i32_0 = arith.constant 0 : i32
    %c0_i32_1 = arith.constant 0 : i32
    return %c0_i32, %c0_i32_0 : i32, i32
  }
  func.func @transform_4(%arg0: i32) -> (i32, i32) {
    %c0_i32 = arith.constant 0 : i32
    %c0_i32_0 = arith.constant 0 : i32
    return %arg0, %c0_i32 : i32, i32
  }
}

module attributes {stable_mosaic.version = 14 : i64} {
  func.func @_tc_mid_body(%arg0: i32, %arg1: memref<2x2048x128xf32, #tpu.memory_space<vmem>>, %arg2: memref<2048x128xf32, #tpu.memory_space<vmem>>, %arg3: memref<2048x1xf32, #tpu.memory_space<vmem>>, %arg4: memref<1x128xf32, #tpu.memory_space<vmem>>, %arg5: memref<128x128xf32, #tpu.memory_space<vmem>>, %arg6: memref<2048x128xf32, #tpu.memory_space<vmem>>) attributes {dimension_semantics = [#tpu.dimension_semantics<arbitrary>], iteration_bounds = array<i64: 5>, scalar_prefetch = 0 : i64, scratch_operands = 0 : i64, tpu.core_type = #tpu.core_type<tc>, window_params = [{transform_indices = @transform_0, window_bounds = array<i64: 2, 2048, 128>}, {transform_indices = @transform_1, window_bounds = array<i64: 2048, 128>}, {transform_indices = @transform_2, window_bounds = array<i64: 2048, 1>}, {pipeline_mode = #tpu.pipeline_mode<synchronous>, transform_indices = @transform_3, window_bounds = array<i64: 1, 128>}, {pipeline_mode = #tpu.pipeline_mode<synchronous>, transform_indices = @transform_4, window_bounds = array<i64: 128, 128>}, {transform_indices = @transform_5, window_bounds = array<i64: 2048, 128>}]} {
    %get3A = arith.constant 0 : index
    %get3A_0 = arith.constant 0 : index
    %get3A_1 = arith.constant 0 : index
    %get3A_2 = vector.load %arg1[%get3A, %get3A_0, %get3A_1] : memref<2x2048x128xf32, #tpu.memory_space<vmem>>, vector<2x2048x128xf32>
    %get3A_3 = arith.constant 0 : index
    %get3A_4 = arith.constant 0 : index
    %get3A_5 = vector.load %arg3[%get3A_3, %get3A_4] : memref<2048x1xf32, #tpu.memory_space<vmem>>, vector<2048x1xf32>
    %slice3A = vector.extract_strided_slice %get3A_2 {offsets = [0, 0, 0], sizes = [1, 2048, 128], strides = [1, 1, 1]} : vector<2x2048x128xf32> to vector<1x2048x128xf32>
    %squeeze3A = vector.shape_cast %slice3A : vector<1x2048x128xf32> to vector<2048x128xf32>
    %slice3A_6 = vector.extract_strided_slice %get3A_2 {offsets = [1, 0, 0], sizes = [1, 2048, 128], strides = [1, 1, 1]} : vector<2x2048x128xf32> to vector<1x2048x128xf32>
    %squeeze3A_7 = vector.shape_cast %slice3A_6 : vector<1x2048x128xf32> to vector<2048x128xf32>
    %add3A = arith.addf %squeeze3A, %squeeze3A_7 : vector<2048x128xf32>
    %get3A_8 = arith.constant 0 : index
    %get3A_9 = arith.constant 0 : index
    %get3A_10 = vector.load %arg2[%get3A_8, %get3A_9] : memref<2048x128xf32, #tpu.memory_space<vmem>>, vector<2048x128xf32>
    %add3A_11 = arith.addf %add3A, %get3A_10 : vector<2048x128xf32>
    %mul3A = vector.broadcast %get3A_5 : vector<2048x1xf32> to vector<2048x128xf32>
    %mul3A_12 = arith.mulf %mul3A, %add3A_11 : vector<2048x128xf32>
    %get3A_13 = arith.constant 0 : index
    %get3A_14 = arith.constant 0 : index
    %get3A_15 = vector.load %arg4[%get3A_13, %get3A_14] : memref<1x128xf32, #tpu.memory_space<vmem>>, vector<1x128xf32>
    %add3A_16 = vector.broadcast %get3A_15 : vector<1x128xf32> to vector<2048x128xf32>
    %add3A_17 = arith.addf %mul3A_12, %add3A_16 : vector<2048x128xf32>
    %max3A = arith.constant 0.000000e+00 : f32
    %max3A_18 = vector.broadcast %max3A : f32 to vector<2048x128xf32>
    %max3A_19 = arith.maximumf %add3A_17, %max3A_18 : vector<2048x128xf32>
    %get3A_20 = arith.constant 0 : index
    %get3A_21 = arith.constant 0 : index
    %get3A_22 = vector.load %arg5[%get3A_20, %get3A_21] : memref<128x128xf32, #tpu.memory_space<vmem>>, vector<128x128xf32>
    %dot_general3A = arith.constant dense<0.000000e+00> : vector<2048x128xf32>
    %dot_general3A_23 = tpu.matmul %max3A_19, %get3A_22, %dot_general3A {dimension_numbers = #tpu.dot_dimension_numbers<[1], [0], [0], [1], [0, 0, 1, 1], [], []>, transpose_lhs_hint = false} : vector<2048x128xf32>, vector<128x128xf32>, vector<2048x128xf32> -> vector<2048x128xf32>
    %mul3A_24 = vector.broadcast %get3A_5 : vector<2048x1xf32> to vector<2048x128xf32>
    %mul3A_25 = arith.mulf %dot_general3A_23, %mul3A_24 : vector<2048x128xf32>
    %swap3A = arith.constant 0 : index
    %swap3A_26 = arith.constant 0 : index
    %swap3A_27 = vector.load %arg6[%swap3A, %swap3A_26] : memref<2048x128xf32, #tpu.memory_space<vmem>>, vector<2048x128xf32>
    tpu.vector_store %arg6[%swap3A, %swap3A_26], %mul3A_25 {strides = array<i32>} : memref<2048x128xf32, #tpu.memory_space<vmem>>, vector<2048x128xf32>,
    return
  }
  func.func @transform_0(%arg0: i32) -> (i32, i32, i32) {
    %c0_i32 = arith.constant 0 : i32
    %c0_i32_0 = arith.constant 0 : i32
    %c0_i32_1 = arith.constant 0 : i32
    return %c0_i32, %arg0, %c0_i32_0 : i32, i32, i32
  }
  func.func @transform_1(%arg0: i32) -> (i32, i32) {
    %c0_i32 = arith.constant 0 : i32
    %c0_i32_0 = arith.constant 0 : i32
    return %arg0, %c0_i32 : i32, i32
  }
  func.func @transform_2(%arg0: i32) -> (i32, i32) {
    %c0_i32 = arith.constant 0 : i32
    %c0_i32_0 = arith.constant 0 : i32
    return %arg0, %c0_i32 : i32, i32
  }
  func.func @transform_3(%arg0: i32) -> (i32, i32) {
    %c0_i32 = arith.constant 0 : i32
    %c0_i32_0 = arith.constant 0 : i32
    %c0_i32_1 = arith.constant 0 : i32
    return %c0_i32, %c0_i32_0 : i32, i32
  }
  func.func @transform_4(%arg0: i32) -> (i32, i32) {
    %c0_i32 = arith.constant 0 : i32
    %c0_i32_0 = arith.constant 0 : i32
    %c0_i32_1 = arith.constant 0 : i32
    return %c0_i32, %c0_i32_0 : i32, i32
  }
  func.func @transform_5(%arg0: i32) -> (i32, i32) {
    %c0_i32 = arith.constant 0 : i32
    %c0_i32_0 = arith.constant 0 : i32
    return %arg0, %c0_i32 : i32, i32
  }
}

</mosaic_0001>

<sc_bundles>
// kernel: kernel.11.cloned.1.call-start
scs
__scs_entry_jumppad:
0x0: {  	(pc) =	sbr.rel $0x88, $3  }
0x1: {  	(tag) =	ssettag $0x0;
	lr =	simm.s32 $0x1  }
0x2: {  	[smem:$0x3F98] =	sst lr;
	_ =	strace $0xD0000000  }
0x3: {  	_ = 	snop  }
0x4: {  	_ = 	snop  }
0x5: {  	_ = 	snop  }
0x6: {  	_ = 	snop  }
0x7: {  	_ = 	snop  }
__scs_overlays_trampoline_lowered:
0x8: {  	[smem:$0x3FA7] =	sst s0  }
0x9: {  	[smem:$0x3FA8] =	sst s1  }
0xa: {  	[smem:$0x3FA9] =	sst s2  }
0xb: {  	[smem:$0x3FAA] =	sst s3  }
0xc: {  	[smem:$0x3FAB] =	sst s4  }
0xd: {  	[smem:$0x3FAC] =	sst s5  }
0xe: {  	[smem:$0x3FAD] =	sst s6  }
0xf: {  	[smem:$0x3FAE] =	sst s7  }
0x10: {  	[smem:$0x3FAF] =	sst s8  }
0x11: {  	[smem:$0x3FB0] =	sst s9;
	s0 =	simm.s32 @!p0 $0x0  }
0x12: {  	s1 =	sld [smem:$0x3F96];
	s0 =	simm.s32 @p0 $0x1  }
0x13: {  	[smem:$0x3FB1] =	sst s0;
	s0 =	simm.s32 @!p1 $0x0  }
0x14: {  	s2 =	sld [smem:$0x3F95];
	s0 =	simm.s32 @p1 $0x1  }
0x15: {  	[smem:$0x3FB2] =	sst s0;
	s0 =	simm.s32 @!p2 $0x0  }
0x16: {  	s3 =	sld [smem:$0x3FDB];
	s0 =	simm.s32 @p2 $0x1  }
0x17: {  	s4 =	simm.s32 $0x1BF5;
	[smem:$0x3FB4] =	sst s0  }
0x18: {  	s0 =	sld [smem:$0x3F97];
	_ =	swait.ge [sflag:s4], $0x0  }
0x19: {  	s7 =	sld [smem:$0x3F98]  }
0x1a: {  	s8 =	sadd.s32 $0xFFFFE003, lr  }
0x1b: {  	s9 =	sadd.s32 $0xFFFFFEF7, lr;
	s5 =	simm.s32 $0xFFFFFFFF;
	p2 =	slt.u32 s8, $0xFFFFF086  }
0x1c: {  	p1 =	slt.u32 s9, $0xF7A;
	s5 =	simm.s32 @!p2 $0x0  }
0x1d: {  	s5 =	simm.s32 @p1 $0x1;
	p0 =	seq.s32 s7, s2  }
0x1e: {  	s7 =	smul.u32 @!p0 $0xF7A, s2;
	p2 =	seq.s32 @!p0 s5, $0x0  }
0x1f: {  	s9 =	smul.u32 $0xF7A, s1;
	s8 =	simm.s32 @!p0 $0x1BF5;
	p2 =	por !p2, p0  }
0x20: {  	[sflag:s8] =	ssyncset.s32 @!p0 $0xFFFFF086;
	s6 =	sadd.s32 @!p0 s3, s7;
	s7 =	simm.s32 @!p0 $0x108  }
0x21: {  	s3 =	sadd.s32 s3, s9;
	s6 =	sadd.s32 @!p0 $0x88, s6;
	s7 =	simm.s32 @p2 $0x1082  }
0x22: {  	[simem:s7], [sflag:s8] =	dma.local @!p0 [hbm:s6], $0xF7A  }
0x23: {  	s9 =	sor.u32 $0xD0000000, s2;
	s6 =	simm.s32 $0x108;
	_ =	swait.ge @!p0 [sflag:s8], $0x0  }
0x24: {  	s3 =	sadd.s32 $0x88, s3;
	s6 =	simm.s32 @!p1 $0x1082;
	[sflag:s4] =	ssyncset.s32 $0xFFFFF086  }
0x25: {  	[simem:s6], [sflag:s4] =	dma.local [hbm:s3], $0xF7A  }
0x26: {  	[smem:$0x3F98] =	sst s1;
	(tag) =	ssettag s2;
	_ =	strace s9  }
0x27: {  	s1 =	sld [smem:$0x3FA8]  }
0x28: {  	s2 =	sld [smem:$0x3FA9]  }
0x29: {  	s4 =	sld [smem:$0x3FAB]  }
0x2a: {  	p0 =	seq.s32 s5, $0x0;
	s5 =	sld [smem:$0x3FAC]  }
0x2b: {  	s6 =	sld [smem:$0x3FAD]  }
0x2c: {  	s7 =	sld [smem:$0x3FAE]  }
0x2d: {  	s3 =	simm.s32 $0x108;
	s8 =	sld [smem:$0x3FAF]  }
0x2e: {  	s3 =	simm.s32 @!p0 $0x1082;
	s9 =	sld [smem:$0x3FB0]  }
0x2f: {  	lr =	sadd.s32 s0, s3;
	s0 =	sld [smem:$0x3FA7]  }
0x30: {  	s3 =	sld [smem:$0x3FAA]  }
0x31: {  	[smem:$0x3FB3] =	sst s10  }
0x32: {  	s10 =	sld [smem:$0x3FB1];
	_ =	sdelay $0x3  }
0x33: {  	p0 =	seq.s32 s10, $0x1;
	s10 =	sld [smem:$0x3FB3];
	_ =	sdelay $0x3  }
0x34: {  	[smem:$0x3FB3] =	sst s10  }
0x35: {  	s10 =	sld [smem:$0x3FB2];
	_ =	sdelay $0x3  }
0x36: {  	p1 =	seq.s32 s10, $0x1;
	s10 =	sld [smem:$0x3FB3];
	_ =	sdelay $0x3  }
0x37: {  	[smem:$0x3FB3] =	sst s10  }
0x38: {  	s10 =	sld [smem:$0x3FB4]  }
0x39: {  	_ = 	snop;
	(pc) =	sbr.ind lr, $3  }
0x3a: {  	_ = 	snop  }
0x3b: {  	_ = 	snop  }
0x3c: {  	p2 =	seq.s32 s10, $0x1;
	s10 =	sld [smem:$0x3FB3]  }
0x3d: {  	_ =	shalt  }
0x3e: {  	_ =	shalt  }
0x3f: {  	_ =	shalt  }
0x40: {  	_ =	shalt  }
0x41: {  	_ =	shalt  }
0x42: {  	_ =	shalt  }
0x43: {  	_ =	shalt  }
0x44: {  	_ =	shalt  }
0x45: {  	_ =	shalt  }
0x46: {  	_ =	shalt  }
0x47: {  	_ =	shalt  }
0x48: {  	_ =	shalt  }
0x49: {  	_ =	shalt  }
0x4a: {  	_ =	shalt  }
0x4b: {  	_ =	shalt  }
0x4c: {  	_ =	shalt  }
0x4d: {  	_ =	shalt  }
0x4e: {  	_ =	shalt  }
0x4f: {  	_ =	shalt  }
0x50: {  	_ =	shalt  }
0x51: {  	_ =	shalt  }
0x52: {  	_ =	shalt  }
0x53: {  	_ =	shalt  }
0x54: {  	_ =	shalt  }
0x55: {  	_ =	shalt  }
0x56: {  	_ =	shalt  }
0x57: {  	_ =	shalt  }
0x58: {  	_ =	shalt  }
0x59: {  	_ =	shalt  }
0x5a: {  	_ =	shalt  }
0x5b: {  	_ =	shalt  }
0x5c: {  	_ =	shalt  }
0x5d: {  	_ =	shalt  }
0x5e: {  	_ =	shalt  }
0x5f: {  	_ =	shalt  }
0x60: {  	_ =	shalt  }
0x61: {  	_ =	shalt  }
0x62: {  	_ =	shalt  }
0x63: {  	_ =	shalt  }
0x64: {  	_ =	shalt  }
0x65: {  	_ =	shalt  }
0x66: {  	_ =	shalt  }
0x67: {  	_ =	shalt  }
0x68: {  	_ =	shalt  }
0x69: {  	_ =	shalt  }
0x6a: {  	_ =	shalt  }
0x6b: {  	_ =	shalt  }
0x6c: {  	_ =	shalt  }
0x6d: {  	_ =	shalt  }
0x6e: {  	_ =	shalt  }
0x6f: {  	_ =	shalt  }
0x70: {  	_ =	shalt  }
0x71: {  	_ =	shalt  }
0x72: {  	_ =	shalt  }
0x73: {  	_ =	shalt  }
0x74: {  	_ =	shalt  }
0x75: {  	_ =	shalt  }
0x76: {  	_ =	shalt  }
0x77: {  	_ =	shalt  }
0x78: {  	_ =	shalt  }
0x79: {  	_ =	shalt  }
0x7a: {  	_ =	shalt  }
0x7b: {  	_ =	shalt  }
0x7c: {  	_ =	shalt  }
0x7d: {  	_ =	shalt  }
0x7e: {  	_ =	shalt  }
0x7f: {  	_ =	shalt  }
0x80: {  	_ =	shalt  }
0x81: {  	_ =	shalt  }
0x82: {  	_ =	shalt  }
0x83: {  	_ =	shalt  }
0x84: {  	_ =	shalt  }
0x85: {  	_ =	shalt  }
0x86: {  	_ =	shalt  }
0x87: {  	_ =	shalt  }
.Lfunc_end0:
.L_simem_size_0:
called_computation.1_lowered:
.L_overlay_start_0:
0x88: {  	s2 =	sld [smem:$0x3FD9]  }
0x89: {  	s3 =	sld [smem:$0x3FFE];
	_ =	sdelay $0x1  }
0x8a: {  	s1 =	srdreg.scid  }
0x8b: {  	s0 =	sand.u32 $0x1, s1  }
0x8c: {  	s14 =	sshll.u32 s0, $0xA;
	s2 =	sadd.s32 s3, s2  }
0x8d: {  	s2 =	sadd.s32 s2, s14  }
0x8e: {  	[smem:$0x3FBF] =	sst s2  }
0x8f: {  	_ = 	snop  }
0x90: {  	s2 =	sld [smem:$0x3FD0];
	_ =	sdelay $0x2  }
0x91: {  	s15 =	simm.s32 $0xA;
	s4 =	simm.s32 $0x10  }
0x92: {  	[smem:s4], [sflag:s15] =	dma.local [hbm:s2], $0x1  }
0x93: {  	_ =	swait.eq [sflag:s15], $0x1  }
0x94: {  	[sflag:s15] =	ssyncset.done $0x0  }
0x95: {  	s16 =	sld [smem:$0x10];
	[sflag:s15] =	ssyncadd.s32 $0xFFFFFFFF  }
0x96: {  	s17 =	sld [smem:$0x11];
	(tm) =	ssettm $0x1  }
0x97: {  	s18 =	sld [smem:$0x3FFB];
	_ =	sdelay $0x3  }
0x98: {  	_ =	strace s18  }
0x99: {  	s4 =	sld [smem:$0x3FFC];
	_ =	sdelay $0x3  }
0x9a: {  	_ =	strace s4  }
0x9b: {  	s4 =	sld [smem:$0x3FFD];
	_ =	sdelay $0x3  }
0x9c: {  	_ =	strace s4  }
0x9d: {  	_ =	strace $0x8FFFFFFF  }
0x9e: {  	s19 =	sld [smem:$0x3FDB];
	_ =	sdelay $0x1  }
0x9f: {  	s5 =	simm.s32 $_scs_section_size  }
0xa0: {  	s6 =	simm.s32 $_size__tile_overlayer_lowered;
	s7 =	simm.s32 $_tile_overlayer_lowered  }
0xa1: {  	s22 =	simm.s32 $0x1BFF;
	s21 =	sshll.u32 s7, $0x1;
	s4 =	sadd.s32 s5, s19  }
0xa2: {  	s8 =	simm.s32 $0x0;
	s20 =	sshll.u32 s6, $0x1;
	s6 =	sadd.s32 s21, s4  }
0xa3: {  	[timem:s8], [sflag:s22] =	dma.local [hbm:s6], s20  }
0xa4: {  	_ =	swait.ge [sflag:s22], s20  }
0xa5: {  	s5 =	ssub.s32 $0x0, s20;
	[sflag:s22] =	ssyncset.done $0x0  }
0xa6: {  	[sflag:s22] =	ssyncadd.s32 s5;
	_ =	sdelay $0x1  }
0xa7: {  	s23 =	simm.s32 $0x1B8B  }
0xa8: {  	_ =	swait.ge [sflag:s23], $0x1  }
0xa9: {  	[sflag:s23] =	ssyncset.done $0x0  }
0xaa: {  	s25 =	simm.s32 $0x1B8E;
	s24 =	sld [smem:$0x3FFE];
	[sflag:s23] =	ssyncadd.s32 $0xFFFFFFFF  }
0xab: {  	s26 =	simm.s32 $execute0_lowered;
	[smem:$0x3FD2] =	sst s25  }
0xac: {  	s6 =	sshll.u32 s26, $0x1;
	_ =	strace $0x80000049;
	[dreg:$0x1] =	wrdreg $0xFFFFFFFF  }
0xad: {  	s28 =	simm.s32 $_size_execute0_lowered;
	s4 =	sadd.s32 s4, s6;
	[dreg:$0x0] =	wrdreg $0x0  }
0xae: {  	s6 =	sshll.u32 s28, $0x1;
	[dreg:$0x2] =	wrdreg s4  }
0xaf: {  	[dreg:$0x3] =	wrdreg s6  }
0xb0: {  	[dreg:$0x4] =	wrdreg $0xC0  }
0xb1: {  	_ =	task [dreg:s8], $0x5FFFF  }
0xb2: {  	[dreg:$0x1] =	wrdreg $0xFFFFFFFF  }
0xb3: {  	[dreg:$0x0] =	wrdreg $0x60  }
0xb4: {  	[dreg:$0x2] =	wrdreg s24  }
0xb5: {  	[dreg:$0x3] =	wrdreg s17  }
0xb6: {  	[dreg:$0x4] =	wrdreg s16  }
0xb7: {  	[dreg:$0x5] =	wrdreg $0xB8000  }
0xb8: {  	[dreg:$0x6] =	wrdreg $0x9  }
0xb9: {  	_ =	task.clear_ibuf [dreg:s8], $0x7FFFF;
	_ =	strace $0x90000049  }
0xba: {  	s29 =	simm.s32 $0x9;
	_ =	strace $0x8000004B  }
0xbb: {  	_ =	swait.ge [sflag:s29], $0x1  }
0xbc: {  	[sflag:s29] =	ssyncadd.s32 $0xFFFFFFFF  }
0xbd: {  	_ =	strace $0x9000004B  }
0xbe: {  	_ =	sfence  }
0xbf: {  	s30 =	sld [smem:$0x0];
	_ =	sdelay $0x2  }
0xc0: {  	s31 =	sshll.u32 s1, $0xD;
	s1 =	sshrl.u32 s1, $0x2  }
0xc1: {  	s3 =	sand.u32 $0x4000, s31;
	s1 =	sadd.s32 s1, s30  }
0xc2: {  	s0 =	sor.u32 s3, s0;
	s1 =	sshll.u32 s1, $0x11  }
0xc3: {  	s0 =	sor.u32 s1, s0  }
0xc4: {  	s0 =	sadd.s32 $0x8F2B, s0  }
0xc5: {  	[sflag:s0] =	ssyncadd.remote.s32 $0x1  }
0xc6: {  	_ =	sfence.sel $0xFFFF  }
0xc7: {  	[dreg:$0x0] =	wrdreg $0xFFFFFFFF;
	(pc) =	sbr.abs _section_cstart, $3  }
0xc8: {  	[dreg:$0x1] =	wrdreg $0xFFFFFFFF  }
0xc9: {  	_ =	task.clear_ibuf [dreg:s8], $0x2FFFF;
	_ =	strace $0x9FFFFFFF  }
0xca: {  	(tm) =	ssettm $0x7FFFFFFF  }
0xcb: {  	_ =	shalt  }
tec
execute0_lowered:
.L_overlay_start_1:
0x0: {  	(tag) =	ssettag $0x1  }
0x1: {  	s5 =	rddreg [dreg:$0x0]  }
0x2: {  	s7 =	rddreg [dreg:$0x1]  }
0x3: {  	s8 =	rddreg [dreg:$0x2]  }
0x4: {  	s0 =	srdreg.scid;
	s2 =	rddreg [dreg:$0x3]  }
0x5: {  	s3 =	simm.s32 $0x0;
	s16 =	simm.s32 $0x80;
	s17 =	simm.s32 $0x7800  }
0x6: {  	s18 =	simm.s32 $0x0;
	s6 =	sand.u32 $0x1, s0;
	s0 =	stileid.u32  }
0x7: {  	[smem:$0x7FF] =	sst s3;
	s4 =	sadd.s32 $0xC800, s5;
	s10 =	smul.u32 $0x14000, s0  }
0x8: {  	s1 =	sshll.u32 s6, $0x4;
	s11 =	smul.u32 $0x140000, s6;
	s6 =	ssub.s32 $0x2, s6  }
0x9: {  	s28 =	smul.u32 $0x50000, s0;
	s31 =	sshll.u32 s0, $0x6;
	s1 =	sor.u32 s0, s1  }
0xa: {  	s29 =	sshrl.u32 s6, $0x1;
	s9 =	smul.u32 $0x500, s1;
	s1 =	rddreg [dreg:$0x4]  }
0xb: {  	_ =	strace $0x8000004A;
	s13 =	sshrl.u32 s10, $0x3;
	s10 =	sadd.s32 s10, s11  }
0xc: {  	s14 =	ssub.s32 s6, s29;
	s30 =	sshrl.u32 s28, $0x2;
	s6 =	sor.u32 $0x1C01, s31  }
0xd: {  	s10 =	sshrl.u32 s10, $0x3;
	s13 =	sadd.s32 s13, s5;
	s15 =	sadd.s32 s30, s2  }
0xe: {  	s11 =	smax.u32 s14, $0x1;
	s14 =	simm.s32 $0x2800;
	s12 =	sadd.s32 s9, s5  }
0xf: {  	s10 =	sadd.s32 s10, s5;
	s5 =	sadd.s32 $0x34800, s13;
	s7 =	sadd.s32 s7, s9  }
0x10: {  	s8 =	sadd.s32 s8, s9;
	s13 =	simm.s32 $0x1;
	s9 =	sadd.s32 $0x2800, s12  }
0x11: {  	s10 =	sadd.s32 $0x5C800, s10;
	s12 =	sshrl.u32 s15, $0x3;
	s15 =	simm.s32 $0x5000  }
.LBB2_1:
0x12: {  	[spmem:s12], [sflag:s6] =	dma.local [hbm:s5], $0x2800  }
0x13: {  	_ =	swait.ge [sflag:s13], $0x2800  }
0x14: {  	[sflag:s13] =	ssyncset.done $0x0  }
0x15: {  	[sflag:s13] =	ssyncadd.s32 $0xFFFFD800  }
0x16: {  	[tilespmem:s3], [sflag:$0x1] =	stream.linear.gather [hbm4b:s7+s3], $0x2800, $0x38;
	[tilespmem:$0x1F800] =	vst v63  }
0x17: {  	_ =	swait.ge [sflag:s13], $0x2800  }
0x18: {  	[sflag:s13] =	ssyncset.done $0x0  }
0x19: {  	[sflag:s13] =	ssyncadd.s32 $0xFFFFD800  }
0x1a: {  	[tilespmem:s14], [sflag:$0x1] =	stream.linear.gather [hbm4b:s8+s3], $0x2800, $0x38;
	[tilespmem:$0x1F800] =	vst v63  }
0x1b: {  	_ =	swait.ge [sflag:s13], $0x2800  }
0x1c: {  	[sflag:s13] =	ssyncset.done $0x0  }
0x1d: {  	[sflag:s13] =	ssyncadd.s32 $0xFFFFD800  }
0x1e: {  	[tilespmem:s15], [sflag:$0x1] =	stream.linear.gather [hbm4b:s9+s3], $0x2800, $0x38;
	[tilespmem:$0x1F800] =	vst v63  }
0x1f: {  	_ =	swait.ge [sflag:s13], $0x2800  }
0x20: {  	[sflag:s13] =	ssyncset.done $0x0  }
0x21: {  	[sflag:s13] =	ssyncadd.s32 $0xFFFFD800  }
0x22: {  	s19 =	simm.s32 $0x0;
	[bflag:$0x0] =	sbarrier.arrive $0xFFFF  }
.LBB2_2:
0x23: {  	s20 =	sshll.u32 s19, $0x7  }
0x24: {  	s21 =	sadd.s32 $0x5000, s20  }
0x25: {  	v0 =	vmov s21  }
0x26: {  	[tilespmem:s17], [sflag:$0x1] =	stream.indirect.gather [hbm4b:s4+s16], $0x80, s20, s16, $0xb8;
	[tilespmem:$0x1F800] =	vst v63  }
0x27: {  	_ =	swait.ge [sflag:s13], $0x4000  }
0x28: {  	s31 =	simm.s32 $0x0;
	[sflag:s13] =	ssyncset.done $0x0  }
0x29: {  	s21 =	sand.u32 $0x3FFFFFF0, s31;
	[sflag:s13] =	ssyncadd.s32 $0xFFFFC000  }
0x2a: {  	s22 =	simm.s32 $0x0;
	v1 =	vld.idx.msk [tilespmem:v0+s21+$0x0 ss:$0x1], $0xffff  }
0x2b: {  	s21 =	sand.u32 $0x3FFFF800, s22  }
0x2c: {  	v3 =	vld [tilespmem:s21+$0x7820]  }
0x2d: {  	v4 =	vld [tilespmem:s21+$0x7830]  }
0x2e: {  	v10 =	vld [tilespmem:s21+$0x7860]  }
0x2f: {  	v11 =	vld [tilespmem:s21+$0x7870];
	v2 =	vbroadcast v1, $0x0  }
0x30: {  	v12 =	vld [tilespmem:s21+$0x7880]  }
0x31: {  	v13 =	vld [tilespmem:s21+$0x7890];
	v3 =	vmul.f32 v3, v2  }
0x32: {  	v14 =	vld [tilespmem:s21+$0x78A0];
	v4 =	vmul.f32 v4, v2  }
0x33: {  	v9 =	vld [tilespmem:s21+$0x78B0];
	v23 =	vbroadcast v1, $0x1;
	v22 =	vmul.f32 v10, v2;
	[tilespmem:s21+$0x7820] =	vst v3  }
0x34: {  	v7 =	vld [tilespmem:s21+$0x78C0];
	v11 =	vmul.f32 v11, v2;
	[tilespmem:s21+$0x7830] =	vst v4  }
0x35: {  	v8 =	vld [tilespmem:s21+$0x78D0];
	v12 =	vmul.f32 v12, v23;
	[tilespmem:s21+$0x7860] =	vst v22  }
0x36: {  	v25 =	vld [tilespmem:s21+$0x78F0];
	v13 =	vmul.f32 v13, v23;
	[tilespmem:s21+$0x7870] =	vst v11  }
0x37: {  	v26 =	vld [tilespmem:s21+$0x7900];
	v14 =	vmul.f32 v14, v23;
	[tilespmem:s21+$0x7880] =	vst v12  }
0x38: {  	v27 =	vld [tilespmem:s21+$0x7910];
	v9 =	vmul.f32 v9, v23;
	[tilespmem:s21+$0x7890] =	vst v13  }
0x39: {  	v6 =	vld [tilespmem:s21+$0x7D70];
	v7 =	vmul.f32 v7, v23;
	[tilespmem:s21+$0x78A0] =	vst v14  }
0x3a: {  	v24 =	vld [tilespmem:s21+$0x78E0];
	v15 =	vbroadcast v1, $0x2;
	v8 =	vmul.f32 v8, v23;
	[tilespmem:s21+$0x78B0] =	vst v9  }
0x3b: {  	v28 =	vld [tilespmem:s21+$0x7920];
	v10 =	vmul.f32 v25, v23;
	[tilespmem:s21+$0x78C0] =	vst v7  }
0x3c: {  	v29 =	vld [tilespmem:s21+$0x7930];
	v5 =	vbroadcast v1, $0xA;
	v32 =	vmul.f32 v26, v15;
	[tilespmem:s21+$0x78D0] =	vst v8  }
0x3d: {  	v30 =	vld [tilespmem:s21+$0x7940];
	v34 =	vmul.f32 v27, v15;
	[tilespmem:s21+$0x78F0] =	vst v10  }
0x3e: {  	v33 =	vld [tilespmem:s21+$0x7960];
	v3 =	vmul.f32 v6, v5;
	[tilespmem:s21+$0x7900] =	vst v32  }
0x3f: {  	v35 =	vld [tilespmem:s21+$0x7970];
	v11 =	vmul.f32 v24, v23;
	[tilespmem:s21+$0x7910] =	vst v34  }
0x40: {  	v36 =	vld [tilespmem:s21+$0x7980];
	v9 =	vmul.f32 v28, v15;
	[tilespmem:s21+$0x7D70] =	vst v3  }
0x41: {  	v31 =	vld [tilespmem:s21+$0x7950];
	v7 =	vmul.f32 v29, v15;
	[tilespmem:s21+$0x78E0] =	vst v11  }
0x42: {  	v37 =	vld [tilespmem:s21+$0x7990];
	v8 =	vmul.f32 v30, v15;
	[tilespmem:s21+$0x7920] =	vst v9  }
0x43: {  	v38 =	vld [tilespmem:s21+$0x79A0];
	v41 =	vbroadcast v1, $0x3;
	v10 =	vmul.f32 v33, v15;
	[tilespmem:s21+$0x7930] =	vst v7  }
0x44: {  	v39 =	vld [tilespmem:s21+$0x79B0];
	v12 =	vmul.f32 v35, v15;
	[tilespmem:s21+$0x7940] =	vst v8  }
0x45: {  	v42 =	vld [tilespmem:s21+$0x79D0];
	v13 =	vmul.f32 v36, v41;
	[tilespmem:s21+$0x7960] =	vst v10  }
0x46: {  	v43 =	vld [tilespmem:s21+$0x79E0];
	v11 =	vmul.f32 v31, v15;
	[tilespmem:s21+$0x7970] =	vst v12  }
0x47: {  	v44 =	vld [tilespmem:s21+$0x79F0];
	v9 =	vmul.f32 v37, v41;
	[tilespmem:s21+$0x7980] =	vst v13  }
0x48: {  	v40 =	vld [tilespmem:s21+$0x79C0];
	v7 =	vmul.f32 v38, v41;
	[tilespmem:s21+$0x7950] =	vst v11  }
0x49: {  	v45 =	vld [tilespmem:s21+$0x7A00];
	v8 =	vmul.f32 v39, v41;
	[tilespmem:s21+$0x7990] =	vst v9  }
0x4a: {  	v46 =	vld [tilespmem:s21+$0x7A10];
	v10 =	vmul.f32 v42, v41;
	[tilespmem:s21+$0x79A0] =	vst v7  }
0x4b: {  	v47 =	vld [tilespmem:s21+$0x7A20];
	v12 =	vmul.f32 v43, v41;
	[tilespmem:s21+$0x79B0] =	vst v8  }
0x4c: {  	v49 =	vld [tilespmem:s21+$0x7A40];
	v50 =	vbroadcast v1, $0x4;
	v13 =	vmul.f32 v44, v41;
	[tilespmem:s21+$0x79D0] =	vst v10  }
0x4d: {  	v51 =	vld [tilespmem:s21+$0x7A50];
	v11 =	vmul.f32 v40, v41;
	[tilespmem:s21+$0x79E0] =	vst v12  }
0x4e: {  	v52 =	vld [tilespmem:s21+$0x7A60];
	v9 =	vmul.f32 v45, v50;
	[tilespmem:s21+$0x79F0] =	vst v13  }
0x4f: {  	v48 =	vld [tilespmem:s21+$0x7A30];
	v7 =	vmul.f32 v46, v50;
	[tilespmem:s21+$0x79C0] =	vst v11  }
0x50: {  	v53 =	vld [tilespmem:s21+$0x7A70];
	v8 =	vmul.f32 v47, v50;
	[tilespmem:s21+$0x7A00] =	vst v9  }
0x51: {  	v54 =	vld [tilespmem:s21+$0x7A80];
	v10 =	vmul.f32 v49, v50;
	[tilespmem:s21+$0x7A10] =	vst v7  }
0x52: {  	v55 =	vld [tilespmem:s21+$0x7A90];
	v12 =	vmul.f32 v51, v50;
	[tilespmem:s21+$0x7A20] =	vst v8  }
0x53: {  	v57 =	vld [tilespmem:s21+$0x7AB0];
	v13 =	vmul.f32 v52, v50;
	[tilespmem:s21+$0x7A40] =	vst v10  }
0x54: {  	v58 =	vld [tilespmem:s21+$0x7AC0];
	v59 =	vbroadcast v1, $0x5;
	v11 =	vmul.f32 v48, v50;
	[tilespmem:s21+$0x7A50] =	vst v12  }
0x55: {  	v60 =	vld [tilespmem:s21+$0x7AD0];
	v9 =	vmul.f32 v53, v50;
	[tilespmem:s21+$0x7A60] =	vst v13  }
0x56: {  	v56 =	vld [tilespmem:s21+$0x7AA0];
	v7 =	vmul.f32 v54, v59;
	[tilespmem:s21+$0x7A30] =	vst v11  }
0x57: {  	v61 =	vld [tilespmem:s21+$0x7AE0];
	v8 =	vmul.f32 v55, v59;
	[tilespmem:s21+$0x7A70] =	vst v9  }
0x58: {  	v62 =	vld [tilespmem:s21+$0x7AF0];
	v10 =	vmul.f32 v57, v59;
	[tilespmem:s21+$0x7A80] =	vst v7  }
0x59: {  	v63 =	vld [tilespmem:s21+$0x7B00];
	v12 =	vmul.f32 v58, v59;
	[tilespmem:s21+$0x7A90] =	vst v8  }
0x5a: {  	v19 =	vld [tilespmem:s21+$0x7B20];
	v13 =	vmul.f32 v60, v59;
	[tilespmem:s21+$0x7AB0] =	vst v10  }
0x5b: {  	v20 =	vld [tilespmem:s21+$0x7B30];
	v11 =	vmul.f32 v56, v59;
	[tilespmem:s21+$0x7AC0] =	vst v12  }
0x5c: {  	v21 =	vld [tilespmem:s21+$0x7B40];
	v22 =	vbroadcast v1, $0x6;
	v9 =	vmul.f32 v61, v59;
	[tilespmem:s21+$0x7AD0] =	vst v13  }
0x5d: {  	v18 =	vld [tilespmem:s21+$0x7B10];
	v7 =	vmul.f32 v62, v59;
	[tilespmem:s21+$0x7AA0] =	vst v11  }
0x5e: {  	v23 =	vld [tilespmem:s21+$0x7B50];
	v8 =	vmul.f32 v63, v22;
	[tilespmem:s21+$0x7AE0] =	vst v9  }
0x5f: {  	v24 =	vld [tilespmem:s21+$0x7B60];
	v10 =	vmul.f32 v19, v22;
	[tilespmem:s21+$0x7AF0] =	vst v7  }
0x60: {  	v25 =	vld [tilespmem:s21+$0x7B70];
	v12 =	vmul.f32 v20, v22;
	[tilespmem:s21+$0x7B00] =	vst v8  }
0x61: {  	v27 =	vld [tilespmem:s21+$0x7B90];
	v13 =	vmul.f32 v21, v22;
	[tilespmem:s21+$0x7B20] =	vst v10  }
0x62: {  	v28 =	vld [tilespmem:s21+$0x7BA0];
	v11 =	vmul.f32 v18, v22;
	[tilespmem:s21+$0x7B30] =	vst v12  }
0x63: {  	v29 =	vld [tilespmem:s21+$0x7BB0];
	v9 =	vmul.f32 v23, v22;
	[tilespmem:s21+$0x7B40] =	vst v13  }
0x64: {  	v31 =	vbroadcast v1, $0x7;
	v53 =	vld [tilespmem:s21+$0x7D00];
	v7 =	vmul.f32 v24, v22;
	[tilespmem:s21+$0x7B10] =	vst v11  }
0x65: {  	v57 =	vld [tilespmem:s21+$0x7D40];
	v8 =	vmul.f32 v25, v22;
	[tilespmem:s21+$0x7B50] =	vst v9  }
0x66: {  	v58 =	vld [tilespmem:s21+$0x7D50];
	v10 =	vmul.f32 v27, v31;
	[tilespmem:s21+$0x7B60] =	vst v7  }
0x67: {  	v26 =	vld [tilespmem:s21+$0x7B80];
	v12 =	vmul.f32 v28, v31;
	[tilespmem:s21+$0x7B70] =	vst v8  }
0x68: {  	v30 =	vld [tilespmem:s21+$0x7BC0];
	v13 =	vmul.f32 v29, v31;
	[tilespmem:s21+$0x7B90] =	vst v10  }
0x69: {  	v32 =	vld [tilespmem:s21+$0x7BD0];
	v59 =	vmul.f32 v53, v5;
	[tilespmem:s21+$0x7BA0] =	vst v12  }
0x6a: {  	v33 =	vld [tilespmem:s21+$0x7BE0];
	v18 =	vmul.f32 v57, v5;
	[tilespmem:s21+$0x7BB0] =	vst v13  }
0x6b: {  	v35 =	vld [tilespmem:s21+$0x7C00];
	v20 =	vmul.f32 v58, v5;
	[tilespmem:s21+$0x7D00] =	vst v59  }
0x6c: {  	v36 =	vld [tilespmem:s21+$0x7C10];
	v11 =	vmul.f32 v26, v31;
	[tilespmem:s21+$0x7D40] =	vst v18  }
0x6d: {  	v37 =	vld [tilespmem:s21+$0x7C20];
	v9 =	vmul.f32 v30, v31;
	[tilespmem:s21+$0x7D50] =	vst v20  }
0x6e: {  	v4 =	vld [tilespmem:s21+$0x7D80];
	v40 =	vbroadcast v1, $0x8;
	v7 =	vmul.f32 v32, v31;
	[tilespmem:s21+$0x7B80] =	vst v11  }
0x6f: {  	v6 =	vld [tilespmem:s21+$0x7D90];
	v8 =	vmul.f32 v33, v31;
	[tilespmem:s21+$0x7BC0] =	vst v9  }
0x70: {  	v3 =	vld [tilespmem:s21+$0x7FD0];
	v10 =	vmul.f32 v35, v40;
	[tilespmem:s21+$0x7BD0] =	vst v7  }
0x71: {  	v61 =	vld [tilespmem:s21+$0x7800];
	v23 =	vbroadcast v1, $0xB;
	v12 =	vmul.f32 v36, v40;
	[tilespmem:s21+$0x7BE0] =	vst v8  }
0x72: {  	v34 =	vld [tilespmem:s21+$0x7BF0];
	v13 =	vmul.f32 v37, v40;
	[tilespmem:s21+$0x7C00] =	vst v10  }
0x73: {  	v38 =	vld [tilespmem:s21+$0x7C30];
	v27 =	vbroadcast v1, $0xF;
	v4 =	vmul.f32 v4, v23;
	[tilespmem:s21+$0x7C10] =	vst v12  }
0x74: {  	v39 =	vld [tilespmem:s21+$0x7C40];
	v6 =	vmul.f32 v6, v23;
	[tilespmem:s21+$0x7C20] =	vst v13  }
0x75: {  	v41 =	vld [tilespmem:s21+$0x7C50];
	v3 =	vmul.f32 v3, v27;
	[tilespmem:s21+$0x7D80] =	vst v4  }
0x76: {  	v43 =	vld [tilespmem:s21+$0x7C70];
	v24 =	vmul.f32 v2, v61;
	[tilespmem:s21+$0x7D90] =	vst v6  }
0x77: {  	v44 =	vld [tilespmem:s21+$0x7C80];
	v11 =	vmul.f32 v34, v31;
	[tilespmem:s21+$0x7FD0] =	vst v3  }
0x78: {  	v45 =	vld [tilespmem:s21+$0x7C90];
	v9 =	vmul.f32 v38, v40;
	[tilespmem:s21+$0x7800] =	vst v24  }
0x79: {  	v63 =	vld [tilespmem:s21+$0x7840];
	v7 =	vmul.f32 v39, v40;
	[tilespmem:s21+$0x7BF0] =	vst v11  }
0x7a: {  	v49 =	vbroadcast v1, $0x9;
	v29 =	vld [tilespmem:s21+$0x7DF0];
	v8 =	vmul.f32 v41, v40;
	[tilespmem:s21+$0x7C30] =	vst v9  }
0x7b: {  	v42 =	vld [tilespmem:s21+$0x7C60];
	v10 =	vmul.f32 v43, v40;
	[tilespmem:s21+$0x7C40] =	vst v7  }
0x7c: {  	v46 =	vld [tilespmem:s21+$0x7CA0];
	v12 =	vmul.f32 v44, v49;
	[tilespmem:s21+$0x7C50] =	vst v8  }
0x7d: {  	v47 =	vld [tilespmem:s21+$0x7CB0];
	v13 =	vmul.f32 v45, v49;
	[tilespmem:s21+$0x7C70] =	vst v10  }
0x7e: {  	v48 =	vld [tilespmem:s21+$0x7CC0];
	v3 =	vmul.f32 v63, v2;
	[tilespmem:s21+$0x7C80] =	vst v12  }
0x7f: {  	v51 =	vld [tilespmem:s21+$0x7CE0];
	v6 =	vmul.f32 v29, v23;
	[tilespmem:s21+$0x7C90] =	vst v13  }
0x80: {  	v52 =	vld [tilespmem:s21+$0x7CF0];
	v11 =	vmul.f32 v42, v40;
	[tilespmem:s21+$0x7840] =	vst v3  }
0x81: {  	v28 =	vld [tilespmem:s21+$0x7DE0];
	v9 =	vmul.f32 v46, v49;
	[tilespmem:s21+$0x7DF0] =	vst v6  }
0x82: {  	v26 =	vld [tilespmem:s21+$0x7DD0];
	v7 =	vmul.f32 v47, v49;
	[tilespmem:s21+$0x7C60] =	vst v11  }
0x83: {  	v30 =	vld [tilespmem:s21+$0x7E00];
	v8 =	vmul.f32 v48, v49;
	[tilespmem:s21+$0x7CA0] =	vst v9  }
0x84: {  	v50 =	vld [tilespmem:s21+$0x7CD0];
	v10 =	vmul.f32 v51, v49;
	[tilespmem:s21+$0x7CB0] =	vst v7  }
0x85: {  	v54 =	vld [tilespmem:s21+$0x7D10];
	v12 =	vmul.f32 v52, v49;
	[tilespmem:s21+$0x7CC0] =	vst v8  }
0x86: {  	v55 =	vld [tilespmem:s21+$0x7D20];
	v35 =	vbroadcast v1, $0xC;
	v40 =	vmul.f32 v28, v23;
	[tilespmem:s21+$0x7CE0] =	vst v10  }
0x87: {  	v56 =	vld [tilespmem:s21+$0x7D30];
	v32 =	vmul.f32 v26, v23;
	[tilespmem:s21+$0x7CF0] =	vst v12  }
0x88: {  	v60 =	vld [tilespmem:s21+$0x7D60];
	v15 =	vmul.f32 v30, v35;
	[tilespmem:s21+$0x7DE0] =	vst v40  }
0x89: {  	v62 =	vld [tilespmem:s21+$0x7810];
	v11 =	vmul.f32 v50, v49;
	[tilespmem:s21+$0x7DD0] =	vst v32  }
0x8a: {  	v19 =	vld [tilespmem:s21+$0x7850];
	v9 =	vmul.f32 v54, v5;
	[tilespmem:s21+$0x7E00] =	vst v15  }
0x8b: {  	v33 =	vld [tilespmem:s21+$0x7E30];
	v7 =	vmul.f32 v55, v5;
	[tilespmem:s21+$0x7CD0] =	vst v11  }
0x8c: {  	v61 =	vld [tilespmem:s21+$0x7FF0];
	v8 =	vmul.f32 v56, v5;
	[tilespmem:s21+$0x7D10] =	vst v9  }
0x8d: {  	v38 =	vld [tilespmem:s21+$0x7E70];
	v5 =	vmul.f32 v60, v5;
	[tilespmem:s21+$0x7D20] =	vst v7  }
0x8e: {  	v21 =	vld [tilespmem:s21+$0x7DA0];
	v12 =	vmul.f32 v62, v2;
	[tilespmem:s21+$0x7D30] =	vst v8  }
0x8f: {  	v22 =	vld [tilespmem:s21+$0x7DB0];
	v2 =	vmul.f32 v19, v2;
	[tilespmem:s21+$0x7D60] =	vst v5  }
0x90: {  	v25 =	vld [tilespmem:s21+$0x7DC0];
	v62 =	vmul.f32 v33, v35;
	[tilespmem:s21+$0x7810] =	vst v12  }
0x91: {  	v31 =	vld [tilespmem:s21+$0x7E10];
	v63 =	vmul.f32 v61, v27;
	[tilespmem:s21+$0x7850] =	vst v2  }
0x92: {  	v34 =	vld [tilespmem:s21+$0x7E40];
	v15 =	vmul.f32 v38, v35;
	[tilespmem:s21+$0x7E30] =	vst v62  }
0x93: {  	v41 =	vld [tilespmem:s21+$0x7EA0];
	v7 =	vmul.f32 v21, v23;
	[tilespmem:s21+$0x7FF0] =	vst v63  }
0x94: {  	v46 =	vld [tilespmem:s21+$0x7EE0];
	v8 =	vmul.f32 v22, v23;
	[tilespmem:s21+$0x7E70] =	vst v15  }
0x95: {  	v36 =	vld [tilespmem:s21+$0x7E50];
	v5 =	vmul.f32 v25, v23;
	[tilespmem:s21+$0x7DA0] =	vst v7  }
0x96: {  	v44 =	vbroadcast v1, $0xD;
	v9 =	vmul.f32 v31, v35;
	v2 =	vld [tilespmem:s21+$0x7E90];
	[tilespmem:s21+$0x7DB0] =	vst v8  }
0x97: {  	v37 =	vld [tilespmem:s21+$0x7E60];
	v12 =	vmul.f32 v34, v35;
	[tilespmem:s21+$0x7DC0] =	vst v5  }
0x98: {  	v39 =	vld [tilespmem:s21+$0x7E80];
	v11 =	vmul.f32 v41, v44;
	[tilespmem:s21+$0x7E10] =	vst v9  }
0x99: {  	v42 =	vld [tilespmem:s21+$0x7EB0];
	v51 =	vmul.f32 v46, v44;
	[tilespmem:s21+$0x7E40] =	vst v12  }
0x9a: {  	v48 =	vld [tilespmem:s21+$0x7F10];
	v8 =	vmul.f32 v36, v35;
	[tilespmem:s21+$0x7EA0] =	vst v11  }
0x9b: {  	v49 =	vld [tilespmem:s21+$0x7F20];
	[tilespmem:s21+$0x7EE0] =	vst v51;
	v2 =	vmul.f32 v2, v44  }
0x9c: {  	v50 =	vld [tilespmem:s21+$0x7F30];
	v5 =	vmul.f32 v37, v35;
	[tilespmem:s21+$0x7E50] =	vst v8  }
0x9d: {  	v1 =	vbroadcast v1, $0xE;
	v9 =	vmul.f32 v39, v44;
	[tilespmem:s21+$0x7E90] =	vst v2;
	v2 =	vld [tilespmem:s21+$0x7F00]  }
0x9e: {  	v60 =	vld [tilespmem:s21+$0x7FE0];
	v12 =	vmul.f32 v42, v44;
	[tilespmem:s21+$0x7E60] =	vst v5  }
0x9f: {  	v45 =	vld [tilespmem:s21+$0x7ED0];
	v11 =	vmul.f32 v48, v1;
	[tilespmem:s21+$0x7E80] =	vst v9  }
0xa0: {  	v47 =	vld [tilespmem:s21+$0x7EF0];
	v10 =	vmul.f32 v49, v1;
	[tilespmem:s21+$0x7EB0] =	vst v12  }
0xa1: {  	v43 =	vld [tilespmem:s21+$0x7EC0];
	v6 =	vmul.f32 v50, v1;
	[tilespmem:s21+$0x7F10] =	vst v11  }
0xa2: {  	v55 =	vld [tilespmem:s21+$0x7F80];
	[tilespmem:s21+$0x7F20] =	vst v10;
	v2 =	vmul.f32 v2, v1  }
0xa3: {  	v57 =	vld [tilespmem:s21+$0x7FA0];
	v4 =	vmul.f32 v60, v27;
	[tilespmem:s21+$0x7F30] =	vst v6  }
0xa4: {  	v5 =	vmul.f32 v45, v44;
	[tilespmem:s21+$0x7F00] =	vst v2;
	v2 =	vld [tilespmem:s21+$0x7F70]  }
0xa5: {  	v52 =	vld [tilespmem:s21+$0x7F40];
	v9 =	vmul.f32 v47, v44;
	[tilespmem:s21+$0x7FE0] =	vst v4  }
0xa6: {  	v56 =	vld [tilespmem:s21+$0x7F90];
	v8 =	vmul.f32 v43, v44;
	[tilespmem:s21+$0x7ED0] =	vst v5  }
0xa7: {  	v54 =	vld [tilespmem:s21+$0x7F60];
	v11 =	vmul.f32 v55, v27;
	[tilespmem:s21+$0x7EF0] =	vst v9  }
0xa8: {  	v58 =	vld [tilespmem:s21+$0x7FB0];
	v6 =	vmul.f32 v57, v27;
	[tilespmem:s21+$0x7EC0] =	vst v8  }
0xa9: {  	v53 =	vld [tilespmem:s21+$0x7F50];
	[tilespmem:s21+$0x7F80] =	vst v11;
	v2 =	vmul.f32 v2, v1  }
0xaa: {  	v59 =	vld [tilespmem:s21+$0x7FC0];
	v5 =	vmul.f32 v52, v1;
	[tilespmem:s21+$0x7FA0] =	vst v6  }
0xab: {  	[tilespmem:s21+$0x7F70] =	vst v2;
	v2 =	vmul.f32 v56, v27  }
0xac: {  	v3 =	vld [tilespmem:s21+$0x7E20];
	v9 =	vmul.f32 v54, v1;
	[tilespmem:s21+$0x7F40] =	vst v5  }
0xad: {  	[tilespmem:s21+$0x7F90] =	vst v2;
	v2 =	vmul.f32 v58, v27  }
0xae: {  	[tilespmem:s21+$0x7F60] =	vst v9;
	v1 =	vmul.f32 v53, v1  }
0xaf: {  	[tilespmem:s21+$0x7FB0] =	vst v2;
	v2 =	vmul.f32 v59, v27  }
0xb0: {  	[tilespmem:s21+$0x7F50] =	vst v1  }
0xb1: {  	s22 =	simm.s32 $0x1;
	[tilespmem:s21+$0x7FC0] =	vst v2;
	v2 =	vmul.f32 v3, v35  }
.LBB2_3:
0xb2: {  	s23 =	sshll.u32 s22, $0x4  }
0xb3: {  	p0 =	sne.s32 s22, $0x7;
	[tilespmem:s21+$0x7E20] =	vst v2;
	s21 =	smov.u32 s22;
	s22 =	sadd.s32 $0x1, s22  }
0xb4: {  	s23 =	sand.u32 $0x3FFFFFF0, s23  }
0xb5: {  	v1 =	vld.idx.msk [tilespmem:v0+s23+$0x0 ss:$0x1], $0xffff  }
0xb6: {  	s21 =	sshll.u32 s21, $0xB  }
0xb7: {  	s21 =	sand.u32 $0x3FFFF800, s21  }
0xb8: {  	v8 =	vld [tilespmem:s21+$0x78C0]  }
0xb9: {  	v9 =	vld [tilespmem:s21+$0x78D0]  }
0xba: {  	v10 =	vld [tilespmem:s21+$0x78B0]  }
0xbb: {  	v2 =	vbroadcast v1, $0x0;
	v7 =	vbroadcast v1, $0x4;
	v3 =	vld [tilespmem:s21+$0x7820]  }
0xbc: {  	v5 =	vld [tilespmem:s21+$0x7830]  }
0xbd: {  	v6 =	vld [tilespmem:s21+$0x7D70]  }
0xbe: {  	v11 =	vld [tilespmem:s21+$0x7860]  }
0xbf: {  	v12 =	vld [tilespmem:s21+$0x7870]  }
0xc0: {  	v4 =	vbroadcast v1, $0xA;
	v3 =	vmul.f32 v3, v2;
	v13 =	vld [tilespmem:s21+$0x7880]  }
0xc1: {  	v5 =	vmul.f32 v5, v2;
	v14 =	vld [tilespmem:s21+$0x7890]  }
0xc2: {  	[tilespmem:s21+$0x7820] =	vst v3;
	v15 =	vld [tilespmem:s21+$0x78A0];
	v3 =	vmul.f32 v6, v4  }
0xc3: {  	[tilespmem:s21+$0x7830] =	vst v5;
	v6 =	vmul.f32 v11, v2;
	v11 =	vbroadcast v1, $0x1;
	v5 =	vld [tilespmem:s21+$0x7D80]  }
0xc4: {  	v12 =	vmul.f32 v12, v2;
	[tilespmem:s21+$0x7D70] =	vst v3;
	v3 =	vld [tilespmem:s21+$0x7FD0]  }
0xc5: {  	[tilespmem:s21+$0x7860] =	vst v6;
	v13 =	vmul.f32 v13, v11;
	v6 =	vld [tilespmem:s21+$0x7D90]  }
0xc6: {  	[tilespmem:s21+$0x7870] =	vst v12;
	v12 =	vmul.f32 v14, v11;
	v14 =	vld [tilespmem:s21+$0x78E0]  }
0xc7: {  	[tilespmem:s21+$0x7880] =	vst v13;
	v13 =	vmul.f32 v15, v11;
	v15 =	vld [tilespmem:s21+$0x78F0]  }
0xc8: {  	v10 =	vmul.f32 v10, v11;
	[tilespmem:s21+$0x7890] =	vst v12;
	v12 =	vld [tilespmem:s21+$0x7900]  }
0xc9: {  	v8 =	vmul.f32 v8, v11;
	[tilespmem:s21+$0x78A0] =	vst v13;
	v13 =	vld [tilespmem:s21+$0x7910]  }
0xca: {  	v9 =	vmul.f32 v9, v11;
	[tilespmem:s21+$0x78B0] =	vst v10;
	v10 =	vld [tilespmem:s21+$0x7920]  }
0xcb: {  	[tilespmem:s21+$0x78C0] =	vst v8;
	v8 =	vmul.f32 v14, v11;
	v14 =	vbroadcast v1, $0x2;
	v16 =	vld [tilespmem:s21+$0x7930]  }
0xcc: {  	[tilespmem:s21+$0x78D0] =	vst v9;
	v9 =	vmul.f32 v15, v11;
	v11 =	vld [tilespmem:s21+$0x7940]  }
0xcd: {  	[tilespmem:s21+$0x78E0] =	vst v8;
	v8 =	vmul.f32 v12, v14;
	v12 =	vld [tilespmem:s21+$0x7950]  }
0xce: {  	[tilespmem:s21+$0x78F0] =	vst v9;
	v9 =	vmul.f32 v13, v14;
	v13 =	vld [tilespmem:s21+$0x7960]  }
0xcf: {  	[tilespmem:s21+$0x7900] =	vst v8;
	v8 =	vmul.f32 v10, v14;
	v10 =	vld [tilespmem:s21+$0x7970]  }
0xd0: {  	[tilespmem:s21+$0x7910] =	vst v9;
	v9 =	vmul.f32 v16, v14;
	v15 =	vld [tilespmem:s21+$0x7980]  }
0xd1: {  	[tilespmem:s21+$0x7920] =	vst v8;
	v8 =	vmul.f32 v11, v14;
	v11 =	vld [tilespmem:s21+$0x7990]  }
0xd2: {  	[tilespmem:s21+$0x7930] =	vst v9;
	v9 =	vmul.f32 v12, v14;
	v12 =	vld [tilespmem:s21+$0x79A0]  }
0xd3: {  	[tilespmem:s21+$0x7940] =	vst v8;
	v8 =	vmul.f32 v13, v14;
	v13 =	vbroadcast v1, $0x3;
	v16 =	vld [tilespmem:s21+$0x79B0]  }
0xd4: {  	[tilespmem:s21+$0x7950] =	vst v9;
	v9 =	vmul.f32 v10, v14;
	v10 =	vld [tilespmem:s21+$0x79C0]  }
0xd5: {  	[tilespmem:s21+$0x7960] =	vst v8;
	v8 =	vmul.f32 v15, v13;
	v14 =	vld [tilespmem:s21+$0x79D0]  }
0xd6: {  	[tilespmem:s21+$0x7970] =	vst v9;
	v9 =	vmul.f32 v11, v13;
	v11 =	vld [tilespmem:s21+$0x79E0]  }
0xd7: {  	[tilespmem:s21+$0x7980] =	vst v8;
	v8 =	vmul.f32 v12, v13;
	v12 =	vld [tilespmem:s21+$0x79F0]  }
0xd8: {  	[tilespmem:s21+$0x7990] =	vst v9;
	v9 =	vmul.f32 v16, v13;
	v15 =	vld [tilespmem:s21+$0x7A00]  }
0xd9: {  	[tilespmem:s21+$0x79A0] =	vst v8;
	v8 =	vmul.f32 v10, v13;
	v10 =	vld [tilespmem:s21+$0x7A10]  }
0xda: {  	[tilespmem:s21+$0x79B0] =	vst v9;
	v9 =	vmul.f32 v14, v13;
	v14 =	vld [tilespmem:s21+$0x7A20]  }
0xdb: {  	[tilespmem:s21+$0x79C0] =	vst v8;
	v8 =	vmul.f32 v11, v13;
	v11 =	vld [tilespmem:s21+$0x7A30]  }
0xdc: {  	[tilespmem:s21+$0x79D0] =	vst v9;
	v9 =	vmul.f32 v12, v13;
	v12 =	vld [tilespmem:s21+$0x7A40]  }
0xdd: {  	[tilespmem:s21+$0x79E0] =	vst v8;
	v8 =	vmul.f32 v15, v7;
	v13 =	vld [tilespmem:s21+$0x7A50]  }
0xde: {  	[tilespmem:s21+$0x79F0] =	vst v9;
	v9 =	vmul.f32 v10, v7;
	v10 =	vld [tilespmem:s21+$0x7A60]  }
0xdf: {  	[tilespmem:s21+$0x7A00] =	vst v8;
	v8 =	vmul.f32 v14, v7;
	v14 =	vld [tilespmem:s21+$0x7A70]  }
0xe0: {  	[tilespmem:s21+$0x7A10] =	vst v9;
	v9 =	vmul.f32 v11, v7;
	v11 =	vld [tilespmem:s21+$0x7A80]  }
0xe1: {  	[tilespmem:s21+$0x7A20] =	vst v8;
	v8 =	vmul.f32 v12, v7;
	v12 =	vld [tilespmem:s21+$0x7A90]  }
0xe2: {  	[tilespmem:s21+$0x7A30] =	vst v9;
	v9 =	vmul.f32 v13, v7;
	v13 =	vld [tilespmem:s21+$0x7AA0]  }
0xe3: {  	[tilespmem:s21+$0x7A40] =	vst v8;
	v8 =	vmul.f32 v10, v7;
	v10 =	vbroadcast v1, $0x5;
	v15 =	vld [tilespmem:s21+$0x7AB0]  }
0xe4: {  	[tilespmem:s21+$0x7A50] =	vst v9;
	v7 =	vmul.f32 v14, v7;
	v9 =	vld [tilespmem:s21+$0x7AC0]  }
0xe5: {  	[tilespmem:s21+$0x7A60] =	vst v8;
	v8 =	vmul.f32 v11, v10;
	v11 =	vld [tilespmem:s21+$0x7AD0]  }
0xe6: {  	[tilespmem:s21+$0x7A70] =	vst v7;
	v7 =	vmul.f32 v12, v10;
	v12 =	vld [tilespmem:s21+$0x7AE0]  }
0xe7: {  	[tilespmem:s21+$0x7A80] =	vst v8;
	v8 =	vmul.f32 v13, v10;
	v13 =	vld [tilespmem:s21+$0x7AF0]  }
0xe8: {  	[tilespmem:s21+$0x7A90] =	vst v7;
	v7 =	vmul.f32 v15, v10;
	v14 =	vld [tilespmem:s21+$0x7B00]  }
0xe9: {  	[tilespmem:s21+$0x7AA0] =	vst v8;
	v8 =	vmul.f32 v9, v10;
	v9 =	vld [tilespmem:s21+$0x7B10]  }
0xea: {  	[tilespmem:s21+$0x7AB0] =	vst v7;
	v7 =	vmul.f32 v11, v10;
	v11 =	vld [tilespmem:s21+$0x7B20]  }
0xeb: {  	[tilespmem:s21+$0x7AC0] =	vst v8;
	v8 =	vmul.f32 v12, v10;
	v12 =	vbroadcast v1, $0x6;
	v15 =	vld [tilespmem:s21+$0x7B30]  }
0xec: {  	[tilespmem:s21+$0x7AD0] =	vst v7;
	v7 =	vmul.f32 v13, v10;
	v10 =	vld [tilespmem:s21+$0x7B40]  }
0xed: {  	[tilespmem:s21+$0x7AE0] =	vst v8;
	v8 =	vmul.f32 v14, v12;
	v13 =	vld [tilespmem:s21+$0x7B50]  }
0xee: {  	[tilespmem:s21+$0x7AF0] =	vst v7;
	v7 =	vmul.f32 v9, v12;
	v9 =	vld [tilespmem:s21+$0x7B60]  }
0xef: {  	[tilespmem:s21+$0x7B00] =	vst v8;
	v8 =	vmul.f32 v11, v12;
	v11 =	vld [tilespmem:s21+$0x7B70]  }
0xf0: {  	[tilespmem:s21+$0x7B10] =	vst v7;
	v7 =	vmul.f32 v15, v12;
	v14 =	vld [tilespmem:s21+$0x7B80]  }
0xf1: {  	[tilespmem:s21+$0x7B20] =	vst v8;
	v8 =	vmul.f32 v10, v12;
	v10 =	vld [tilespmem:s21+$0x7B90]  }
0xf2: {  	[tilespmem:s21+$0x7B30] =	vst v7;
	v7 =	vmul.f32 v13, v12;
	v13 =	vld [tilespmem:s21+$0x7BA0]  }
0xf3: {  	[tilespmem:s21+$0x7B40] =	vst v8;
	v8 =	vmul.f32 v9, v12;
	v9 =	vbroadcast v1, $0x7;
	v15 =	vld [tilespmem:s21+$0x7BB0]  }
0xf4: {  	[tilespmem:s21+$0x7B50] =	vst v7;
	v7 =	vmul.f32 v11, v12;
	v11 =	vld [tilespmem:s21+$0x7BC0]  }
0xf5: {  	[tilespmem:s21+$0x7B60] =	vst v8;
	v8 =	vmul.f32 v14, v9;
	v12 =	vld [tilespmem:s21+$0x7BD0]  }
0xf6: {  	[tilespmem:s21+$0x7B70] =	vst v7;
	v7 =	vmul.f32 v10, v9;
	v10 =	vld [tilespmem:s21+$0x7BE0]  }
0xf7: {  	[tilespmem:s21+$0x7B80] =	vst v8;
	v8 =	vmul.f32 v13, v9;
	v13 =	vld [tilespmem:s21+$0x7BF0]  }
0xf8: {  	[tilespmem:s21+$0x7B90] =	vst v7;
	v7 =	vmul.f32 v15, v9;
	v14 =	vld [tilespmem:s21+$0x7C00]  }
0xf9: {  	[tilespmem:s21+$0x7BA0] =	vst v8;
	v8 =	vmul.f32 v11, v9;
	v11 =	vld [tilespmem:s21+$0x7C10]  }
0xfa: {  	[tilespmem:s21+$0x7BB0] =	vst v7;
	v7 =	vmul.f32 v12, v9;
	v12 =	vld [tilespmem:s21+$0x7C20]  }
0xfb: {  	[tilespmem:s21+$0x7BC0] =	vst v8;
	v8 =	vmul.f32 v10, v9;
	v10 =	vbroadcast v1, $0x8;
	v15 =	vld [tilespmem:s21+$0x7C30]  }
0xfc: {  	[tilespmem:s21+$0x7BD0] =	vst v7;
	v7 =	vmul.f32 v13, v9;
	v9 =	vld [tilespmem:s21+$0x7C40]  }
0xfd: {  	[tilespmem:s21+$0x7BE0] =	vst v8;
	v8 =	vmul.f32 v14, v10;
	v13 =	vld [tilespmem:s21+$0x7C50]  }
0xfe: {  	[tilespmem:s21+$0x7BF0] =	vst v7;
	v7 =	vmul.f32 v11, v10;
	v11 =	vld [tilespmem:s21+$0x7C60]  }
0xff: {  	[tilespmem:s21+$0x7C00] =	vst v8;
	v8 =	vmul.f32 v12, v10;
	v12 =	vld [tilespmem:s21+$0x7C70]  }
0x100: {  	[tilespmem:s21+$0x7C10] =	vst v7;
	v7 =	vmul.f32 v15, v10;
	v14 =	vld [tilespmem:s21+$0x7C80]  }
0x101: {  	[tilespmem:s21+$0x7C20] =	vst v8;
	v8 =	vmul.f32 v9, v10;
	v9 =	vld [tilespmem:s21+$0x7C90]  }
0x102: {  	[tilespmem:s21+$0x7C30] =	vst v7;
	v7 =	vmul.f32 v13, v10;
	v13 =	vld [tilespmem:s21+$0x7CA0]  }
0x103: {  	[tilespmem:s21+$0x7C40] =	vst v8;
	v8 =	vmul.f32 v11, v10;
	v11 =	vbroadcast v1, $0x9;
	v15 =	vld [tilespmem:s21+$0x7CB0]  }
0x104: {  	[tilespmem:s21+$0x7C50] =	vst v7;
	v7 =	vmul.f32 v12, v10;
	v10 =	vld [tilespmem:s21+$0x7CC0]  }
0x105: {  	[tilespmem:s21+$0x7C60] =	vst v8;
	v8 =	vmul.f32 v14, v11;
	v12 =	vld [tilespmem:s21+$0x7CD0]  }
0x106: {  	[tilespmem:s21+$0x7C70] =	vst v7;
	v7 =	vmul.f32 v9, v11;
	v9 =	vld [tilespmem:s21+$0x7CE0]  }
0x107: {  	[tilespmem:s21+$0x7C80] =	vst v8;
	v8 =	vmul.f32 v13, v11;
	v13 =	vld [tilespmem:s21+$0x7CF0]  }
0x108: {  	[tilespmem:s21+$0x7C90] =	vst v7;
	v7 =	vmul.f32 v15, v11;
	v14 =	vld [tilespmem:s21+$0x7D00]  }
0x109: {  	[tilespmem:s21+$0x7CA0] =	vst v8;
	v8 =	vmul.f32 v10, v11;
	v10 =	vld [tilespmem:s21+$0x7D10]  }
0x10a: {  	[tilespmem:s21+$0x7CB0] =	vst v7;
	v7 =	vmul.f32 v12, v11;
	v12 =	vld [tilespmem:s21+$0x7D20]  }
0x10b: {  	[tilespmem:s21+$0x7CC0] =	vst v8;
	v8 =	vmul.f32 v9, v11;
	v9 =	vld [tilespmem:s21+$0x7D30]  }
0x10c: {  	[tilespmem:s21+$0x7CD0] =	vst v7;
	v7 =	vmul.f32 v13, v11;
	v11 =	vld [tilespmem:s21+$0x7D40]  }
0x10d: {  	[tilespmem:s21+$0x7CE0] =	vst v8;
	v8 =	vmul.f32 v14, v4;
	v13 =	vld [tilespmem:s21+$0x7D50]  }
0x10e: {  	[tilespmem:s21+$0x7CF0] =	vst v7;
	v7 =	vmul.f32 v10, v4;
	v10 =	vld [tilespmem:s21+$0x7D60]  }
0x10f: {  	v14 =	vld [tilespmem:s21+$0x7800];
	[tilespmem:s21+$0x7D00] =	vst v8;
	v8 =	vmul.f32 v12, v4  }
0x110: {  	v12 =	vld [tilespmem:s21+$0x7810];
	[tilespmem:s21+$0x7D10] =	vst v7;
	v7 =	vmul.f32 v9, v4  }
0x111: {  	v9 =	vld [tilespmem:s21+$0x7840];
	[tilespmem:s21+$0x7D20] =	vst v8;
	v8 =	vmul.f32 v11, v4  }
0x112: {  	v11 =	vld [tilespmem:s21+$0x7850];
	[tilespmem:s21+$0x7D30] =	vst v7;
	v7 =	vmul.f32 v13, v4  }
0x113: {  	[tilespmem:s21+$0x7D40] =	vst v8;
	v8 =	vmul.f32 v10, v4;
	v10 =	vbroadcast v1, $0xB;
	v13 =	vld [tilespmem:s21+$0x7DA0]  }
0x114: {  	v4 =	vbroadcast v1, $0xF;
	v14 =	vmul.f32 v2, v14;
	[tilespmem:s21+$0x7D50] =	vst v7;
	v7 =	vld [tilespmem:s21+$0x7DB0]  }
0x115: {  	v12 =	vmul.f32 v12, v2;
	[tilespmem:s21+$0x7D60] =	vst v8;
	v5 =	vmul.f32 v5, v10;
	v8 =	vld [tilespmem:s21+$0x7DC0]  }
0x116: {  	v6 =	vmul.f32 v6, v10;
	[tilespmem:s21+$0x7800] =	vst v14;
	v9 =	vmul.f32 v9, v2;
	v14 =	vld [tilespmem:s21+$0x7DD0]  }
0x117: {  	v3 =	vmul.f32 v3, v4;
	v11 =	vmul.f32 v11, v2;
	[tilespmem:s21+$0x7D80] =	vst v5;
	v2 =	vld [tilespmem:s21+$0x7DE0]  }
0x118: {  	[tilespmem:s21+$0x7D90] =	vst v6;
	v5 =	vmul.f32 v13, v10;
	v6 =	vld [tilespmem:s21+$0x7DF0]  }
0x119: {  	v7 =	vmul.f32 v7, v10;
	v13 =	vld [tilespmem:s21+$0x7E00];
	[tilespmem:s21+$0x7FD0] =	vst v3  }
0x11a: {  	[tilespmem:s21+$0x7810] =	vst v12;
	v3 =	vmul.f32 v8, v10;
	v8 =	vld [tilespmem:s21+$0x7E10]  }
0x11b: {  	[tilespmem:s21+$0x7840] =	vst v9;
	v9 =	vmul.f32 v14, v10;
	v12 =	vld [tilespmem:s21+$0x7E20]  }
0x11c: {  	v14 =	vbroadcast v1, $0xC;
	[tilespmem:s21+$0x7DA0] =	vst v5;
	v5 =	vmul.f32 v2, v10;
	v15 =	vld [tilespmem:s21+$0x7E30]  }
0x11d: {  	[tilespmem:s21+$0x7DD0] =	vst v9;
	v6 =	vmul.f32 v6, v10;
	v9 =	vld [tilespmem:s21+$0x7E40]  }
0x11e: {  	[tilespmem:s21+$0x7DB0] =	vst v7;
	v2 =	vmul.f32 v13, v14;
	v7 =	vld [tilespmem:s21+$0x7E50]  }
0x11f: {  	[tilespmem:s21+$0x7DC0] =	vst v3;
	v3 =	vmul.f32 v8, v14;
	v8 =	vld [tilespmem:s21+$0x7E60]  }
0x120: {  	[tilespmem:s21+$0x7E00] =	vst v2;
	v2 =	vmul.f32 v12, v14;
	v10 =	vld [tilespmem:s21+$0x7E70]  }
0x121: {  	[tilespmem:s21+$0x7E10] =	vst v3;
	v3 =	vld [tilespmem:s21+$0x7E80]  }
0x122: {  	[tilespmem:s21+$0x7850] =	vst v11;
	v9 =	vmul.f32 v9, v14;
	v11 =	vld [tilespmem:s21+$0x7E90]  }
0x123: {  	[tilespmem:s21+$0x7DE0] =	vst v5;
	v5 =	vmul.f32 v7, v14;
	v7 =	vld [tilespmem:s21+$0x7EA0]  }
0x124: {  	[tilespmem:s21+$0x7E40] =	vst v9;
	v8 =	vmul.f32 v8, v14;
	v9 =	vbroadcast v1, $0xD;
	v12 =	vld [tilespmem:s21+$0x7EB0]  }
0x125: {  	[tilespmem:s21+$0x7E50] =	vst v5;
	v5 =	vmul.f32 v10, v14;
	v10 =	vld [tilespmem:s21+$0x7EC0]  }
0x126: {  	[tilespmem:s21+$0x7E60] =	vst v8;
	v3 =	vmul.f32 v3, v9;
	v8 =	vld [tilespmem:s21+$0x7ED0]  }
0x127: {  	[tilespmem:s21+$0x7E70] =	vst v5;
	v5 =	vmul.f32 v11, v9;
	v11 =	vld [tilespmem:s21+$0x7EE0]  }
0x128: {  	[tilespmem:s21+$0x7E80] =	vst v3;
	v3 =	vmul.f32 v7, v9;
	v7 =	vld [tilespmem:s21+$0x7EF0]  }
0x129: {  	[tilespmem:s21+$0x7E90] =	vst v5;
	v5 =	vmul.f32 v12, v9;
	v12 =	vld [tilespmem:s21+$0x7F00]  }
0x12a: {  	[tilespmem:s21+$0x7EA0] =	vst v3;
	v3 =	vmul.f32 v10, v9;
	v10 =	vld [tilespmem:s21+$0x7F10]  }
0x12b: {  	[tilespmem:s21+$0x7EB0] =	vst v5;
	v5 =	vmul.f32 v8, v9;
	v8 =	vld [tilespmem:s21+$0x7F20]  }
0x12c: {  	v1 =	vbroadcast v1, $0xE;
	[tilespmem:s21+$0x7DF0] =	vst v6;
	v6 =	vmul.f32 v11, v9;
	v11 =	vld [tilespmem:s21+$0x7F30]  }
0x12d: {  	[tilespmem:s21+$0x7ED0] =	vst v5;
	v5 =	vmul.f32 v7, v9;
	v7 =	vld [tilespmem:s21+$0x7F40]  }
0x12e: {  	[tilespmem:s21+$0x7EE0] =	vst v6;
	v6 =	vmul.f32 v12, v1;
	v9 =	vld [tilespmem:s21+$0x7F50]  }
0x12f: {  	[tilespmem:s21+$0x7EF0] =	vst v5;
	v5 =	vmul.f32 v10, v1;
	v10 =	vld [tilespmem:s21+$0x7F60]  }
0x130: {  	[tilespmem:s21+$0x7F00] =	vst v6;
	v6 =	vmul.f32 v8, v1;
	v8 =	vld [tilespmem:s21+$0x7F70]  }
0x131: {  	[tilespmem:s21+$0x7F10] =	vst v5;
	v5 =	vmul.f32 v11, v1;
	v11 =	vld [tilespmem:s21+$0x7F80]  }
0x132: {  	[tilespmem:s21+$0x7F20] =	vst v6;
	v6 =	vmul.f32 v7, v1;
	v7 =	vld [tilespmem:s21+$0x7F90]  }
0x133: {  	[tilespmem:s21+$0x7F30] =	vst v5;
	v5 =	vmul.f32 v9, v1;
	v9 =	vld [tilespmem:s21+$0x7FA0]  }
0x134: {  	[tilespmem:s21+$0x7F40] =	vst v6;
	v6 =	vmul.f32 v10, v1;
	v10 =	vld [tilespmem:s21+$0x7FB0]  }
0x135: {  	[tilespmem:s21+$0x7EC0] =	vst v3;
	v1 =	vmul.f32 v8, v1;
	v3 =	vld [tilespmem:s21+$0x7FC0]  }
0x136: {  	[tilespmem:s21+$0x7F60] =	vst v6;
	v6 =	vmul.f32 v11, v4;
	v8 =	vld [tilespmem:s21+$0x7FE0]  }
0x137: {  	[tilespmem:s21+$0x7F70] =	vst v1;
	v1 =	vmul.f32 v7, v4;
	v7 =	vld [tilespmem:s21+$0x7FF0]  }
0x138: {  	[tilespmem:s21+$0x7F80] =	vst v6;
	v6 =	vmul.f32 v9, v4  }
0x139: {  	[tilespmem:s21+$0x7F90] =	vst v1;
	v1 =	vmul.f32 v10, v4  }
0x13a: {  	v9 =	vmul.f32 v15, v14;
	[tilespmem:s21+$0x7FA0] =	vst v6  }
0x13b: {  	[tilespmem:s21+$0x7FB0] =	vst v1;
	v1 =	vmul.f32 v3, v4  }
.Ltmp0:
0x13c: {  	[tilespmem:s21+$0x7E30] =	vst v9;
	v3 =	vmul.f32 v7, v4;
	(pc) =	sbr.rel @p0 .LBB2_3-.Ltmp0, $4  }
0x13d: {  	[tilespmem:s21+$0x7FC0] =	vst v1  }
0x13e: {  	v1 =	vmul.f32 v8, v4;
	[tilespmem:s21+$0x7FF0] =	vst v3  }
0x13f: {  	[tilespmem:s21+$0x7F50] =	vst v5  }
0x140: {  	[tilespmem:s21+$0x7FE0] =	vst v1  }
0x141: {  	s19 =	sadd.s32 $0x1, s19  }
0x142: {  	p0 =	sne.s32 s19, $0x50  }
.Ltmp1:
0x143: {  	[tilespmem:s21+$0x7E20] =	vst v2;
	s20 =	sadd.s32 $0x2800, s20;
	(pc) =	sbr.rel @p0 .LBB2_2-.Ltmp1, $4  }
0x144: {  	[spmem:s2] =	stream.indirect.scatter.add.f32 [tilespmem:s17], [sflag:$0x1], $0x80, s20, s16, $0xb8;
	[tilespmem:$0x1F800] =	vst v63  }
0x145: {  	_ =	swait.ge [sflag:s13], $0x4000  }
0x146: {  	[sflag:s13] =	ssyncset.done $0x0  }
0x147: {  	[sflag:s13] =	ssyncadd.s32 $0xFFFFC000  }
0x148: {  	s18 =	sadd.s32 $0x1, s18  }
0x149: {  	p0 =	sne.s32 s18, s11  }
.Ltmp2:
0x14a: {  	[bflag:$0x0] =	sbarrier.arrive $0xFFFF;
	(pc) =	sbr.rel @p0 .LBB2_1-.Ltmp2, $4  }
0x14b: {  	[hbm:s10], [sflag:s6] =	dma.local [spmem:s12], $0x2800  }
0x14c: {  	_ =	swait.ge [sflag:s13], $0x2800  }
0x14d: {  	[sflag:s13] =	ssyncset.done $0x0  }
0x14e: {  	[sflag:s13] =	ssyncadd.s32 $0xFFFFD800  }
0x14f: {  	_ =	sfence.sel $0x180000  }
0x150: {  	[bflag:$0x0] =	sbarrier.arrive $0xFFFF  }
0x151: {  	p0 =	sne.s32 s0, $0x0;
	_ =	strace $0x9000004A  }
0x152: {  	s0 =	sadd.s32 @!p0 $0x100000, s1;
	[bflag:$0x2] =	sbarrier.arrive $0xFFFF  }
0x153: {  	[sflag:s0] =	ssyncadd.tile.s32 @!p0 $0x1;
	_ =	shalt  }
.Lfunc_end2:
_tile_overlayer_lowered:
.L_overlay_start_2:
0x154: {  	(tag) =	ssettag $0x2  }
0x155: {  	s0 =	rddreg [dreg:$0x0];
	s2 =	stileid.u32  }
0x156: {  	s1 =	rddreg [dreg:$0x1];
	p0 =	sne.s32 s2, $0x0  }
0x157: {  	s3 =	rddreg [dreg:$0x2];
	[bflag:$0x3] =	sbarrier.arrive $0xFFFF;
	s2 =	simm.s32 @!p0 $0x1C01  }
0x158: {  	[timem:s3], [sflag:s2] =	dma.local @!p0 [hbm:s0], s1  }
0x159: {  	s0 =	simm.s32 @!p0 $0x1  }
0x15a: {  	_ =	swait.ge @!p0 [sflag:s0], s1  }
0x15b: {  	s1 =	ssub.s32 @!p0 $0x0, s1;
	[sflag:s0] =	ssyncset.done @!p0 $0x0  }
0x15c: {  	[sflag:s0] =	ssyncadd.s32 @!p0 s1  }
0x15d: {  	[bflag:$0x3] =	sbarrier.arrive $0xFFFF  }
0x15e: {  	_ =	shalt  }

// kernel: kernel.14.cloned.1.call-start
scs
__scs_entry_jumppad:
0x0: {  	(pc) =	sbr.rel $0x88, $3  }
0x1: {  	(tag) =	ssettag $0x0;
	lr =	simm.s32 $0x1  }
0x2: {  	[smem:$0x3F98] =	sst lr;
	_ =	strace $0xD0000000  }
0x3: {  	_ = 	snop  }
0x4: {  	_ = 	snop  }
0x5: {  	_ = 	snop  }
0x6: {  	_ = 	snop  }
0x7: {  	_ = 	snop  }
__scs_overlays_trampoline_lowered:
0x8: {  	[smem:$0x3FA7] =	sst s0  }
0x9: {  	[smem:$0x3FA8] =	sst s1  }
0xa: {  	[smem:$0x3FA9] =	sst s2  }
0xb: {  	[smem:$0x3FAA] =	sst s3  }
0xc: {  	[smem:$0x3FAB] =	sst s4  }
0xd: {  	[smem:$0x3FAC] =	sst s5  }
0xe: {  	[smem:$0x3FAD] =	sst s6  }
0xf: {  	[smem:$0x3FAE] =	sst s7  }
0x10: {  	[smem:$0x3FAF] =	sst s8  }
0x11: {  	[smem:$0x3FB0] =	sst s9;
	s0 =	simm.s32 @!p0 $0x0  }
0x12: {  	s1 =	sld [smem:$0x3F96];
	s0 =	simm.s32 @p0 $0x1  }
0x13: {  	[smem:$0x3FB1] =	sst s0;
	s0 =	simm.s32 @!p1 $0x0  }
0x14: {  	s2 =	sld [smem:$0x3F95];
	s0 =	simm.s32 @p1 $0x1  }
0x15: {  	[smem:$0x3FB2] =	sst s0;
	s0 =	simm.s32 @!p2 $0x0  }
0x16: {  	s3 =	sld [smem:$0x3FDB];
	s0 =	simm.s32 @p2 $0x1  }
0x17: {  	s4 =	simm.s32 $0x1BF5;
	[smem:$0x3FB4] =	sst s0  }
0x18: {  	s0 =	sld [smem:$0x3F97];
	_ =	swait.ge [sflag:s4], $0x0  }
0x19: {  	s7 =	sld [smem:$0x3F98]  }
0x1a: {  	s8 =	sadd.s32 $0xFFFFE003, lr  }
0x1b: {  	s9 =	sadd.s32 $0xFFFFFEF7, lr;
	s5 =	simm.s32 $0xFFFFFFFF;
	p2 =	slt.u32 s8, $0xFFFFF086  }
0x1c: {  	p1 =	slt.u32 s9, $0xF7A;
	s5 =	simm.s32 @!p2 $0x0  }
0x1d: {  	s5 =	simm.s32 @p1 $0x1;
	p0 =	seq.s32 s7, s2  }
0x1e: {  	s7 =	smul.u32 @!p0 $0xF7A, s2;
	p2 =	seq.s32 @!p0 s5, $0x0  }
0x1f: {  	s9 =	smul.u32 $0xF7A, s1;
	s8 =	simm.s32 @!p0 $0x1BF5;
	p2 =	por !p2, p0  }
0x20: {  	[sflag:s8] =	ssyncset.s32 @!p0 $0xFFFFF086;
	s6 =	sadd.s32 @!p0 s3, s7;
	s7 =	simm.s32 @!p0 $0x108  }
0x21: {  	s3 =	sadd.s32 s3, s9;
	s6 =	sadd.s32 @!p0 $0x88, s6;
	s7 =	simm.s32 @p2 $0x1082  }
0x22: {  	[simem:s7], [sflag:s8] =	dma.local @!p0 [hbm:s6], $0xF7A  }
0x23: {  	s9 =	sor.u32 $0xD0000000, s2;
	s6 =	simm.s32 $0x108;
	_ =	swait.ge @!p0 [sflag:s8], $0x0  }
0x24: {  	s3 =	sadd.s32 $0x88, s3;
	s6 =	simm.s32 @!p1 $0x1082;
	[sflag:s4] =	ssyncset.s32 $0xFFFFF086  }
0x25: {  	[simem:s6], [sflag:s4] =	dma.local [hbm:s3], $0xF7A  }
0x26: {  	[smem:$0x3F98] =	sst s1;
	(tag) =	ssettag s2;
	_ =	strace s9  }
0x27: {  	s1 =	sld [smem:$0x3FA8]  }
0x28: {  	s2 =	sld [smem:$0x3FA9]  }
0x29: {  	s4 =	sld [smem:$0x3FAB]  }
0x2a: {  	p0 =	seq.s32 s5, $0x0;
	s5 =	sld [smem:$0x3FAC]  }
0x2b: {  	s6 =	sld [smem:$0x3FAD]  }
0x2c: {  	s7 =	sld [smem:$0x3FAE]  }
0x2d: {  	s3 =	simm.s32 $0x108;
	s8 =	sld [smem:$0x3FAF]  }
0x2e: {  	s3 =	simm.s32 @!p0 $0x1082;
	s9 =	sld [smem:$0x3FB0]  }
0x2f: {  	lr =	sadd.s32 s0, s3;
	s0 =	sld [smem:$0x3FA7]  }
0x30: {  	s3 =	sld [smem:$0x3FAA]  }
0x31: {  	[smem:$0x3FB3] =	sst s10  }
0x32: {  	s10 =	sld [smem:$0x3FB1];
	_ =	sdelay $0x3  }
0x33: {  	p0 =	seq.s32 s10, $0x1;
	s10 =	sld [smem:$0x3FB3];
	_ =	sdelay $0x3  }
0x34: {  	[smem:$0x3FB3] =	sst s10  }
0x35: {  	s10 =	sld [smem:$0x3FB2];
	_ =	sdelay $0x3  }
0x36: {  	p1 =	seq.s32 s10, $0x1;
	s10 =	sld [smem:$0x3FB3];
	_ =	sdelay $0x3  }
0x37: {  	[smem:$0x3FB3] =	sst s10  }
0x38: {  	s10 =	sld [smem:$0x3FB4]  }
0x39: {  	_ = 	snop;
	(pc) =	sbr.ind lr, $3  }
0x3a: {  	_ = 	snop  }
0x3b: {  	_ = 	snop  }
0x3c: {  	p2 =	seq.s32 s10, $0x1;
	s10 =	sld [smem:$0x3FB3]  }
0x3d: {  	_ =	shalt  }
0x3e: {  	_ =	shalt  }
0x3f: {  	_ =	shalt  }
0x40: {  	_ =	shalt  }
0x41: {  	_ =	shalt  }
0x42: {  	_ =	shalt  }
0x43: {  	_ =	shalt  }
0x44: {  	_ =	shalt  }
0x45: {  	_ =	shalt  }
0x46: {  	_ =	shalt  }
0x47: {  	_ =	shalt  }
0x48: {  	_ =	shalt  }
0x49: {  	_ =	shalt  }
0x4a: {  	_ =	shalt  }
0x4b: {  	_ =	shalt  }
0x4c: {  	_ =	shalt  }
0x4d: {  	_ =	shalt  }
0x4e: {  	_ =	shalt  }
0x4f: {  	_ =	shalt  }
0x50: {  	_ =	shalt  }
0x51: {  	_ =	shalt  }
0x52: {  	_ =	shalt  }
0x53: {  	_ =	shalt  }
0x54: {  	_ =	shalt  }
0x55: {  	_ =	shalt  }
0x56: {  	_ =	shalt  }
0x57: {  	_ =	shalt  }
0x58: {  	_ =	shalt  }
0x59: {  	_ =	shalt  }
0x5a: {  	_ =	shalt  }
0x5b: {  	_ =	shalt  }
0x5c: {  	_ =	shalt  }
0x5d: {  	_ =	shalt  }
0x5e: {  	_ =	shalt  }
0x5f: {  	_ =	shalt  }
0x60: {  	_ =	shalt  }
0x61: {  	_ =	shalt  }
0x62: {  	_ =	shalt  }
0x63: {  	_ =	shalt  }
0x64: {  	_ =	shalt  }
0x65: {  	_ =	shalt  }
0x66: {  	_ =	shalt  }
0x67: {  	_ =	shalt  }
0x68: {  	_ =	shalt  }
0x69: {  	_ =	shalt  }
0x6a: {  	_ =	shalt  }
0x6b: {  	_ =	shalt  }
0x6c: {  	_ =	shalt  }
0x6d: {  	_ =	shalt  }
0x6e: {  	_ =	shalt  }
0x6f: {  	_ =	shalt  }
0x70: {  	_ =	shalt  }
0x71: {  	_ =	shalt  }
0x72: {  	_ =	shalt  }
0x73: {  	_ =	shalt  }
0x74: {  	_ =	shalt  }
0x75: {  	_ =	shalt  }
0x76: {  	_ =	shalt  }
0x77: {  	_ =	shalt  }
0x78: {  	_ =	shalt  }
0x79: {  	_ =	shalt  }
0x7a: {  	_ =	shalt  }
0x7b: {  	_ =	shalt  }
0x7c: {  	_ =	shalt  }
0x7d: {  	_ =	shalt  }
0x7e: {  	_ =	shalt  }
0x7f: {  	_ =	shalt  }
0x80: {  	_ =	shalt  }
0x81: {  	_ =	shalt  }
0x82: {  	_ =	shalt  }
0x83: {  	_ =	shalt  }
0x84: {  	_ =	shalt  }
0x85: {  	_ =	shalt  }
0x86: {  	_ =	shalt  }
0x87: {  	_ =	shalt  }
.Lfunc_end0:
.L_simem_size_0:
called_computation.2_lowered:
.L_overlay_start_0:
0x88: {  	s2 =	sld [smem:$0x3FD9]  }
0x89: {  	s3 =	sld [smem:$0x3FFE];
	_ =	sdelay $0x1  }
0x8a: {  	s1 =	srdreg.scid  }
0x8b: {  	s0 =	sand.u32 $0x1, s1  }
0x8c: {  	s14 =	sshll.u32 s0, $0xA;
	s2 =	sadd.s32 s3, s2  }
0x8d: {  	s2 =	sadd.s32 s2, s14  }
0x8e: {  	[smem:$0x3FBF] =	sst s2  }
0x8f: {  	_ = 	snop  }
0x90: {  	s2 =	sld [smem:$0x3FD0];
	_ =	sdelay $0x2  }
0x91: {  	s15 =	simm.s32 $0xA;
	s4 =	simm.s32 $0x10  }
0x92: {  	[smem:s4], [sflag:s15] =	dma.local [hbm:s2], $0x1  }
0x93: {  	_ =	swait.eq [sflag:s15], $0x1  }
0x94: {  	[sflag:s15] =	ssyncset.done $0x0  }
0x95: {  	s16 =	sld [smem:$0x10];
	[sflag:s15] =	ssyncadd.s32 $0xFFFFFFFF  }
0x96: {  	s17 =	sld [smem:$0x11];
	(tm) =	ssettm $0x1  }
0x97: {  	s18 =	sld [smem:$0x3FFB];
	_ =	sdelay $0x3  }
0x98: {  	_ =	strace s18  }
0x99: {  	s4 =	sld [smem:$0x3FFC];
	_ =	sdelay $0x3  }
0x9a: {  	_ =	strace s4  }
0x9b: {  	s4 =	sld [smem:$0x3FFD];
	_ =	sdelay $0x3  }
0x9c: {  	_ =	strace s4  }
0x9d: {  	_ =	strace $0x8FFFFFFF  }
0x9e: {  	s19 =	sld [smem:$0x3FDB];
	_ =	sdelay $0x1  }
0x9f: {  	s5 =	simm.s32 $_scs_section_size  }
0xa0: {  	s6 =	simm.s32 $_size__tile_overlayer_lowered;
	s7 =	simm.s32 $_tile_overlayer_lowered  }
0xa1: {  	s22 =	simm.s32 $0x1BFF;
	s21 =	sshll.u32 s7, $0x1;
	s4 =	sadd.s32 s5, s19  }
0xa2: {  	s8 =	simm.s32 $0x0;
	s20 =	sshll.u32 s6, $0x1;
	s6 =	sadd.s32 s21, s4  }
0xa3: {  	[timem:s8], [sflag:s22] =	dma.local [hbm:s6], s20  }
0xa4: {  	_ =	swait.ge [sflag:s22], s20  }
0xa5: {  	s5 =	ssub.s32 $0x0, s20;
	[sflag:s22] =	ssyncset.done $0x0  }
0xa6: {  	[sflag:s22] =	ssyncadd.s32 s5;
	_ =	sdelay $0x1  }
0xa7: {  	s23 =	simm.s32 $0x1B8B  }
0xa8: {  	_ =	swait.ge [sflag:s23], $0x1  }
0xa9: {  	[sflag:s23] =	ssyncset.done $0x0  }
0xaa: {  	s25 =	simm.s32 $0x1B8E;
	s24 =	sld [smem:$0x3FFE];
	[sflag:s23] =	ssyncadd.s32 $0xFFFFFFFF  }
0xab: {  	s26 =	simm.s32 $execute0_lowered;
	[smem:$0x3FD2] =	sst s25  }
0xac: {  	s6 =	sshll.u32 s26, $0x1;
	_ =	strace $0x8000004C;
	[dreg:$0x1] =	wrdreg $0xFFFFFFFF  }
0xad: {  	s28 =	simm.s32 $_size_execute0_lowered;
	s4 =	sadd.s32 s4, s6;
	[dreg:$0x0] =	wrdreg $0x0  }
0xae: {  	s6 =	sshll.u32 s28, $0x1;
	[dreg:$0x2] =	wrdreg s4  }
0xaf: {  	[dreg:$0x3] =	wrdreg s6  }
0xb0: {  	[dreg:$0x4] =	wrdreg $0xC0  }
0xb1: {  	_ =	task [dreg:s8], $0x5FFFF  }
0xb2: {  	[dreg:$0x1] =	wrdreg $0xFFFFFFFF  }
0xb3: {  	[dreg:$0x0] =	wrdreg $0x60  }
0xb4: {  	[dreg:$0x2] =	wrdreg s24  }
0xb5: {  	[dreg:$0x3] =	wrdreg s17  }
0xb6: {  	[dreg:$0x4] =	wrdreg s16  }
0xb7: {  	[dreg:$0x5] =	wrdreg $0xB8000  }
0xb8: {  	[dreg:$0x6] =	wrdreg $0x9  }
0xb9: {  	_ =	task.clear_ibuf [dreg:s8], $0x7FFFF;
	_ =	strace $0x9000004C  }
0xba: {  	s29 =	simm.s32 $0x9;
	_ =	strace $0x8000004E  }
0xbb: {  	_ =	swait.ge [sflag:s29], $0x1  }
0xbc: {  	[sflag:s29] =	ssyncadd.s32 $0xFFFFFFFF  }
0xbd: {  	_ =	strace $0x9000004E  }
0xbe: {  	_ =	sfence  }
0xbf: {  	s30 =	sld [smem:$0x0];
	_ =	sdelay $0x2  }
0xc0: {  	s31 =	sshll.u32 s1, $0xD;
	s1 =	sshrl.u32 s1, $0x2  }
0xc1: {  	s3 =	sand.u32 $0x4000, s31;
	s1 =	sadd.s32 s1, s30  }
0xc2: {  	s0 =	sor.u32 s3, s0;
	s1 =	sshll.u32 s1, $0x11  }
0xc3: {  	s0 =	sor.u32 s1, s0  }
0xc4: {  	s0 =	sadd.s32 $0x8F2B, s0  }
0xc5: {  	[sflag:s0] =	ssyncadd.remote.s32 $0x1  }
0xc6: {  	_ =	sfence.sel $0xFFFF  }
0xc7: {  	[dreg:$0x0] =	wrdreg $0xFFFFFFFF;
	(pc) =	sbr.abs _section_cstart, $3  }
0xc8: {  	[dreg:$0x1] =	wrdreg $0xFFFFFFFF  }
0xc9: {  	_ =	task.clear_ibuf [dreg:s8], $0x2FFFF;
	_ =	strace $0x9FFFFFFF  }
0xca: {  	(tm) =	ssettm $0x7FFFFFFF  }
0xcb: {  	_ =	shalt  }
tec
execute0_lowered:
.L_overlay_start_1:
0x0: {  	(tag) =	ssettag $0x1  }
0x1: {  	s5 =	rddreg [dreg:$0x0]  }
0x2: {  	s7 =	rddreg [dreg:$0x1]  }
0x3: {  	s8 =	rddreg [dreg:$0x2]  }
0x4: {  	s0 =	srdreg.scid;
	s2 =	rddreg [dreg:$0x3]  }
0x5: {  	s3 =	simm.s32 $0x0;
	s16 =	simm.s32 $0x80;
	s17 =	simm.s32 $0x7800  }
0x6: {  	s18 =	simm.s32 $0x0;
	s6 =	sand.u32 $0x1, s0;
	s0 =	stileid.u32  }
0x7: {  	[smem:$0x7FF] =	sst s3;
	s4 =	sadd.s32 $0xC800, s5;
	s10 =	smul.u32 $0x14000, s0  }
0x8: {  	s1 =	sshll.u32 s6, $0x4;
	s11 =	smul.u32 $0x140000, s6;
	s6 =	ssub.s32 $0x2, s6  }
0x9: {  	s28 =	smul.u32 $0x50000, s0;
	s31 =	sshll.u32 s0, $0x6;
	s1 =	sor.u32 s0, s1  }
0xa: {  	s29 =	sshrl.u32 s6, $0x1;
	s9 =	smul.u32 $0x500, s1;
	s1 =	rddreg [dreg:$0x4]  }
0xb: {  	_ =	strace $0x8000004D;
	s13 =	sshrl.u32 s10, $0x3;
	s10 =	sadd.s32 s10, s11  }
0xc: {  	s14 =	ssub.s32 s6, s29;
	s30 =	sshrl.u32 s28, $0x2;
	s6 =	sor.u32 $0x1C01, s31  }
0xd: {  	s10 =	sshrl.u32 s10, $0x3;
	s13 =	sadd.s32 s13, s5;
	s15 =	sadd.s32 s30, s2  }
0xe: {  	s11 =	smax.u32 s14, $0x1;
	s14 =	simm.s32 $0x2800;
	s12 =	sadd.s32 s9, s5  }
0xf: {  	s10 =	sadd.s32 s10, s5;
	s5 =	sadd.s32 $0x34800, s13;
	s7 =	sadd.s32 s7, s9  }
0x10: {  	s8 =	sadd.s32 s8, s9;
	s13 =	simm.s32 $0x1;
	s9 =	sadd.s32 $0x2800, s12  }
0x11: {  	s10 =	sadd.s32 $0x5C800, s10;
	s12 =	sshrl.u32 s15, $0x3;
	s15 =	simm.s32 $0x5000  }
.LBB2_1:
0x12: {  	[spmem:s12], [sflag:s6] =	dma.local [hbm:s5], $0x2800  }
0x13: {  	_ =	swait.ge [sflag:s13], $0x2800  }
0x14: {  	[sflag:s13] =	ssyncset.done $0x0  }
0x15: {  	[sflag:s13] =	ssyncadd.s32 $0xFFFFD800  }
0x16: {  	[tilespmem:s3], [sflag:$0x1] =	stream.linear.gather [hbm4b:s7+s3], $0x2800, $0x38;
	[tilespmem:$0x1F800] =	vst v63  }
0x17: {  	_ =	swait.ge [sflag:s13], $0x2800  }
0x18: {  	[sflag:s13] =	ssyncset.done $0x0  }
0x19: {  	[sflag:s13] =	ssyncadd.s32 $0xFFFFD800  }
0x1a: {  	[tilespmem:s14], [sflag:$0x1] =	stream.linear.gather [hbm4b:s8+s3], $0x2800, $0x38;
	[tilespmem:$0x1F800] =	vst v63  }
0x1b: {  	_ =	swait.ge [sflag:s13], $0x2800  }
0x1c: {  	[sflag:s13] =	ssyncset.done $0x0  }
0x1d: {  	[sflag:s13] =	ssyncadd.s32 $0xFFFFD800  }
0x1e: {  	[tilespmem:s15], [sflag:$0x1] =	stream.linear.gather [hbm4b:s9+s3], $0x2800, $0x38;
	[tilespmem:$0x1F800] =	vst v63  }
0x1f: {  	_ =	swait.ge [sflag:s13], $0x2800  }
0x20: {  	[sflag:s13] =	ssyncset.done $0x0  }
0x21: {  	[sflag:s13] =	ssyncadd.s32 $0xFFFFD800  }
0x22: {  	s19 =	simm.s32 $0x0;
	[bflag:$0x0] =	sbarrier.arrive $0xFFFF  }
.LBB2_2:
0x23: {  	s20 =	sshll.u32 s19, $0x7  }
0x24: {  	s21 =	sadd.s32 $0x5000, s20  }
0x25: {  	v0 =	vmov s21  }
0x26: {  	[tilespmem:s17], [sflag:$0x1] =	stream.indirect.gather [hbm4b:s4+s16], $0x80, s20, s16, $0xb8;
	[tilespmem:$0x1F800] =	vst v63  }
0x27: {  	_ =	swait.ge [sflag:s13], $0x4000  }
0x28: {  	s31 =	simm.s32 $0x0;
	[sflag:s13] =	ssyncset.done $0x0  }
0x29: {  	s21 =	sand.u32 $0x3FFFFFF0, s31;
	[sflag:s13] =	ssyncadd.s32 $0xFFFFC000  }
0x2a: {  	s22 =	simm.s32 $0x0;
	v1 =	vld.idx.msk [tilespmem:v0+s21+$0x0 ss:$0x1], $0xffff  }
0x2b: {  	s21 =	sand.u32 $0x3FFFF800, s22  }
0x2c: {  	v3 =	vld [tilespmem:s21+$0x7820]  }
0x2d: {  	v4 =	vld [tilespmem:s21+$0x7830]  }
0x2e: {  	v10 =	vld [tilespmem:s21+$0x7860]  }
0x2f: {  	v11 =	vld [tilespmem:s21+$0x7870];
	v2 =	vbroadcast v1, $0x0  }
0x30: {  	v12 =	vld [tilespmem:s21+$0x7880]  }
0x31: {  	v13 =	vld [tilespmem:s21+$0x7890];
	v3 =	vmul.f32 v3, v2  }
0x32: {  	v14 =	vld [tilespmem:s21+$0x78A0];
	v4 =	vmul.f32 v4, v2  }
0x33: {  	v9 =	vld [tilespmem:s21+$0x78B0];
	v23 =	vbroadcast v1, $0x1;
	v22 =	vmul.f32 v10, v2;
	[tilespmem:s21+$0x7820] =	vst v3  }
0x34: {  	v7 =	vld [tilespmem:s21+$0x78C0];
	v11 =	vmul.f32 v11, v2;
	[tilespmem:s21+$0x7830] =	vst v4  }
0x35: {  	v8 =	vld [tilespmem:s21+$0x78D0];
	v12 =	vmul.f32 v12, v23;
	[tilespmem:s21+$0x7860] =	vst v22  }
0x36: {  	v25 =	vld [tilespmem:s21+$0x78F0];
	v13 =	vmul.f32 v13, v23;
	[tilespmem:s21+$0x7870] =	vst v11  }
0x37: {  	v26 =	vld [tilespmem:s21+$0x7900];
	v14 =	vmul.f32 v14, v23;
	[tilespmem:s21+$0x7880] =	vst v12  }
0x38: {  	v27 =	vld [tilespmem:s21+$0x7910];
	v9 =	vmul.f32 v9, v23;
	[tilespmem:s21+$0x7890] =	vst v13  }
0x39: {  	v6 =	vld [tilespmem:s21+$0x7D70];
	v7 =	vmul.f32 v7, v23;
	[tilespmem:s21+$0x78A0] =	vst v14  }
0x3a: {  	v24 =	vld [tilespmem:s21+$0x78E0];
	v15 =	vbroadcast v1, $0x2;
	v8 =	vmul.f32 v8, v23;
	[tilespmem:s21+$0x78B0] =	vst v9  }
0x3b: {  	v28 =	vld [tilespmem:s21+$0x7920];
	v10 =	vmul.f32 v25, v23;
	[tilespmem:s21+$0x78C0] =	vst v7  }
0x3c: {  	v29 =	vld [tilespmem:s21+$0x7930];
	v5 =	vbroadcast v1, $0xA;
	v32 =	vmul.f32 v26, v15;
	[tilespmem:s21+$0x78D0] =	vst v8  }
0x3d: {  	v30 =	vld [tilespmem:s21+$0x7940];
	v34 =	vmul.f32 v27, v15;
	[tilespmem:s21+$0x78F0] =	vst v10  }
0x3e: {  	v33 =	vld [tilespmem:s21+$0x7960];
	v3 =	vmul.f32 v6, v5;
	[tilespmem:s21+$0x7900] =	vst v32  }
0x3f: {  	v35 =	vld [tilespmem:s21+$0x7970];
	v11 =	vmul.f32 v24, v23;
	[tilespmem:s21+$0x7910] =	vst v34  }
0x40: {  	v36 =	vld [tilespmem:s21+$0x7980];
	v9 =	vmul.f32 v28, v15;
	[tilespmem:s21+$0x7D70] =	vst v3  }
0x41: {  	v31 =	vld [tilespmem:s21+$0x7950];
	v7 =	vmul.f32 v29, v15;
	[tilespmem:s21+$0x78E0] =	vst v11  }
0x42: {  	v37 =	vld [tilespmem:s21+$0x7990];
	v8 =	vmul.f32 v30, v15;
	[tilespmem:s21+$0x7920] =	vst v9  }
0x43: {  	v38 =	vld [tilespmem:s21+$0x79A0];
	v41 =	vbroadcast v1, $0x3;
	v10 =	vmul.f32 v33, v15;
	[tilespmem:s21+$0x7930] =	vst v7  }
0x44: {  	v39 =	vld [tilespmem:s21+$0x79B0];
	v12 =	vmul.f32 v35, v15;
	[tilespmem:s21+$0x7940] =	vst v8  }
0x45: {  	v42 =	vld [tilespmem:s21+$0x79D0];
	v13 =	vmul.f32 v36, v41;
	[tilespmem:s21+$0x7960] =	vst v10  }
0x46: {  	v43 =	vld [tilespmem:s21+$0x79E0];
	v11 =	vmul.f32 v31, v15;
	[tilespmem:s21+$0x7970] =	vst v12  }
0x47: {  	v44 =	vld [tilespmem:s21+$0x79F0];
	v9 =	vmul.f32 v37, v41;
	[tilespmem:s21+$0x7980] =	vst v13  }
0x48: {  	v40 =	vld [tilespmem:s21+$0x79C0];
	v7 =	vmul.f32 v38, v41;
	[tilespmem:s21+$0x7950] =	vst v11  }
0x49: {  	v45 =	vld [tilespmem:s21+$0x7A00];
	v8 =	vmul.f32 v39, v41;
	[tilespmem:s21+$0x7990] =	vst v9  }
0x4a: {  	v46 =	vld [tilespmem:s21+$0x7A10];
	v10 =	vmul.f32 v42, v41;
	[tilespmem:s21+$0x79A0] =	vst v7  }
0x4b: {  	v47 =	vld [tilespmem:s21+$0x7A20];
	v12 =	vmul.f32 v43, v41;
	[tilespmem:s21+$0x79B0] =	vst v8  }
0x4c: {  	v49 =	vld [tilespmem:s21+$0x7A40];
	v50 =	vbroadcast v1, $0x4;
	v13 =	vmul.f32 v44, v41;
	[tilespmem:s21+$0x79D0] =	vst v10  }
0x4d: {  	v51 =	vld [tilespmem:s21+$0x7A50];
	v11 =	vmul.f32 v40, v41;
	[tilespmem:s21+$0x79E0] =	vst v12  }
0x4e: {  	v52 =	vld [tilespmem:s21+$0x7A60];
	v9 =	vmul.f32 v45, v50;
	[tilespmem:s21+$0x79F0] =	vst v13  }
0x4f: {  	v48 =	vld [tilespmem:s21+$0x7A30];
	v7 =	vmul.f32 v46, v50;
	[tilespmem:s21+$0x79C0] =	vst v11  }
0x50: {  	v53 =	vld [tilespmem:s21+$0x7A70];
	v8 =	vmul.f32 v47, v50;
	[tilespmem:s21+$0x7A00] =	vst v9  }
0x51: {  	v54 =	vld [tilespmem:s21+$0x7A80];
	v10 =	vmul.f32 v49, v50;
	[tilespmem:s21+$0x7A10] =	vst v7  }
0x52: {  	v55 =	vld [tilespmem:s21+$0x7A90];
	v12 =	vmul.f32 v51, v50;
	[tilespmem:s21+$0x7A20] =	vst v8  }
0x53: {  	v57 =	vld [tilespmem:s21+$0x7AB0];
	v13 =	vmul.f32 v52, v50;
	[tilespmem:s21+$0x7A40] =	vst v10  }
0x54: {  	v58 =	vld [tilespmem:s21+$0x7AC0];
	v59 =	vbroadcast v1, $0x5;
	v11 =	vmul.f32 v48, v50;
	[tilespmem:s21+$0x7A50] =	vst v12  }
0x55: {  	v60 =	vld [tilespmem:s21+$0x7AD0];
	v9 =	vmul.f32 v53, v50;
	[tilespmem:s21+$0x7A60] =	vst v13  }
0x56: {  	v56 =	vld [tilespmem:s21+$0x7AA0];
	v7 =	vmul.f32 v54, v59;
	[tilespmem:s21+$0x7A30] =	vst v11  }
0x57: {  	v61 =	vld [tilespmem:s21+$0x7AE0];
	v8 =	vmul.f32 v55, v59;
	[tilespmem:s21+$0x7A70] =	vst v9  }
0x58: {  	v62 =	vld [tilespmem:s21+$0x7AF0];
	v10 =	vmul.f32 v57, v59;
	[tilespmem:s21+$0x7A80] =	vst v7  }
0x59: {  	v63 =	vld [tilespmem:s21+$0x7B00];
	v12 =	vmul.f32 v58, v59;
	[tilespmem:s21+$0x7A90] =	vst v8  }
0x5a: {  	v19 =	vld [tilespmem:s21+$0x7B20];
	v13 =	vmul.f32 v60, v59;
	[tilespmem:s21+$0x7AB0] =	vst v10  }
0x5b: {  	v20 =	vld [tilespmem:s21+$0x7B30];
	v11 =	vmul.f32 v56, v59;
	[tilespmem:s21+$0x7AC0] =	vst v12  }
0x5c: {  	v21 =	vld [tilespmem:s21+$0x7B40];
	v22 =	vbroadcast v1, $0x6;
	v9 =	vmul.f32 v61, v59;
	[tilespmem:s21+$0x7AD0] =	vst v13  }
0x5d: {  	v18 =	vld [tilespmem:s21+$0x7B10];
	v7 =	vmul.f32 v62, v59;
	[tilespmem:s21+$0x7AA0] =	vst v11  }
0x5e: {  	v23 =	vld [tilespmem:s21+$0x7B50];
	v8 =	vmul.f32 v63, v22;
	[tilespmem:s21+$0x7AE0] =	vst v9  }
0x5f: {  	v24 =	vld [tilespmem:s21+$0x7B60];
	v10 =	vmul.f32 v19, v22;
	[tilespmem:s21+$0x7AF0] =	vst v7  }
0x60: {  	v25 =	vld [tilespmem:s21+$0x7B70];
	v12 =	vmul.f32 v20, v22;
	[tilespmem:s21+$0x7B00] =	vst v8  }
0x61: {  	v27 =	vld [tilespmem:s21+$0x7B90];
	v13 =	vmul.f32 v21, v22;
	[tilespmem:s21+$0x7B20] =	vst v10  }
0x62: {  	v28 =	vld [tilespmem:s21+$0x7BA0];
	v11 =	vmul.f32 v18, v22;
	[tilespmem:s21+$0x7B30] =	vst v12  }
0x63: {  	v29 =	vld [tilespmem:s21+$0x7BB0];
	v9 =	vmul.f32 v23, v22;
	[tilespmem:s21+$0x7B40] =	vst v13  }
0x64: {  	v31 =	vbroadcast v1, $0x7;
	v53 =	vld [tilespmem:s21+$0x7D00];
	v7 =	vmul.f32 v24, v22;
	[tilespmem:s21+$0x7B10] =	vst v11  }
0x65: {  	v57 =	vld [tilespmem:s21+$0x7D40];
	v8 =	vmul.f32 v25, v22;
	[tilespmem:s21+$0x7B50] =	vst v9  }
0x66: {  	v58 =	vld [tilespmem:s21+$0x7D50];
	v10 =	vmul.f32 v27, v31;
	[tilespmem:s21+$0x7B60] =	vst v7  }
0x67: {  	v26 =	vld [tilespmem:s21+$0x7B80];
	v12 =	vmul.f32 v28, v31;
	[tilespmem:s21+$0x7B70] =	vst v8  }
0x68: {  	v30 =	vld [tilespmem:s21+$0x7BC0];
	v13 =	vmul.f32 v29, v31;
	[tilespmem:s21+$0x7B90] =	vst v10  }
0x69: {  	v32 =	vld [tilespmem:s21+$0x7BD0];
	v59 =	vmul.f32 v53, v5;
	[tilespmem:s21+$0x7BA0] =	vst v12  }
0x6a: {  	v33 =	vld [tilespmem:s21+$0x7BE0];
	v18 =	vmul.f32 v57, v5;
	[tilespmem:s21+$0x7BB0] =	vst v13  }
0x6b: {  	v35 =	vld [tilespmem:s21+$0x7C00];
	v20 =	vmul.f32 v58, v5;
	[tilespmem:s21+$0x7D00] =	vst v59  }
0x6c: {  	v36 =	vld [tilespmem:s21+$0x7C10];
	v11 =	vmul.f32 v26, v31;
	[tilespmem:s21+$0x7D40] =	vst v18  }
0x6d: {  	v37 =	vld [tilespmem:s21+$0x7C20];
	v9 =	vmul.f32 v30, v31;
	[tilespmem:s21+$0x7D50] =	vst v20  }
0x6e: {  	v4 =	vld [tilespmem:s21+$0x7D80];
	v40 =	vbroadcast v1, $0x8;
	v7 =	vmul.f32 v32, v31;
	[tilespmem:s21+$0x7B80] =	vst v11  }
0x6f: {  	v6 =	vld [tilespmem:s21+$0x7D90];
	v8 =	vmul.f32 v33, v31;
	[tilespmem:s21+$0x7BC0] =	vst v9  }
0x70: {  	v3 =	vld [tilespmem:s21+$0x7FD0];
	v10 =	vmul.f32 v35, v40;
	[tilespmem:s21+$0x7BD0] =	vst v7  }
0x71: {  	v61 =	vld [tilespmem:s21+$0x7800];
	v23 =	vbroadcast v1, $0xB;
	v12 =	vmul.f32 v36, v40;
	[tilespmem:s21+$0x7BE0] =	vst v8  }
0x72: {  	v34 =	vld [tilespmem:s21+$0x7BF0];
	v13 =	vmul.f32 v37, v40;
	[tilespmem:s21+$0x7C00] =	vst v10  }
0x73: {  	v38 =	vld [tilespmem:s21+$0x7C30];
	v27 =	vbroadcast v1, $0xF;
	v4 =	vmul.f32 v4, v23;
	[tilespmem:s21+$0x7C10] =	vst v12  }
0x74: {  	v39 =	vld [tilespmem:s21+$0x7C40];
	v6 =	vmul.f32 v6, v23;
	[tilespmem:s21+$0x7C20] =	vst v13  }
0x75: {  	v41 =	vld [tilespmem:s21+$0x7C50];
	v3 =	vmul.f32 v3, v27;
	[tilespmem:s21+$0x7D80] =	vst v4  }
0x76: {  	v43 =	vld [tilespmem:s21+$0x7C70];
	v24 =	vmul.f32 v2, v61;
	[tilespmem:s21+$0x7D90] =	vst v6  }
0x77: {  	v44 =	vld [tilespmem:s21+$0x7C80];
	v11 =	vmul.f32 v34, v31;
	[tilespmem:s21+$0x7FD0] =	vst v3  }
0x78: {  	v45 =	vld [tilespmem:s21+$0x7C90];
	v9 =	vmul.f32 v38, v40;
	[tilespmem:s21+$0x7800] =	vst v24  }
0x79: {  	v63 =	vld [tilespmem:s21+$0x7840];
	v7 =	vmul.f32 v39, v40;
	[tilespmem:s21+$0x7BF0] =	vst v11  }
0x7a: {  	v49 =	vbroadcast v1, $0x9;
	v29 =	vld [tilespmem:s21+$0x7DF0];
	v8 =	vmul.f32 v41, v40;
	[tilespmem:s21+$0x7C30] =	vst v9  }
0x7b: {  	v42 =	vld [tilespmem:s21+$0x7C60];
	v10 =	vmul.f32 v43, v40;
	[tilespmem:s21+$0x7C40] =	vst v7  }
0x7c: {  	v46 =	vld [tilespmem:s21+$0x7CA0];
	v12 =	vmul.f32 v44, v49;
	[tilespmem:s21+$0x7C50] =	vst v8  }
0x7d: {  	v47 =	vld [tilespmem:s21+$0x7CB0];
	v13 =	vmul.f32 v45, v49;
	[tilespmem:s21+$0x7C70] =	vst v10  }
0x7e: {  	v48 =	vld [tilespmem:s21+$0x7CC0];
	v3 =	vmul.f32 v63, v2;
	[tilespmem:s21+$0x7C80] =	vst v12  }
0x7f: {  	v51 =	vld [tilespmem:s21+$0x7CE0];
	v6 =	vmul.f32 v29, v23;
	[tilespmem:s21+$0x7C90] =	vst v13  }
0x80: {  	v52 =	vld [tilespmem:s21+$0x7CF0];
	v11 =	vmul.f32 v42, v40;
	[tilespmem:s21+$0x7840] =	vst v3  }
0x81: {  	v28 =	vld [tilespmem:s21+$0x7DE0];
	v9 =	vmul.f32 v46, v49;
	[tilespmem:s21+$0x7DF0] =	vst v6  }
0x82: {  	v26 =	vld [tilespmem:s21+$0x7DD0];
	v7 =	vmul.f32 v47, v49;
	[tilespmem:s21+$0x7C60] =	vst v11  }
0x83: {  	v30 =	vld [tilespmem:s21+$0x7E00];
	v8 =	vmul.f32 v48, v49;
	[tilespmem:s21+$0x7CA0] =	vst v9  }
0x84: {  	v50 =	vld [tilespmem:s21+$0x7CD0];
	v10 =	vmul.f32 v51, v49;
	[tilespmem:s21+$0x7CB0] =	vst v7  }
0x85: {  	v54 =	vld [tilespmem:s21+$0x7D10];
	v12 =	vmul.f32 v52, v49;
	[tilespmem:s21+$0x7CC0] =	vst v8  }
0x86: {  	v55 =	vld [tilespmem:s21+$0x7D20];
	v35 =	vbroadcast v1, $0xC;
	v40 =	vmul.f32 v28, v23;
	[tilespmem:s21+$0x7CE0] =	vst v10  }
0x87: {  	v56 =	vld [tilespmem:s21+$0x7D30];
	v32 =	vmul.f32 v26, v23;
	[tilespmem:s21+$0x7CF0] =	vst v12  }
0x88: {  	v60 =	vld [tilespmem:s21+$0x7D60];
	v15 =	vmul.f32 v30, v35;
	[tilespmem:s21+$0x7DE0] =	vst v40  }
0x89: {  	v62 =	vld [tilespmem:s21+$0x7810];
	v11 =	vmul.f32 v50, v49;
	[tilespmem:s21+$0x7DD0] =	vst v32  }
0x8a: {  	v19 =	vld [tilespmem:s21+$0x7850];
	v9 =	vmul.f32 v54, v5;
	[tilespmem:s21+$0x7E00] =	vst v15  }
0x8b: {  	v33 =	vld [tilespmem:s21+$0x7E30];
	v7 =	vmul.f32 v55, v5;
	[tilespmem:s21+$0x7CD0] =	vst v11  }
0x8c: {  	v61 =	vld [tilespmem:s21+$0x7FF0];
	v8 =	vmul.f32 v56, v5;
	[tilespmem:s21+$0x7D10] =	vst v9  }
0x8d: {  	v38 =	vld [tilespmem:s21+$0x7E70];
	v5 =	vmul.f32 v60, v5;
	[tilespmem:s21+$0x7D20] =	vst v7  }
0x8e: {  	v21 =	vld [tilespmem:s21+$0x7DA0];
	v12 =	vmul.f32 v62, v2;
	[tilespmem:s21+$0x7D30] =	vst v8  }
0x8f: {  	v22 =	vld [tilespmem:s21+$0x7DB0];
	v2 =	vmul.f32 v19, v2;
	[tilespmem:s21+$0x7D60] =	vst v5  }
0x90: {  	v25 =	vld [tilespmem:s21+$0x7DC0];
	v62 =	vmul.f32 v33, v35;
	[tilespmem:s21+$0x7810] =	vst v12  }
0x91: {  	v31 =	vld [tilespmem:s21+$0x7E10];
	v63 =	vmul.f32 v61, v27;
	[tilespmem:s21+$0x7850] =	vst v2  }
0x92: {  	v34 =	vld [tilespmem:s21+$0x7E40];
	v15 =	vmul.f32 v38, v35;
	[tilespmem:s21+$0x7E30] =	vst v62  }
0x93: {  	v41 =	vld [tilespmem:s21+$0x7EA0];
	v7 =	vmul.f32 v21, v23;
	[tilespmem:s21+$0x7FF0] =	vst v63  }
0x94: {  	v46 =	vld [tilespmem:s21+$0x7EE0];
	v8 =	vmul.f32 v22, v23;
	[tilespmem:s21+$0x7E70] =	vst v15  }
0x95: {  	v36 =	vld [tilespmem:s21+$0x7E50];
	v5 =	vmul.f32 v25, v23;
	[tilespmem:s21+$0x7DA0] =	vst v7  }
0x96: {  	v44 =	vbroadcast v1, $0xD;
	v9 =	vmul.f32 v31, v35;
	v2 =	vld [tilespmem:s21+$0x7E90];
	[tilespmem:s21+$0x7DB0] =	vst v8  }
0x97: {  	v37 =	vld [tilespmem:s21+$0x7E60];
	v12 =	vmul.f32 v34, v35;
	[tilespmem:s21+$0x7DC0] =	vst v5  }
0x98: {  	v39 =	vld [tilespmem:s21+$0x7E80];
	v11 =	vmul.f32 v41, v44;
	[tilespmem:s21+$0x7E10] =	vst v9  }
0x99: {  	v42 =	vld [tilespmem:s21+$0x7EB0];
	v51 =	vmul.f32 v46, v44;
	[tilespmem:s21+$0x7E40] =	vst v12  }
0x9a: {  	v48 =	vld [tilespmem:s21+$0x7F10];
	v8 =	vmul.f32 v36, v35;
	[tilespmem:s21+$0x7EA0] =	vst v11  }
0x9b: {  	v49 =	vld [tilespmem:s21+$0x7F20];
	[tilespmem:s21+$0x7EE0] =	vst v51;
	v2 =	vmul.f32 v2, v44  }
0x9c: {  	v50 =	vld [tilespmem:s21+$0x7F30];
	v5 =	vmul.f32 v37, v35;
	[tilespmem:s21+$0x7E50] =	vst v8  }
0x9d: {  	v1 =	vbroadcast v1, $0xE;
	v9 =	vmul.f32 v39, v44;
	[tilespmem:s21+$0x7E90] =	vst v2;
	v2 =	vld [tilespmem:s21+$0x7F00]  }
0x9e: {  	v60 =	vld [tilespmem:s21+$0x7FE0];
	v12 =	vmul.f32 v42, v44;
	[tilespmem:s21+$0x7E60] =	vst v5  }
0x9f: {  	v45 =	vld [tilespmem:s21+$0x7ED0];
	v11 =	vmul.f32 v48, v1;
	[tilespmem:s21+$0x7E80] =	vst v9  }
0xa0: {  	v47 =	vld [tilespmem:s21+$0x7EF0];
	v10 =	vmul.f32 v49, v1;
	[tilespmem:s21+$0x7EB0] =	vst v12  }
0xa1: {  	v43 =	vld [tilespmem:s21+$0x7EC0];
	v6 =	vmul.f32 v50, v1;
	[tilespmem:s21+$0x7F10] =	vst v11  }
0xa2: {  	v55 =	vld [tilespmem:s21+$0x7F80];
	[tilespmem:s21+$0x7F20] =	vst v10;
	v2 =	vmul.f32 v2, v1  }
0xa3: {  	v57 =	vld [tilespmem:s21+$0x7FA0];
	v4 =	vmul.f32 v60, v27;
	[tilespmem:s21+$0x7F30] =	vst v6  }
0xa4: {  	v5 =	vmul.f32 v45, v44;
	[tilespmem:s21+$0x7F00] =	vst v2;
	v2 =	vld [tilespmem:s21+$0x7F70]  }
0xa5: {  	v52 =	vld [tilespmem:s21+$0x7F40];
	v9 =	vmul.f32 v47, v44;
	[tilespmem:s21+$0x7FE0] =	vst v4  }
0xa6: {  	v56 =	vld [tilespmem:s21+$0x7F90];
	v8 =	vmul.f32 v43, v44;
	[tilespmem:s21+$0x7ED0] =	vst v5  }
0xa7: {  	v54 =	vld [tilespmem:s21+$0x7F60];
	v11 =	vmul.f32 v55, v27;
	[tilespmem:s21+$0x7EF0] =	vst v9  }
0xa8: {  	v58 =	vld [tilespmem:s21+$0x7FB0];
	v6 =	vmul.f32 v57, v27;
	[tilespmem:s21+$0x7EC0] =	vst v8  }
0xa9: {  	v53 =	vld [tilespmem:s21+$0x7F50];
	[tilespmem:s21+$0x7F80] =	vst v11;
	v2 =	vmul.f32 v2, v1  }
0xaa: {  	v59 =	vld [tilespmem:s21+$0x7FC0];
	v5 =	vmul.f32 v52, v1;
	[tilespmem:s21+$0x7FA0] =	vst v6  }
0xab: {  	[tilespmem:s21+$0x7F70] =	vst v2;
	v2 =	vmul.f32 v56, v27  }
0xac: {  	v3 =	vld [tilespmem:s21+$0x7E20];
	v9 =	vmul.f32 v54, v1;
	[tilespmem:s21+$0x7F40] =	vst v5  }
0xad: {  	[tilespmem:s21+$0x7F90] =	vst v2;
	v2 =	vmul.f32 v58, v27  }
0xae: {  	[tilespmem:s21+$0x7F60] =	vst v9;
	v1 =	vmul.f32 v53, v1  }
0xaf: {  	[tilespmem:s21+$0x7FB0] =	vst v2;
	v2 =	vmul.f32 v59, v27  }
0xb0: {  	[tilespmem:s21+$0x7F50] =	vst v1  }
0xb1: {  	s22 =	simm.s32 $0x1;
	[tilespmem:s21+$0x7FC0] =	vst v2;
	v2 =	vmul.f32 v3, v35  }
.LBB2_3:
0xb2: {  	s23 =	sshll.u32 s22, $0x4  }
0xb3: {  	p0 =	sne.s32 s22, $0x7;
	[tilespmem:s21+$0x7E20] =	vst v2;
	s21 =	smov.u32 s22;
	s22 =	sadd.s32 $0x1, s22  }
0xb4: {  	s23 =	sand.u32 $0x3FFFFFF0, s23  }
0xb5: {  	v1 =	vld.idx.msk [tilespmem:v0+s23+$0x0 ss:$0x1], $0xffff  }
0xb6: {  	s21 =	sshll.u32 s21, $0xB  }
0xb7: {  	s21 =	sand.u32 $0x3FFFF800, s21  }
0xb8: {  	v8 =	vld [tilespmem:s21+$0x78C0]  }
0xb9: {  	v9 =	vld [tilespmem:s21+$0x78D0]  }
0xba: {  	v10 =	vld [tilespmem:s21+$0x78B0]  }
0xbb: {  	v2 =	vbroadcast v1, $0x0;
	v7 =	vbroadcast v1, $0x4;
	v3 =	vld [tilespmem:s21+$0x7820]  }
0xbc: {  	v5 =	vld [tilespmem:s21+$0x7830]  }
0xbd: {  	v6 =	vld [tilespmem:s21+$0x7D70]  }
0xbe: {  	v11 =	vld [tilespmem:s21+$0x7860]  }
0xbf: {  	v12 =	vld [tilespmem:s21+$0x7870]  }
0xc0: {  	v4 =	vbroadcast v1, $0xA;
	v3 =	vmul.f32 v3, v2;
	v13 =	vld [tilespmem:s21+$0x7880]  }
0xc1: {  	v5 =	vmul.f32 v5, v2;
	v14 =	vld [tilespmem:s21+$0x7890]  }
0xc2: {  	[tilespmem:s21+$0x7820] =	vst v3;
	v15 =	vld [tilespmem:s21+$0x78A0];
	v3 =	vmul.f32 v6, v4  }
0xc3: {  	[tilespmem:s21+$0x7830] =	vst v5;
	v6 =	vmul.f32 v11, v2;
	v11 =	vbroadcast v1, $0x1;
	v5 =	vld [tilespmem:s21+$0x7D80]  }
0xc4: {  	v12 =	vmul.f32 v12, v2;
	[tilespmem:s21+$0x7D70] =	vst v3;
	v3 =	vld [tilespmem:s21+$0x7FD0]  }
0xc5: {  	[tilespmem:s21+$0x7860] =	vst v6;
	v13 =	vmul.f32 v13, v11;
	v6 =	vld [tilespmem:s21+$0x7D90]  }
0xc6: {  	[tilespmem:s21+$0x7870] =	vst v12;
	v12 =	vmul.f32 v14, v11;
	v14 =	vld [tilespmem:s21+$0x78E0]  }
0xc7: {  	[tilespmem:s21+$0x7880] =	vst v13;
	v13 =	vmul.f32 v15, v11;
	v15 =	vld [tilespmem:s21+$0x78F0]  }
0xc8: {  	v10 =	vmul.f32 v10, v11;
	[tilespmem:s21+$0x7890] =	vst v12;
	v12 =	vld [tilespmem:s21+$0x7900]  }
0xc9: {  	v8 =	vmul.f32 v8, v11;
	[tilespmem:s21+$0x78A0] =	vst v13;
	v13 =	vld [tilespmem:s21+$0x7910]  }
0xca: {  	v9 =	vmul.f32 v9, v11;
	[tilespmem:s21+$0x78B0] =	vst v10;
	v10 =	vld [tilespmem:s21+$0x7920]  }
0xcb: {  	[tilespmem:s21+$0x78C0] =	vst v8;
	v8 =	vmul.f32 v14, v11;
	v14 =	vbroadcast v1, $0x2;
	v16 =	vld [tilespmem:s21+$0x7930]  }
0xcc: {  	[tilespmem:s21+$0x78D0] =	vst v9;
	v9 =	vmul.f32 v15, v11;
	v11 =	vld [tilespmem:s21+$0x7940]  }
0xcd: {  	[tilespmem:s21+$0x78E0] =	vst v8;
	v8 =	vmul.f32 v12, v14;
	v12 =	vld [tilespmem:s21+$0x7950]  }
0xce: {  	[tilespmem:s21+$0x78F0] =	vst v9;
	v9 =	vmul.f32 v13, v14;
	v13 =	vld [tilespmem:s21+$0x7960]  }
0xcf: {  	[tilespmem:s21+$0x7900] =	vst v8;
	v8 =	vmul.f32 v10, v14;
	v10 =	vld [tilespmem:s21+$0x7970]  }
0xd0: {  	[tilespmem:s21+$0x7910] =	vst v9;
	v9 =	vmul.f32 v16, v14;
	v15 =	vld [tilespmem:s21+$0x7980]  }
0xd1: {  	[tilespmem:s21+$0x7920] =	vst v8;
	v8 =	vmul.f32 v11, v14;
	v11 =	vld [tilespmem:s21+$0x7990]  }
0xd2: {  	[tilespmem:s21+$0x7930] =	vst v9;
	v9 =	vmul.f32 v12, v14;
	v12 =	vld [tilespmem:s21+$0x79A0]  }
0xd3: {  	[tilespmem:s21+$0x7940] =	vst v8;
	v8 =	vmul.f32 v13, v14;
	v13 =	vbroadcast v1, $0x3;
	v16 =	vld [tilespmem:s21+$0x79B0]  }
0xd4: {  	[tilespmem:s21+$0x7950] =	vst v9;
	v9 =	vmul.f32 v10, v14;
	v10 =	vld [tilespmem:s21+$0x79C0]  }
0xd5: {  	[tilespmem:s21+$0x7960] =	vst v8;
	v8 =	vmul.f32 v15, v13;
	v14 =	vld [tilespmem:s21+$0x79D0]  }
0xd6: {  	[tilespmem:s21+$0x7970] =	vst v9;
	v9 =	vmul.f32 v11, v13;
	v11 =	vld [tilespmem:s21+$0x79E0]  }
0xd7: {  	[tilespmem:s21+$0x7980] =	vst v8;
	v8 =	vmul.f32 v12, v13;
	v12 =	vld [tilespmem:s21+$0x79F0]  }
0xd8: {  	[tilespmem:s21+$0x7990] =	vst v9;
	v9 =	vmul.f32 v16, v13;
	v15 =	vld [tilespmem:s21+$0x7A00]  }
0xd9: {  	[tilespmem:s21+$0x79A0] =	vst v8;
	v8 =	vmul.f32 v10, v13;
	v10 =	vld [tilespmem:s21+$0x7A10]  }
0xda: {  	[tilespmem:s21+$0x79B0] =	vst v9;
	v9 =	vmul.f32 v14, v13;
	v14 =	vld [tilespmem:s21+$0x7A20]  }
0xdb: {  	[tilespmem:s21+$0x79C0] =	vst v8;
	v8 =	vmul.f32 v11, v13;
	v11 =	vld [tilespmem:s21+$0x7A30]  }
0xdc: {  	[tilespmem:s21+$0x79D0] =	vst v9;
	v9 =	vmul.f32 v12, v13;
	v12 =	vld [tilespmem:s21+$0x7A40]  }
0xdd: {  	[tilespmem:s21+$0x79E0] =	vst v8;
	v8 =	vmul.f32 v15, v7;
	v13 =	vld [tilespmem:s21+$0x7A50]  }
0xde: {  	[tilespmem:s21+$0x79F0] =	vst v9;
	v9 =	vmul.f32 v10, v7;
	v10 =	vld [tilespmem:s21+$0x7A60]  }
0xdf: {  	[tilespmem:s21+$0x7A00] =	vst v8;
	v8 =	vmul.f32 v14, v7;
	v14 =	vld [tilespmem:s21+$0x7A70]  }
0xe0: {  	[tilespmem:s21+$0x7A10] =	vst v9;
	v9 =	vmul.f32 v11, v7;
	v11 =	vld [tilespmem:s21+$0x7A80]  }
0xe1: {  	[tilespmem:s21+$0x7A20] =	vst v8;
	v8 =	vmul.f32 v12, v7;
	v12 =	vld [tilespmem:s21+$0x7A90]  }
0xe2: {  	[tilespmem:s21+$0x7A30] =	vst v9;
	v9 =	vmul.f32 v13, v7;
	v13 =	vld [tilespmem:s21+$0x7AA0]  }
0xe3: {  	[tilespmem:s21+$0x7A40] =	vst v8;
	v8 =	vmul.f32 v10, v7;
	v10 =	vbroadcast v1, $0x5;
	v15 =	vld [tilespmem:s21+$0x7AB0]  }
0xe4: {  	[tilespmem:s21+$0x7A50] =	vst v9;
	v7 =	vmul.f32 v14, v7;
	v9 =	vld [tilespmem:s21+$0x7AC0]  }
0xe5: {  	[tilespmem:s21+$0x7A60] =	vst v8;
	v8 =	vmul.f32 v11, v10;
	v11 =	vld [tilespmem:s21+$0x7AD0]  }
0xe6: {  	[tilespmem:s21+$0x7A70] =	vst v7;
	v7 =	vmul.f32 v12, v10;
	v12 =	vld [tilespmem:s21+$0x7AE0]  }
0xe7: {  	[tilespmem:s21+$0x7A80] =	vst v8;
	v8 =	vmul.f32 v13, v10;
	v13 =	vld [tilespmem:s21+$0x7AF0]  }
0xe8: {  	[tilespmem:s21+$0x7A90] =	vst v7;
	v7 =	vmul.f32 v15, v10;
	v14 =	vld [tilespmem:s21+$0x7B00]  }
0xe9: {  	[tilespmem:s21+$0x7AA0] =	vst v8;
	v8 =	vmul.f32 v9, v10;
	v9 =	vld [tilespmem:s21+$0x7B10]  }
0xea: {  	[tilespmem:s21+$0x7AB0] =	vst v7;
	v7 =	vmul.f32 v11, v10;
	v11 =	vld [tilespmem:s21+$0x7B20]  }
0xeb: {  	[tilespmem:s21+$0x7AC0] =	vst v8;
	v8 =	vmul.f32 v12, v10;
	v12 =	vbroadcast v1, $0x6;
	v15 =	vld [tilespmem:s21+$0x7B30]  }
0xec: {  	[tilespmem:s21+$0x7AD0] =	vst v7;
	v7 =	vmul.f32 v13, v10;
	v10 =	vld [tilespmem:s21+$0x7B40]  }
0xed: {  	[tilespmem:s21+$0x7AE0] =	vst v8;
	v8 =	vmul.f32 v14, v12;
	v13 =	vld [tilespmem:s21+$0x7B50]  }
0xee: {  	[tilespmem:s21+$0x7AF0] =	vst v7;
	v7 =	vmul.f32 v9, v12;
	v9 =	vld [tilespmem:s21+$0x7B60]  }
0xef: {  	[tilespmem:s21+$0x7B00] =	vst v8;
	v8 =	vmul.f32 v11, v12;
	v11 =	vld [tilespmem:s21+$0x7B70]  }
0xf0: {  	[tilespmem:s21+$0x7B10] =	vst v7;
	v7 =	vmul.f32 v15, v12;
	v14 =	vld [tilespmem:s21+$0x7B80]  }
0xf1: {  	[tilespmem:s21+$0x7B20] =	vst v8;
	v8 =	vmul.f32 v10, v12;
	v10 =	vld [tilespmem:s21+$0x7B90]  }
0xf2: {  	[tilespmem:s21+$0x7B30] =	vst v7;
	v7 =	vmul.f32 v13, v12;
	v13 =	vld [tilespmem:s21+$0x7BA0]  }
0xf3: {  	[tilespmem:s21+$0x7B40] =	vst v8;
	v8 =	vmul.f32 v9, v12;
	v9 =	vbroadcast v1, $0x7;
	v15 =	vld [tilespmem:s21+$0x7BB0]  }
0xf4: {  	[tilespmem:s21+$0x7B50] =	vst v7;
	v7 =	vmul.f32 v11, v12;
	v11 =	vld [tilespmem:s21+$0x7BC0]  }
0xf5: {  	[tilespmem:s21+$0x7B60] =	vst v8;
	v8 =	vmul.f32 v14, v9;
	v12 =	vld [tilespmem:s21+$0x7BD0]  }
0xf6: {  	[tilespmem:s21+$0x7B70] =	vst v7;
	v7 =	vmul.f32 v10, v9;
	v10 =	vld [tilespmem:s21+$0x7BE0]  }
0xf7: {  	[tilespmem:s21+$0x7B80] =	vst v8;
	v8 =	vmul.f32 v13, v9;
	v13 =	vld [tilespmem:s21+$0x7BF0]  }
0xf8: {  	[tilespmem:s21+$0x7B90] =	vst v7;
	v7 =	vmul.f32 v15, v9;
	v14 =	vld [tilespmem:s21+$0x7C00]  }
0xf9: {  	[tilespmem:s21+$0x7BA0] =	vst v8;
	v8 =	vmul.f32 v11, v9;
	v11 =	vld [tilespmem:s21+$0x7C10]  }
0xfa: {  	[tilespmem:s21+$0x7BB0] =	vst v7;
	v7 =	vmul.f32 v12, v9;
	v12 =	vld [tilespmem:s21+$0x7C20]  }
0xfb: {  	[tilespmem:s21+$0x7BC0] =	vst v8;
	v8 =	vmul.f32 v10, v9;
	v10 =	vbroadcast v1, $0x8;
	v15 =	vld [tilespmem:s21+$0x7C30]  }
0xfc: {  	[tilespmem:s21+$0x7BD0] =	vst v7;
	v7 =	vmul.f32 v13, v9;
	v9 =	vld [tilespmem:s21+$0x7C40]  }
0xfd: {  	[tilespmem:s21+$0x7BE0] =	vst v8;
	v8 =	vmul.f32 v14, v10;
	v13 =	vld [tilespmem:s21+$0x7C50]  }
0xfe: {  	[tilespmem:s21+$0x7BF0] =	vst v7;
	v7 =	vmul.f32 v11, v10;
	v11 =	vld [tilespmem:s21+$0x7C60]  }
0xff: {  	[tilespmem:s21+$0x7C00] =	vst v8;
	v8 =	vmul.f32 v12, v10;
	v12 =	vld [tilespmem:s21+$0x7C70]  }
0x100: {  	[tilespmem:s21+$0x7C10] =	vst v7;
	v7 =	vmul.f32 v15, v10;
	v14 =	vld [tilespmem:s21+$0x7C80]  }
0x101: {  	[tilespmem:s21+$0x7C20] =	vst v8;
	v8 =	vmul.f32 v9, v10;
	v9 =	vld [tilespmem:s21+$0x7C90]  }
0x102: {  	[tilespmem:s21+$0x7C30] =	vst v7;
	v7 =	vmul.f32 v13, v10;
	v13 =	vld [tilespmem:s21+$0x7CA0]  }
0x103: {  	[tilespmem:s21+$0x7C40] =	vst v8;
	v8 =	vmul.f32 v11, v10;
	v11 =	vbroadcast v1, $0x9;
	v15 =	vld [tilespmem:s21+$0x7CB0]  }
0x104: {  	[tilespmem:s21+$0x7C50] =	vst v7;
	v7 =	vmul.f32 v12, v10;
	v10 =	vld [tilespmem:s21+$0x7CC0]  }
0x105: {  	[tilespmem:s21+$0x7C60] =	vst v8;
	v8 =	vmul.f32 v14, v11;
	v12 =	vld [tilespmem:s21+$0x7CD0]  }
0x106: {  	[tilespmem:s21+$0x7C70] =	vst v7;
	v7 =	vmul.f32 v9, v11;
	v9 =	vld [tilespmem:s21+$0x7CE0]  }
0x107: {  	[tilespmem:s21+$0x7C80] =	vst v8;
	v8 =	vmul.f32 v13, v11;
	v13 =	vld [tilespmem:s21+$0x7CF0]  }
0x108: {  	[tilespmem:s21+$0x7C90] =	vst v7;
	v7 =	vmul.f32 v15, v11;
	v14 =	vld [tilespmem:s21+$0x7D00]  }
0x109: {  	[tilespmem:s21+$0x7CA0] =	vst v8;
	v8 =	vmul.f32 v10, v11;
	v10 =	vld [tilespmem:s21+$0x7D10]  }
0x10a: {  	[tilespmem:s21+$0x7CB0] =	vst v7;
	v7 =	vmul.f32 v12, v11;
	v12 =	vld [tilespmem:s21+$0x7D20]  }
0x10b: {  	[tilespmem:s21+$0x7CC0] =	vst v8;
	v8 =	vmul.f32 v9, v11;
	v9 =	vld [tilespmem:s21+$0x7D30]  }
0x10c: {  	[tilespmem:s21+$0x7CD0] =	vst v7;
	v7 =	vmul.f32 v13, v11;
	v11 =	vld [tilespmem:s21+$0x7D40]  }
0x10d: {  	[tilespmem:s21+$0x7CE0] =	vst v8;
	v8 =	vmul.f32 v14, v4;
	v13 =	vld [tilespmem:s21+$0x7D50]  }
0x10e: {  	[tilespmem:s21+$0x7CF0] =	vst v7;
	v7 =	vmul.f32 v10, v4;
	v10 =	vld [tilespmem:s21+$0x7D60]  }
0x10f: {  	v14 =	vld [tilespmem:s21+$0x7800];
	[tilespmem:s21+$0x7D00] =	vst v8;
	v8 =	vmul.f32 v12, v4  }
0x110: {  	v12 =	vld [tilespmem:s21+$0x7810];
	[tilespmem:s21+$0x7D10] =	vst v7;
	v7 =	vmul.f32 v9, v4  }
0x111: {  	v9 =	vld [tilespmem:s21+$0x7840];
	[tilespmem:s21+$0x7D20] =	vst v8;
	v8 =	vmul.f32 v11, v4  }
0x112: {  	v11 =	vld [tilespmem:s21+$0x7850];
	[tilespmem:s21+$0x7D30] =	vst v7;
	v7 =	vmul.f32 v13, v4  }
0x113: {  	[tilespmem:s21+$0x7D40] =	vst v8;
	v8 =	vmul.f32 v10, v4;
	v10 =	vbroadcast v1, $0xB;
	v13 =	vld [tilespmem:s21+$0x7DA0]  }
0x114: {  	v4 =	vbroadcast v1, $0xF;
	v14 =	vmul.f32 v2, v14;
	[tilespmem:s21+$0x7D50] =	vst v7;
	v7 =	vld [tilespmem:s21+$0x7DB0]  }
0x115: {  	v12 =	vmul.f32 v12, v2;
	[tilespmem:s21+$0x7D60] =	vst v8;
	v5 =	vmul.f32 v5, v10;
	v8 =	vld [tilespmem:s21+$0x7DC0]  }
0x116: {  	v6 =	vmul.f32 v6, v10;
	[tilespmem:s21+$0x7800] =	vst v14;
	v9 =	vmul.f32 v9, v2;
	v14 =	vld [tilespmem:s21+$0x7DD0]  }
0x117: {  	v3 =	vmul.f32 v3, v4;
	v11 =	vmul.f32 v11, v2;
	[tilespmem:s21+$0x7D80] =	vst v5;
	v2 =	vld [tilespmem:s21+$0x7DE0]  }
0x118: {  	[tilespmem:s21+$0x7D90] =	vst v6;
	v5 =	vmul.f32 v13, v10;
	v6 =	vld [tilespmem:s21+$0x7DF0]  }
0x119: {  	v7 =	vmul.f32 v7, v10;
	v13 =	vld [tilespmem:s21+$0x7E00];
	[tilespmem:s21+$0x7FD0] =	vst v3  }
0x11a: {  	[tilespmem:s21+$0x7810] =	vst v12;
	v3 =	vmul.f32 v8, v10;
	v8 =	vld [tilespmem:s21+$0x7E10]  }
0x11b: {  	[tilespmem:s21+$0x7840] =	vst v9;
	v9 =	vmul.f32 v14, v10;
	v12 =	vld [tilespmem:s21+$0x7E20]  }
0x11c: {  	v14 =	vbroadcast v1, $0xC;
	[tilespmem:s21+$0x7DA0] =	vst v5;
	v5 =	vmul.f32 v2, v10;
	v15 =	vld [tilespmem:s21+$0x7E30]  }
0x11d: {  	[tilespmem:s21+$0x7DD0] =	vst v9;
	v6 =	vmul.f32 v6, v10;
	v9 =	vld [tilespmem:s21+$0x7E40]  }
0x11e: {  	[tilespmem:s21+$0x7DB0] =	vst v7;
	v2 =	vmul.f32 v13, v14;
	v7 =	vld [tilespmem:s21+$0x7E50]  }
0x11f: {  	[tilespmem:s21+$0x7DC0] =	vst v3;
	v3 =	vmul.f32 v8, v14;
	v8 =	vld [tilespmem:s21+$0x7E60]  }
0x120: {  	[tilespmem:s21+$0x7E00] =	vst v2;
	v2 =	vmul.f32 v12, v14;
	v10 =	vld [tilespmem:s21+$0x7E70]  }
0x121: {  	[tilespmem:s21+$0x7E10] =	vst v3;
	v3 =	vld [tilespmem:s21+$0x7E80]  }
0x122: {  	[tilespmem:s21+$0x7850] =	vst v11;
	v9 =	vmul.f32 v9, v14;
	v11 =	vld [tilespmem:s21+$0x7E90]  }
0x123: {  	[tilespmem:s21+$0x7DE0] =	vst v5;
	v5 =	vmul.f32 v7, v14;
	v7 =	vld [tilespmem:s21+$0x7EA0]  }
0x124: {  	[tilespmem:s21+$0x7E40] =	vst v9;
	v8 =	vmul.f32 v8, v14;
	v9 =	vbroadcast v1, $0xD;
	v12 =	vld [tilespmem:s21+$0x7EB0]  }
0x125: {  	[tilespmem:s21+$0x7E50] =	vst v5;
	v5 =	vmul.f32 v10, v14;
	v10 =	vld [tilespmem:s21+$0x7EC0]  }
0x126: {  	[tilespmem:s21+$0x7E60] =	vst v8;
	v3 =	vmul.f32 v3, v9;
	v8 =	vld [tilespmem:s21+$0x7ED0]  }
0x127: {  	[tilespmem:s21+$0x7E70] =	vst v5;
	v5 =	vmul.f32 v11, v9;
	v11 =	vld [tilespmem:s21+$0x7EE0]  }
0x128: {  	[tilespmem:s21+$0x7E80] =	vst v3;
	v3 =	vmul.f32 v7, v9;
	v7 =	vld [tilespmem:s21+$0x7EF0]  }
0x129: {  	[tilespmem:s21+$0x7E90] =	vst v5;
	v5 =	vmul.f32 v12, v9;
	v12 =	vld [tilespmem:s21+$0x7F00]  }
0x12a: {  	[tilespmem:s21+$0x7EA0] =	vst v3;
	v3 =	vmul.f32 v10, v9;
	v10 =	vld [tilespmem:s21+$0x7F10]  }
0x12b: {  	[tilespmem:s21+$0x7EB0] =	vst v5;
	v5 =	vmul.f32 v8, v9;
	v8 =	vld [tilespmem:s21+$0x7F20]  }
0x12c: {  	v1 =	vbroadcast v1, $0xE;
	[tilespmem:s21+$0x7DF0] =	vst v6;
	v6 =	vmul.f32 v11, v9;
	v11 =	vld [tilespmem:s21+$0x7F30]  }
0x12d: {  	[tilespmem:s21+$0x7ED0] =	vst v5;
	v5 =	vmul.f32 v7, v9;
	v7 =	vld [tilespmem:s21+$0x7F40]  }
0x12e: {  	[tilespmem:s21+$0x7EE0] =	vst v6;
	v6 =	vmul.f32 v12, v1;
	v9 =	vld [tilespmem:s21+$0x7F50]  }
0x12f: {  	[tilespmem:s21+$0x7EF0] =	vst v5;
	v5 =	vmul.f32 v10, v1;
	v10 =	vld [tilespmem:s21+$0x7F60]  }
0x130: {  	[tilespmem:s21+$0x7F00] =	vst v6;
	v6 =	vmul.f32 v8, v1;
	v8 =	vld [tilespmem:s21+$0x7F70]  }
0x131: {  	[tilespmem:s21+$0x7F10] =	vst v5;
	v5 =	vmul.f32 v11, v1;
	v11 =	vld [tilespmem:s21+$0x7F80]  }
0x132: {  	[tilespmem:s21+$0x7F20] =	vst v6;
	v6 =	vmul.f32 v7, v1;
	v7 =	vld [tilespmem:s21+$0x7F90]  }
0x133: {  	[tilespmem:s21+$0x7F30] =	vst v5;
	v5 =	vmul.f32 v9, v1;
	v9 =	vld [tilespmem:s21+$0x7FA0]  }
0x134: {  	[tilespmem:s21+$0x7F40] =	vst v6;
	v6 =	vmul.f32 v10, v1;
	v10 =	vld [tilespmem:s21+$0x7FB0]  }
0x135: {  	[tilespmem:s21+$0x7EC0] =	vst v3;
	v1 =	vmul.f32 v8, v1;
	v3 =	vld [tilespmem:s21+$0x7FC0]  }
0x136: {  	[tilespmem:s21+$0x7F60] =	vst v6;
	v6 =	vmul.f32 v11, v4;
	v8 =	vld [tilespmem:s21+$0x7FE0]  }
0x137: {  	[tilespmem:s21+$0x7F70] =	vst v1;
	v1 =	vmul.f32 v7, v4;
	v7 =	vld [tilespmem:s21+$0x7FF0]  }
0x138: {  	[tilespmem:s21+$0x7F80] =	vst v6;
	v6 =	vmul.f32 v9, v4  }
0x139: {  	[tilespmem:s21+$0x7F90] =	vst v1;
	v1 =	vmul.f32 v10, v4  }
0x13a: {  	v9 =	vmul.f32 v15, v14;
	[tilespmem:s21+$0x7FA0] =	vst v6  }
0x13b: {  	[tilespmem:s21+$0x7FB0] =	vst v1;
	v1 =	vmul.f32 v3, v4  }
.Ltmp0:
0x13c: {  	[tilespmem:s21+$0x7E30] =	vst v9;
	v3 =	vmul.f32 v7, v4;
	(pc) =	sbr.rel @p0 .LBB2_3-.Ltmp0, $4  }
0x13d: {  	[tilespmem:s21+$0x7FC0] =	vst v1  }
0x13e: {  	v1 =	vmul.f32 v8, v4;
	[tilespmem:s21+$0x7FF0] =	vst v3  }
0x13f: {  	[tilespmem:s21+$0x7F50] =	vst v5  }
0x140: {  	[tilespmem:s21+$0x7FE0] =	vst v1  }
0x141: {  	s19 =	sadd.s32 $0x1, s19  }
0x142: {  	p0 =	sne.s32 s19, $0x50  }
.Ltmp1:
0x143: {  	[tilespmem:s21+$0x7E20] =	vst v2;
	s20 =	sadd.s32 $0x2800, s20;
	(pc) =	sbr.rel @p0 .LBB2_2-.Ltmp1, $4  }
0x144: {  	[spmem:s2] =	stream.indirect.scatter.add.f32 [tilespmem:s17], [sflag:$0x1], $0x80, s20, s16, $0xb8;
	[tilespmem:$0x1F800] =	vst v63  }
0x145: {  	_ =	swait.ge [sflag:s13], $0x4000  }
0x146: {  	[sflag:s13] =	ssyncset.done $0x0  }
0x147: {  	[sflag:s13] =	ssyncadd.s32 $0xFFFFC000  }
0x148: {  	s18 =	sadd.s32 $0x1, s18  }
0x149: {  	p0 =	sne.s32 s18, s11  }
.Ltmp2:
0x14a: {  	[bflag:$0x0] =	sbarrier.arrive $0xFFFF;
	(pc) =	sbr.rel @p0 .LBB2_1-.Ltmp2, $4  }
0x14b: {  	[hbm:s10], [sflag:s6] =	dma.local [spmem:s12], $0x2800  }
0x14c: {  	_ =	swait.ge [sflag:s13], $0x2800  }
0x14d: {  	[sflag:s13] =	ssyncset.done $0x0  }
0x14e: {  	[sflag:s13] =	ssyncadd.s32 $0xFFFFD800  }
0x14f: {  	_ =	sfence.sel $0x180000  }
0x150: {  	[bflag:$0x0] =	sbarrier.arrive $0xFFFF  }
0x151: {  	p0 =	sne.s32 s0, $0x0;
	_ =	strace $0x9000004D  }
0x152: {  	s0 =	sadd.s32 @!p0 $0x100000, s1;
	[bflag:$0x2] =	sbarrier.arrive $0xFFFF  }
0x153: {  	[sflag:s0] =	ssyncadd.tile.s32 @!p0 $0x1;
	_ =	shalt  }
.Lfunc_end2:
_tile_overlayer_lowered:
.L_overlay_start_2:
0x154: {  	(tag) =	ssettag $0x2  }
0x155: {  	s0 =	rddreg [dreg:$0x0];
	s2 =	stileid.u32  }
0x156: {  	s1 =	rddreg [dreg:$0x1];
	p0 =	sne.s32 s2, $0x0  }
0x157: {  	s3 =	rddreg [dreg:$0x2];
	[bflag:$0x3] =	sbarrier.arrive $0xFFFF;
	s2 =	simm.s32 @!p0 $0x1C01  }
0x158: {  	[timem:s3], [sflag:s2] =	dma.local @!p0 [hbm:s0], s1  }
0x159: {  	s0 =	simm.s32 @!p0 $0x1  }
0x15a: {  	_ =	swait.ge @!p0 [sflag:s0], s1  }
0x15b: {  	s1 =	ssub.s32 @!p0 $0x0, s1;
	[sflag:s0] =	ssyncset.done @!p0 $0x0  }
0x15c: {  	[sflag:s0] =	ssyncadd.s32 @!p0 s1  }
0x15d: {  	[bflag:$0x3] =	sbarrier.arrive $0xFFFF  }
0x15e: {  	_ =	shalt  }

// kernel: kernel.8.cloned.1.call-start
scs
__scs_entry_jumppad:
0x0: {  	(pc) =	sbr.rel $0x88, $3  }
0x1: {  	(tag) =	ssettag $0x0;
	lr =	simm.s32 $0x1  }
0x2: {  	[smem:$0x3F98] =	sst lr;
	_ =	strace $0xD0000000  }
0x3: {  	_ = 	snop  }
0x4: {  	_ = 	snop  }
0x5: {  	_ = 	snop  }
0x6: {  	_ = 	snop  }
0x7: {  	_ = 	snop  }
__scs_overlays_trampoline_lowered:
0x8: {  	[smem:$0x3FA7] =	sst s0  }
0x9: {  	[smem:$0x3FA8] =	sst s1  }
0xa: {  	[smem:$0x3FA9] =	sst s2  }
0xb: {  	[smem:$0x3FAA] =	sst s3  }
0xc: {  	[smem:$0x3FAB] =	sst s4  }
0xd: {  	[smem:$0x3FAC] =	sst s5  }
0xe: {  	[smem:$0x3FAD] =	sst s6  }
0xf: {  	[smem:$0x3FAE] =	sst s7  }
0x10: {  	[smem:$0x3FAF] =	sst s8  }
0x11: {  	[smem:$0x3FB0] =	sst s9;
	s0 =	simm.s32 @!p0 $0x0  }
0x12: {  	s1 =	sld [smem:$0x3F96];
	s0 =	simm.s32 @p0 $0x1  }
0x13: {  	[smem:$0x3FB1] =	sst s0;
	s0 =	simm.s32 @!p1 $0x0  }
0x14: {  	s2 =	sld [smem:$0x3F95];
	s0 =	simm.s32 @p1 $0x1  }
0x15: {  	[smem:$0x3FB2] =	sst s0;
	s0 =	simm.s32 @!p2 $0x0  }
0x16: {  	s3 =	sld [smem:$0x3FDB];
	s0 =	simm.s32 @p2 $0x1  }
0x17: {  	s4 =	simm.s32 $0x1BF5;
	[smem:$0x3FB4] =	sst s0  }
0x18: {  	s0 =	sld [smem:$0x3F97];
	_ =	swait.ge [sflag:s4], $0x0  }
0x19: {  	s7 =	sld [smem:$0x3F98]  }
0x1a: {  	s8 =	sadd.s32 $0xFFFFE003, lr  }
0x1b: {  	s9 =	sadd.s32 $0xFFFFFEF7, lr;
	s5 =	simm.s32 $0xFFFFFFFF;
	p2 =	slt.u32 s8, $0xFFFFF086  }
0x1c: {  	p1 =	slt.u32 s9, $0xF7A;
	s5 =	simm.s32 @!p2 $0x0  }
0x1d: {  	s5 =	simm.s32 @p1 $0x1;
	p0 =	seq.s32 s7, s2  }
0x1e: {  	s7 =	smul.u32 @!p0 $0xF7A, s2;
	p2 =	seq.s32 @!p0 s5, $0x0  }
0x1f: {  	s9 =	smul.u32 $0xF7A, s1;
	s8 =	simm.s32 @!p0 $0x1BF5;
	p2 =	por !p2, p0  }
0x20: {  	[sflag:s8] =	ssyncset.s32 @!p0 $0xFFFFF086;
	s6 =	sadd.s32 @!p0 s3, s7;
	s7 =	simm.s32 @!p0 $0x108  }
0x21: {  	s3 =	sadd.s32 s3, s9;
	s6 =	sadd.s32 @!p0 $0x88, s6;
	s7 =	simm.s32 @p2 $0x1082  }
0x22: {  	[simem:s7], [sflag:s8] =	dma.local @!p0 [hbm:s6], $0xF7A  }
0x23: {  	s9 =	sor.u32 $0xD0000000, s2;
	s6 =	simm.s32 $0x108;
	_ =	swait.ge @!p0 [sflag:s8], $0x0  }
0x24: {  	s3 =	sadd.s32 $0x88, s3;
	s6 =	simm.s32 @!p1 $0x1082;
	[sflag:s4] =	ssyncset.s32 $0xFFFFF086  }
0x25: {  	[simem:s6], [sflag:s4] =	dma.local [hbm:s3], $0xF7A  }
0x26: {  	[smem:$0x3F98] =	sst s1;
	(tag) =	ssettag s2;
	_ =	strace s9  }
0x27: {  	s1 =	sld [smem:$0x3FA8]  }
0x28: {  	s2 =	sld [smem:$0x3FA9]  }
0x29: {  	s4 =	sld [smem:$0x3FAB]  }
0x2a: {  	p0 =	seq.s32 s5, $0x0;
	s5 =	sld [smem:$0x3FAC]  }
0x2b: {  	s6 =	sld [smem:$0x3FAD]  }
0x2c: {  	s7 =	sld [smem:$0x3FAE]  }
0x2d: {  	s3 =	simm.s32 $0x108;
	s8 =	sld [smem:$0x3FAF]  }
0x2e: {  	s3 =	simm.s32 @!p0 $0x1082;
	s9 =	sld [smem:$0x3FB0]  }
0x2f: {  	lr =	sadd.s32 s0, s3;
	s0 =	sld [smem:$0x3FA7]  }
0x30: {  	s3 =	sld [smem:$0x3FAA]  }
0x31: {  	[smem:$0x3FB3] =	sst s10  }
0x32: {  	s10 =	sld [smem:$0x3FB1];
	_ =	sdelay $0x3  }
0x33: {  	p0 =	seq.s32 s10, $0x1;
	s10 =	sld [smem:$0x3FB3];
	_ =	sdelay $0x3  }
0x34: {  	[smem:$0x3FB3] =	sst s10  }
0x35: {  	s10 =	sld [smem:$0x3FB2];
	_ =	sdelay $0x3  }
0x36: {  	p1 =	seq.s32 s10, $0x1;
	s10 =	sld [smem:$0x3FB3];
	_ =	sdelay $0x3  }
0x37: {  	[smem:$0x3FB3] =	sst s10  }
0x38: {  	s10 =	sld [smem:$0x3FB4]  }
0x39: {  	_ = 	snop;
	(pc) =	sbr.ind lr, $3  }
0x3a: {  	_ = 	snop  }
0x3b: {  	_ = 	snop  }
0x3c: {  	p2 =	seq.s32 s10, $0x1;
	s10 =	sld [smem:$0x3FB3]  }
0x3d: {  	_ =	shalt  }
0x3e: {  	_ =	shalt  }
0x3f: {  	_ =	shalt  }
0x40: {  	_ =	shalt  }
0x41: {  	_ =	shalt  }
0x42: {  	_ =	shalt  }
0x43: {  	_ =	shalt  }
0x44: {  	_ =	shalt  }
0x45: {  	_ =	shalt  }
0x46: {  	_ =	shalt  }
0x47: {  	_ =	shalt  }
0x48: {  	_ =	shalt  }
0x49: {  	_ =	shalt  }
0x4a: {  	_ =	shalt  }
0x4b: {  	_ =	shalt  }
0x4c: {  	_ =	shalt  }
0x4d: {  	_ =	shalt  }
0x4e: {  	_ =	shalt  }
0x4f: {  	_ =	shalt  }
0x50: {  	_ =	shalt  }
0x51: {  	_ =	shalt  }
0x52: {  	_ =	shalt  }
0x53: {  	_ =	shalt  }
0x54: {  	_ =	shalt  }
0x55: {  	_ =	shalt  }
0x56: {  	_ =	shalt  }
0x57: {  	_ =	shalt  }
0x58: {  	_ =	shalt  }
0x59: {  	_ =	shalt  }
0x5a: {  	_ =	shalt  }
0x5b: {  	_ =	shalt  }
0x5c: {  	_ =	shalt  }
0x5d: {  	_ =	shalt  }
0x5e: {  	_ =	shalt  }
0x5f: {  	_ =	shalt  }
0x60: {  	_ =	shalt  }
0x61: {  	_ =	shalt  }
0x62: {  	_ =	shalt  }
0x63: {  	_ =	shalt  }
0x64: {  	_ =	shalt  }
0x65: {  	_ =	shalt  }
0x66: {  	_ =	shalt  }
0x67: {  	_ =	shalt  }
0x68: {  	_ =	shalt  }
0x69: {  	_ =	shalt  }
0x6a: {  	_ =	shalt  }
0x6b: {  	_ =	shalt  }
0x6c: {  	_ =	shalt  }
0x6d: {  	_ =	shalt  }
0x6e: {  	_ =	shalt  }
0x6f: {  	_ =	shalt  }
0x70: {  	_ =	shalt  }
0x71: {  	_ =	shalt  }
0x72: {  	_ =	shalt  }
0x73: {  	_ =	shalt  }
0x74: {  	_ =	shalt  }
0x75: {  	_ =	shalt  }
0x76: {  	_ =	shalt  }
0x77: {  	_ =	shalt  }
0x78: {  	_ =	shalt  }
0x79: {  	_ =	shalt  }
0x7a: {  	_ =	shalt  }
0x7b: {  	_ =	shalt  }
0x7c: {  	_ =	shalt  }
0x7d: {  	_ =	shalt  }
0x7e: {  	_ =	shalt  }
0x7f: {  	_ =	shalt  }
0x80: {  	_ =	shalt  }
0x81: {  	_ =	shalt  }
0x82: {  	_ =	shalt  }
0x83: {  	_ =	shalt  }
0x84: {  	_ =	shalt  }
0x85: {  	_ =	shalt  }
0x86: {  	_ =	shalt  }
0x87: {  	_ =	shalt  }
.Lfunc_end0:
.L_simem_size_0:
called_computation_lowered:
.L_overlay_start_0:
0x88: {  	s2 =	sld [smem:$0x3FD9]  }
0x89: {  	s3 =	sld [smem:$0x3FFE];
	_ =	sdelay $0x1  }
0x8a: {  	s1 =	srdreg.scid  }
0x8b: {  	s0 =	sand.u32 $0x1, s1  }
0x8c: {  	s14 =	sshll.u32 s0, $0xA;
	s2 =	sadd.s32 s3, s2  }
0x8d: {  	s2 =	sadd.s32 s2, s14  }
0x8e: {  	[smem:$0x3FBF] =	sst s2  }
0x8f: {  	_ = 	snop  }
0x90: {  	s2 =	sld [smem:$0x3FD0];
	_ =	sdelay $0x2  }
0x91: {  	s15 =	simm.s32 $0xA;
	s4 =	simm.s32 $0x10  }
0x92: {  	[smem:s4], [sflag:s15] =	dma.local [hbm:s2], $0x1  }
0x93: {  	_ =	swait.eq [sflag:s15], $0x1  }
0x94: {  	[sflag:s15] =	ssyncset.done $0x0  }
0x95: {  	[sflag:s15] =	ssyncadd.s32 $0xFFFFFFFF  }
0x96: {  	s16 =	sld [smem:$0x10];
	(tm) =	ssettm $0x1  }
0x97: {  	s17 =	sld [smem:$0x3FFB];
	_ =	sdelay $0x3  }
0x98: {  	_ =	strace s17  }
0x99: {  	s3 =	sld [smem:$0x3FFC];
	_ =	sdelay $0x3  }
0x9a: {  	_ =	strace s3  }
0x9b: {  	s3 =	sld [smem:$0x3FFD];
	_ =	sdelay $0x3  }
0x9c: {  	_ =	strace s3  }
0x9d: {  	_ =	strace $0x8FFFFFFF  }
0x9e: {  	s18 =	sld [smem:$0x3FDB];
	_ =	sdelay $0x1  }
0x9f: {  	s19 =	simm.s32 $_scs_section_size  }
0xa0: {  	s5 =	simm.s32 $_size__tile_overlayer_lowered;
	s6 =	simm.s32 $_tile_overlayer_lowered  }
0xa1: {  	s22 =	simm.s32 $0x1BFF;
	s21 =	sshll.u32 s6, $0x1;
	s3 =	sadd.s32 s19, s18  }
0xa2: {  	s7 =	simm.s32 $0x0;
	s20 =	sshll.u32 s5, $0x1;
	s5 =	sadd.s32 s21, s3  }
0xa3: {  	[timem:s7], [sflag:s22] =	dma.local [hbm:s5], s20  }
0xa4: {  	_ =	swait.ge [sflag:s22], s20  }
0xa5: {  	s4 =	ssub.s32 $0x0, s20;
	[sflag:s22] =	ssyncset.done $0x0  }
0xa6: {  	[sflag:s22] =	ssyncadd.s32 s4;
	_ =	sdelay $0x1  }
0xa7: {  	s23 =	simm.s32 $0x1B8B  }
0xa8: {  	_ =	swait.ge [sflag:s23], $0x1  }
0xa9: {  	[sflag:s23] =	ssyncset.done $0x0  }
0xaa: {  	s25 =	simm.s32 $0x1B8E;
	s24 =	sld [smem:$0x3FFE];
	[sflag:s23] =	ssyncadd.s32 $0xFFFFFFFF  }
0xab: {  	s26 =	simm.s32 $execute0_lowered;
	[smem:$0x3FD2] =	sst s25  }
0xac: {  	s5 =	sshll.u32 s26, $0x1;
	_ =	strace $0x80000046;
	[dreg:$0x1] =	wrdreg $0xFFFFFFFF  }
0xad: {  	s28 =	simm.s32 $_size_execute0_lowered;
	s3 =	sadd.s32 s3, s5;
	[dreg:$0x0] =	wrdreg $0x0  }
0xae: {  	s5 =	sshll.u32 s28, $0x1;
	[dreg:$0x2] =	wrdreg s3  }
0xaf: {  	[dreg:$0x3] =	wrdreg s5  }
0xb0: {  	[dreg:$0x4] =	wrdreg $0xC0  }
0xb1: {  	_ =	task [dreg:s7], $0x5FFFF  }
0xb2: {  	[dreg:$0x1] =	wrdreg $0xFFFFFFFF  }
0xb3: {  	[dreg:$0x0] =	wrdreg $0x60  }
0xb4: {  	[dreg:$0x2] =	wrdreg s16  }
0xb5: {  	[dreg:$0x3] =	wrdreg s24  }
0xb6: {  	[dreg:$0x4] =	wrdreg $0x50000  }
0xb7: {  	[dreg:$0x5] =	wrdreg $0x9  }
0xb8: {  	_ =	task.clear_ibuf [dreg:s7], $0x6FFFF;
	_ =	strace $0x90000046  }
0xb9: {  	s29 =	simm.s32 $0x9;
	_ =	strace $0x80000048  }
0xba: {  	_ =	swait.ge [sflag:s29], $0x1  }
0xbb: {  	[sflag:s29] =	ssyncadd.s32 $0xFFFFFFFF  }
0xbc: {  	_ =	strace $0x90000048  }
0xbd: {  	_ =	sfence  }
0xbe: {  	s30 =	sld [smem:$0x0];
	_ =	sdelay $0x2  }
0xbf: {  	s31 =	sshll.u32 s1, $0xD;
	s1 =	sshrl.u32 s1, $0x2  }
0xc0: {  	s3 =	sand.u32 $0x4000, s31;
	s1 =	sadd.s32 s1, s30  }
0xc1: {  	s0 =	sor.u32 s3, s0;
	s1 =	sshll.u32 s1, $0x11  }
0xc2: {  	s0 =	sor.u32 s1, s0  }
0xc3: {  	s0 =	sadd.s32 $0x8F2B, s0  }
0xc4: {  	[sflag:s0] =	ssyncadd.remote.s32 $0x1  }
0xc5: {  	_ =	sfence.sel $0xFFFF  }
0xc6: {  	[dreg:$0x0] =	wrdreg $0xFFFFFFFF;
	(pc) =	sbr.abs _section_cstart, $3  }
0xc7: {  	[dreg:$0x1] =	wrdreg $0xFFFFFFFF  }
0xc8: {  	_ =	task.clear_ibuf [dreg:s7], $0x2FFFF;
	_ =	strace $0x9FFFFFFF  }
0xc9: {  	(tm) =	ssettm $0x7FFFFFFF  }
tec
execute0_lowered:
.L_overlay_start_1:
0x0: {  	(tag) =	ssettag $0x1  }
0x1: {  	s6 =	rddreg [dreg:$0x0]  }
0x2: {  	s5 =	rddreg [dreg:$0x1]  }
0x3: {  	s0 =	srdreg.scid;
	s2 =	rddreg [dreg:$0x2]  }
0x4: {  	s3 =	simm.s32 $0x0;
	s14 =	simm.s32 $0x20;
	s15 =	simm.s32 $0x10  }
0x5: {  	s16 =	simm.s32 $0x0;
	s4 =	sand.u32 $0x1, s0;
	s0 =	stileid.u32  }
0x6: {  	[smem:$0x7FF] =	sst s3;
	s1 =	sshll.u32 s4, $0x4;
	s8 =	smul.u32 $0x500, s0  }
0x7: {  	s9 =	smul.u32 $0x280, s0;
	s10 =	sshll.u32 s4, $0x7;
	s4 =	ssub.s32 $0x2, s4  }
0x8: {  	s31 =	sshll.u32 s0, $0x6;
	s7 =	sor.u32 s0, s1;
	s1 =	rddreg [dreg:$0x3]  }
0x9: {  	_ =	strace $0x80000047;
	s12 =	sshrl.u32 s4, $0x1;
	s7 =	smul.u32 $0x500, s7  }
0xa: {  	s8 =	sor.u32 s10, s8;
	s30 =	sshrl.u32 s9, $0x3;
	s12 =	ssub.s32 s4, s12  }
0xb: {  	s13 =	sadd.s32 s9, s2;
	s8 =	sshrl.u32 s8, $0x3;
	s10 =	sadd.s32 s30, s5  }
0xc: {  	s9 =	smax.u32 s12, $0x1;
	s12 =	simm.s32 $0x2800;
	s11 =	sadd.s32 s7, s5  }
0xd: {  	s8 =	sadd.s32 s8, s5;
	s4 =	sadd.s32 $0xC800, s10;
	s5 =	sor.u32 $0x1C01, s31  }
0xe: {  	s6 =	sadd.s32 s6, s7;
	s10 =	sshrl.u32 s13, $0x3;
	s13 =	simm.s32 $0x80  }
0xf: {  	s7 =	sadd.s32 $0x2800, s11;
	s8 =	sadd.s32 $0xCE00, s8;
	s11 =	simm.s32 $0x1  }
.LBB2_1:
0x10: {  	[spmem:s10], [sflag:s5] =	dma.local [hbm:s4], $0x50  }
0x11: {  	_ =	swait.ge [sflag:s11], $0x50  }
0x12: {  	[sflag:s11] =	ssyncset.done $0x0  }
0x13: {  	[sflag:s11] =	ssyncadd.s32 $0xFFFFFFB0  }
0x14: {  	[tilespmem:s3], [sflag:$0x1] =	stream.linear.gather [hbm4b:s6+s3], $0x2800, $0x38;
	[tilespmem:$0x5280] =	vst v63  }
0x15: {  	_ =	swait.ge [sflag:s11], $0x2800  }
0x16: {  	[sflag:s11] =	ssyncset.done $0x0  }
0x17: {  	[sflag:s11] =	ssyncadd.s32 $0xFFFFD800  }
0x18: {  	[tilespmem:s12], [sflag:$0x1] =	stream.linear.gather [hbm4b:s7+s3], $0x2800, $0x38;
	[tilespmem:$0x5280] =	vst v63  }
0x19: {  	_ =	swait.ge [sflag:s11], $0x2800  }
0x1a: {  	[sflag:s11] =	ssyncset.done $0x0  }
0x1b: {  	[sflag:s11] =	ssyncadd.s32 $0xFFFFD800  }
0x1c: {  	s17 =	simm.s32 $0x0;
	s18 =	simm.s32 $0x2800;
	[bflag:$0x0] =	sbarrier.arrive $0xFFFF  }
0x1d: {  	[spmem:s2] =	stream.indirect.scatter.add.f32 [tilespmem:s18], [sflag:$0x1], $0x1, s17, s13, $0xb8;
	[tilespmem:$0x5280] =	vst v63  }
0x1e: {  	s17 =	simm.s32 $0x200;
	_ =	swait.ge [sflag:s11], $0x80  }
.LBB2_2:
0x1f: {  	s18 =	sshra.s32 s17, $0x2;
	[sflag:s11] =	ssyncset.done $0x0;
	p0 =	sne.s32 s17, $0x9E00  }
.Ltmp0:
0x20: {  	s19 =	sadd.s32 $0x2800, s18;
	[sflag:s11] =	ssyncadd.s32 $0xFFFFFF80;
	(pc) =	sbr.rel @p0 .LBB2_2-.Ltmp0, $3  }
0x21: {  	[spmem:s2] =	stream.indirect.scatter.add.f32 [tilespmem:s19], [sflag:$0x1], $0x1, s18, s13, $0xb8;
	[tilespmem:$0x5280] =	vst v63  }
0x22: {  	s17 =	sadd.s32 $0x200, s17;
	_ =	sdelay $0x1  }
0x23: {  	_ =	swait.ge [sflag:s11], $0x80  }
0x24: {  	[sflag:s11] =	ssyncset.done $0x0;
	s16 =	sadd.s32 $0x1, s16  }
0x25: {  	[sflag:s11] =	ssyncadd.s32 $0xFFFFFF80;
	p0 =	sne.s32 s16, s9  }
.Ltmp1:
0x26: {  	[bflag:$0x0] =	sbarrier.arrive $0xFFFF;
	(pc) =	sbr.rel @p0 .LBB2_1-.Ltmp1, $4  }
0x27: {  	[hbm:s8@s14], [sflag:s5] =	dma.strided [spmem:s10@s15], $0x50, s11, $0x10   }
0x28: {  	_ =	swait.ge [sflag:s11], $0x50  }
0x29: {  	[sflag:s11] =	ssyncset.done $0x0  }
0x2a: {  	[sflag:s11] =	ssyncadd.s32 $0xFFFFFFB0  }
0x2b: {  	_ =	sfence.sel $0x180000  }
0x2c: {  	[bflag:$0x0] =	sbarrier.arrive $0xFFFF  }
0x2d: {  	p0 =	sne.s32 s0, $0x0;
	_ =	strace $0x90000047  }
0x2e: {  	s0 =	sadd.s32 @!p0 $0x100000, s1;
	[bflag:$0x2] =	sbarrier.arrive $0xFFFF  }
0x2f: {  	[sflag:s0] =	ssyncadd.tile.s32 @!p0 $0x1;
	_ =	shalt  }
.Lfunc_end2:
_tile_overlayer_lowered:
.L_overlay_start_2:
0x30: {  	(tag) =	ssettag $0x2  }
0x31: {  	s0 =	rddreg [dreg:$0x0];
	s2 =	stileid.u32  }
0x32: {  	s1 =	rddreg [dreg:$0x1];
	p0 =	sne.s32 s2, $0x0  }
0x33: {  	s3 =	rddreg [dreg:$0x2];
	[bflag:$0x3] =	sbarrier.arrive $0xFFFF;
	s2 =	simm.s32 @!p0 $0x1C01  }
0x34: {  	[timem:s3], [sflag:s2] =	dma.local @!p0 [hbm:s0], s1  }
0x35: {  	s0 =	simm.s32 @!p0 $0x1  }
0x36: {  	_ =	swait.ge @!p0 [sflag:s0], s1  }
0x37: {  	s1 =	ssub.s32 @!p0 $0x0, s1;
	[sflag:s0] =	ssyncset.done @!p0 $0x0  }
0x38: {  	[sflag:s0] =	ssyncadd.s32 @!p0 s1  }
0x39: {  	[bflag:$0x3] =	sbarrier.arrive $0xFFFF  }
0x3a: {  	_ =	shalt  }

</sc_bundles>
